<compile_context>
chip_gen: v7x
topology: tpu7x:2x2x1
jax: 0.10.2.dev20260603
libtpu: 0.0.44.dev20260713+nightly
codegen_flags: <defaults>
</compile_context>

<pallas_src>
import functools

import jax
import jax.numpy as jnp
from jax import lax
from jax.experimental import pallas as pl
from jax.experimental.pallas import tpu as pltpu
from jax.experimental.pallas import tpu_sc as plsc

T = 2048
D = 1024
K = 15
KS = 16
PW = 16
RH = 64
BT = 256
NEG = -1e30
HP = jax.lax.Precision.HIGHEST


def _dotT(a, b):
    return lax.dot_general(a.astype(jnp.bfloat16), b.astype(jnp.bfloat16),
                           (((1,), (1,)), ((), ())),
                           preferred_element_type=jnp.float32)


def _dot(a, b):
    return lax.dot_general(a.astype(jnp.bfloat16), b.astype(jnp.bfloat16),
                           (((1,), (0,)), ((), ())),
                           preferred_element_type=jnp.float32)


def _proj_body(x_ref, wi_ref, wp_ref, c_ref, s_ref, i_ref, p_ref, pn_ref, ni_ref, np_ref):
    half = D // 2
    x = x_ref[...]
    I0 = _dotT(x, wi_ref[...])
    P0 = _dotT(x, wp_ref[...])
    c = c_ref[...]
    s = s_ref[...]

    def rope2(A):
        a1 = A[:, :half]
        a2 = A[:, half:]
        return a1 * c - a2 * s, a1 * s + a2 * c

    i1, i2 = rope2(I0)
    p1, p2 = rope2(P0)
    i_ref[:, :half] = i1
    i_ref[:, half:] = i2
    p_ref[:, :half] = p1
    p_ref[:, half:] = p2
    nI = jnp.maximum(jnp.sqrt(jnp.sum(i1 * i1 + i2 * i2, axis=1, keepdims=True)), 1e-12)
    nP = jnp.maximum(jnp.sqrt(jnp.sum(p1 * p1 + p2 * p2, axis=1, keepdims=True)), 1e-12)
    ni_ref[...] = nI
    np_ref[...] = nP
    inv = 1.0 / nP
    pn_ref[:, :half] = p1 * inv
    pn_ref[:, half:] = p2 * inv


def _k1(x2, Wi, Wp, cosb, sinb):
    return pl.pallas_call(
        _proj_body,
        grid=(T // BT,),
        in_specs=[
            pl.BlockSpec((BT, D), lambda i: (i, 0)),
            pl.BlockSpec((D, D), lambda i: (0, 0)),
            pl.BlockSpec((D, D), lambda i: (0, 0)),
            pl.BlockSpec((BT, D // 2), lambda i: (i, 0)),
            pl.BlockSpec((BT, D // 2), lambda i: (i, 0)),
        ],
        out_specs=[
            pl.BlockSpec((BT, D), lambda i: (i, 0)),
            pl.BlockSpec((BT, D), lambda i: (i, 0)),
            pl.BlockSpec((BT, D), lambda i: (i, 0)),
            pl.BlockSpec((BT, 1), lambda i: (i, 0)),
            pl.BlockSpec((BT, 1), lambda i: (i, 0)),
        ],
        out_shape=[
            jax.ShapeDtypeStruct((T, D), jnp.float32),
            jax.ShapeDtypeStruct((T, D), jnp.float32),
            jax.ShapeDtypeStruct((T, D), jnp.float32),
            jax.ShapeDtypeStruct((T, 1), jnp.float32),
            jax.ShapeDtypeStruct((T, 1), jnp.float32),
        ],
    )(x2, Wi, Wp, cosb, sinb)


def _sg_body(i_ref, p_ref, pnt_ref, pns_ref, s_ref, g_ref):
    ti = pl.program_id(0)
    si = pl.program_id(1)
    scale = D ** -0.5
    S = _dotT(i_ref[...], p_ref[...]) * scale
    row = lax.broadcasted_iota(jnp.int32, (BT, BT), 0) + ti * BT
    col = lax.broadcasted_iota(jnp.int32, (BT, BT), 1) + si * BT
    s_ref[...] = jnp.where(row >= col, S, NEG)
    g_ref[...] = _dotT(pnt_ref[...], pns_ref[...])


def _k2(I, P, Pn):
    return pl.pallas_call(
        _sg_body,
        grid=(T // BT, T // BT),
        in_specs=[
            pl.BlockSpec((BT, D), lambda i, j: (i, 0)),
            pl.BlockSpec((BT, D), lambda i, j: (j, 0)),
            pl.BlockSpec((BT, D), lambda i, j: (i, 0)),
            pl.BlockSpec((BT, D), lambda i, j: (j, 0)),
        ],
        out_specs=[
            pl.BlockSpec((BT, BT), lambda i, j: (i, j)),
            pl.BlockSpec((BT, BT), lambda i, j: (i, j)),
        ],
        out_shape=[
            jax.ShapeDtypeStruct((T, T), jnp.float32),
            jax.ShapeDtypeStruct((T, T), jnp.float32),
        ],
    )(I, P, Pn, Pn)


def _topk_body(s_ref, tv_ref, ti_ref, fl_ref):
    Sw = s_ref[...]
    W = Sw.shape[1]
    lane = lax.broadcasted_iota(jnp.int32, (BT, W), 1)
    vals = []
    idxs = []
    for _ in range(K):
        m = jnp.max(Sw, axis=1, keepdims=True)
        am = jnp.min(jnp.where(Sw >= m, lane, T), axis=1, keepdims=True)
        vals.append(m)
        idxs.append(am)
        Sw = jnp.where(lane == am, NEG, Sw)
    tv = jnp.concatenate(vals + [jnp.full((BT, 1), NEG, jnp.float32)], axis=1)
    ti = jnp.concatenate(idxs + [jnp.zeros((BT, 1), jnp.int32)], axis=1)
    tv_ref[...] = tv
    ti_ref[...] = ti
    for k in range(K):
        fl_ref[:, k * KS:(k + 1) * KS] = idxs[k] * T + ti


def _k3(S, W, row0, nrow):
    rb = row0 // BT
    return pl.pallas_call(
        _topk_body,
        grid=(nrow // BT,),
        in_specs=[pl.BlockSpec((BT, W), lambda i: (i + rb, 0))],
        out_specs=[
            pl.BlockSpec((BT, KS), lambda i: (i, 0)),
            pl.BlockSpec((BT, KS), lambda i: (i, 0)),
            pl.BlockSpec((BT, K * KS), lambda i: (i, 0)),
        ],
        out_shape=[
            jax.ShapeDtypeStruct((nrow, KS), jnp.float32),
            jax.ShapeDtypeStruct((nrow, KS), jnp.int32),
            jax.ShapeDtypeStruct((nrow, K * KS), jnp.int32),
        ],
    )(S)


NW = 32
TPW = T // NW


FPW = TPW * K * KS
IPW = TPW * KS
CH = 512
GRP = 6


def _sc_body(fl_hbm, idx_hbm, png_hbm, np_hbm, g_out, np_out,
             fl_v, g_v, idx_v, np_v, sem1, sem2):
    wid = lax.axis_index("s") * 2 + lax.axis_index("c")
    pltpu.sync_copy(fl_hbm.at[pl.ds(wid * FPW, FPW)], fl_v)
    pltpu.sync_copy(idx_hbm.at[pl.ds(wid * IPW, IPW)], idx_v)

    def gat_g(g, _):
        for b in range(GRP):
            off = (g * GRP + b) * CH
            pltpu.async_copy(png_hbm.at[fl_v.at[pl.ds(off, CH)]],
                             g_v.at[pl.ds(off, CH)], sem1)
        for b in range(GRP):
            off = (g * GRP + b) * CH
            pltpu.make_async_copy(png_hbm.at[fl_v.at[pl.ds(off, CH)]],
                                  g_v.at[pl.ds(off, CH)], sem1).wait()
        return 0

    lax.fori_loop(0, FPW // (CH * GRP), gat_g, 0)

    for b in range(IPW // CH):
        pltpu.async_copy(np_hbm.at[idx_v.at[pl.ds(b * CH, CH)]],
                         np_v.at[pl.ds(b * CH, CH)], sem2)
    for b in range(IPW // CH):
        pltpu.make_async_copy(np_hbm.at[idx_v.at[pl.ds(b * CH, CH)]],
                              np_v.at[pl.ds(b * CH, CH)], sem2).wait()
    pltpu.sync_copy(g_v, g_out.at[pl.ds(wid * FPW, FPW)])
    pltpu.sync_copy(np_v, np_out.at[pl.ds(wid * IPW, IPW)])


def _k4(flat2, idx16, png_flat, np_flat):
    mesh = plsc.VectorSubcoreMesh(core_axis_name="c", subcore_axis_name="s")
    f = functools.partial(
        pl.kernel,
        mesh=mesh,
        out_type=[
            jax.ShapeDtypeStruct((T * K * KS,), jnp.float32),
            jax.ShapeDtypeStruct((T * KS,), jnp.float32),
        ],
        scratch_types=[
            pltpu.VMEM((FPW,), jnp.int32),
            pltpu.VMEM((FPW,), jnp.float32),
            pltpu.VMEM((IPW,), jnp.int32),
            pltpu.VMEM((IPW,), jnp.float32),
            pltpu.SemaphoreType.DMA,
            pltpu.SemaphoreType.DMA,
        ],
    )(_sc_body)
    return f(flat2, idx16, png_flat, np_flat)


BK = 32


def _mega_body(tv_ref, ti_ref, ni_ref, nps_ref, g_ref,
               bw1_ref, br1_ref, bw2_ref, br2_ref, bwh_ref, brh_ref, m_ref,
               y_ref):
    pid = pl.program_id(0)
    tcol = lax.broadcasted_iota(jnp.int32, (BT, 1), 0) + pid * BT
    lane = lax.broadcasted_iota(jnp.int32, (BT, KS), 1)
    keep = (lane <= tcol) & (lane < K)
    kf = keep.astype(jnp.float32)
    tv = tv_ref[...]
    ti = ti_ref[...]
    nI = ni_ref[...]
    nps = nps_ref[...]
    inv_scale = float(D) ** 0.5
    feat = jnp.clip(tv * inv_scale / (nI * nps), -1.0, 1.0) * kf
    delta = jnp.maximum((tcol - ti).astype(jnp.float32), 0.0) * (1.0 / T) * kf
    zpad = jnp.zeros((BT, BK - (K + 2)), jnp.float32)
    parts = []
    for k in range(K):
        gk = jnp.clip(g_ref[:, k * KS:(k + 1) * KS], -1.0, 1.0)
        gmk = gk * kf[:, k:k + 1] * kf
        parts.append(jnp.concatenate(
            [gmk[:, :K], feat[:, k:k + 1], delta[:, k:k + 1], zpad], axis=1))
    rel = jnp.concatenate(parts, axis=1)

    h = _gelu_exact(_dot(rel, bw1_ref[...]) + br1_ref[...])
    h = _gelu_exact(_dot(h, bw2_ref[...]) + br2_ref[...])
    zz = _dot(h, bwh_ref[...]) + brh_ref[...]
    z0 = jnp.tanh(zz[:, :KS])
    z1 = jnp.tanh(zz[:, KS:2 * KS])
    mm = jnp.where(keep, zz[:, 2 * KS:], NEG)
    mx = jnp.max(mm, axis=1, keepdims=True)
    e = jnp.exp(mm - mx) * kf
    w = e / jnp.sum(e, axis=1, keepdims=True)

    ix = jnp.clip((z0 + 1.0) * (0.5 * (PW - 1)), 0.0, PW - 1.0)
    iy = jnp.clip((z1 + 1.0) * (0.5 * (PW - 1)), 0.0, PW - 1.0)
    ix0f = jnp.floor(ix)
    iy0f = jnp.floor(iy)
    wx1 = ix - ix0f
    wy1 = iy - iy0f
    wx0 = 1.0 - wx1
    wy0 = 1.0 - wy1
    ix0 = jnp.clip(ix0f.astype(jnp.int32), 0, PW - 1)
    iy0 = jnp.clip(iy0f.astype(jnp.int32), 0, PW - 1)
    ix1 = jnp.clip(ix0f.astype(jnp.int32) + 1, 0, PW - 1)
    iy1 = jnp.clip(iy0f.astype(jnp.int32) + 1, 0, PW - 1)

    lane256 = lax.broadcasted_iota(jnp.int32, (BT, PW * PW), 1)
    coef = jnp.zeros((BT, PW * PW), jnp.float32)
    for k in range(K):
        wk = w[:, k:k + 1]
        for yy, xx, wy, wx in ((iy0, ix0, wy0, wx0), (iy0, ix1, wy0, wx1),
                               (iy1, ix0, wy1, wx0), (iy1, ix1, wy1, wx1)):
            pos = yy[:, k:k + 1] * PW + xx[:, k:k + 1]
            amp = wk * (wy[:, k:k + 1] * wx[:, k:k + 1])
            coef = coef + jnp.where(lane256 == pos, amp, 0.0)
    y_ref[...] = _dot(coef, m_ref[...])


def _k5p(tv, ti, nI, nps, G, BW1, br1, BW2, br2, BWh, brh, M):
    return pl.pallas_call(
        _mega_body,
        grid=(T // BT,),
        in_specs=[
            pl.BlockSpec((BT, KS), lambda i: (i, 0)),
            pl.BlockSpec((BT, KS), lambda i: (i, 0)),
            pl.BlockSpec((BT, 1), lambda i: (i, 0)),
            pl.BlockSpec((BT, KS), lambda i: (i, 0)),
            pl.BlockSpec((BT, K * KS), lambda i: (i, 0)),
            pl.BlockSpec((K * BK, K * RH), lambda i: (0, 0)),
            pl.BlockSpec((1, K * RH), lambda i: (0, 0)),
            pl.BlockSpec((K * RH, K * RH), lambda i: (0, 0)),
            pl.BlockSpec((1, K * RH), lambda i: (0, 0)),
            pl.BlockSpec((K * RH, 3 * KS), lambda i: (0, 0)),
            pl.BlockSpec((1, 3 * KS), lambda i: (0, 0)),
            pl.BlockSpec((PW * PW, D), lambda i: (0, 0)),
        ],
        out_specs=pl.BlockSpec((BT, D), lambda i: (i, 0)),
        out_shape=jax.ShapeDtypeStruct((T, D), jnp.float32),
    )(tv, ti, nI, nps, G, BW1, br1, BW2, br2, BWh, brh, M)


def _gelu_exact(x):
    return x * 0.5 * (1.0 + lax.erf(x * (2.0 ** -0.5)))


def _pal_body(pal_ref, wo_ref, m_ref):
    m_ref[...] = lax.dot_general(pal_ref[...].astype(jnp.bfloat16),
                                 wo_ref[...].astype(jnp.bfloat16),
                                 (((0,), (0,)), ((), ())),
                                 preferred_element_type=jnp.float32)


def _k8(pal2, Wo0):
    return pl.pallas_call(
        _pal_body,
        in_specs=[
            pl.BlockSpec((D, PW * PW), lambda: (0, 0)),
            pl.BlockSpec((D, D), lambda: (0, 0)),
        ],
        out_specs=pl.BlockSpec((PW * PW, D), lambda: (0, 0)),
        out_shape=jax.ShapeDtypeStruct((PW * PW, D), jnp.float32),
    )(pal2, Wo0)


def kernel(x, Wi, Wp, palette, W1, b1, W2, b2, Wc, bc, Wm, bm, Wo):
    x2 = x.reshape(T, D)
    half = D // 2
    freqs = 1.0 / (10000.0 ** (jnp.arange(half, dtype=jnp.float32) / half))
    ang = jnp.arange(T, dtype=jnp.float32)[:, None] * freqs[None, :]
    cosb = jnp.cos(ang)
    sinb = jnp.sin(ang)
    I, P, Pn, nI, nP = _k1(x2, Wi, Wp, cosb, sinb)
    S, PnG = _k2(I, P, Pn)
    tvA, tiA, flA = _k3(S, T // 2, 0, T // 2)
    tvB, tiB, flB = _k3(S, T, T // 2, T // 2)
    tv = jnp.concatenate([tvA, tvB], axis=0)
    ti = jnp.concatenate([tiA, tiB], axis=0)
    flat = jnp.concatenate([flA, flB], axis=0)

    flat2 = flat.reshape(T * K * KS)
    idx1 = ti.reshape(T * KS)
    png_flat = PnG.reshape(T * T)
    np_flat = nP.reshape(T)
    g_flat, nps1 = _k4(flat2, idx1, png_flat, np_flat)
    G = g_flat.reshape(T, K * KS)
    nps = nps1.reshape(T, KS)

    eye = jnp.eye(K, dtype=jnp.float32)
    W1pad = jnp.pad(W1.T, ((0, BK - (K + 2)), (0, 0)))
    BW1 = (eye[:, None, :, None] * W1pad[None, :, None, :]).reshape(K * BK, K * RH)
    BW2 = (eye[:, None, :, None] * W2.T[None, :, None, :]).reshape(K * RH, K * RH)
    Whc = jnp.concatenate([Wc.T, Wm.T], axis=1)
    BWh = (eye[:, None, None, :] * Whc[None, :, :, None]).reshape(K * RH, 3 * K)
    BWh = BWh.reshape(K * RH, 3, K)
    BWh = jnp.pad(BWh, ((0, 0), (0, 0), (0, KS - K))).reshape(K * RH, 3 * KS)
    br1 = jnp.broadcast_to(b1[None, :], (K, RH)).reshape(1, K * RH)
    br2 = jnp.broadcast_to(b2[None, :], (K, RH)).reshape(1, K * RH)
    bh3 = jnp.concatenate([bc, bm])
    brh = jnp.broadcast_to(bh3[:, None], (3, KS)).reshape(1, 3 * KS)

    pal2 = palette.reshape(D, PW * PW)
    M = _k8(pal2, Wo[0])
    y = _k5p(tv, ti, nI, nps, G, BW1, br1, BW2, br2, BWh, brh, M)
    return y.reshape(1, T, D)

# --- scband reference (transcript-rebuilt; emitter-appended) ---
"""Pipeline reference for scband-vectorized-constellation-attention-55671366091366 (READ-ONLY COPY).

The authoritative reference and input builder live on the scoring server;
editing this copy changes nothing except your own understanding.
"""

import jax, jax.numpy as jnp
import numpy as np

B, T, D = 1, 2048, 1024
K = 15
PH = PW = 16
RH = 64
RIN = K + 2


def rope(x):
    # x: [..., T, D] rotary position embedding over the sequence axis
    d = x.shape[-1]
    t = x.shape[-2]
    half = d // 2
    freqs = 1.0 / (10000.0 ** (jnp.arange(half, dtype=jnp.float32) / half))
    ang = jnp.arange(t, dtype=jnp.float32)[:, None] * freqs[None, :]
    cos = jnp.cos(ang)
    sin = jnp.sin(ang)
    x1 = x[..., :half]
    x2 = x[..., half:]
    return jnp.concatenate([x1 * cos - x2 * sin, x1 * sin + x2 * cos], axis=-1)


def l2norm(v):
    return v / jnp.maximum(jnp.linalg.norm(v, axis=-1, keepdims=True), 1e-12)


def grid_sample_bilinear(img, grid):
    # img: [B, C, H, W]; grid: [B, Hg, Wg, 2] in [-1, 1]; bilinear, border padding, align_corners=True
    Bb, C, H, W = img.shape
    gx = grid[..., 0]
    gy = grid[..., 1]
    ix = jnp.clip((gx + 1.0) * 0.5 * (W - 1), 0.0, W - 1.0)
    iy = jnp.clip((gy + 1.0) * 0.5 * (H - 1), 0.0, H - 1.0)
    ix0 = jnp.floor(ix)
    iy0 = jnp.floor(iy)
    wx1 = ix - ix0
    wy1 = iy - iy0
    wx0 = 1.0 - wx1
    wy0 = 1.0 - wy1
    ix0i = jnp.clip(ix0.astype(jnp.int32), 0, W - 1)
    iy0i = jnp.clip(iy0.astype(jnp.int32), 0, H - 1)
    ix1i = jnp.clip(ix0.astype(jnp.int32) + 1, 0, W - 1)
    iy1i = jnp.clip(iy0.astype(jnp.int32) + 1, 0, H - 1)

    def gat(imgb, iyb, ixb):
        return imgb[:, iyb, ixb]

    g = jax.vmap(gat)
    v00 = g(img, iy0i, ix0i)
    v01 = g(img, iy0i, ix1i)
    v10 = g(img, iy1i, ix0i)
    v11 = g(img, iy1i, ix1i)
    out = (v00 * (wy0 * wx0)[:, None] + v01 * (wy0 * wx1)[:, None]
           + v10 * (wy1 * wx0)[:, None] + v11 * (wy1 * wx1)[:, None])
    return out


def setup_inputs(seed: int = 0):
    key = jax.random.key(seed)
    ks = jax.random.split(key, 12)
    x = jax.random.normal(ks[0], (B, T, D), dtype=jnp.float32)
    s = D ** -0.5
    Wi = jax.random.normal(ks[1], (D, D), dtype=jnp.float32) * s
    Wp = jax.random.normal(ks[2], (D, D), dtype=jnp.float32) * s
    palette = jax.random.normal(ks[3], (D, PH, PW), dtype=jnp.float32) * s
    W1 = jax.random.normal(ks[4], (RH, RIN), dtype=jnp.float32) * RIN ** -0.5
    b1 = jnp.zeros((RH,), dtype=jnp.float32)
    W2 = jax.random.normal(ks[5], (RH, RH), dtype=jnp.float32) * RH ** -0.5
    b2 = jnp.zeros((RH,), dtype=jnp.float32)
    Wc = jax.random.normal(ks[6], (2, RH), dtype=jnp.float32) * RH ** -0.5
    bc = jnp.zeros((2,), dtype=jnp.float32)
    Wm = jax.random.normal(ks[7], (1, RH), dtype=jnp.float32) * RH ** -0.5
    bm = jnp.zeros((1,), dtype=jnp.float32)
    Wo = jax.random.normal(ks[8], (1, D, D), dtype=jnp.float32) * s
    return {"x": x, "Wi": Wi, "Wp": Wp, "palette": palette, "W1": W1, "b1": b1,
            "W2": W2, "b2": b2, "Wc": Wc, "bc": bc, "Wm": Wm, "bm": bm, "Wo": Wo}


def reference(x, Wi, Wp, palette, W1, b1, W2, b2, Wc, bc, Wm, bm, Wo):
    scale = D ** -0.5
    I = (x @ Wi.T).reshape(B, T, 1, D).transpose(0, 2, 1, 3)  # [B,1,T,D]
    P = x @ Wp.T  # [B,T,D]
    I = rope(I)
    P = rope(P[:, None, :, :])[:, 0]
    logits = jnp.einsum('bhtd,bsd->bhts', I, P) * scale  # [B,1,T,T]
    causal = jnp.tril(jnp.ones((T, T), dtype=bool))[None, None]
    logits = jnp.where(causal, logits, -jnp.inf)
    topk_val, topk_idx = jax.lax.top_k(logits, K)  # k_eff == K since T >= K
    keep = jnp.isfinite(topk_val)
    all_bad = ~jnp.any(keep, axis=-1, keepdims=True)
    t_idx = jnp.broadcast_to(jnp.arange(T, dtype=topk_idx.dtype)[None, None, :, None], topk_idx.shape)
    topk_idx = jnp.where(all_bad, t_idx, topk_idx)
    keep = jnp.isfinite(topk_val)
    keep_f = keep.astype(jnp.float32)
    P_sel = P[jnp.arange(B)[:, None, None, None], topk_idx]  # [B,1,T,K,D]
    P_sel_norm = l2norm(P_sel) * keep_f[..., None]
    I_norm = l2norm(I)[:, :, :, None, :]
    feat_a = jnp.clip(jnp.sum(I_norm * P_sel_norm, axis=-1), -1.0, 1.0) * keep_f
    G = jnp.clip(jnp.einsum('bhtkd,bhtjd->bhtkj', P_sel_norm, P_sel_norm), -1.0, 1.0)
    G = G * keep_f[..., None] * keep_f[..., None, :]
    delta = jnp.maximum((jnp.arange(T)[None, None, :, None] - topk_idx).astype(jnp.float32), 0.0) / max(1.0, float(T))
    delta = delta * keep_f
    rel_input = jnp.concatenate([G, feat_a[..., None], delta[..., None]], axis=-1)  # [B,1,T,K,K+2]
    h = jax.nn.gelu(rel_input @ W1.T + b1, approximate=False)
    h = jax.nn.gelu(h @ W2.T + b2, approximate=False)
    z = jnp.tanh(h @ Wc.T + bc)  # [B,1,T,K,2]
    mix_logits = (h @ Wm.T + bm)[..., 0]
    mix_logits = jnp.where(keep, mix_logits, -jnp.inf)
    w = jnp.nan_to_num(jax.nn.softmax(mix_logits, axis=-1), nan=0.0)
    batch_pal = jnp.broadcast_to(palette[None], (B, D, PH, PW))
    grid = z.reshape(B, T, K, 2)
    samples = grid_sample_bilinear(batch_pal, grid)  # [B,D,T,K]
    samples = samples.reshape(B, 1, D, T, K).transpose(0, 1, 3, 4, 2)  # [B,1,T,K,D]
    V_out = jnp.sum(samples * w[..., None], axis=3)  # [B,1,T,D]
    y = jnp.einsum('nrtd,rdm->nrtm', V_out, Wo).mean(axis=1)
    return y

if __name__ == "__main__":
    import jax
    _d = setup_inputs()
    print(jax.jit(kernel)(*tuple(_d.values())))

</pallas_src>

<mosaic_0001>
#map = affine_map<(d0, d1) -> (0)>
module attributes {stable_mosaic.version = 14 : i64} {
  func.func @_sc_body(%arg0: i32, %arg1: i32, %arg2: memref<491520xi32, #tpu.memory_space<hbm>>, %arg3: memref<32768xi32, #tpu.memory_space<hbm>>, %arg4: memref<4194304xf32, #tpu.memory_space<hbm>>, %arg5: memref<2048xf32, #tpu.memory_space<hbm>>, %arg6: memref<491520xf32, #tpu.memory_space<hbm>>, %arg7: memref<32768xf32, #tpu.memory_space<hbm>>, %arg8: memref<15360xi32, #tpu.memory_space<vmem>>, %arg9: memref<15360xf32, #tpu.memory_space<vmem>>, %arg10: memref<1024xi32, #tpu.memory_space<vmem>>, %arg11: memref<1024xf32, #tpu.memory_space<vmem>>, %arg12: memref<!tpu.dma_semaphore, #tpu.memory_space<semaphore_mem>>, %arg13: memref<!tpu.dma_semaphore, #tpu.memory_space<semaphore_mem>>) attributes {dimension_semantics = [#tpu.dimension_semantics<core_parallel>, #tpu.dimension_semantics<subcore_parallel>], iteration_bounds = array<i64: 2, 16>, scalar_prefetch = 0 : i64, scratch_operands = 6 : i64, tpu.core_type = #tpu.core_type<sc_vector_subcore>, window_params = [{transform_indices = #map}, {transform_indices = #map}, {transform_indices = #map}, {transform_indices = #map}, {transform_indices = #map}, {transform_indices = #map}]} {
    %mul3A = arith.constant 2 : i32
    %mul3A_0 = arith.muli %arg1, %mul3A : i32
    %add3A = arith.addi %mul3A_0, %arg0 : i32
    %mul3A_1 = arith.constant 15360 : i32
    %mul3A_2 = arith.muli %add3A, %mul3A_1 : i32
    "tpu.region"() ({
      %run_scoped3A = tpu.sem_alloc : memref<!tpu.dma_semaphore, #tpu.memory_space<semaphore_mem>>
      %dma_start3A_37 = tpu.memref_slice %arg2[%mul3A_2] : memref<491520xi32, #tpu.memory_space<hbm>> -> memref<15360xi32, #tpu.memory_space<hbm>>
      %dma_start3A_38 = tpu.memref_slice %arg2[%mul3A_2] : memref<491520xi32, #tpu.memory_space<hbm>> -> memref<15360xi32, #tpu.memory_space<hbm>>
      tpu.enqueue_dma source(%dma_start3A_38 : memref<15360xi32, #tpu.memory_space<hbm>>) target(%arg8 : memref<15360xi32, #tpu.memory_space<vmem>>) target_semaphore(%run_scoped3A : memref<!tpu.dma_semaphore, #tpu.memory_space<semaphore_mem>>)
      %dma_wait3A_39 = tpu.memref_slice %arg2[%mul3A_2] : memref<491520xi32, #tpu.memory_space<hbm>> -> memref<15360xi32, #tpu.memory_space<hbm>>
      %dma_wait3A_40 = tpu.memref_slice %arg2[%mul3A_2] : memref<491520xi32, #tpu.memory_space<hbm>> -> memref<15360xi32, #tpu.memory_space<hbm>>
      tpu.wait_dma2 semaphore(%run_scoped3A : memref<!tpu.dma_semaphore, #tpu.memory_space<semaphore_mem>>) src(%dma_wait3A_40 : memref<15360xi32, #tpu.memory_space<hbm>>) dst(%arg8 : memref<15360xi32, #tpu.memory_space<vmem>>)
      tpu.yield
    }) : () -> ()
    %mul3A_3 = arith.constant 1024 : i32
    %mul3A_4 = arith.muli %add3A, %mul3A_3 : i32
    "tpu.region"() ({
      %run_scoped3A = tpu.sem_alloc : memref<!tpu.dma_semaphore, #tpu.memory_space<semaphore_mem>>
      %dma_start3A_37 = tpu.memref_slice %arg3[%mul3A_4] : memref<32768xi32, #tpu.memory_space<hbm>> -> memref<1024xi32, #tpu.memory_space<hbm>>
      %dma_start3A_38 = tpu.memref_slice %arg3[%mul3A_4] : memref<32768xi32, #tpu.memory_space<hbm>> -> memref<1024xi32, #tpu.memory_space<hbm>>
      tpu.enqueue_dma source(%dma_start3A_38 : memref<1024xi32, #tpu.memory_space<hbm>>) target(%arg10 : memref<1024xi32, #tpu.memory_space<vmem>>) target_semaphore(%run_scoped3A : memref<!tpu.dma_semaphore, #tpu.memory_space<semaphore_mem>>)
      %dma_wait3A_39 = tpu.memref_slice %arg3[%mul3A_4] : memref<32768xi32, #tpu.memory_space<hbm>> -> memref<1024xi32, #tpu.memory_space<hbm>>
      %dma_wait3A_40 = tpu.memref_slice %arg3[%mul3A_4] : memref<32768xi32, #tpu.memory_space<hbm>> -> memref<1024xi32, #tpu.memory_space<hbm>>
      tpu.wait_dma2 semaphore(%run_scoped3A : memref<!tpu.dma_semaphore, #tpu.memory_space<semaphore_mem>>) src(%dma_wait3A_40 : memref<1024xi32, #tpu.memory_space<hbm>>) dst(%arg10 : memref<1024xi32, #tpu.memory_space<vmem>>)
      tpu.yield
    }) : () -> ()
    %scan3A = arith.constant 0 : i32
    %scan3A_5 = arith.constant 0 : i32
    %scan3A_6 = arith.constant 5 : i32
    %scan3A_7 = arith.addi %scan3A_5, %scan3A_6 : i32
    %scan3A_8 = arith.constant 1 : i32
    %scan3A_9 = scf.for %scan3A_37 = %scan3A_5 to %scan3A_7 step %scan3A_8 iter_args(%scan3A_38 = %scan3A) -> (i32)  : i32 {
      %mul3A_39 = arith.constant 6 : i32
      %mul3A_40 = arith.muli %scan3A_37, %mul3A_39 : i32
      %add3A_41 = arith.constant 0 : i32
      %add3A_42 = arith.addi %mul3A_40, %add3A_41 : i32
      %mul3A_43 = arith.constant 512 : i32
      %mul3A_44 = arith.muli %add3A_42, %mul3A_43 : i32
      %dma_start3A_45 = tpu.memref_slice %arg9[%mul3A_44] : memref<15360xf32, #tpu.memory_space<vmem>> -> memref<512xf32, #tpu.memory_space<vmem>>
      %dma_start3A_46 = tpu.memref_slice %arg8[%mul3A_44] : memref<15360xi32, #tpu.memory_space<vmem>> -> memref<512xi32, #tpu.memory_space<vmem>>
      %dma_start3A_47 = arith.constant 0 : i32
      %dma_start3A_48 = tpu.memref_slice %arg4[%dma_start3A_47] : memref<4194304xf32, #tpu.memory_space<hbm>> -> memref<4194304xf32, #tpu.memory_space<hbm>>
      tpu.enqueue_indirect_dma source(%dma_start3A_48 : memref<4194304xf32, #tpu.memory_space<hbm>>) target(%dma_start3A_45 : memref<512xf32, #tpu.memory_space<vmem>>) offsets(%dma_start3A_46 : memref<512xi32, #tpu.memory_space<vmem>>) semaphore(%arg12 : memref<!tpu.dma_semaphore, #tpu.memory_space<semaphore_mem>>)
      %mul3A_49 = arith.constant 6 : i32
      %mul3A_50 = arith.muli %scan3A_37, %mul3A_49 : i32
      %add3A_51 = arith.constant 1 : i32
      %add3A_52 = arith.addi %mul3A_50, %add3A_51 : i32
      %mul3A_53 = arith.constant 512 : i32
      %mul3A_54 = arith.muli %add3A_52, %mul3A_53 : i32
      %dma_start3A_55 = tpu.memref_slice %arg9[%mul3A_54] : memref<15360xf32, #tpu.memory_space<vmem>> -> memref<512xf32, #tpu.memory_space<vmem>>
      %dma_start3A_56 = tpu.memref_slice %arg8[%mul3A_54] : memref<15360xi32, #tpu.memory_space<vmem>> -> memref<512xi32, #tpu.memory_space<vmem>>
      %dma_start3A_57 = arith.constant 0 : i32
      %dma_start3A_58 = tpu.memref_slice %arg4[%dma_start3A_57] : memref<4194304xf32, #tpu.memory_space<hbm>> -> memref<4194304xf32, #tpu.memory_space<hbm>>
      tpu.enqueue_indirect_dma source(%dma_start3A_58 : memref<4194304xf32, #tpu.memory_space<hbm>>) target(%dma_start3A_55 : memref<512xf32, #tpu.memory_space<vmem>>) offsets(%dma_start3A_56 : memref<512xi32, #tpu.memory_space<vmem>>) semaphore(%arg12 : memref<!tpu.dma_semaphore, #tpu.memory_space<semaphore_mem>>)
      %mul3A_59 = arith.constant 6 : i32
      %mul3A_60 = arith.muli %scan3A_37, %mul3A_59 : i32
      %add3A_61 = arith.constant 2 : i32
      %add3A_62 = arith.addi %mul3A_60, %add3A_61 : i32
      %mul3A_63 = arith.constant 512 : i32
      %mul3A_64 = arith.muli %add3A_62, %mul3A_63 : i32
      %dma_start3A_65 = tpu.memref_slice %arg9[%mul3A_64] : memref<15360xf32, #tpu.memory_space<vmem>> -> memref<512xf32, #tpu.memory_space<vmem>>
      %dma_start3A_66 = tpu.memref_slice %arg8[%mul3A_64] : memref<15360xi32, #tpu.memory_space<vmem>> -> memref<512xi32, #tpu.memory_space<vmem>>
      %dma_start3A_67 = arith.constant 0 : i32
      %dma_start3A_68 = tpu.memref_slice %arg4[%dma_start3A_67] : memref<4194304xf32, #tpu.memory_space<hbm>> -> memref<4194304xf32, #tpu.memory_space<hbm>>
      tpu.enqueue_indirect_dma source(%dma_start3A_68 : memref<4194304xf32, #tpu.memory_space<hbm>>) target(%dma_start3A_65 : memref<512xf32, #tpu.memory_space<vmem>>) offsets(%dma_start3A_66 : memref<512xi32, #tpu.memory_space<vmem>>) semaphore(%arg12 : memref<!tpu.dma_semaphore, #tpu.memory_space<semaphore_mem>>)
      %mul3A_69 = arith.constant 6 : i32
      %mul3A_70 = arith.muli %scan3A_37, %mul3A_69 : i32
      %add3A_71 = arith.constant 3 : i32
      %add3A_72 = arith.addi %mul3A_70, %add3A_71 : i32
      %mul3A_73 = arith.constant 512 : i32
      %mul3A_74 = arith.muli %add3A_72, %mul3A_73 : i32
      %dma_start3A_75 = tpu.memref_slice %arg9[%mul3A_74] : memref<15360xf32, #tpu.memory_space<vmem>> -> memref<512xf32, #tpu.memory_space<vmem>>
      %dma_start3A_76 = tpu.memref_slice %arg8[%mul3A_74] : memref<15360xi32, #tpu.memory_space<vmem>> -> memref<512xi32, #tpu.memory_space<vmem>>
      %dma_start3A_77 = arith.constant 0 : i32
      %dma_start3A_78 = tpu.memref_slice %arg4[%dma_start3A_77] : memref<4194304xf32, #tpu.memory_space<hbm>> -> memref<4194304xf32, #tpu.memory_space<hbm>>
      tpu.enqueue_indirect_dma source(%dma_start3A_78 : memref<4194304xf32, #tpu.memory_space<hbm>>) target(%dma_start3A_75 : memref<512xf32, #tpu.memory_space<vmem>>) offsets(%dma_start3A_76 : memref<512xi32, #tpu.memory_space<vmem>>) semaphore(%arg12 : memref<!tpu.dma_semaphore, #tpu.memory_space<semaphore_mem>>)
      %mul3A_79 = arith.constant 6 : i32
      %mul3A_80 = arith.muli %scan3A_37, %mul3A_79 : i32
      %add3A_81 = arith.constant 4 : i32
      %add3A_82 = arith.addi %mul3A_80, %add3A_81 : i32
      %mul3A_83 = arith.constant 512 : i32
      %mul3A_84 = arith.muli %add3A_82, %mul3A_83 : i32
      %dma_start3A_85 = tpu.memref_slice %arg9[%mul3A_84] : memref<15360xf32, #tpu.memory_space<vmem>> -> memref<512xf32, #tpu.memory_space<vmem>>
      %dma_start3A_86 = tpu.memref_slice %arg8[%mul3A_84] : memref<15360xi32, #tpu.memory_space<vmem>> -> memref<512xi32, #tpu.memory_space<vmem>>
      %dma_start3A_87 = arith.constant 0 : i32
      %dma_start3A_88 = tpu.memref_slice %arg4[%dma_start3A_87] : memref<4194304xf32, #tpu.memory_space<hbm>> -> memref<4194304xf32, #tpu.memory_space<hbm>>
      tpu.enqueue_indirect_dma source(%dma_start3A_88 : memref<4194304xf32, #tpu.memory_space<hbm>>) target(%dma_start3A_85 : memref<512xf32, #tpu.memory_space<vmem>>) offsets(%dma_start3A_86 : memref<512xi32, #tpu.memory_space<vmem>>) semaphore(%arg12 : memref<!tpu.dma_semaphore, #tpu.memory_space<semaphore_mem>>)
      %mul3A_89 = arith.constant 6 : i32
      %mul3A_90 = arith.muli %scan3A_37, %mul3A_89 : i32
      %add3A_91 = arith.constant 5 : i32
      %add3A_92 = arith.addi %mul3A_90, %add3A_91 : i32
      %mul3A_93 = arith.constant 512 : i32
      %mul3A_94 = arith.muli %add3A_92, %mul3A_93 : i32
      %dma_start3A_95 = tpu.memref_slice %arg9[%mul3A_94] : memref<15360xf32, #tpu.memory_space<vmem>> -> memref<512xf32, #tpu.memory_space<vmem>>
      %dma_start3A_96 = tpu.memref_slice %arg8[%mul3A_94] : memref<15360xi32, #tpu.memory_space<vmem>> -> memref<512xi32, #tpu.memory_space<vmem>>
      %dma_start3A_97 = arith.constant 0 : i32
      %dma_start3A_98 = tpu.memref_slice %arg4[%dma_start3A_97] : memref<4194304xf32, #tpu.memory_space<hbm>> -> memref<4194304xf32, #tpu.memory_space<hbm>>
      tpu.enqueue_indirect_dma source(%dma_start3A_98 : memref<4194304xf32, #tpu.memory_space<hbm>>) target(%dma_start3A_95 : memref<512xf32, #tpu.memory_space<vmem>>) offsets(%dma_start3A_96 : memref<512xi32, #tpu.memory_space<vmem>>) semaphore(%arg12 : memref<!tpu.dma_semaphore, #tpu.memory_space<semaphore_mem>>)
      %mul3A_99 = arith.constant 6 : i32
      %mul3A_100 = arith.muli %scan3A_37, %mul3A_99 : i32
      %add3A_101 = arith.constant 0 : i32
      %add3A_102 = arith.addi %mul3A_100, %add3A_101 : i32
      %mul3A_103 = arith.constant 512 : i32
      %mul3A_104 = arith.muli %add3A_102, %mul3A_103 : i32
      %dma_wait3A_105 = tpu.memref_slice %arg9[%mul3A_104] : memref<15360xf32, #tpu.memory_space<vmem>> -> memref<512xf32, #tpu.memory_space<vmem>>
      %dma_wait3A_106 = tpu.memref_slice %arg8[%mul3A_104] : memref<15360xi32, #tpu.memory_space<vmem>> -> memref<512xi32, #tpu.memory_space<vmem>>
      %dma_wait3A_107 = arith.constant 0 : i32
      %dma_wait3A_108 = tpu.memref_slice %arg4[%dma_wait3A_107] : memref<4194304xf32, #tpu.memory_space<hbm>> -> memref<4194304xf32, #tpu.memory_space<hbm>>
      tpu.wait_indirect_dma semaphore(%arg12 : memref<!tpu.dma_semaphore, #tpu.memory_space<semaphore_mem>>) src(%dma_wait3A_108 : memref<4194304xf32, #tpu.memory_space<hbm>>) dst(%dma_wait3A_105 : memref<512xf32, #tpu.memory_space<vmem>>)
      %mul3A_109 = arith.constant 6 : i32
      %mul3A_110 = arith.muli %scan3A_37, %mul3A_109 : i32
      %add3A_111 = arith.constant 1 : i32
      %add3A_112 = arith.addi %mul3A_110, %add3A_111 : i32
      %mul3A_113 = arith.constant 512 : i32
      %mul3A_114 = arith.muli %add3A_112, %mul3A_113 : i32
      %dma_wait3A_115 = tpu.memref_slice %arg9[%mul3A_114] : memref<15360xf32, #tpu.memory_space<vmem>> -> memref<512xf32, #tpu.memory_space<vmem>>
      %dma_wait3A_116 = tpu.memref_slice %arg8[%mul3A_114] : memref<15360xi32, #tpu.memory_space<vmem>> -> memref<512xi32, #tpu.memory_space<vmem>>
      %dma_wait3A_117 = arith.constant 0 : i32
      %dma_wait3A_118 = tpu.memref_slice %arg4[%dma_wait3A_117] : memref<4194304xf32, #tpu.memory_space<hbm>> -> memref<4194304xf32, #tpu.memory_space<hbm>>
      tpu.wait_indirect_dma semaphore(%arg12 : memref<!tpu.dma_semaphore, #tpu.memory_space<semaphore_mem>>) src(%dma_wait3A_118 : memref<4194304xf32, #tpu.memory_space<hbm>>) dst(%dma_wait3A_115 : memref<512xf32, #tpu.memory_space<vmem>>)
      %mul3A_119 = arith.constant 6 : i32
      %mul3A_120 = arith.muli %scan3A_37, %mul3A_119 : i32
      %add3A_121 = arith.constant 2 : i32
      %add3A_122 = arith.addi %mul3A_120, %add3A_121 : i32
      %mul3A_123 = arith.constant 512 : i32
      %mul3A_124 = arith.muli %add3A_122, %mul3A_123 : i32
      %dma_wait3A_125 = tpu.memref_slice %arg9[%mul3A_124] : memref<15360xf32, #tpu.memory_space<vmem>> -> memref<512xf32, #tpu.memory_space<vmem>>
      %dma_wait3A_126 = tpu.memref_slice %arg8[%mul3A_124] : memref<15360xi32, #tpu.memory_space<vmem>> -> memref<512xi32, #tpu.memory_space<vmem>>
      %dma_wait3A_127 = arith.constant 0 : i32
      %dma_wait3A_128 = tpu.memref_slice %arg4[%dma_wait3A_127] : memref<4194304xf32, #tpu.memory_space<hbm>> -> memref<4194304xf32, #tpu.memory_space<hbm>>
      tpu.wait_indirect_dma semaphore(%arg12 : memref<!tpu.dma_semaphore, #tpu.memory_space<semaphore_mem>>) src(%dma_wait3A_128 : memref<4194304xf32, #tpu.memory_space<hbm>>) dst(%dma_wait3A_125 : memref<512xf32, #tpu.memory_space<vmem>>)
      %mul3A_129 = arith.constant 6 : i32
      %mul3A_130 = arith.muli %scan3A_37, %mul3A_129 : i32
      %add3A_131 = arith.constant 3 : i32
      %add3A_132 = arith.addi %mul3A_130, %add3A_131 : i32
      %mul3A_133 = arith.constant 512 : i32
      %mul3A_134 = arith.muli %add3A_132, %mul3A_133 : i32
      %dma_wait3A_135 = tpu.memref_slice %arg9[%mul3A_134] : memref<15360xf32, #tpu.memory_space<vmem>> -> memref<512xf32, #tpu.memory_space<vmem>>
      %dma_wait3A_136 = tpu.memref_slice %arg8[%mul3A_134] : memref<15360xi32, #tpu.memory_space<vmem>> -> memref<512xi32, #tpu.memory_space<vmem>>
      %dma_wait3A_137 = arith.constant 0 : i32
      %dma_wait3A_138 = tpu.memref_slice %arg4[%dma_wait3A_137] : memref<4194304xf32, #tpu.memory_space<hbm>> -> memref<4194304xf32, #tpu.memory_space<hbm>>
      tpu.wait_indirect_dma semaphore(%arg12 : memref<!tpu.dma_semaphore, #tpu.memory_space<semaphore_mem>>) src(%dma_wait3A_138 : memref<4194304xf32, #tpu.memory_space<hbm>>) dst(%dma_wait3A_135 : memref<512xf32, #tpu.memory_space<vmem>>)
      %mul3A_139 = arith.constant 6 : i32
      %mul3A_140 = arith.muli %scan3A_37, %mul3A_139 : i32
      %add3A_141 = arith.constant 4 : i32
      %add3A_142 = arith.addi %mul3A_140, %add3A_141 : i32
      %mul3A_143 = arith.constant 512 : i32
      %mul3A_144 = arith.muli %add3A_142, %mul3A_143 : i32
      %dma_wait3A_145 = tpu.memref_slice %arg9[%mul3A_144] : memref<15360xf32, #tpu.memory_space<vmem>> -> memref<512xf32, #tpu.memory_space<vmem>>
      %dma_wait3A_146 = tpu.memref_slice %arg8[%mul3A_144] : memref<15360xi32, #tpu.memory_space<vmem>> -> memref<512xi32, #tpu.memory_space<vmem>>
      %dma_wait3A_147 = arith.constant 0 : i32
      %dma_wait3A_148 = tpu.memref_slice %arg4[%dma_wait3A_147] : memref<4194304xf32, #tpu.memory_space<hbm>> -> memref<4194304xf32, #tpu.memory_space<hbm>>
      tpu.wait_indirect_dma semaphore(%arg12 : memref<!tpu.dma_semaphore, #tpu.memory_space<semaphore_mem>>) src(%dma_wait3A_148 : memref<4194304xf32, #tpu.memory_space<hbm>>) dst(%dma_wait3A_145 : memref<512xf32, #tpu.memory_space<vmem>>)
      %mul3A_149 = arith.constant 6 : i32
      %mul3A_150 = arith.muli %scan3A_37, %mul3A_149 : i32
      %add3A_151 = arith.constant 5 : i32
      %add3A_152 = arith.addi %mul3A_150, %add3A_151 : i32
      %mul3A_153 = arith.constant 512 : i32
      %mul3A_154 = arith.muli %add3A_152, %mul3A_153 : i32
      %dma_wait3A_155 = tpu.memref_slice %arg9[%mul3A_154] : memref<15360xf32, #tpu.memory_space<vmem>> -> memref<512xf32, #tpu.memory_space<vmem>>
      %dma_wait3A_156 = tpu.memref_slice %arg8[%mul3A_154] : memref<15360xi32, #tpu.memory_space<vmem>> -> memref<512xi32, #tpu.memory_space<vmem>>
      %dma_wait3A_157 = arith.constant 0 : i32
      %dma_wait3A_158 = tpu.memref_slice %arg4[%dma_wait3A_157] : memref<4194304xf32, #tpu.memory_space<hbm>> -> memref<4194304xf32, #tpu.memory_space<hbm>>
      tpu.wait_indirect_dma semaphore(%arg12 : memref<!tpu.dma_semaphore, #tpu.memory_space<semaphore_mem>>) src(%dma_wait3A_158 : memref<4194304xf32, #tpu.memory_space<hbm>>) dst(%dma_wait3A_155 : memref<512xf32, #tpu.memory_space<vmem>>)
      %scan3A_159 = arith.constant 0 : i32
      scf.yield %scan3A_159 : i32
    }
    %scan3A_10 = arith.constant 5 : i32
    %dma_start3A = arith.constant 0 : i32
    %dma_start3A_11 = tpu.memref_slice %arg11[%dma_start3A] : memref<1024xf32, #tpu.memory_space<vmem>> -> memref<512xf32, #tpu.memory_space<vmem>>
    %dma_start3A_12 = arith.constant 0 : i32
    %dma_start3A_13 = tpu.memref_slice %arg10[%dma_start3A_12] : memref<1024xi32, #tpu.memory_space<vmem>> -> memref<512xi32, #tpu.memory_space<vmem>>
    %dma_start3A_14 = arith.constant 0 : i32
    %dma_start3A_15 = tpu.memref_slice %arg5[%dma_start3A_14] : memref<2048xf32, #tpu.memory_space<hbm>> -> memref<2048xf32, #tpu.memory_space<hbm>>
    tpu.enqueue_indirect_dma source(%dma_start3A_15 : memref<2048xf32, #tpu.memory_space<hbm>>) target(%dma_start3A_11 : memref<512xf32, #tpu.memory_space<vmem>>) offsets(%dma_start3A_13 : memref<512xi32, #tpu.memory_space<vmem>>) semaphore(%arg13 : memref<!tpu.dma_semaphore, #tpu.memory_space<semaphore_mem>>)
    %dma_start3A_16 = arith.constant 512 : i32
    %dma_start3A_17 = tpu.memref_slice %arg11[%dma_start3A_16] : memref<1024xf32, #tpu.memory_space<vmem>> -> memref<512xf32, #tpu.memory_space<vmem>>
    %dma_start3A_18 = arith.constant 512 : i32
    %dma_start3A_19 = tpu.memref_slice %arg10[%dma_start3A_18] : memref<1024xi32, #tpu.memory_space<vmem>> -> memref<512xi32, #tpu.memory_space<vmem>>
    %dma_start3A_20 = arith.constant 0 : i32
    %dma_start3A_21 = tpu.memref_slice %arg5[%dma_start3A_20] : memref<2048xf32, #tpu.memory_space<hbm>> -> memref<2048xf32, #tpu.memory_space<hbm>>
    tpu.enqueue_indirect_dma source(%dma_start3A_21 : memref<2048xf32, #tpu.memory_space<hbm>>) target(%dma_start3A_17 : memref<512xf32, #tpu.memory_space<vmem>>) offsets(%dma_start3A_19 : memref<512xi32, #tpu.memory_space<vmem>>) semaphore(%arg13 : memref<!tpu.dma_semaphore, #tpu.memory_space<semaphore_mem>>)
    %dma_wait3A = arith.constant 0 : i32
    %dma_wait3A_22 = tpu.memref_slice %arg11[%dma_wait3A] : memref<1024xf32, #tpu.memory_space<vmem>> -> memref<512xf32, #tpu.memory_space<vmem>>
    %dma_wait3A_23 = arith.constant 0 : i32
    %dma_wait3A_24 = tpu.memref_slice %arg10[%dma_wait3A_23] : memref<1024xi32, #tpu.memory_space<vmem>> -> memref<512xi32, #tpu.memory_space<vmem>>
    %dma_wait3A_25 = arith.constant 0 : i32
    %dma_wait3A_26 = tpu.memref_slice %arg5[%dma_wait3A_25] : memref<2048xf32, #tpu.memory_space<hbm>> -> memref<2048xf32, #tpu.memory_space<hbm>>
    tpu.wait_indirect_dma semaphore(%arg13 : memref<!tpu.dma_semaphore, #tpu.memory_space<semaphore_mem>>) src(%dma_wait3A_26 : memref<2048xf32, #tpu.memory_space<hbm>>) dst(%dma_wait3A_22 : memref<512xf32, #tpu.memory_space<vmem>>)
    %dma_wait3A_27 = arith.constant 512 : i32
    %dma_wait3A_28 = tpu.memref_slice %arg11[%dma_wait3A_27] : memref<1024xf32, #tpu.memory_space<vmem>> -> memref<512xf32, #tpu.memory_space<vmem>>
    %dma_wait3A_29 = arith.constant 512 : i32
    %dma_wait3A_30 = tpu.memref_slice %arg10[%dma_wait3A_29] : memref<1024xi32, #tpu.memory_space<vmem>> -> memref<512xi32, #tpu.memory_space<vmem>>
    %dma_wait3A_31 = arith.constant 0 : i32
    %dma_wait3A_32 = tpu.memref_slice %arg5[%dma_wait3A_31] : memref<2048xf32, #tpu.memory_space<hbm>> -> memref<2048xf32, #tpu.memory_space<hbm>>
    tpu.wait_indirect_dma semaphore(%arg13 : memref<!tpu.dma_semaphore, #tpu.memory_space<semaphore_mem>>) src(%dma_wait3A_32 : memref<2048xf32, #tpu.memory_space<hbm>>) dst(%dma_wait3A_28 : memref<512xf32, #tpu.memory_space<vmem>>)
    %mul3A_33 = arith.constant 15360 : i32
    %mul3A_34 = arith.muli %add3A, %mul3A_33 : i32
    "tpu.region"() ({
      %run_scoped3A = tpu.sem_alloc : memref<!tpu.dma_semaphore, #tpu.memory_space<semaphore_mem>>
      %dma_start3A_37 = tpu.memref_slice %arg6[%mul3A_34] : memref<491520xf32, #tpu.memory_space<hbm>> -> memref<15360xf32, #tpu.memory_space<hbm>>
      %dma_start3A_38 = tpu.memref_slice %arg6[%mul3A_34] : memref<491520xf32, #tpu.memory_space<hbm>> -> memref<15360xf32, #tpu.memory_space<hbm>>
      tpu.enqueue_dma source(%arg9 : memref<15360xf32, #tpu.memory_space<vmem>>) target(%dma_start3A_38 : memref<15360xf32, #tpu.memory_space<hbm>>) target_semaphore(%run_scoped3A : memref<!tpu.dma_semaphore, #tpu.memory_space<semaphore_mem>>)
      %dma_wait3A_39 = tpu.memref_slice %arg6[%mul3A_34] : memref<491520xf32, #tpu.memory_space<hbm>> -> memref<15360xf32, #tpu.memory_space<hbm>>
      %dma_wait3A_40 = tpu.memref_slice %arg6[%mul3A_34] : memref<491520xf32, #tpu.memory_space<hbm>> -> memref<15360xf32, #tpu.memory_space<hbm>>
      tpu.wait_dma2 semaphore(%run_scoped3A : memref<!tpu.dma_semaphore, #tpu.memory_space<semaphore_mem>>) src(%arg9 : memref<15360xf32, #tpu.memory_space<vmem>>) dst(%dma_wait3A_40 : memref<15360xf32, #tpu.memory_space<hbm>>)
      tpu.yield
    }) : () -> ()
    %mul3A_35 = arith.constant 1024 : i32
    %mul3A_36 = arith.muli %add3A, %mul3A_35 : i32
    "tpu.region"() ({
      %run_scoped3A = tpu.sem_alloc : memref<!tpu.dma_semaphore, #tpu.memory_space<semaphore_mem>>
      %dma_start3A_37 = tpu.memref_slice %arg7[%mul3A_36] : memref<32768xf32, #tpu.memory_space<hbm>> -> memref<1024xf32, #tpu.memory_space<hbm>>
      %dma_start3A_38 = tpu.memref_slice %arg7[%mul3A_36] : memref<32768xf32, #tpu.memory_space<hbm>> -> memref<1024xf32, #tpu.memory_space<hbm>>
      tpu.enqueue_dma source(%arg11 : memref<1024xf32, #tpu.memory_space<vmem>>) target(%dma_start3A_38 : memref<1024xf32, #tpu.memory_space<hbm>>) target_semaphore(%run_scoped3A : memref<!tpu.dma_semaphore, #tpu.memory_space<semaphore_mem>>)
      %dma_wait3A_39 = tpu.memref_slice %arg7[%mul3A_36] : memref<32768xf32, #tpu.memory_space<hbm>> -> memref<1024xf32, #tpu.memory_space<hbm>>
      %dma_wait3A_40 = tpu.memref_slice %arg7[%mul3A_36] : memref<32768xf32, #tpu.memory_space<hbm>> -> memref<1024xf32, #tpu.memory_space<hbm>>
      tpu.wait_dma2 semaphore(%run_scoped3A : memref<!tpu.dma_semaphore, #tpu.memory_space<semaphore_mem>>) src(%arg11 : memref<1024xf32, #tpu.memory_space<vmem>>) dst(%dma_wait3A_40 : memref<1024xf32, #tpu.memory_space<hbm>>)
      tpu.yield
    }) : () -> ()
    return
  }
}

module attributes {stable_mosaic.version = 14 : i64} {
  func.func @_proj_body(%arg0: i32, %arg1: memref<256x1024xf32, #tpu.memory_space<vmem>>, %arg2: memref<1024x1024xf32, #tpu.memory_space<vmem>>, %arg3: memref<1024x1024xf32, #tpu.memory_space<vmem>>, %arg4: memref<256x512xf32, #tpu.memory_space<vmem>>, %arg5: memref<256x512xf32, #tpu.memory_space<vmem>>, %arg6: memref<256x1024xf32, #tpu.memory_space<vmem>>, %arg7: memref<256x1024xf32, #tpu.memory_space<vmem>>, %arg8: memref<256x1024xf32, #tpu.memory_space<vmem>>, %arg9: memref<256x1xf32, #tpu.memory_space<vmem>>, %arg10: memref<256x1xf32, #tpu.memory_space<vmem>>) attributes {dimension_semantics = [#tpu.dimension_semantics<arbitrary>], iteration_bounds = array<i64: 8>, scalar_prefetch = 0 : i64, scratch_operands = 0 : i64, tpu.core_type = #tpu.core_type<tc>, window_params = [{transform_indices = @transform_0, window_bounds = array<i64: 256, 1024>}, {pipeline_mode = #tpu.pipeline_mode<synchronous>, transform_indices = @transform_1, window_bounds = array<i64: 1024, 1024>}, {pipeline_mode = #tpu.pipeline_mode<synchronous>, transform_indices = @transform_2, window_bounds = array<i64: 1024, 1024>}, {transform_indices = @transform_3, window_bounds = array<i64: 256, 512>}, {transform_indices = @transform_4, window_bounds = array<i64: 256, 512>}, {transform_indices = @transform_5, window_bounds = array<i64: 256, 1024>}, {transform_indices = @transform_6, window_bounds = array<i64: 256, 1024>}, {transform_indices = @transform_7, window_bounds = array<i64: 256, 1024>}, {transform_indices = @transform_8, window_bounds = array<i64: 256, 1>}, {transform_indices = @transform_9, window_bounds = array<i64: 256, 1>}]} {
    %get3A = arith.constant 0 : index
    %get3A_0 = arith.constant 0 : index
    %get3A_1 = vector.load %arg1[%get3A, %get3A_0] : memref<256x1024xf32, #tpu.memory_space<vmem>>, vector<256x1024xf32>
    %get3A_2 = arith.constant 0 : index
    %get3A_3 = arith.constant 0 : index
    %get3A_4 = vector.load %arg2[%get3A_2, %get3A_3] : memref<1024x1024xf32, #tpu.memory_space<vmem>>, vector<1024x1024xf32>
    %convert_element_type3A = arith.truncf %get3A_1 : vector<256x1024xf32> to vector<256x1024xbf16>
    %convert_element_type3A_5 = arith.truncf %get3A_4 : vector<1024x1024xf32> to vector<1024x1024xbf16>
    %dot_general3A = arith.constant dense<0.000000e+00> : vector<256x1024xf32>
    %dot_general3A_6 = tpu.matmul %convert_element_type3A, %convert_element_type3A_5, %dot_general3A {dimension_numbers = #tpu.dot_dimension_numbers<[1], [1], [0], [0], [0, 0, 1, 0], [], []>, transpose_lhs_hint = false} : vector<256x1024xbf16>, vector<1024x1024xbf16>, vector<256x1024xf32> -> vector<256x1024xf32>
    %get3A_7 = arith.constant 0 : index
    %get3A_8 = arith.constant 0 : index
    %get3A_9 = vector.load %arg3[%get3A_7, %get3A_8] : memref<1024x1024xf32, #tpu.memory_space<vmem>>, vector<1024x1024xf32>
    %convert_element_type3A_10 = arith.truncf %get3A_1 : vector<256x1024xf32> to vector<256x1024xbf16>
    %convert_element_type3A_11 = arith.truncf %get3A_9 : vector<1024x1024xf32> to vector<1024x1024xbf16>
    %dot_general3A_12 = arith.constant dense<0.000000e+00> : vector<256x1024xf32>
    %dot_general3A_13 = tpu.matmul %convert_element_type3A_10, %convert_element_type3A_11, %dot_general3A_12 {dimension_numbers = #tpu.dot_dimension_numbers<[1], [1], [0], [0], [0, 0, 1, 0], [], []>, transpose_lhs_hint = false} : vector<256x1024xbf16>, vector<1024x1024xbf16>, vector<256x1024xf32> -> vector<256x1024xf32>
    %get3A_14 = arith.constant 0 : index
    %get3A_15 = arith.constant 0 : index
    %get3A_16 = vector.load %arg4[%get3A_14, %get3A_15] : memref<256x512xf32, #tpu.memory_space<vmem>>, vector<256x512xf32>
    %get3A_17 = arith.constant 0 : index
    %get3A_18 = arith.constant 0 : index
    %get3A_19 = vector.load %arg5[%get3A_17, %get3A_18] : memref<256x512xf32, #tpu.memory_space<vmem>>, vector<256x512xf32>
    %slice3A = vector.extract_strided_slice %dot_general3A_6 {offsets = [0, 0], sizes = [256, 512], strides = [1, 1]} : vector<256x1024xf32> to vector<256x512xf32>
    %slice3A_20 = vector.extract_strided_slice %dot_general3A_6 {offsets = [0, 512], sizes = [256, 512], strides = [1, 1]} : vector<256x1024xf32> to vector<256x512xf32>
    %mul3A = arith.mulf %slice3A, %get3A_16 : vector<256x512xf32>
    %mul3A_21 = arith.mulf %slice3A_20, %get3A_19 : vector<256x512xf32>
    %sub3A = arith.subf %mul3A, %mul3A_21 : vector<256x512xf32>
    %mul3A_22 = arith.mulf %slice3A, %get3A_19 : vector<256x512xf32>
    %mul3A_23 = arith.mulf %slice3A_20, %get3A_16 : vector<256x512xf32>
    %add3A = arith.addf %mul3A_22, %mul3A_23 : vector<256x512xf32>
    %slice3A_24 = vector.extract_strided_slice %dot_general3A_13 {offsets = [0, 0], sizes = [256, 512], strides = [1, 1]} : vector<256x1024xf32> to vector<256x512xf32>
    %slice3A_25 = vector.extract_strided_slice %dot_general3A_13 {offsets = [0, 512], sizes = [256, 512], strides = [1, 1]} : vector<256x1024xf32> to vector<256x512xf32>
    %mul3A_26 = arith.mulf %slice3A_24, %get3A_16 : vector<256x512xf32>
    %mul3A_27 = arith.mulf %slice3A_25, %get3A_19 : vector<256x512xf32>
    %sub3A_28 = arith.subf %mul3A_26, %mul3A_27 : vector<256x512xf32>
    %mul3A_29 = arith.mulf %slice3A_24, %get3A_19 : vector<256x512xf32>
    %mul3A_30 = arith.mulf %slice3A_25, %get3A_16 : vector<256x512xf32>
    %add3A_31 = arith.addf %mul3A_29, %mul3A_30 : vector<256x512xf32>
    %swap3A = arith.constant 0 : index
    %swap3A_32 = arith.constant 0 : index
    %swap3A_33 = vector.load %arg6[%swap3A, %swap3A_32] : memref<256x1024xf32, #tpu.memory_space<vmem>>, vector<256x512xf32>
    tpu.vector_store %arg6[%swap3A, %swap3A_32], %sub3A {strides = array<i32>} : memref<256x1024xf32, #tpu.memory_space<vmem>>, vector<256x512xf32>,
    %swap3A_34 = arith.constant 0 : index
    %swap3A_35 = arith.constant 512 : index
    %swap3A_36 = vector.load %arg6[%swap3A_34, %swap3A_35] : memref<256x1024xf32, #tpu.memory_space<vmem>>, vector<256x512xf32>
    tpu.vector_store %arg6[%swap3A_34, %swap3A_35], %add3A {strides = array<i32>} : memref<256x1024xf32, #tpu.memory_space<vmem>>, vector<256x512xf32>,
    %swap3A_37 = arith.constant 0 : index
    %swap3A_38 = arith.constant 0 : index
    %swap3A_39 = vector.load %arg7[%swap3A_37, %swap3A_38] : memref<256x1024xf32, #tpu.memory_space<vmem>>, vector<256x512xf32>
    tpu.vector_store %arg7[%swap3A_37, %swap3A_38], %sub3A_28 {strides = array<i32>} : memref<256x1024xf32, #tpu.memory_space<vmem>>, vector<256x512xf32>,
    %swap3A_40 = arith.constant 0 : index
    %swap3A_41 = arith.constant 512 : index
    %swap3A_42 = vector.load %arg7[%swap3A_40, %swap3A_41] : memref<256x1024xf32, #tpu.memory_space<vmem>>, vector<256x512xf32>
    tpu.vector_store %arg7[%swap3A_40, %swap3A_41], %add3A_31 {strides = array<i32>} : memref<256x1024xf32, #tpu.memory_space<vmem>>, vector<256x512xf32>,
    %mul3A_43 = arith.mulf %sub3A, %sub3A : vector<256x512xf32>
    %mul3A_44 = arith.mulf %add3A, %add3A : vector<256x512xf32>
    %add3A_45 = arith.addf %mul3A_43, %mul3A_44 : vector<256x512xf32>
    %reduce_sum3A = arith.constant dense<0.000000e+00> : vector<256xf32>
    %reduce_sum3A_46 = vector.multi_reduction <add>, %add3A_45, %reduce_sum3A [1] : vector<256x512xf32> to vector<256xf32>
    %broadcast_in_dim3A = vector.shape_cast %reduce_sum3A_46 : vector<256xf32> to vector<256x1xf32>
    %sqrt3A = math.sqrt %broadcast_in_dim3A : vector<256x1xf32>
    %max3A = arith.constant 9.99999996E-13 : f32
    %max3A_47 = vector.broadcast %max3A : f32 to vector<256x1xf32>
    %max3A_48 = arith.maximumf %sqrt3A, %max3A_47 : vector<256x1xf32>
    %mul3A_49 = arith.mulf %sub3A_28, %sub3A_28 : vector<256x512xf32>
    %mul3A_50 = arith.mulf %add3A_31, %add3A_31 : vector<256x512xf32>
    %add3A_51 = arith.addf %mul3A_49, %mul3A_50 : vector<256x512xf32>
    %reduce_sum3A_52 = arith.constant dense<0.000000e+00> : vector<256xf32>
    %reduce_sum3A_53 = vector.multi_reduction <add>, %add3A_51, %reduce_sum3A_52 [1] : vector<256x512xf32> to vector<256xf32>
    %broadcast_in_dim3A_54 = vector.shape_cast %reduce_sum3A_53 : vector<256xf32> to vector<256x1xf32>
    %sqrt3A_55 = math.sqrt %broadcast_in_dim3A_54 : vector<256x1xf32>
    %max3A_56 = arith.constant 9.99999996E-13 : f32
    %max3A_57 = vector.broadcast %max3A_56 : f32 to vector<256x1xf32>
    %max3A_58 = arith.maximumf %sqrt3A_55, %max3A_57 : vector<256x1xf32>
    %swap3A_59 = arith.constant 0 : index
    %swap3A_60 = arith.constant 0 : index
    %swap3A_61 = vector.load %arg9[%swap3A_59, %swap3A_60] : memref<256x1xf32, #tpu.memory_space<vmem>>, vector<256x1xf32>
    tpu.vector_store %arg9[%swap3A_59, %swap3A_60], %max3A_48 {strides = array<i32>} : memref<256x1xf32, #tpu.memory_space<vmem>>, vector<256x1xf32>,
    %swap3A_62 = arith.constant 0 : index
    %swap3A_63 = arith.constant 0 : index
    %swap3A_64 = vector.load %arg10[%swap3A_62, %swap3A_63] : memref<256x1xf32, #tpu.memory_space<vmem>>, vector<256x1xf32>
    tpu.vector_store %arg10[%swap3A_62, %swap3A_63], %max3A_58 {strides = array<i32>} : memref<256x1xf32, #tpu.memory_space<vmem>>, vector<256x1xf32>,
    %div3A = arith.constant 1.000000e+00 : f32
    %div3A_65 = vector.broadcast %div3A : f32 to vector<256x1xf32>
    %div3A_66 = arith.divf %div3A_65, %max3A_58 : vector<256x1xf32>
    %mul3A_67 = vector.broadcast %div3A_66 : vector<256x1xf32> to vector<256x512xf32>
    %mul3A_68 = arith.mulf %sub3A_28, %mul3A_67 : vector<256x512xf32>
    %swap3A_69 = arith.constant 0 : index
    %swap3A_70 = arith.constant 0 : index
    %swap3A_71 = vector.load %arg8[%swap3A_69, %swap3A_70] : memref<256x1024xf32, #tpu.memory_space<vmem>>, vector<256x512xf32>
    tpu.vector_store %arg8[%swap3A_69, %swap3A_70], %mul3A_68 {strides = array<i32>} : memref<256x1024xf32, #tpu.memory_space<vmem>>, vector<256x512xf32>,
    %mul3A_72 = vector.broadcast %div3A_66 : vector<256x1xf32> to vector<256x512xf32>
    %mul3A_73 = arith.mulf %add3A_31, %mul3A_72 : vector<256x512xf32>
    %swap3A_74 = arith.constant 0 : index
    %swap3A_75 = arith.constant 512 : index
    %swap3A_76 = vector.load %arg8[%swap3A_74, %swap3A_75] : memref<256x1024xf32, #tpu.memory_space<vmem>>, vector<256x512xf32>
    tpu.vector_store %arg8[%swap3A_74, %swap3A_75], %mul3A_73 {strides = array<i32>} : memref<256x1024xf32, #tpu.memory_space<vmem>>, vector<256x512xf32>,
    return
  }
  func.func @transform_0(%arg0: i32) -> (i32, i32) {
    %c0_i32 = arith.constant 0 : i32
    %c0_i32_0 = arith.constant 0 : i32
    return %arg0, %c0_i32 : i32, i32
  }
  func.func @transform_1(%arg0: i32) -> (i32, i32) {
    %c0_i32 = arith.constant 0 : i32
    %c0_i32_0 = arith.constant 0 : i32
    %c0_i32_1 = arith.constant 0 : i32
    return %c0_i32, %c0_i32_0 : i32, i32
  }
  func.func @transform_2(%arg0: i32) -> (i32, i32) {
    %c0_i32 = arith.constant 0 : i32
    %c0_i32_0 = arith.constant 0 : i32
    %c0_i32_1 = arith.constant 0 : i32
    return %c0_i32, %c0_i32_0 : i32, i32
  }
  func.func @transform_3(%arg0: i32) -> (i32, i32) {
    %c0_i32 = arith.constant 0 : i32
    %c0_i32_0 = arith.constant 0 : i32
    return %arg0, %c0_i32 : i32, i32
  }
  func.func @transform_4(%arg0: i32) -> (i32, i32) {
    %c0_i32 = arith.constant 0 : i32
    %c0_i32_0 = arith.constant 0 : i32
    return %arg0, %c0_i32 : i32, i32
  }
  func.func @transform_5(%arg0: i32) -> (i32, i32) {
    %c0_i32 = arith.constant 0 : i32
    %c0_i32_0 = arith.constant 0 : i32
    return %arg0, %c0_i32 : i32, i32
  }
  func.func @transform_6(%arg0: i32) -> (i32, i32) {
    %c0_i32 = arith.constant 0 : i32
    %c0_i32_0 = arith.constant 0 : i32
    return %arg0, %c0_i32 : i32, i32
  }
  func.func @transform_7(%arg0: i32) -> (i32, i32) {
    %c0_i32 = arith.constant 0 : i32
    %c0_i32_0 = arith.constant 0 : i32
    return %arg0, %c0_i32 : i32, i32
  }
  func.func @transform_8(%arg0: i32) -> (i32, i32) {
    %c0_i32 = arith.constant 0 : i32
    %c0_i32_0 = arith.constant 0 : i32
    return %arg0, %c0_i32 : i32, i32
  }
  func.func @transform_9(%arg0: i32) -> (i32, i32) {
    %c0_i32 = arith.constant 0 : i32
    %c0_i32_0 = arith.constant 0 : i32
    return %arg0, %c0_i32 : i32, i32
  }
}

module attributes {stable_mosaic.version = 14 : i64} {
  func.func @_sg_body(%arg0: i32, %arg1: i32, %arg2: memref<256x1024xf32, #tpu.memory_space<vmem>>, %arg3: memref<256x1024xf32, #tpu.memory_space<vmem>>, %arg4: memref<256x1024xf32, #tpu.memory_space<vmem>>, %arg5: memref<256x1024xf32, #tpu.memory_space<vmem>>, %arg6: memref<256x256xf32, #tpu.memory_space<vmem>>, %arg7: memref<256x256xf32, #tpu.memory_space<vmem>>) attributes {dimension_semantics = [#tpu.dimension_semantics<arbitrary>, #tpu.dimension_semantics<arbitrary>], iteration_bounds = array<i64: 8, 8>, scalar_prefetch = 0 : i64, scratch_operands = 0 : i64, tpu.core_type = #tpu.core_type<tc>, window_params = [{transform_indices = @transform_0, window_bounds = array<i64: 256, 1024>}, {transform_indices = @transform_1, window_bounds = array<i64: 256, 1024>}, {transform_indices = @transform_2, window_bounds = array<i64: 256, 1024>}, {transform_indices = @transform_3, window_bounds = array<i64: 256, 1024>}, {transform_indices = @transform_4, window_bounds = array<i64: 256, 256>}, {transform_indices = @transform_5, window_bounds = array<i64: 256, 256>}]} {
    %get3A = arith.constant 0 : index
    %get3A_0 = arith.constant 0 : index
    %get3A_1 = vector.load %arg2[%get3A, %get3A_0] : memref<256x1024xf32, #tpu.memory_space<vmem>>, vector<256x1024xf32>
    %get3A_2 = arith.constant 0 : index
    %get3A_3 = arith.constant 0 : index
    %get3A_4 = vector.load %arg3[%get3A_2, %get3A_3] : memref<256x1024xf32, #tpu.memory_space<vmem>>, vector<256x1024xf32>
    %convert_element_type3A = arith.truncf %get3A_1 : vector<256x1024xf32> to vector<256x1024xbf16>
    %convert_element_type3A_5 = arith.truncf %get3A_4 : vector<256x1024xf32> to vector<256x1024xbf16>
    %dot_general3A = arith.constant dense<0.000000e+00> : vector<256x256xf32>
    %dot_general3A_6 = tpu.matmul %convert_element_type3A, %convert_element_type3A_5, %dot_general3A {dimension_numbers = #tpu.dot_dimension_numbers<[1], [1], [0], [0], [0, 0, 1, 0], [], []>, transpose_lhs_hint = false} : vector<256x1024xbf16>, vector<256x1024xbf16>, vector<256x256xf32> -> vector<256x256xf32>
    %mul3A = arith.constant 3.125000e-02 : f32
    %mul3A_7 = vector.broadcast %mul3A : f32 to vector<256x256xf32>
    %mul3A_8 = arith.mulf %dot_general3A_6, %mul3A_7 : vector<256x256xf32>
    %iota3A = tpu.iota {dimensions = array<i32: 0>} : vector<256x256xi32>
    %mul3A_9 = arith.constant 256 : i32
    %mul3A_10 = arith.muli %arg0, %mul3A_9 : i32
    %add3A = vector.broadcast %mul3A_10 : i32 to vector<256x256xi32>
    %add3A_11 = arith.addi %iota3A, %add3A : vector<256x256xi32>
    %iota3A_12 = tpu.iota {dimensions = array<i32: 1>} : vector<256x256xi32>
    %mul3A_13 = arith.constant 256 : i32
    %mul3A_14 = arith.muli %arg1, %mul3A_13 : i32
    %add3A_15 = vector.broadcast %mul3A_14 : i32 to vector<256x256xi32>
    %add3A_16 = arith.addi %iota3A_12, %add3A_15 : vector<256x256xi32>
    %ge3A = arith.cmpi sge, %add3A_11, %add3A_16 : vector<256x256xi32>
    %jit3A = arith.constant -1.000000e+30 : f32
    %broadcast_in_dim3A = vector.broadcast %jit3A : f32 to vector<256x256xf32>
    %select_n3A = arith.select %ge3A, %mul3A_8, %broadcast_in_dim3A : vector<256x256xi1>, vector<256x256xf32>
    %swap3A = arith.constant 0 : index
    %swap3A_17 = arith.constant 0 : index
    %swap3A_18 = vector.load %arg6[%swap3A, %swap3A_17] : memref<256x256xf32, #tpu.memory_space<vmem>>, vector<256x256xf32>
    tpu.vector_store %arg6[%swap3A, %swap3A_17], %select_n3A {strides = array<i32>} : memref<256x256xf32, #tpu.memory_space<vmem>>, vector<256x256xf32>,
    %get3A_19 = arith.constant 0 : index
    %get3A_20 = arith.constant 0 : index
    %get3A_21 = vector.load %arg4[%get3A_19, %get3A_20] : memref<256x1024xf32, #tpu.memory_space<vmem>>, vector<256x1024xf32>
    %get3A_22 = arith.constant 0 : index
    %get3A_23 = arith.constant 0 : index
    %get3A_24 = vector.load %arg5[%get3A_22, %get3A_23] : memref<256x1024xf32, #tpu.memory_space<vmem>>, vector<256x1024xf32>
    %convert_element_type3A_25 = arith.truncf %get3A_21 : vector<256x1024xf32> to vector<256x1024xbf16>
    %convert_element_type3A_26 = arith.truncf %get3A_24 : vector<256x1024xf32> to vector<256x1024xbf16>
    %dot_general3A_27 = arith.constant dense<0.000000e+00> : vector<256x256xf32>
    %dot_general3A_28 = tpu.matmul %convert_element_type3A_25, %convert_element_type3A_26, %dot_general3A_27 {dimension_numbers = #tpu.dot_dimension_numbers<[1], [1], [0], [0], [0, 0, 1, 0], [], []>, transpose_lhs_hint = false} : vector<256x1024xbf16>, vector<256x1024xbf16>, vector<256x256xf32> -> vector<256x256xf32>
    %swap3A_29 = arith.constant 0 : index
    %swap3A_30 = arith.constant 0 : index
    %swap3A_31 = vector.load %arg7[%swap3A_29, %swap3A_30] : memref<256x256xf32, #tpu.memory_space<vmem>>, vector<256x256xf32>
    tpu.vector_store %arg7[%swap3A_29, %swap3A_30], %dot_general3A_28 {strides = array<i32>} : memref<256x256xf32, #tpu.memory_space<vmem>>, vector<256x256xf32>,
    return
  }
  func.func @transform_0(%arg0: i32, %arg1: i32) -> (i32, i32) {
    %c0_i32 = arith.constant 0 : i32
    %c0_i32_0 = arith.constant 0 : i32
    return %arg0, %c0_i32 : i32, i32
  }
  func.func @transform_1(%arg0: i32, %arg1: i32) -> (i32, i32) {
    %c0_i32 = arith.constant 0 : i32
    %c0_i32_0 = arith.constant 0 : i32
    return %arg1, %c0_i32 : i32, i32
  }
  func.func @transform_2(%arg0: i32, %arg1: i32) -> (i32, i32) {
    %c0_i32 = arith.constant 0 : i32
    %c0_i32_0 = arith.constant 0 : i32
    return %arg0, %c0_i32 : i32, i32
  }
  func.func @transform_3(%arg0: i32, %arg1: i32) -> (i32, i32) {
    %c0_i32 = arith.constant 0 : i32
    %c0_i32_0 = arith.constant 0 : i32
    return %arg1, %c0_i32 : i32, i32
  }
  func.func @transform_4(%arg0: i32, %arg1: i32) -> (i32, i32) {
    %c0_i32 = arith.constant 0 : i32
    return %arg0, %arg1 : i32, i32
  }
  func.func @transform_5(%arg0: i32, %arg1: i32) -> (i32, i32) {
    %c0_i32 = arith.constant 0 : i32
    return %arg0, %arg1 : i32, i32
  }
}

module attributes {stable_mosaic.version = 14 : i64} {
  func.func @_topk_body(%arg0: i32, %arg1: memref<256x2048xf32, #tpu.memory_space<vmem>>, %arg2: memref<256x16xf32, #tpu.memory_space<vmem>>, %arg3: memref<256x16xi32, #tpu.memory_space<vmem>>, %arg4: memref<256x240xi32, #tpu.memory_space<vmem>>) attributes {dimension_semantics = [#tpu.dimension_semantics<arbitrary>], iteration_bounds = array<i64: 4>, scalar_prefetch = 0 : i64, scratch_operands = 0 : i64, tpu.core_type = #tpu.core_type<tc>, window_params = [{transform_indices = @transform_0, window_bounds = array<i64: 256, 2048>}, {transform_indices = @transform_1, window_bounds = array<i64: 256, 16>}, {transform_indices = @transform_2, window_bounds = array<i64: 256, 16>}, {transform_indices = @transform_3, window_bounds = array<i64: 256, 240>}]} {
    %get3A = arith.constant 0 : index
    %get3A_0 = arith.constant 0 : index
    %get3A_1 = vector.load %arg1[%get3A, %get3A_0] : memref<256x2048xf32, #tpu.memory_space<vmem>>, vector<256x2048xf32>
    %iota3A = tpu.iota {dimensions = array<i32: 1>} : vector<256x2048xi32>
    %reduce_max3A = arith.constant dense<0xFF800000> : vector<256xf32>
    %reduce_max3A_2 = vector.multi_reduction <maximumf>, %get3A_1, %reduce_max3A [1] : vector<256x2048xf32> to vector<256xf32>
    %broadcast_in_dim3A = vector.shape_cast %reduce_max3A_2 : vector<256xf32> to vector<256x1xf32>
    %ge3A = vector.broadcast %broadcast_in_dim3A : vector<256x1xf32> to vector<256x2048xf32>
    %ge3A_3 = arith.cmpf oge, %get3A_1, %ge3A : vector<256x2048xf32>
    %jit3A = arith.constant 2048 : i32
    %broadcast_in_dim3A_4 = vector.broadcast %jit3A : i32 to vector<256x2048xi32>
    %select_n3A = arith.select %ge3A_3, %iota3A, %broadcast_in_dim3A_4 : vector<256x2048xi1>, vector<256x2048xi32>
    %reduce_min3A = arith.constant dense<2147483647> : vector<256xi32>
    %reduce_min3A_5 = vector.multi_reduction <minsi>, %select_n3A, %reduce_min3A [1] : vector<256x2048xi32> to vector<256xi32>
    %broadcast_in_dim3A_6 = vector.shape_cast %reduce_min3A_5 : vector<256xi32> to vector<256x1xi32>
    %eq3A = vector.broadcast %broadcast_in_dim3A_6 : vector<256x1xi32> to vector<256x2048xi32>
    %eq3A_7 = arith.cmpi eq, %iota3A, %eq3A : vector<256x2048xi32>
    %jit3A_8 = arith.constant -1.000000e+30 : f32
    %broadcast_in_dim3A_9 = vector.broadcast %jit3A_8 : f32 to vector<256x2048xf32>
    %select_n3A_10 = arith.select %eq3A_7, %broadcast_in_dim3A_9, %get3A_1 : vector<256x2048xi1>, vector<256x2048xf32>
    %reduce_max3A_11 = arith.constant dense<0xFF800000> : vector<256xf32>
    %reduce_max3A_12 = vector.multi_reduction <maximumf>, %select_n3A_10, %reduce_max3A_11 [1] : vector<256x2048xf32> to vector<256xf32>
    %broadcast_in_dim3A_13 = vector.shape_cast %reduce_max3A_12 : vector<256xf32> to vector<256x1xf32>
    %ge3A_14 = vector.broadcast %broadcast_in_dim3A_13 : vector<256x1xf32> to vector<256x2048xf32>
    %ge3A_15 = arith.cmpf oge, %select_n3A_10, %ge3A_14 : vector<256x2048xf32>
    %jit3A_16 = arith.constant 2048 : i32
    %broadcast_in_dim3A_17 = vector.broadcast %jit3A_16 : i32 to vector<256x2048xi32>
    %select_n3A_18 = arith.select %ge3A_15, %iota3A, %broadcast_in_dim3A_17 : vector<256x2048xi1>, vector<256x2048xi32>
    %reduce_min3A_19 = arith.constant dense<2147483647> : vector<256xi32>
    %reduce_min3A_20 = vector.multi_reduction <minsi>, %select_n3A_18, %reduce_min3A_19 [1] : vector<256x2048xi32> to vector<256xi32>
    %broadcast_in_dim3A_21 = vector.shape_cast %reduce_min3A_20 : vector<256xi32> to vector<256x1xi32>
    %eq3A_22 = vector.broadcast %broadcast_in_dim3A_21 : vector<256x1xi32> to vector<256x2048xi32>
    %eq3A_23 = arith.cmpi eq, %iota3A, %eq3A_22 : vector<256x2048xi32>
    %jit3A_24 = arith.constant -1.000000e+30 : f32
    %broadcast_in_dim3A_25 = vector.broadcast %jit3A_24 : f32 to vector<256x2048xf32>
    %select_n3A_26 = arith.select %eq3A_23, %broadcast_in_dim3A_25, %select_n3A_10 : vector<256x2048xi1>, vector<256x2048xf32>
    %reduce_max3A_27 = arith.constant dense<0xFF800000> : vector<256xf32>
    %reduce_max3A_28 = vector.multi_reduction <maximumf>, %select_n3A_26, %reduce_max3A_27 [1] : vector<256x2048xf32> to vector<256xf32>
    %broadcast_in_dim3A_29 = vector.shape_cast %reduce_max3A_28 : vector<256xf32> to vector<256x1xf32>
    %ge3A_30 = vector.broadcast %broadcast_in_dim3A_29 : vector<256x1xf32> to vector<256x2048xf32>
    %ge3A_31 = arith.cmpf oge, %select_n3A_26, %ge3A_30 : vector<256x2048xf32>
    %jit3A_32 = arith.constant 2048 : i32
    %broadcast_in_dim3A_33 = vector.broadcast %jit3A_32 : i32 to vector<256x2048xi32>
    %select_n3A_34 = arith.select %ge3A_31, %iota3A, %broadcast_in_dim3A_33 : vector<256x2048xi1>, vector<256x2048xi32>
    %reduce_min3A_35 = arith.constant dense<2147483647> : vector<256xi32>
    %reduce_min3A_36 = vector.multi_reduction <minsi>, %select_n3A_34, %reduce_min3A_35 [1] : vector<256x2048xi32> to vector<256xi32>
    %broadcast_in_dim3A_37 = vector.shape_cast %reduce_min3A_36 : vector<256xi32> to vector<256x1xi32>
    %eq3A_38 = vector.broadcast %broadcast_in_dim3A_37 : vector<256x1xi32> to vector<256x2048xi32>
    %eq3A_39 = arith.cmpi eq, %iota3A, %eq3A_38 : vector<256x2048xi32>
    %jit3A_40 = arith.constant -1.000000e+30 : f32
    %broadcast_in_dim3A_41 = vector.broadcast %jit3A_40 : f32 to vector<256x2048xf32>
    %select_n3A_42 = arith.select %eq3A_39, %broadcast_in_dim3A_41, %select_n3A_26 : vector<256x2048xi1>, vector<256x2048xf32>
    %reduce_max3A_43 = arith.constant dense<0xFF800000> : vector<256xf32>
    %reduce_max3A_44 = vector.multi_reduction <maximumf>, %select_n3A_42, %reduce_max3A_43 [1] : vector<256x2048xf32> to vector<256xf32>
    %broadcast_in_dim3A_45 = vector.shape_cast %reduce_max3A_44 : vector<256xf32> to vector<256x1xf32>
    %ge3A_46 = vector.broadcast %broadcast_in_dim3A_45 : vector<256x1xf32> to vector<256x2048xf32>
    %ge3A_47 = arith.cmpf oge, %select_n3A_42, %ge3A_46 : vector<256x2048xf32>
    %jit3A_48 = arith.constant 2048 : i32
    %broadcast_in_dim3A_49 = vector.broadcast %jit3A_48 : i32 to vector<256x2048xi32>
    %select_n3A_50 = arith.select %ge3A_47, %iota3A, %broadcast_in_dim3A_49 : vector<256x2048xi1>, vector<256x2048xi32>
    %reduce_min3A_51 = arith.constant dense<2147483647> : vector<256xi32>
    %reduce_min3A_52 = vector.multi_reduction <minsi>, %select_n3A_50, %reduce_min3A_51 [1] : vector<256x2048xi32> to vector<256xi32>
    %broadcast_in_dim3A_53 = vector.shape_cast %reduce_min3A_52 : vector<256xi32> to vector<256x1xi32>
    %eq3A_54 = vector.broadcast %broadcast_in_dim3A_53 : vector<256x1xi32> to vector<256x2048xi32>
    %eq3A_55 = arith.cmpi eq, %iota3A, %eq3A_54 : vector<256x2048xi32>
    %jit3A_56 = arith.constant -1.000000e+30 : f32
    %broadcast_in_dim3A_57 = vector.broadcast %jit3A_56 : f32 to vector<256x2048xf32>
    %select_n3A_58 = arith.select %eq3A_55, %broadcast_in_dim3A_57, %select_n3A_42 : vector<256x2048xi1>, vector<256x2048xf32>
    %reduce_max3A_59 = arith.constant dense<0xFF800000> : vector<256xf32>
    %reduce_max3A_60 = vector.multi_reduction <maximumf>, %select_n3A_58, %reduce_max3A_59 [1] : vector<256x2048xf32> to vector<256xf32>
    %broadcast_in_dim3A_61 = vector.shape_cast %reduce_max3A_60 : vector<256xf32> to vector<256x1xf32>
    %ge3A_62 = vector.broadcast %broadcast_in_dim3A_61 : vector<256x1xf32> to vector<256x2048xf32>
    %ge3A_63 = arith.cmpf oge, %select_n3A_58, %ge3A_62 : vector<256x2048xf32>
    %jit3A_64 = arith.constant 2048 : i32
    %broadcast_in_dim3A_65 = vector.broadcast %jit3A_64 : i32 to vector<256x2048xi32>
    %select_n3A_66 = arith.select %ge3A_63, %iota3A, %broadcast_in_dim3A_65 : vector<256x2048xi1>, vector<256x2048xi32>
    %reduce_min3A_67 = arith.constant dense<2147483647> : vector<256xi32>
    %reduce_min3A_68 = vector.multi_reduction <minsi>, %select_n3A_66, %reduce_min3A_67 [1] : vector<256x2048xi32> to vector<256xi32>
    %broadcast_in_dim3A_69 = vector.shape_cast %reduce_min3A_68 : vector<256xi32> to vector<256x1xi32>
    %eq3A_70 = vector.broadcast %broadcast_in_dim3A_69 : vector<256x1xi32> to vector<256x2048xi32>
    %eq3A_71 = arith.cmpi eq, %iota3A, %eq3A_70 : vector<256x2048xi32>
    %jit3A_72 = arith.constant -1.000000e+30 : f32
    %broadcast_in_dim3A_73 = vector.broadcast %jit3A_72 : f32 to vector<256x2048xf32>
    %select_n3A_74 = arith.select %eq3A_71, %broadcast_in_dim3A_73, %select_n3A_58 : vector<256x2048xi1>, vector<256x2048xf32>
    %reduce_max3A_75 = arith.constant dense<0xFF800000> : vector<256xf32>
    %reduce_max3A_76 = vector.multi_reduction <maximumf>, %select_n3A_74, %reduce_max3A_75 [1] : vector<256x2048xf32> to vector<256xf32>
    %broadcast_in_dim3A_77 = vector.shape_cast %reduce_max3A_76 : vector<256xf32> to vector<256x1xf32>
    %ge3A_78 = vector.broadcast %broadcast_in_dim3A_77 : vector<256x1xf32> to vector<256x2048xf32>
    %ge3A_79 = arith.cmpf oge, %select_n3A_74, %ge3A_78 : vector<256x2048xf32>
    %jit3A_80 = arith.constant 2048 : i32
    %broadcast_in_dim3A_81 = vector.broadcast %jit3A_80 : i32 to vector<256x2048xi32>
    %select_n3A_82 = arith.select %ge3A_79, %iota3A, %broadcast_in_dim3A_81 : vector<256x2048xi1>, vector<256x2048xi32>
    %reduce_min3A_83 = arith.constant dense<2147483647> : vector<256xi32>
    %reduce_min3A_84 = vector.multi_reduction <minsi>, %select_n3A_82, %reduce_min3A_83 [1] : vector<256x2048xi32> to vector<256xi32>
    %broadcast_in_dim3A_85 = vector.shape_cast %reduce_min3A_84 : vector<256xi32> to vector<256x1xi32>
    %eq3A_86 = vector.broadcast %broadcast_in_dim3A_85 : vector<256x1xi32> to vector<256x2048xi32>
    %eq3A_87 = arith.cmpi eq, %iota3A, %eq3A_86 : vector<256x2048xi32>
    %jit3A_88 = arith.constant -1.000000e+30 : f32
    %broadcast_in_dim3A_89 = vector.broadcast %jit3A_88 : f32 to vector<256x2048xf32>
    %select_n3A_90 = arith.select %eq3A_87, %broadcast_in_dim3A_89, %select_n3A_74 : vector<256x2048xi1>, vector<256x2048xf32>
    %reduce_max3A_91 = arith.constant dense<0xFF800000> : vector<256xf32>
    %reduce_max3A_92 = vector.multi_reduction <maximumf>, %select_n3A_90, %reduce_max3A_91 [1] : vector<256x2048xf32> to vector<256xf32>
    %broadcast_in_dim3A_93 = vector.shape_cast %reduce_max3A_92 : vector<256xf32> to vector<256x1xf32>
    %ge3A_94 = vector.broadcast %broadcast_in_dim3A_93 : vector<256x1xf32> to vector<256x2048xf32>
    %ge3A_95 = arith.cmpf oge, %select_n3A_90, %ge3A_94 : vector<256x2048xf32>
    %jit3A_96 = arith.constant 2048 : i32
    %broadcast_in_dim3A_97 = vector.broadcast %jit3A_96 : i32 to vector<256x2048xi32>
    %select_n3A_98 = arith.select %ge3A_95, %iota3A, %broadcast_in_dim3A_97 : vector<256x2048xi1>, vector<256x2048xi32>
    %reduce_min3A_99 = arith.constant dense<2147483647> : vector<256xi32>
    %reduce_min3A_100 = vector.multi_reduction <minsi>, %select_n3A_98, %reduce_min3A_99 [1] : vector<256x2048xi32> to vector<256xi32>
    %broadcast_in_dim3A_101 = vector.shape_cast %reduce_min3A_100 : vector<256xi32> to vector<256x1xi32>
    %eq3A_102 = vector.broadcast %broadcast_in_dim3A_101 : vector<256x1xi32> to vector<256x2048xi32>
    %eq3A_103 = arith.cmpi eq, %iota3A, %eq3A_102 : vector<256x2048xi32>
    %jit3A_104 = arith.constant -1.000000e+30 : f32
    %broadcast_in_dim3A_105 = vector.broadcast %jit3A_104 : f32 to vector<256x2048xf32>
    %select_n3A_106 = arith.select %eq3A_103, %broadcast_in_dim3A_105, %select_n3A_90 : vector<256x2048xi1>, vector<256x2048xf32>
    %reduce_max3A_107 = arith.constant dense<0xFF800000> : vector<256xf32>
    %reduce_max3A_108 = vector.multi_reduction <maximumf>, %select_n3A_106, %reduce_max3A_107 [1] : vector<256x2048xf32> to vector<256xf32>
    %broadcast_in_dim3A_109 = vector.shape_cast %reduce_max3A_108 : vector<256xf32> to vector<256x1xf32>
    %ge3A_110 = vector.broadcast %broadcast_in_dim3A_109 : vector<256x1xf32> to vector<256x2048xf32>
    %ge3A_111 = arith.cmpf oge, %select_n3A_106, %ge3A_110 : vector<256x2048xf32>
    %jit3A_112 = arith.constant 2048 : i32
    %broadcast_in_dim3A_113 = vector.broadcast %jit3A_112 : i32 to vector<256x2048xi32>
    %select_n3A_114 = arith.select %ge3A_111, %iota3A, %broadcast_in_dim3A_113 : vector<256x2048xi1>, vector<256x2048xi32>
    %reduce_min3A_115 = arith.constant dense<2147483647> : vector<256xi32>
    %reduce_min3A_116 = vector.multi_reduction <minsi>, %select_n3A_114, %reduce_min3A_115 [1] : vector<256x2048xi32> to vector<256xi32>
    %broadcast_in_dim3A_117 = vector.shape_cast %reduce_min3A_116 : vector<256xi32> to vector<256x1xi32>
    %eq3A_118 = vector.broadcast %broadcast_in_dim3A_117 : vector<256x1xi32> to vector<256x2048xi32>
    %eq3A_119 = arith.cmpi eq, %iota3A, %eq3A_118 : vector<256x2048xi32>
    %jit3A_120 = arith.constant -1.000000e+30 : f32
    %broadcast_in_dim3A_121 = vector.broadcast %jit3A_120 : f32 to vector<256x2048xf32>
    %select_n3A_122 = arith.select %eq3A_119, %broadcast_in_dim3A_121, %select_n3A_106 : vector<256x2048xi1>, vector<256x2048xf32>
    %reduce_max3A_123 = arith.constant dense<0xFF800000> : vector<256xf32>
    %reduce_max3A_124 = vector.multi_reduction <maximumf>, %select_n3A_122, %reduce_max3A_123 [1] : vector<256x2048xf32> to vector<256xf32>
    %broadcast_in_dim3A_125 = vector.shape_cast %reduce_max3A_124 : vector<256xf32> to vector<256x1xf32>
    %ge3A_126 = vector.broadcast %broadcast_in_dim3A_125 : vector<256x1xf32> to vector<256x2048xf32>
    %ge3A_127 = arith.cmpf oge, %select_n3A_122, %ge3A_126 : vector<256x2048xf32>
    %jit3A_128 = arith.constant 2048 : i32
    %broadcast_in_dim3A_129 = vector.broadcast %jit3A_128 : i32 to vector<256x2048xi32>
    %select_n3A_130 = arith.select %ge3A_127, %iota3A, %broadcast_in_dim3A_129 : vector<256x2048xi1>, vector<256x2048xi32>
    %reduce_min3A_131 = arith.constant dense<2147483647> : vector<256xi32>
    %reduce_min3A_132 = vector.multi_reduction <minsi>, %select_n3A_130, %reduce_min3A_131 [1] : vector<256x2048xi32> to vector<256xi32>
    %broadcast_in_dim3A_133 = vector.shape_cast %reduce_min3A_132 : vector<256xi32> to vector<256x1xi32>
    %eq3A_134 = vector.broadcast %broadcast_in_dim3A_133 : vector<256x1xi32> to vector<256x2048xi32>
    %eq3A_135 = arith.cmpi eq, %iota3A, %eq3A_134 : vector<256x2048xi32>
    %jit3A_136 = arith.constant -1.000000e+30 : f32
    %broadcast_in_dim3A_137 = vector.broadcast %jit3A_136 : f32 to vector<256x2048xf32>
    %select_n3A_138 = arith.select %eq3A_135, %broadcast_in_dim3A_137, %select_n3A_122 : vector<256x2048xi1>, vector<256x2048xf32>
    %reduce_max3A_139 = arith.constant dense<0xFF800000> : vector<256xf32>
    %reduce_max3A_140 = vector.multi_reduction <maximumf>, %select_n3A_138, %reduce_max3A_139 [1] : vector<256x2048xf32> to vector<256xf32>
    %broadcast_in_dim3A_141 = vector.shape_cast %reduce_max3A_140 : vector<256xf32> to vector<256x1xf32>
    %ge3A_142 = vector.broadcast %broadcast_in_dim3A_141 : vector<256x1xf32> to vector<256x2048xf32>
    %ge3A_143 = arith.cmpf oge, %select_n3A_138, %ge3A_142 : vector<256x2048xf32>
    %jit3A_144 = arith.constant 2048 : i32
    %broadcast_in_dim3A_145 = vector.broadcast %jit3A_144 : i32 to vector<256x2048xi32>
    %select_n3A_146 = arith.select %ge3A_143, %iota3A, %broadcast_in_dim3A_145 : vector<256x2048xi1>, vector<256x2048xi32>
    %reduce_min3A_147 = arith.constant dense<2147483647> : vector<256xi32>
    %reduce_min3A_148 = vector.multi_reduction <minsi>, %select_n3A_146, %reduce_min3A_147 [1] : vector<256x2048xi32> to vector<256xi32>
    %broadcast_in_dim3A_149 = vector.shape_cast %reduce_min3A_148 : vector<256xi32> to vector<256x1xi32>
    %eq3A_150 = vector.broadcast %broadcast_in_dim3A_149 : vector<256x1xi32> to vector<256x2048xi32>
    %eq3A_151 = arith.cmpi eq, %iota3A, %eq3A_150 : vector<256x2048xi32>
    %jit3A_152 = arith.constant -1.000000e+30 : f32
    %broadcast_in_dim3A_153 = vector.broadcast %jit3A_152 : f32 to vector<256x2048xf32>
    %select_n3A_154 = arith.select %eq3A_151, %broadcast_in_dim3A_153, %select_n3A_138 : vector<256x2048xi1>, vector<256x2048xf32>
    %reduce_max3A_155 = arith.constant dense<0xFF800000> : vector<256xf32>
    %reduce_max3A_156 = vector.multi_reduction <maximumf>, %select_n3A_154, %reduce_max3A_155 [1] : vector<256x2048xf32> to vector<256xf32>
    %broadcast_in_dim3A_157 = vector.shape_cast %reduce_max3A_156 : vector<256xf32> to vector<256x1xf32>
    %ge3A_158 = vector.broadcast %broadcast_in_dim3A_157 : vector<256x1xf32> to vector<256x2048xf32>
    %ge3A_159 = arith.cmpf oge, %select_n3A_154, %ge3A_158 : vector<256x2048xf32>
    %jit3A_160 = arith.constant 2048 : i32
    %broadcast_in_dim3A_161 = vector.broadcast %jit3A_160 : i32 to vector<256x2048xi32>
    %select_n3A_162 = arith.select %ge3A_159, %iota3A, %broadcast_in_dim3A_161 : vector<256x2048xi1>, vector<256x2048xi32>
    %reduce_min3A_163 = arith.constant dense<2147483647> : vector<256xi32>
    %reduce_min3A_164 = vector.multi_reduction <minsi>, %select_n3A_162, %reduce_min3A_163 [1] : vector<256x2048xi32> to vector<256xi32>
    %broadcast_in_dim3A_165 = vector.shape_cast %reduce_min3A_164 : vector<256xi32> to vector<256x1xi32>
    %eq3A_166 = vector.broadcast %broadcast_in_dim3A_165 : vector<256x1xi32> to vector<256x2048xi32>
    %eq3A_167 = arith.cmpi eq, %iota3A, %eq3A_166 : vector<256x2048xi32>
    %jit3A_168 = arith.constant -1.000000e+30 : f32
    %broadcast_in_dim3A_169 = vector.broadcast %jit3A_168 : f32 to vector<256x2048xf32>
    %select_n3A_170 = arith.select %eq3A_167, %broadcast_in_dim3A_169, %select_n3A_154 : vector<256x2048xi1>, vector<256x2048xf32>
    %reduce_max3A_171 = arith.constant dense<0xFF800000> : vector<256xf32>
    %reduce_max3A_172 = vector.multi_reduction <maximumf>, %select_n3A_170, %reduce_max3A_171 [1] : vector<256x2048xf32> to vector<256xf32>
    %broadcast_in_dim3A_173 = vector.shape_cast %reduce_max3A_172 : vector<256xf32> to vector<256x1xf32>
    %ge3A_174 = vector.broadcast %broadcast_in_dim3A_173 : vector<256x1xf32> to vector<256x2048xf32>
    %ge3A_175 = arith.cmpf oge, %select_n3A_170, %ge3A_174 : vector<256x2048xf32>
    %jit3A_176 = arith.constant 2048 : i32
    %broadcast_in_dim3A_177 = vector.broadcast %jit3A_176 : i32 to vector<256x2048xi32>
    %select_n3A_178 = arith.select %ge3A_175, %iota3A, %broadcast_in_dim3A_177 : vector<256x2048xi1>, vector<256x2048xi32>
    %reduce_min3A_179 = arith.constant dense<2147483647> : vector<256xi32>
    %reduce_min3A_180 = vector.multi_reduction <minsi>, %select_n3A_178, %reduce_min3A_179 [1] : vector<256x2048xi32> to vector<256xi32>
    %broadcast_in_dim3A_181 = vector.shape_cast %reduce_min3A_180 : vector<256xi32> to vector<256x1xi32>
    %eq3A_182 = vector.broadcast %broadcast_in_dim3A_181 : vector<256x1xi32> to vector<256x2048xi32>
    %eq3A_183 = arith.cmpi eq, %iota3A, %eq3A_182 : vector<256x2048xi32>
    %jit3A_184 = arith.constant -1.000000e+30 : f32
    %broadcast_in_dim3A_185 = vector.broadcast %jit3A_184 : f32 to vector<256x2048xf32>
    %select_n3A_186 = arith.select %eq3A_183, %broadcast_in_dim3A_185, %select_n3A_170 : vector<256x2048xi1>, vector<256x2048xf32>
    %reduce_max3A_187 = arith.constant dense<0xFF800000> : vector<256xf32>
    %reduce_max3A_188 = vector.multi_reduction <maximumf>, %select_n3A_186, %reduce_max3A_187 [1] : vector<256x2048xf32> to vector<256xf32>
    %broadcast_in_dim3A_189 = vector.shape_cast %reduce_max3A_188 : vector<256xf32> to vector<256x1xf32>
    %ge3A_190 = vector.broadcast %broadcast_in_dim3A_189 : vector<256x1xf32> to vector<256x2048xf32>
    %ge3A_191 = arith.cmpf oge, %select_n3A_186, %ge3A_190 : vector<256x2048xf32>
    %jit3A_192 = arith.constant 2048 : i32
    %broadcast_in_dim3A_193 = vector.broadcast %jit3A_192 : i32 to vector<256x2048xi32>
    %select_n3A_194 = arith.select %ge3A_191, %iota3A, %broadcast_in_dim3A_193 : vector<256x2048xi1>, vector<256x2048xi32>
    %reduce_min3A_195 = arith.constant dense<2147483647> : vector<256xi32>
    %reduce_min3A_196 = vector.multi_reduction <minsi>, %select_n3A_194, %reduce_min3A_195 [1] : vector<256x2048xi32> to vector<256xi32>
    %broadcast_in_dim3A_197 = vector.shape_cast %reduce_min3A_196 : vector<256xi32> to vector<256x1xi32>
    %eq3A_198 = vector.broadcast %broadcast_in_dim3A_197 : vector<256x1xi32> to vector<256x2048xi32>
    %eq3A_199 = arith.cmpi eq, %iota3A, %eq3A_198 : vector<256x2048xi32>
    %jit3A_200 = arith.constant -1.000000e+30 : f32
    %broadcast_in_dim3A_201 = vector.broadcast %jit3A_200 : f32 to vector<256x2048xf32>
    %select_n3A_202 = arith.select %eq3A_199, %broadcast_in_dim3A_201, %select_n3A_186 : vector<256x2048xi1>, vector<256x2048xf32>
    %reduce_max3A_203 = arith.constant dense<0xFF800000> : vector<256xf32>
    %reduce_max3A_204 = vector.multi_reduction <maximumf>, %select_n3A_202, %reduce_max3A_203 [1] : vector<256x2048xf32> to vector<256xf32>
    %broadcast_in_dim3A_205 = vector.shape_cast %reduce_max3A_204 : vector<256xf32> to vector<256x1xf32>
    %ge3A_206 = vector.broadcast %broadcast_in_dim3A_205 : vector<256x1xf32> to vector<256x2048xf32>
    %ge3A_207 = arith.cmpf oge, %select_n3A_202, %ge3A_206 : vector<256x2048xf32>
    %jit3A_208 = arith.constant 2048 : i32
    %broadcast_in_dim3A_209 = vector.broadcast %jit3A_208 : i32 to vector<256x2048xi32>
    %select_n3A_210 = arith.select %ge3A_207, %iota3A, %broadcast_in_dim3A_209 : vector<256x2048xi1>, vector<256x2048xi32>
    %reduce_min3A_211 = arith.constant dense<2147483647> : vector<256xi32>
    %reduce_min3A_212 = vector.multi_reduction <minsi>, %select_n3A_210, %reduce_min3A_211 [1] : vector<256x2048xi32> to vector<256xi32>
    %broadcast_in_dim3A_213 = vector.shape_cast %reduce_min3A_212 : vector<256xi32> to vector<256x1xi32>
    %eq3A_214 = vector.broadcast %broadcast_in_dim3A_213 : vector<256x1xi32> to vector<256x2048xi32>
    %eq3A_215 = arith.cmpi eq, %iota3A, %eq3A_214 : vector<256x2048xi32>
    %jit3A_216 = arith.constant -1.000000e+30 : f32
    %broadcast_in_dim3A_217 = vector.broadcast %jit3A_216 : f32 to vector<256x2048xf32>
    %select_n3A_218 = arith.select %eq3A_215, %broadcast_in_dim3A_217, %select_n3A_202 : vector<256x2048xi1>, vector<256x2048xf32>
    %reduce_max3A_219 = arith.constant dense<0xFF800000> : vector<256xf32>
    %reduce_max3A_220 = vector.multi_reduction <maximumf>, %select_n3A_218, %reduce_max3A_219 [1] : vector<256x2048xf32> to vector<256xf32>
    %broadcast_in_dim3A_221 = vector.shape_cast %reduce_max3A_220 : vector<256xf32> to vector<256x1xf32>
    %ge3A_222 = vector.broadcast %broadcast_in_dim3A_221 : vector<256x1xf32> to vector<256x2048xf32>
    %ge3A_223 = arith.cmpf oge, %select_n3A_218, %ge3A_222 : vector<256x2048xf32>
    %jit3A_224 = arith.constant 2048 : i32
    %broadcast_in_dim3A_225 = vector.broadcast %jit3A_224 : i32 to vector<256x2048xi32>
    %select_n3A_226 = arith.select %ge3A_223, %iota3A, %broadcast_in_dim3A_225 : vector<256x2048xi1>, vector<256x2048xi32>
    %reduce_min3A_227 = arith.constant dense<2147483647> : vector<256xi32>
    %reduce_min3A_228 = vector.multi_reduction <minsi>, %select_n3A_226, %reduce_min3A_227 [1] : vector<256x2048xi32> to vector<256xi32>
    %broadcast_in_dim3A_229 = vector.shape_cast %reduce_min3A_228 : vector<256xi32> to vector<256x1xi32>
    %broadcast_in_dim3A_230 = arith.constant -1.000000e+30 : f32
    %broadcast_in_dim3A_231 = vector.broadcast %broadcast_in_dim3A_230 : f32 to vector<256x1xf32>
    %concatenate3A = tpu.concatenate %broadcast_in_dim3A, %broadcast_in_dim3A_13, %broadcast_in_dim3A_29, %broadcast_in_dim3A_45, %broadcast_in_dim3A_61, %broadcast_in_dim3A_77, %broadcast_in_dim3A_93, %broadcast_in_dim3A_109, %broadcast_in_dim3A_125, %broadcast_in_dim3A_141, %broadcast_in_dim3A_157, %broadcast_in_dim3A_173, %broadcast_in_dim3A_189, %broadcast_in_dim3A_205, %broadcast_in_dim3A_221, %broadcast_in_dim3A_231 in 1 : vector<256x1xf32>, vector<256x1xf32>, vector<256x1xf32>, vector<256x1xf32>, vector<256x1xf32>, vector<256x1xf32>, vector<256x1xf32>, vector<256x1xf32>, vector<256x1xf32>, vector<256x1xf32>, vector<256x1xf32>, vector<256x1xf32>, vector<256x1xf32>, vector<256x1xf32>, vector<256x1xf32>, vector<256x1xf32> -> vector<256x16xf32>
    %broadcast_in_dim3A_232 = arith.constant 0 : i32
    %broadcast_in_dim3A_233 = vector.broadcast %broadcast_in_dim3A_232 : i32 to vector<256x1xi32>
    %concatenate3A_234 = tpu.concatenate %broadcast_in_dim3A_6, %broadcast_in_dim3A_21, %broadcast_in_dim3A_37, %broadcast_in_dim3A_53, %broadcast_in_dim3A_69, %broadcast_in_dim3A_85, %broadcast_in_dim3A_101, %broadcast_in_dim3A_117, %broadcast_in_dim3A_133, %broadcast_in_dim3A_149, %broadcast_in_dim3A_165, %broadcast_in_dim3A_181, %broadcast_in_dim3A_197, %broadcast_in_dim3A_213, %broadcast_in_dim3A_229, %broadcast_in_dim3A_233 in 1 : vector<256x1xi32>, vector<256x1xi32>, vector<256x1xi32>, vector<256x1xi32>, vector<256x1xi32>, vector<256x1xi32>, vector<256x1xi32>, vector<256x1xi32>, vector<256x1xi32>, vector<256x1xi32>, vector<256x1xi32>, vector<256x1xi32>, vector<256x1xi32>, vector<256x1xi32>, vector<256x1xi32>, vector<256x1xi32> -> vector<256x16xi32>
    %swap3A = arith.constant 0 : index
    %swap3A_235 = arith.constant 0 : index
    %swap3A_236 = vector.load %arg2[%swap3A, %swap3A_235] : memref<256x16xf32, #tpu.memory_space<vmem>>, vector<256x16xf32>
    tpu.vector_store %arg2[%swap3A, %swap3A_235], %concatenate3A {strides = array<i32>} : memref<256x16xf32, #tpu.memory_space<vmem>>, vector<256x16xf32>,
    %swap3A_237 = arith.constant 0 : index
    %swap3A_238 = arith.constant 0 : index
    %swap3A_239 = vector.load %arg3[%swap3A_237, %swap3A_238] : memref<256x16xi32, #tpu.memory_space<vmem>>, vector<256x16xi32>
    tpu.vector_store %arg3[%swap3A_237, %swap3A_238], %concatenate3A_234 {strides = array<i32>} : memref<256x16xi32, #tpu.memory_space<vmem>>, vector<256x16xi32>,
    %mul3A = arith.constant 2048 : i32
    %mul3A_240 = vector.broadcast %mul3A : i32 to vector<256x1xi32>
    %mul3A_241 = arith.muli %broadcast_in_dim3A_6, %mul3A_240 : vector<256x1xi32>
    %add3A = vector.broadcast %mul3A_241 : vector<256x1xi32> to vector<256x16xi32>
    %add3A_242 = arith.addi %add3A, %concatenate3A_234 : vector<256x16xi32>
    %swap3A_243 = arith.constant 0 : index
    %swap3A_244 = arith.constant 0 : index
    %swap3A_245 = vector.load %arg4[%swap3A_243, %swap3A_244] : memref<256x240xi32, #tpu.memory_space<vmem>>, vector<256x16xi32>
    tpu.vector_store %arg4[%swap3A_243, %swap3A_244], %add3A_242 {strides = array<i32>} : memref<256x240xi32, #tpu.memory_space<vmem>>, vector<256x16xi32>,
    %mul3A_246 = arith.constant 2048 : i32
    %mul3A_247 = vector.broadcast %mul3A_246 : i32 to vector<256x1xi32>
    %mul3A_248 = arith.muli %broadcast_in_dim3A_21, %mul3A_247 : vector<256x1xi32>
    %add3A_249 = vector.broadcast %mul3A_248 : vector<256x1xi32> to vector<256x16xi32>
    %add3A_250 = arith.addi %add3A_249, %concatenate3A_234 : vector<256x16xi32>
    %swap3A_251 = arith.constant 0 : index
    %swap3A_252 = arith.constant 16 : index
    %swap3A_253 = vector.load %arg4[%swap3A_251, %swap3A_252] : memref<256x240xi32, #tpu.memory_space<vmem>>, vector<256x16xi32>
    tpu.vector_store %arg4[%swap3A_251, %swap3A_252], %add3A_250 {strides = array<i32>} : memref<256x240xi32, #tpu.memory_space<vmem>>, vector<256x16xi32>,
    %mul3A_254 = arith.constant 2048 : i32
    %mul3A_255 = vector.broadcast %mul3A_254 : i32 to vector<256x1xi32>
    %mul3A_256 = arith.muli %broadcast_in_dim3A_37, %mul3A_255 : vector<256x1xi32>
    %add3A_257 = vector.broadcast %mul3A_256 : vector<256x1xi32> to vector<256x16xi32>
    %add3A_258 = arith.addi %add3A_257, %concatenate3A_234 : vector<256x16xi32>
    %swap3A_259 = arith.constant 0 : index
    %swap3A_260 = arith.constant 32 : index
    %swap3A_261 = vector.load %arg4[%swap3A_259, %swap3A_260] : memref<256x240xi32, #tpu.memory_space<vmem>>, vector<256x16xi32>
    tpu.vector_store %arg4[%swap3A_259, %swap3A_260], %add3A_258 {strides = array<i32>} : memref<256x240xi32, #tpu.memory_space<vmem>>, vector<256x16xi32>,
    %mul3A_262 = arith.constant 2048 : i32
    %mul3A_263 = vector.broadcast %mul3A_262 : i32 to vector<256x1xi32>
    %mul3A_264 = arith.muli %broadcast_in_dim3A_53, %mul3A_263 : vector<256x1xi32>
    %add3A_265 = vector.broadcast %mul3A_264 : vector<256x1xi32> to vector<256x16xi32>
    %add3A_266 = arith.addi %add3A_265, %concatenate3A_234 : vector<256x16xi32>
    %swap3A_267 = arith.constant 0 : index
    %swap3A_268 = arith.constant 48 : index
    %swap3A_269 = vector.load %arg4[%swap3A_267, %swap3A_268] : memref<256x240xi32, #tpu.memory_space<vmem>>, vector<256x16xi32>
    tpu.vector_store %arg4[%swap3A_267, %swap3A_268], %add3A_266 {strides = array<i32>} : memref<256x240xi32, #tpu.memory_space<vmem>>, vector<256x16xi32>,
    %mul3A_270 = arith.constant 2048 : i32
    %mul3A_271 = vector.broadcast %mul3A_270 : i32 to vector<256x1xi32>
    %mul3A_272 = arith.muli %broadcast_in_dim3A_69, %mul3A_271 : vector<256x1xi32>
    %add3A_273 = vector.broadcast %mul3A_272 : vector<256x1xi32> to vector<256x16xi32>
    %add3A_274 = arith.addi %add3A_273, %concatenate3A_234 : vector<256x16xi32>
    %swap3A_275 = arith.constant 0 : index
    %swap3A_276 = arith.constant 64 : index
    %swap3A_277 = vector.load %arg4[%swap3A_275, %swap3A_276] : memref<256x240xi32, #tpu.memory_space<vmem>>, vector<256x16xi32>
    tpu.vector_store %arg4[%swap3A_275, %swap3A_276], %add3A_274 {strides = array<i32>} : memref<256x240xi32, #tpu.memory_space<vmem>>, vector<256x16xi32>,
    %mul3A_278 = arith.constant 2048 : i32
    %mul3A_279 = vector.broadcast %mul3A_278 : i32 to vector<256x1xi32>
    %mul3A_280 = arith.muli %broadcast_in_dim3A_85, %mul3A_279 : vector<256x1xi32>
    %add3A_281 = vector.broadcast %mul3A_280 : vector<256x1xi32> to vector<256x16xi32>
    %add3A_282 = arith.addi %add3A_281, %concatenate3A_234 : vector<256x16xi32>
    %swap3A_283 = arith.constant 0 : index
    %swap3A_284 = arith.constant 80 : index
    %swap3A_285 = vector.load %arg4[%swap3A_283, %swap3A_284] : memref<256x240xi32, #tpu.memory_space<vmem>>, vector<256x16xi32>
    tpu.vector_store %arg4[%swap3A_283, %swap3A_284], %add3A_282 {strides = array<i32>} : memref<256x240xi32, #tpu.memory_space<vmem>>, vector<256x16xi32>,
    %mul3A_286 = arith.constant 2048 : i32
    %mul3A_287 = vector.broadcast %mul3A_286 : i32 to vector<256x1xi32>
    %mul3A_288 = arith.muli %broadcast_in_dim3A_101, %mul3A_287 : vector<256x1xi32>
    %add3A_289 = vector.broadcast %mul3A_288 : vector<256x1xi32> to vector<256x16xi32>
    %add3A_290 = arith.addi %add3A_289, %concatenate3A_234 : vector<256x16xi32>
    %swap3A_291 = arith.constant 0 : index
    %swap3A_292 = arith.constant 96 : index
    %swap3A_293 = vector.load %arg4[%swap3A_291, %swap3A_292] : memref<256x240xi32, #tpu.memory_space<vmem>>, vector<256x16xi32>
    tpu.vector_store %arg4[%swap3A_291, %swap3A_292], %add3A_290 {strides = array<i32>} : memref<256x240xi32, #tpu.memory_space<vmem>>, vector<256x16xi32>,
    %mul3A_294 = arith.constant 2048 : i32
    %mul3A_295 = vector.broadcast %mul3A_294 : i32 to vector<256x1xi32>
    %mul3A_296 = arith.muli %broadcast_in_dim3A_117, %mul3A_295 : vector<256x1xi32>
    %add3A_297 = vector.broadcast %mul3A_296 : vector<256x1xi32> to vector<256x16xi32>
    %add3A_298 = arith.addi %add3A_297, %concatenate3A_234 : vector<256x16xi32>
    %swap3A_299 = arith.constant 0 : index
    %swap3A_300 = arith.constant 112 : index
    %swap3A_301 = vector.load %arg4[%swap3A_299, %swap3A_300] : memref<256x240xi32, #tpu.memory_space<vmem>>, vector<256x16xi32>
    tpu.vector_store %arg4[%swap3A_299, %swap3A_300], %add3A_298 {strides = array<i32>} : memref<256x240xi32, #tpu.memory_space<vmem>>, vector<256x16xi32>,
    %mul3A_302 = arith.constant 2048 : i32
    %mul3A_303 = vector.broadcast %mul3A_302 : i32 to vector<256x1xi32>
    %mul3A_304 = arith.muli %broadcast_in_dim3A_133, %mul3A_303 : vector<256x1xi32>
    %add3A_305 = vector.broadcast %mul3A_304 : vector<256x1xi32> to vector<256x16xi32>
    %add3A_306 = arith.addi %add3A_305, %concatenate3A_234 : vector<256x16xi32>
    %swap3A_307 = arith.constant 0 : index
    %swap3A_308 = arith.constant 128 : index
    %swap3A_309 = vector.load %arg4[%swap3A_307, %swap3A_308] : memref<256x240xi32, #tpu.memory_space<vmem>>, vector<256x16xi32>
    tpu.vector_store %arg4[%swap3A_307, %swap3A_308], %add3A_306 {strides = array<i32>} : memref<256x240xi32, #tpu.memory_space<vmem>>, vector<256x16xi32>,
    %mul3A_310 = arith.constant 2048 : i32
    %mul3A_311 = vector.broadcast %mul3A_310 : i32 to vector<256x1xi32>
    %mul3A_312 = arith.muli %broadcast_in_dim3A_149, %mul3A_311 : vector<256x1xi32>
    %add3A_313 = vector.broadcast %mul3A_312 : vector<256x1xi32> to vector<256x16xi32>
    %add3A_314 = arith.addi %add3A_313, %concatenate3A_234 : vector<256x16xi32>
    %swap3A_315 = arith.constant 0 : index
    %swap3A_316 = arith.constant 144 : index
    %swap3A_317 = vector.load %arg4[%swap3A_315, %swap3A_316] : memref<256x240xi32, #tpu.memory_space<vmem>>, vector<256x16xi32>
    tpu.vector_store %arg4[%swap3A_315, %swap3A_316], %add3A_314 {strides = array<i32>} : memref<256x240xi32, #tpu.memory_space<vmem>>, vector<256x16xi32>,
    %mul3A_318 = arith.constant 2048 : i32
    %mul3A_319 = vector.broadcast %mul3A_318 : i32 to vector<256x1xi32>
    %mul3A_320 = arith.muli %broadcast_in_dim3A_165, %mul3A_319 : vector<256x1xi32>
    %add3A_321 = vector.broadcast %mul3A_320 : vector<256x1xi32> to vector<256x16xi32>
    %add3A_322 = arith.addi %add3A_321, %concatenate3A_234 : vector<256x16xi32>
    %swap3A_323 = arith.constant 0 : index
    %swap3A_324 = arith.constant 160 : index
    %swap3A_325 = vector.load %arg4[%swap3A_323, %swap3A_324] : memref<256x240xi32, #tpu.memory_space<vmem>>, vector<256x16xi32>
    tpu.vector_store %arg4[%swap3A_323, %swap3A_324], %add3A_322 {strides = array<i32>} : memref<256x240xi32, #tpu.memory_space<vmem>>, vector<256x16xi32>,
    %mul3A_326 = arith.constant 2048 : i32
    %mul3A_327 = vector.broadcast %mul3A_326 : i32 to vector<256x1xi32>
    %mul3A_328 = arith.muli %broadcast_in_dim3A_181, %mul3A_327 : vector<256x1xi32>
    %add3A_329 = vector.broadcast %mul3A_328 : vector<256x1xi32> to vector<256x16xi32>
    %add3A_330 = arith.addi %add3A_329, %concatenate3A_234 : vector<256x16xi32>
    %swap3A_331 = arith.constant 0 : index
    %swap3A_332 = arith.constant 176 : index
    %swap3A_333 = vector.load %arg4[%swap3A_331, %swap3A_332] : memref<256x240xi32, #tpu.memory_space<vmem>>, vector<256x16xi32>
    tpu.vector_store %arg4[%swap3A_331, %swap3A_332], %add3A_330 {strides = array<i32>} : memref<256x240xi32, #tpu.memory_space<vmem>>, vector<256x16xi32>,
    %mul3A_334 = arith.constant 2048 : i32
    %mul3A_335 = vector.broadcast %mul3A_334 : i32 to vector<256x1xi32>
    %mul3A_336 = arith.muli %broadcast_in_dim3A_197, %mul3A_335 : vector<256x1xi32>
    %add3A_337 = vector.broadcast %mul3A_336 : vector<256x1xi32> to vector<256x16xi32>
    %add3A_338 = arith.addi %add3A_337, %concatenate3A_234 : vector<256x16xi32>
    %swap3A_339 = arith.constant 0 : index
    %swap3A_340 = arith.constant 192 : index
    %swap3A_341 = vector.load %arg4[%swap3A_339, %swap3A_340] : memref<256x240xi32, #tpu.memory_space<vmem>>, vector<256x16xi32>
    tpu.vector_store %arg4[%swap3A_339, %swap3A_340], %add3A_338 {strides = array<i32>} : memref<256x240xi32, #tpu.memory_space<vmem>>, vector<256x16xi32>,
    %mul3A_342 = arith.constant 2048 : i32
    %mul3A_343 = vector.broadcast %mul3A_342 : i32 to vector<256x1xi32>
    %mul3A_344 = arith.muli %broadcast_in_dim3A_213, %mul3A_343 : vector<256x1xi32>
    %add3A_345 = vector.broadcast %mul3A_344 : vector<256x1xi32> to vector<256x16xi32>
    %add3A_346 = arith.addi %add3A_345, %concatenate3A_234 : vector<256x16xi32>
    %swap3A_347 = arith.constant 0 : index
    %swap3A_348 = arith.constant 208 : index
    %swap3A_349 = vector.load %arg4[%swap3A_347, %swap3A_348] : memref<256x240xi32, #tpu.memory_space<vmem>>, vector<256x16xi32>
    tpu.vector_store %arg4[%swap3A_347, %swap3A_348], %add3A_346 {strides = array<i32>} : memref<256x240xi32, #tpu.memory_space<vmem>>, vector<256x16xi32>,
    %mul3A_350 = arith.constant 2048 : i32
    %mul3A_351 = vector.broadcast %mul3A_350 : i32 to vector<256x1xi32>
    %mul3A_352 = arith.muli %broadcast_in_dim3A_229, %mul3A_351 : vector<256x1xi32>
    %add3A_353 = vector.broadcast %mul3A_352 : vector<256x1xi32> to vector<256x16xi32>
    %add3A_354 = arith.addi %add3A_353, %concatenate3A_234 : vector<256x16xi32>
    %swap3A_355 = arith.constant 0 : index
    %swap3A_356 = arith.constant 224 : index
    %swap3A_357 = vector.load %arg4[%swap3A_355, %swap3A_356] : memref<256x240xi32, #tpu.memory_space<vmem>>, vector<256x16xi32>
    tpu.vector_store %arg4[%swap3A_355, %swap3A_356], %add3A_354 {strides = array<i32>} : memref<256x240xi32, #tpu.memory_space<vmem>>, vector<256x16xi32>,
    return
  }
  func.func @transform_0(%arg0: i32) -> (i32, i32) {
    %add3A = arith.constant 4 : i32
    %add3A_0 = arith.addi %arg0, %add3A : i32
    %c0_i32 = arith.constant 0 : i32
    %c0_i32_1 = arith.constant 0 : i32
    return %add3A_0, %c0_i32 : i32, i32
  }
  func.func @transform_1(%arg0: i32) -> (i32, i32) {
    %c0_i32 = arith.constant 0 : i32
    %c0_i32_0 = arith.constant 0 : i32
    return %arg0, %c0_i32 : i32, i32
  }
  func.func @transform_2(%arg0: i32) -> (i32, i32) {
    %c0_i32 = arith.constant 0 : i32
    %c0_i32_0 = arith.constant 0 : i32
    return %arg0, %c0_i32 : i32, i32
  }
  func.func @transform_3(%arg0: i32) -> (i32, i32) {
    %c0_i32 = arith.constant 0 : i32
    %c0_i32_0 = arith.constant 0 : i32
    return %arg0, %c0_i32 : i32, i32
  }
}

module attributes {stable_mosaic.version = 14 : i64} {
  func.func @_topk_body(%arg0: i32, %arg1: memref<256x1024xf32, #tpu.memory_space<vmem>>, %arg2: memref<256x16xf32, #tpu.memory_space<vmem>>, %arg3: memref<256x16xi32, #tpu.memory_space<vmem>>, %arg4: memref<256x240xi32, #tpu.memory_space<vmem>>) attributes {dimension_semantics = [#tpu.dimension_semantics<arbitrary>], iteration_bounds = array<i64: 4>, scalar_prefetch = 0 : i64, scratch_operands = 0 : i64, tpu.core_type = #tpu.core_type<tc>, window_params = [{transform_indices = @transform_0, window_bounds = array<i64: 256, 1024>}, {transform_indices = @transform_1, window_bounds = array<i64: 256, 16>}, {transform_indices = @transform_2, window_bounds = array<i64: 256, 16>}, {transform_indices = @transform_3, window_bounds = array<i64: 256, 240>}]} {
    %get3A = arith.constant 0 : index
    %get3A_0 = arith.constant 0 : index
    %get3A_1 = vector.load %arg1[%get3A, %get3A_0] : memref<256x1024xf32, #tpu.memory_space<vmem>>, vector<256x1024xf32>
    %iota3A = tpu.iota {dimensions = array<i32: 1>} : vector<256x1024xi32>
    %reduce_max3A = arith.constant dense<0xFF800000> : vector<256xf32>
    %reduce_max3A_2 = vector.multi_reduction <maximumf>, %get3A_1, %reduce_max3A [1] : vector<256x1024xf32> to vector<256xf32>
    %broadcast_in_dim3A = vector.shape_cast %reduce_max3A_2 : vector<256xf32> to vector<256x1xf32>
    %ge3A = vector.broadcast %broadcast_in_dim3A : vector<256x1xf32> to vector<256x1024xf32>
    %ge3A_3 = arith.cmpf oge, %get3A_1, %ge3A : vector<256x1024xf32>
    %jit3A = arith.constant 2048 : i32
    %broadcast_in_dim3A_4 = vector.broadcast %jit3A : i32 to vector<256x1024xi32>
    %select_n3A = arith.select %ge3A_3, %iota3A, %broadcast_in_dim3A_4 : vector<256x1024xi1>, vector<256x1024xi32>
    %reduce_min3A = arith.constant dense<2147483647> : vector<256xi32>
    %reduce_min3A_5 = vector.multi_reduction <minsi>, %select_n3A, %reduce_min3A [1] : vector<256x1024xi32> to vector<256xi32>
    %broadcast_in_dim3A_6 = vector.shape_cast %reduce_min3A_5 : vector<256xi32> to vector<256x1xi32>
    %eq3A = vector.broadcast %broadcast_in_dim3A_6 : vector<256x1xi32> to vector<256x1024xi32>
    %eq3A_7 = arith.cmpi eq, %iota3A, %eq3A : vector<256x1024xi32>
    %jit3A_8 = arith.constant -1.000000e+30 : f32
    %broadcast_in_dim3A_9 = vector.broadcast %jit3A_8 : f32 to vector<256x1024xf32>
    %select_n3A_10 = arith.select %eq3A_7, %broadcast_in_dim3A_9, %get3A_1 : vector<256x1024xi1>, vector<256x1024xf32>
    %reduce_max3A_11 = arith.constant dense<0xFF800000> : vector<256xf32>
    %reduce_max3A_12 = vector.multi_reduction <maximumf>, %select_n3A_10, %reduce_max3A_11 [1] : vector<256x1024xf32> to vector<256xf32>
    %broadcast_in_dim3A_13 = vector.shape_cast %reduce_max3A_12 : vector<256xf32> to vector<256x1xf32>
    %ge3A_14 = vector.broadcast %broadcast_in_dim3A_13 : vector<256x1xf32> to vector<256x1024xf32>
    %ge3A_15 = arith.cmpf oge, %select_n3A_10, %ge3A_14 : vector<256x1024xf32>
    %jit3A_16 = arith.constant 2048 : i32
    %broadcast_in_dim3A_17 = vector.broadcast %jit3A_16 : i32 to vector<256x1024xi32>
    %select_n3A_18 = arith.select %ge3A_15, %iota3A, %broadcast_in_dim3A_17 : vector<256x1024xi1>, vector<256x1024xi32>
    %reduce_min3A_19 = arith.constant dense<2147483647> : vector<256xi32>
    %reduce_min3A_20 = vector.multi_reduction <minsi>, %select_n3A_18, %reduce_min3A_19 [1] : vector<256x1024xi32> to vector<256xi32>
    %broadcast_in_dim3A_21 = vector.shape_cast %reduce_min3A_20 : vector<256xi32> to vector<256x1xi32>
    %eq3A_22 = vector.broadcast %broadcast_in_dim3A_21 : vector<256x1xi32> to vector<256x1024xi32>
    %eq3A_23 = arith.cmpi eq, %iota3A, %eq3A_22 : vector<256x1024xi32>
    %jit3A_24 = arith.constant -1.000000e+30 : f32
    %broadcast_in_dim3A_25 = vector.broadcast %jit3A_24 : f32 to vector<256x1024xf32>
    %select_n3A_26 = arith.select %eq3A_23, %broadcast_in_dim3A_25, %select_n3A_10 : vector<256x1024xi1>, vector<256x1024xf32>
    %reduce_max3A_27 = arith.constant dense<0xFF800000> : vector<256xf32>
    %reduce_max3A_28 = vector.multi_reduction <maximumf>, %select_n3A_26, %reduce_max3A_27 [1] : vector<256x1024xf32> to vector<256xf32>
    %broadcast_in_dim3A_29 = vector.shape_cast %reduce_max3A_28 : vector<256xf32> to vector<256x1xf32>
    %ge3A_30 = vector.broadcast %broadcast_in_dim3A_29 : vector<256x1xf32> to vector<256x1024xf32>
    %ge3A_31 = arith.cmpf oge, %select_n3A_26, %ge3A_30 : vector<256x1024xf32>
    %jit3A_32 = arith.constant 2048 : i32
    %broadcast_in_dim3A_33 = vector.broadcast %jit3A_32 : i32 to vector<256x1024xi32>
    %select_n3A_34 = arith.select %ge3A_31, %iota3A, %broadcast_in_dim3A_33 : vector<256x1024xi1>, vector<256x1024xi32>
    %reduce_min3A_35 = arith.constant dense<2147483647> : vector<256xi32>
    %reduce_min3A_36 = vector.multi_reduction <minsi>, %select_n3A_34, %reduce_min3A_35 [1] : vector<256x1024xi32> to vector<256xi32>
    %broadcast_in_dim3A_37 = vector.shape_cast %reduce_min3A_36 : vector<256xi32> to vector<256x1xi32>
    %eq3A_38 = vector.broadcast %broadcast_in_dim3A_37 : vector<256x1xi32> to vector<256x1024xi32>
    %eq3A_39 = arith.cmpi eq, %iota3A, %eq3A_38 : vector<256x1024xi32>
    %jit3A_40 = arith.constant -1.000000e+30 : f32
    %broadcast_in_dim3A_41 = vector.broadcast %jit3A_40 : f32 to vector<256x1024xf32>
    %select_n3A_42 = arith.select %eq3A_39, %broadcast_in_dim3A_41, %select_n3A_26 : vector<256x1024xi1>, vector<256x1024xf32>
    %reduce_max3A_43 = arith.constant dense<0xFF800000> : vector<256xf32>
    %reduce_max3A_44 = vector.multi_reduction <maximumf>, %select_n3A_42, %reduce_max3A_43 [1] : vector<256x1024xf32> to vector<256xf32>
    %broadcast_in_dim3A_45 = vector.shape_cast %reduce_max3A_44 : vector<256xf32> to vector<256x1xf32>
    %ge3A_46 = vector.broadcast %broadcast_in_dim3A_45 : vector<256x1xf32> to vector<256x1024xf32>
    %ge3A_47 = arith.cmpf oge, %select_n3A_42, %ge3A_46 : vector<256x1024xf32>
    %jit3A_48 = arith.constant 2048 : i32
    %broadcast_in_dim3A_49 = vector.broadcast %jit3A_48 : i32 to vector<256x1024xi32>
    %select_n3A_50 = arith.select %ge3A_47, %iota3A, %broadcast_in_dim3A_49 : vector<256x1024xi1>, vector<256x1024xi32>
    %reduce_min3A_51 = arith.constant dense<2147483647> : vector<256xi32>
    %reduce_min3A_52 = vector.multi_reduction <minsi>, %select_n3A_50, %reduce_min3A_51 [1] : vector<256x1024xi32> to vector<256xi32>
    %broadcast_in_dim3A_53 = vector.shape_cast %reduce_min3A_52 : vector<256xi32> to vector<256x1xi32>
    %eq3A_54 = vector.broadcast %broadcast_in_dim3A_53 : vector<256x1xi32> to vector<256x1024xi32>
    %eq3A_55 = arith.cmpi eq, %iota3A, %eq3A_54 : vector<256x1024xi32>
    %jit3A_56 = arith.constant -1.000000e+30 : f32
    %broadcast_in_dim3A_57 = vector.broadcast %jit3A_56 : f32 to vector<256x1024xf32>
    %select_n3A_58 = arith.select %eq3A_55, %broadcast_in_dim3A_57, %select_n3A_42 : vector<256x1024xi1>, vector<256x1024xf32>
    %reduce_max3A_59 = arith.constant dense<0xFF800000> : vector<256xf32>
    %reduce_max3A_60 = vector.multi_reduction <maximumf>, %select_n3A_58, %reduce_max3A_59 [1] : vector<256x1024xf32> to vector<256xf32>
    %broadcast_in_dim3A_61 = vector.shape_cast %reduce_max3A_60 : vector<256xf32> to vector<256x1xf32>
    %ge3A_62 = vector.broadcast %broadcast_in_dim3A_61 : vector<256x1xf32> to vector<256x1024xf32>
    %ge3A_63 = arith.cmpf oge, %select_n3A_58, %ge3A_62 : vector<256x1024xf32>
    %jit3A_64 = arith.constant 2048 : i32
    %broadcast_in_dim3A_65 = vector.broadcast %jit3A_64 : i32 to vector<256x1024xi32>
    %select_n3A_66 = arith.select %ge3A_63, %iota3A, %broadcast_in_dim3A_65 : vector<256x1024xi1>, vector<256x1024xi32>
    %reduce_min3A_67 = arith.constant dense<2147483647> : vector<256xi32>
    %reduce_min3A_68 = vector.multi_reduction <minsi>, %select_n3A_66, %reduce_min3A_67 [1] : vector<256x1024xi32> to vector<256xi32>
    %broadcast_in_dim3A_69 = vector.shape_cast %reduce_min3A_68 : vector<256xi32> to vector<256x1xi32>
    %eq3A_70 = vector.broadcast %broadcast_in_dim3A_69 : vector<256x1xi32> to vector<256x1024xi32>
    %eq3A_71 = arith.cmpi eq, %iota3A, %eq3A_70 : vector<256x1024xi32>
    %jit3A_72 = arith.constant -1.000000e+30 : f32
    %broadcast_in_dim3A_73 = vector.broadcast %jit3A_72 : f32 to vector<256x1024xf32>
    %select_n3A_74 = arith.select %eq3A_71, %broadcast_in_dim3A_73, %select_n3A_58 : vector<256x1024xi1>, vector<256x1024xf32>
    %reduce_max3A_75 = arith.constant dense<0xFF800000> : vector<256xf32>
    %reduce_max3A_76 = vector.multi_reduction <maximumf>, %select_n3A_74, %reduce_max3A_75 [1] : vector<256x1024xf32> to vector<256xf32>
    %broadcast_in_dim3A_77 = vector.shape_cast %reduce_max3A_76 : vector<256xf32> to vector<256x1xf32>
    %ge3A_78 = vector.broadcast %broadcast_in_dim3A_77 : vector<256x1xf32> to vector<256x1024xf32>
    %ge3A_79 = arith.cmpf oge, %select_n3A_74, %ge3A_78 : vector<256x1024xf32>
    %jit3A_80 = arith.constant 2048 : i32
    %broadcast_in_dim3A_81 = vector.broadcast %jit3A_80 : i32 to vector<256x1024xi32>
    %select_n3A_82 = arith.select %ge3A_79, %iota3A, %broadcast_in_dim3A_81 : vector<256x1024xi1>, vector<256x1024xi32>
    %reduce_min3A_83 = arith.constant dense<2147483647> : vector<256xi32>
    %reduce_min3A_84 = vector.multi_reduction <minsi>, %select_n3A_82, %reduce_min3A_83 [1] : vector<256x1024xi32> to vector<256xi32>
    %broadcast_in_dim3A_85 = vector.shape_cast %reduce_min3A_84 : vector<256xi32> to vector<256x1xi32>
    %eq3A_86 = vector.broadcast %broadcast_in_dim3A_85 : vector<256x1xi32> to vector<256x1024xi32>
    %eq3A_87 = arith.cmpi eq, %iota3A, %eq3A_86 : vector<256x1024xi32>
    %jit3A_88 = arith.constant -1.000000e+30 : f32
    %broadcast_in_dim3A_89 = vector.broadcast %jit3A_88 : f32 to vector<256x1024xf32>
    %select_n3A_90 = arith.select %eq3A_87, %broadcast_in_dim3A_89, %select_n3A_74 : vector<256x1024xi1>, vector<256x1024xf32>
    %reduce_max3A_91 = arith.constant dense<0xFF800000> : vector<256xf32>
    %reduce_max3A_92 = vector.multi_reduction <maximumf>, %select_n3A_90, %reduce_max3A_91 [1] : vector<256x1024xf32> to vector<256xf32>
    %broadcast_in_dim3A_93 = vector.shape_cast %reduce_max3A_92 : vector<256xf32> to vector<256x1xf32>
    %ge3A_94 = vector.broadcast %broadcast_in_dim3A_93 : vector<256x1xf32> to vector<256x1024xf32>
    %ge3A_95 = arith.cmpf oge, %select_n3A_90, %ge3A_94 : vector<256x1024xf32>
    %jit3A_96 = arith.constant 2048 : i32
    %broadcast_in_dim3A_97 = vector.broadcast %jit3A_96 : i32 to vector<256x1024xi32>
    %select_n3A_98 = arith.select %ge3A_95, %iota3A, %broadcast_in_dim3A_97 : vector<256x1024xi1>, vector<256x1024xi32>
    %reduce_min3A_99 = arith.constant dense<2147483647> : vector<256xi32>
    %reduce_min3A_100 = vector.multi_reduction <minsi>, %select_n3A_98, %reduce_min3A_99 [1] : vector<256x1024xi32> to vector<256xi32>
    %broadcast_in_dim3A_101 = vector.shape_cast %reduce_min3A_100 : vector<256xi32> to vector<256x1xi32>
    %eq3A_102 = vector.broadcast %broadcast_in_dim3A_101 : vector<256x1xi32> to vector<256x1024xi32>
    %eq3A_103 = arith.cmpi eq, %iota3A, %eq3A_102 : vector<256x1024xi32>
    %jit3A_104 = arith.constant -1.000000e+30 : f32
    %broadcast_in_dim3A_105 = vector.broadcast %jit3A_104 : f32 to vector<256x1024xf32>
    %select_n3A_106 = arith.select %eq3A_103, %broadcast_in_dim3A_105, %select_n3A_90 : vector<256x1024xi1>, vector<256x1024xf32>
    %reduce_max3A_107 = arith.constant dense<0xFF800000> : vector<256xf32>
    %reduce_max3A_108 = vector.multi_reduction <maximumf>, %select_n3A_106, %reduce_max3A_107 [1] : vector<256x1024xf32> to vector<256xf32>
    %broadcast_in_dim3A_109 = vector.shape_cast %reduce_max3A_108 : vector<256xf32> to vector<256x1xf32>
    %ge3A_110 = vector.broadcast %broadcast_in_dim3A_109 : vector<256x1xf32> to vector<256x1024xf32>
    %ge3A_111 = arith.cmpf oge, %select_n3A_106, %ge3A_110 : vector<256x1024xf32>
    %jit3A_112 = arith.constant 2048 : i32
    %broadcast_in_dim3A_113 = vector.broadcast %jit3A_112 : i32 to vector<256x1024xi32>
    %select_n3A_114 = arith.select %ge3A_111, %iota3A, %broadcast_in_dim3A_113 : vector<256x1024xi1>, vector<256x1024xi32>
    %reduce_min3A_115 = arith.constant dense<2147483647> : vector<256xi32>
    %reduce_min3A_116 = vector.multi_reduction <minsi>, %select_n3A_114, %reduce_min3A_115 [1] : vector<256x1024xi32> to vector<256xi32>
    %broadcast_in_dim3A_117 = vector.shape_cast %reduce_min3A_116 : vector<256xi32> to vector<256x1xi32>
    %eq3A_118 = vector.broadcast %broadcast_in_dim3A_117 : vector<256x1xi32> to vector<256x1024xi32>
    %eq3A_119 = arith.cmpi eq, %iota3A, %eq3A_118 : vector<256x1024xi32>
    %jit3A_120 = arith.constant -1.000000e+30 : f32
    %broadcast_in_dim3A_121 = vector.broadcast %jit3A_120 : f32 to vector<256x1024xf32>
    %select_n3A_122 = arith.select %eq3A_119, %broadcast_in_dim3A_121, %select_n3A_106 : vector<256x1024xi1>, vector<256x1024xf32>
    %reduce_max3A_123 = arith.constant dense<0xFF800000> : vector<256xf32>
    %reduce_max3A_124 = vector.multi_reduction <maximumf>, %select_n3A_122, %reduce_max3A_123 [1] : vector<256x1024xf32> to vector<256xf32>
    %broadcast_in_dim3A_125 = vector.shape_cast %reduce_max3A_124 : vector<256xf32> to vector<256x1xf32>
    %ge3A_126 = vector.broadcast %broadcast_in_dim3A_125 : vector<256x1xf32> to vector<256x1024xf32>
    %ge3A_127 = arith.cmpf oge, %select_n3A_122, %ge3A_126 : vector<256x1024xf32>
    %jit3A_128 = arith.constant 2048 : i32
    %broadcast_in_dim3A_129 = vector.broadcast %jit3A_128 : i32 to vector<256x1024xi32>
    %select_n3A_130 = arith.select %ge3A_127, %iota3A, %broadcast_in_dim3A_129 : vector<256x1024xi1>, vector<256x1024xi32>
    %reduce_min3A_131 = arith.constant dense<2147483647> : vector<256xi32>
    %reduce_min3A_132 = vector.multi_reduction <minsi>, %select_n3A_130, %reduce_min3A_131 [1] : vector<256x1024xi32> to vector<256xi32>
    %broadcast_in_dim3A_133 = vector.shape_cast %reduce_min3A_132 : vector<256xi32> to vector<256x1xi32>
    %eq3A_134 = vector.broadcast %broadcast_in_dim3A_133 : vector<256x1xi32> to vector<256x1024xi32>
    %eq3A_135 = arith.cmpi eq, %iota3A, %eq3A_134 : vector<256x1024xi32>
    %jit3A_136 = arith.constant -1.000000e+30 : f32
    %broadcast_in_dim3A_137 = vector.broadcast %jit3A_136 : f32 to vector<256x1024xf32>
    %select_n3A_138 = arith.select %eq3A_135, %broadcast_in_dim3A_137, %select_n3A_122 : vector<256x1024xi1>, vector<256x1024xf32>
    %reduce_max3A_139 = arith.constant dense<0xFF800000> : vector<256xf32>
    %reduce_max3A_140 = vector.multi_reduction <maximumf>, %select_n3A_138, %reduce_max3A_139 [1] : vector<256x1024xf32> to vector<256xf32>
    %broadcast_in_dim3A_141 = vector.shape_cast %reduce_max3A_140 : vector<256xf32> to vector<256x1xf32>
    %ge3A_142 = vector.broadcast %broadcast_in_dim3A_141 : vector<256x1xf32> to vector<256x1024xf32>
    %ge3A_143 = arith.cmpf oge, %select_n3A_138, %ge3A_142 : vector<256x1024xf32>
    %jit3A_144 = arith.constant 2048 : i32
    %broadcast_in_dim3A_145 = vector.broadcast %jit3A_144 : i32 to vector<256x1024xi32>
    %select_n3A_146 = arith.select %ge3A_143, %iota3A, %broadcast_in_dim3A_145 : vector<256x1024xi1>, vector<256x1024xi32>
    %reduce_min3A_147 = arith.constant dense<2147483647> : vector<256xi32>
    %reduce_min3A_148 = vector.multi_reduction <minsi>, %select_n3A_146, %reduce_min3A_147 [1] : vector<256x1024xi32> to vector<256xi32>
    %broadcast_in_dim3A_149 = vector.shape_cast %reduce_min3A_148 : vector<256xi32> to vector<256x1xi32>
    %eq3A_150 = vector.broadcast %broadcast_in_dim3A_149 : vector<256x1xi32> to vector<256x1024xi32>
    %eq3A_151 = arith.cmpi eq, %iota3A, %eq3A_150 : vector<256x1024xi32>
    %jit3A_152 = arith.constant -1.000000e+30 : f32
    %broadcast_in_dim3A_153 = vector.broadcast %jit3A_152 : f32 to vector<256x1024xf32>
    %select_n3A_154 = arith.select %eq3A_151, %broadcast_in_dim3A_153, %select_n3A_138 : vector<256x1024xi1>, vector<256x1024xf32>
    %reduce_max3A_155 = arith.constant dense<0xFF800000> : vector<256xf32>
    %reduce_max3A_156 = vector.multi_reduction <maximumf>, %select_n3A_154, %reduce_max3A_155 [1] : vector<256x1024xf32> to vector<256xf32>
    %broadcast_in_dim3A_157 = vector.shape_cast %reduce_max3A_156 : vector<256xf32> to vector<256x1xf32>
    %ge3A_158 = vector.broadcast %broadcast_in_dim3A_157 : vector<256x1xf32> to vector<256x1024xf32>
    %ge3A_159 = arith.cmpf oge, %select_n3A_154, %ge3A_158 : vector<256x1024xf32>
    %jit3A_160 = arith.constant 2048 : i32
    %broadcast_in_dim3A_161 = vector.broadcast %jit3A_160 : i32 to vector<256x1024xi32>
    %select_n3A_162 = arith.select %ge3A_159, %iota3A, %broadcast_in_dim3A_161 : vector<256x1024xi1>, vector<256x1024xi32>
    %reduce_min3A_163 = arith.constant dense<2147483647> : vector<256xi32>
    %reduce_min3A_164 = vector.multi_reduction <minsi>, %select_n3A_162, %reduce_min3A_163 [1] : vector<256x1024xi32> to vector<256xi32>
    %broadcast_in_dim3A_165 = vector.shape_cast %reduce_min3A_164 : vector<256xi32> to vector<256x1xi32>
    %eq3A_166 = vector.broadcast %broadcast_in_dim3A_165 : vector<256x1xi32> to vector<256x1024xi32>
    %eq3A_167 = arith.cmpi eq, %iota3A, %eq3A_166 : vector<256x1024xi32>
    %jit3A_168 = arith.constant -1.000000e+30 : f32
    %broadcast_in_dim3A_169 = vector.broadcast %jit3A_168 : f32 to vector<256x1024xf32>
    %select_n3A_170 = arith.select %eq3A_167, %broadcast_in_dim3A_169, %select_n3A_154 : vector<256x1024xi1>, vector<256x1024xf32>
    %reduce_max3A_171 = arith.constant dense<0xFF800000> : vector<256xf32>
    %reduce_max3A_172 = vector.multi_reduction <maximumf>, %select_n3A_170, %reduce_max3A_171 [1] : vector<256x1024xf32> to vector<256xf32>
    %broadcast_in_dim3A_173 = vector.shape_cast %reduce_max3A_172 : vector<256xf32> to vector<256x1xf32>
    %ge3A_174 = vector.broadcast %broadcast_in_dim3A_173 : vector<256x1xf32> to vector<256x1024xf32>
    %ge3A_175 = arith.cmpf oge, %select_n3A_170, %ge3A_174 : vector<256x1024xf32>
    %jit3A_176 = arith.constant 2048 : i32
    %broadcast_in_dim3A_177 = vector.broadcast %jit3A_176 : i32 to vector<256x1024xi32>
    %select_n3A_178 = arith.select %ge3A_175, %iota3A, %broadcast_in_dim3A_177 : vector<256x1024xi1>, vector<256x1024xi32>
    %reduce_min3A_179 = arith.constant dense<2147483647> : vector<256xi32>
    %reduce_min3A_180 = vector.multi_reduction <minsi>, %select_n3A_178, %reduce_min3A_179 [1] : vector<256x1024xi32> to vector<256xi32>
    %broadcast_in_dim3A_181 = vector.shape_cast %reduce_min3A_180 : vector<256xi32> to vector<256x1xi32>
    %eq3A_182 = vector.broadcast %broadcast_in_dim3A_181 : vector<256x1xi32> to vector<256x1024xi32>
    %eq3A_183 = arith.cmpi eq, %iota3A, %eq3A_182 : vector<256x1024xi32>
    %jit3A_184 = arith.constant -1.000000e+30 : f32
    %broadcast_in_dim3A_185 = vector.broadcast %jit3A_184 : f32 to vector<256x1024xf32>
    %select_n3A_186 = arith.select %eq3A_183, %broadcast_in_dim3A_185, %select_n3A_170 : vector<256x1024xi1>, vector<256x1024xf32>
    %reduce_max3A_187 = arith.constant dense<0xFF800000> : vector<256xf32>
    %reduce_max3A_188 = vector.multi_reduction <maximumf>, %select_n3A_186, %reduce_max3A_187 [1] : vector<256x1024xf32> to vector<256xf32>
    %broadcast_in_dim3A_189 = vector.shape_cast %reduce_max3A_188 : vector<256xf32> to vector<256x1xf32>
    %ge3A_190 = vector.broadcast %broadcast_in_dim3A_189 : vector<256x1xf32> to vector<256x1024xf32>
    %ge3A_191 = arith.cmpf oge, %select_n3A_186, %ge3A_190 : vector<256x1024xf32>
    %jit3A_192 = arith.constant 2048 : i32
    %broadcast_in_dim3A_193 = vector.broadcast %jit3A_192 : i32 to vector<256x1024xi32>
    %select_n3A_194 = arith.select %ge3A_191, %iota3A, %broadcast_in_dim3A_193 : vector<256x1024xi1>, vector<256x1024xi32>
    %reduce_min3A_195 = arith.constant dense<2147483647> : vector<256xi32>
    %reduce_min3A_196 = vector.multi_reduction <minsi>, %select_n3A_194, %reduce_min3A_195 [1] : vector<256x1024xi32> to vector<256xi32>
    %broadcast_in_dim3A_197 = vector.shape_cast %reduce_min3A_196 : vector<256xi32> to vector<256x1xi32>
    %eq3A_198 = vector.broadcast %broadcast_in_dim3A_197 : vector<256x1xi32> to vector<256x1024xi32>
    %eq3A_199 = arith.cmpi eq, %iota3A, %eq3A_198 : vector<256x1024xi32>
    %jit3A_200 = arith.constant -1.000000e+30 : f32
    %broadcast_in_dim3A_201 = vector.broadcast %jit3A_200 : f32 to vector<256x1024xf32>
    %select_n3A_202 = arith.select %eq3A_199, %broadcast_in_dim3A_201, %select_n3A_186 : vector<256x1024xi1>, vector<256x1024xf32>
    %reduce_max3A_203 = arith.constant dense<0xFF800000> : vector<256xf32>
    %reduce_max3A_204 = vector.multi_reduction <maximumf>, %select_n3A_202, %reduce_max3A_203 [1] : vector<256x1024xf32> to vector<256xf32>
    %broadcast_in_dim3A_205 = vector.shape_cast %reduce_max3A_204 : vector<256xf32> to vector<256x1xf32>
    %ge3A_206 = vector.broadcast %broadcast_in_dim3A_205 : vector<256x1xf32> to vector<256x1024xf32>
    %ge3A_207 = arith.cmpf oge, %select_n3A_202, %ge3A_206 : vector<256x1024xf32>
    %jit3A_208 = arith.constant 2048 : i32
    %broadcast_in_dim3A_209 = vector.broadcast %jit3A_208 : i32 to vector<256x1024xi32>
    %select_n3A_210 = arith.select %ge3A_207, %iota3A, %broadcast_in_dim3A_209 : vector<256x1024xi1>, vector<256x1024xi32>
    %reduce_min3A_211 = arith.constant dense<2147483647> : vector<256xi32>
    %reduce_min3A_212 = vector.multi_reduction <minsi>, %select_n3A_210, %reduce_min3A_211 [1] : vector<256x1024xi32> to vector<256xi32>
    %broadcast_in_dim3A_213 = vector.shape_cast %reduce_min3A_212 : vector<256xi32> to vector<256x1xi32>
    %eq3A_214 = vector.broadcast %broadcast_in_dim3A_213 : vector<256x1xi32> to vector<256x1024xi32>
    %eq3A_215 = arith.cmpi eq, %iota3A, %eq3A_214 : vector<256x1024xi32>
    %jit3A_216 = arith.constant -1.000000e+30 : f32
    %broadcast_in_dim3A_217 = vector.broadcast %jit3A_216 : f32 to vector<256x1024xf32>
    %select_n3A_218 = arith.select %eq3A_215, %broadcast_in_dim3A_217, %select_n3A_202 : vector<256x1024xi1>, vector<256x1024xf32>
    %reduce_max3A_219 = arith.constant dense<0xFF800000> : vector<256xf32>
    %reduce_max3A_220 = vector.multi_reduction <maximumf>, %select_n3A_218, %reduce_max3A_219 [1] : vector<256x1024xf32> to vector<256xf32>
    %broadcast_in_dim3A_221 = vector.shape_cast %reduce_max3A_220 : vector<256xf32> to vector<256x1xf32>
    %ge3A_222 = vector.broadcast %broadcast_in_dim3A_221 : vector<256x1xf32> to vector<256x1024xf32>
    %ge3A_223 = arith.cmpf oge, %select_n3A_218, %ge3A_222 : vector<256x1024xf32>
    %jit3A_224 = arith.constant 2048 : i32
    %broadcast_in_dim3A_225 = vector.broadcast %jit3A_224 : i32 to vector<256x1024xi32>
    %select_n3A_226 = arith.select %ge3A_223, %iota3A, %broadcast_in_dim3A_225 : vector<256x1024xi1>, vector<256x1024xi32>
    %reduce_min3A_227 = arith.constant dense<2147483647> : vector<256xi32>
    %reduce_min3A_228 = vector.multi_reduction <minsi>, %select_n3A_226, %reduce_min3A_227 [1] : vector<256x1024xi32> to vector<256xi32>
    %broadcast_in_dim3A_229 = vector.shape_cast %reduce_min3A_228 : vector<256xi32> to vector<256x1xi32>
    %broadcast_in_dim3A_230 = arith.constant -1.000000e+30 : f32
    %broadcast_in_dim3A_231 = vector.broadcast %broadcast_in_dim3A_230 : f32 to vector<256x1xf32>
    %concatenate3A = tpu.concatenate %broadcast_in_dim3A, %broadcast_in_dim3A_13, %broadcast_in_dim3A_29, %broadcast_in_dim3A_45, %broadcast_in_dim3A_61, %broadcast_in_dim3A_77, %broadcast_in_dim3A_93, %broadcast_in_dim3A_109, %broadcast_in_dim3A_125, %broadcast_in_dim3A_141, %broadcast_in_dim3A_157, %broadcast_in_dim3A_173, %broadcast_in_dim3A_189, %broadcast_in_dim3A_205, %broadcast_in_dim3A_221, %broadcast_in_dim3A_231 in 1 : vector<256x1xf32>, vector<256x1xf32>, vector<256x1xf32>, vector<256x1xf32>, vector<256x1xf32>, vector<256x1xf32>, vector<256x1xf32>, vector<256x1xf32>, vector<256x1xf32>, vector<256x1xf32>, vector<256x1xf32>, vector<256x1xf32>, vector<256x1xf32>, vector<256x1xf32>, vector<256x1xf32>, vector<256x1xf32> -> vector<256x16xf32>
    %broadcast_in_dim3A_232 = arith.constant 0 : i32
    %broadcast_in_dim3A_233 = vector.broadcast %broadcast_in_dim3A_232 : i32 to vector<256x1xi32>
    %concatenate3A_234 = tpu.concatenate %broadcast_in_dim3A_6, %broadcast_in_dim3A_21, %broadcast_in_dim3A_37, %broadcast_in_dim3A_53, %broadcast_in_dim3A_69, %broadcast_in_dim3A_85, %broadcast_in_dim3A_101, %broadcast_in_dim3A_117, %broadcast_in_dim3A_133, %broadcast_in_dim3A_149, %broadcast_in_dim3A_165, %broadcast_in_dim3A_181, %broadcast_in_dim3A_197, %broadcast_in_dim3A_213, %broadcast_in_dim3A_229, %broadcast_in_dim3A_233 in 1 : vector<256x1xi32>, vector<256x1xi32>, vector<256x1xi32>, vector<256x1xi32>, vector<256x1xi32>, vector<256x1xi32>, vector<256x1xi32>, vector<256x1xi32>, vector<256x1xi32>, vector<256x1xi32>, vector<256x1xi32>, vector<256x1xi32>, vector<256x1xi32>, vector<256x1xi32>, vector<256x1xi32>, vector<256x1xi32> -> vector<256x16xi32>
    %swap3A = arith.constant 0 : index
    %swap3A_235 = arith.constant 0 : index
    %swap3A_236 = vector.load %arg2[%swap3A, %swap3A_235] : memref<256x16xf32, #tpu.memory_space<vmem>>, vector<256x16xf32>
    tpu.vector_store %arg2[%swap3A, %swap3A_235], %concatenate3A {strides = array<i32>} : memref<256x16xf32, #tpu.memory_space<vmem>>, vector<256x16xf32>,
    %swap3A_237 = arith.constant 0 : index
    %swap3A_238 = arith.constant 0 : index
    %swap3A_239 = vector.load %arg3[%swap3A_237, %swap3A_238] : memref<256x16xi32, #tpu.memory_space<vmem>>, vector<256x16xi32>
    tpu.vector_store %arg3[%swap3A_237, %swap3A_238], %concatenate3A_234 {strides = array<i32>} : memref<256x16xi32, #tpu.memory_space<vmem>>, vector<256x16xi32>,
    %mul3A = arith.constant 2048 : i32
    %mul3A_240 = vector.broadcast %mul3A : i32 to vector<256x1xi32>
    %mul3A_241 = arith.muli %broadcast_in_dim3A_6, %mul3A_240 : vector<256x1xi32>
    %add3A = vector.broadcast %mul3A_241 : vector<256x1xi32> to vector<256x16xi32>
    %add3A_242 = arith.addi %add3A, %concatenate3A_234 : vector<256x16xi32>
    %swap3A_243 = arith.constant 0 : index
    %swap3A_244 = arith.constant 0 : index
    %swap3A_245 = vector.load %arg4[%swap3A_243, %swap3A_244] : memref<256x240xi32, #tpu.memory_space<vmem>>, vector<256x16xi32>
    tpu.vector_store %arg4[%swap3A_243, %swap3A_244], %add3A_242 {strides = array<i32>} : memref<256x240xi32, #tpu.memory_space<vmem>>, vector<256x16xi32>,
    %mul3A_246 = arith.constant 2048 : i32
    %mul3A_247 = vector.broadcast %mul3A_246 : i32 to vector<256x1xi32>
    %mul3A_248 = arith.muli %broadcast_in_dim3A_21, %mul3A_247 : vector<256x1xi32>
    %add3A_249 = vector.broadcast %mul3A_248 : vector<256x1xi32> to vector<256x16xi32>
    %add3A_250 = arith.addi %add3A_249, %concatenate3A_234 : vector<256x16xi32>
    %swap3A_251 = arith.constant 0 : index
    %swap3A_252 = arith.constant 16 : index
    %swap3A_253 = vector.load %arg4[%swap3A_251, %swap3A_252] : memref<256x240xi32, #tpu.memory_space<vmem>>, vector<256x16xi32>
    tpu.vector_store %arg4[%swap3A_251, %swap3A_252], %add3A_250 {strides = array<i32>} : memref<256x240xi32, #tpu.memory_space<vmem>>, vector<256x16xi32>,
    %mul3A_254 = arith.constant 2048 : i32
    %mul3A_255 = vector.broadcast %mul3A_254 : i32 to vector<256x1xi32>
    %mul3A_256 = arith.muli %broadcast_in_dim3A_37, %mul3A_255 : vector<256x1xi32>
    %add3A_257 = vector.broadcast %mul3A_256 : vector<256x1xi32> to vector<256x16xi32>
    %add3A_258 = arith.addi %add3A_257, %concatenate3A_234 : vector<256x16xi32>
    %swap3A_259 = arith.constant 0 : index
    %swap3A_260 = arith.constant 32 : index
    %swap3A_261 = vector.load %arg4[%swap3A_259, %swap3A_260] : memref<256x240xi32, #tpu.memory_space<vmem>>, vector<256x16xi32>
    tpu.vector_store %arg4[%swap3A_259, %swap3A_260], %add3A_258 {strides = array<i32>} : memref<256x240xi32, #tpu.memory_space<vmem>>, vector<256x16xi32>,
    %mul3A_262 = arith.constant 2048 : i32
    %mul3A_263 = vector.broadcast %mul3A_262 : i32 to vector<256x1xi32>
    %mul3A_264 = arith.muli %broadcast_in_dim3A_53, %mul3A_263 : vector<256x1xi32>
    %add3A_265 = vector.broadcast %mul3A_264 : vector<256x1xi32> to vector<256x16xi32>
    %add3A_266 = arith.addi %add3A_265, %concatenate3A_234 : vector<256x16xi32>
    %swap3A_267 = arith.constant 0 : index
    %swap3A_268 = arith.constant 48 : index
    %swap3A_269 = vector.load %arg4[%swap3A_267, %swap3A_268] : memref<256x240xi32, #tpu.memory_space<vmem>>, vector<256x16xi32>
    tpu.vector_store %arg4[%swap3A_267, %swap3A_268], %add3A_266 {strides = array<i32>} : memref<256x240xi32, #tpu.memory_space<vmem>>, vector<256x16xi32>,
    %mul3A_270 = arith.constant 2048 : i32
    %mul3A_271 = vector.broadcast %mul3A_270 : i32 to vector<256x1xi32>
    %mul3A_272 = arith.muli %broadcast_in_dim3A_69, %mul3A_271 : vector<256x1xi32>
    %add3A_273 = vector.broadcast %mul3A_272 : vector<256x1xi32> to vector<256x16xi32>
    %add3A_274 = arith.addi %add3A_273, %concatenate3A_234 : vector<256x16xi32>
    %swap3A_275 = arith.constant 0 : index
    %swap3A_276 = arith.constant 64 : index
    %swap3A_277 = vector.load %arg4[%swap3A_275, %swap3A_276] : memref<256x240xi32, #tpu.memory_space<vmem>>, vector<256x16xi32>
    tpu.vector_store %arg4[%swap3A_275, %swap3A_276], %add3A_274 {strides = array<i32>} : memref<256x240xi32, #tpu.memory_space<vmem>>, vector<256x16xi32>,
    %mul3A_278 = arith.constant 2048 : i32
    %mul3A_279 = vector.broadcast %mul3A_278 : i32 to vector<256x1xi32>
    %mul3A_280 = arith.muli %broadcast_in_dim3A_85, %mul3A_279 : vector<256x1xi32>
    %add3A_281 = vector.broadcast %mul3A_280 : vector<256x1xi32> to vector<256x16xi32>
    %add3A_282 = arith.addi %add3A_281, %concatenate3A_234 : vector<256x16xi32>
    %swap3A_283 = arith.constant 0 : index
    %swap3A_284 = arith.constant 80 : index
    %swap3A_285 = vector.load %arg4[%swap3A_283, %swap3A_284] : memref<256x240xi32, #tpu.memory_space<vmem>>, vector<256x16xi32>
    tpu.vector_store %arg4[%swap3A_283, %swap3A_284], %add3A_282 {strides = array<i32>} : memref<256x240xi32, #tpu.memory_space<vmem>>, vector<256x16xi32>,
    %mul3A_286 = arith.constant 2048 : i32
    %mul3A_287 = vector.broadcast %mul3A_286 : i32 to vector<256x1xi32>
    %mul3A_288 = arith.muli %broadcast_in_dim3A_101, %mul3A_287 : vector<256x1xi32>
    %add3A_289 = vector.broadcast %mul3A_288 : vector<256x1xi32> to vector<256x16xi32>
    %add3A_290 = arith.addi %add3A_289, %concatenate3A_234 : vector<256x16xi32>
    %swap3A_291 = arith.constant 0 : index
    %swap3A_292 = arith.constant 96 : index
    %swap3A_293 = vector.load %arg4[%swap3A_291, %swap3A_292] : memref<256x240xi32, #tpu.memory_space<vmem>>, vector<256x16xi32>
    tpu.vector_store %arg4[%swap3A_291, %swap3A_292], %add3A_290 {strides = array<i32>} : memref<256x240xi32, #tpu.memory_space<vmem>>, vector<256x16xi32>,
    %mul3A_294 = arith.constant 2048 : i32
    %mul3A_295 = vector.broadcast %mul3A_294 : i32 to vector<256x1xi32>
    %mul3A_296 = arith.muli %broadcast_in_dim3A_117, %mul3A_295 : vector<256x1xi32>
    %add3A_297 = vector.broadcast %mul3A_296 : vector<256x1xi32> to vector<256x16xi32>
    %add3A_298 = arith.addi %add3A_297, %concatenate3A_234 : vector<256x16xi32>
    %swap3A_299 = arith.constant 0 : index
    %swap3A_300 = arith.constant 112 : index
    %swap3A_301 = vector.load %arg4[%swap3A_299, %swap3A_300] : memref<256x240xi32, #tpu.memory_space<vmem>>, vector<256x16xi32>
    tpu.vector_store %arg4[%swap3A_299, %swap3A_300], %add3A_298 {strides = array<i32>} : memref<256x240xi32, #tpu.memory_space<vmem>>, vector<256x16xi32>,
    %mul3A_302 = arith.constant 2048 : i32
    %mul3A_303 = vector.broadcast %mul3A_302 : i32 to vector<256x1xi32>
    %mul3A_304 = arith.muli %broadcast_in_dim3A_133, %mul3A_303 : vector<256x1xi32>
    %add3A_305 = vector.broadcast %mul3A_304 : vector<256x1xi32> to vector<256x16xi32>
    %add3A_306 = arith.addi %add3A_305, %concatenate3A_234 : vector<256x16xi32>
    %swap3A_307 = arith.constant 0 : index
    %swap3A_308 = arith.constant 128 : index
    %swap3A_309 = vector.load %arg4[%swap3A_307, %swap3A_308] : memref<256x240xi32, #tpu.memory_space<vmem>>, vector<256x16xi32>
    tpu.vector_store %arg4[%swap3A_307, %swap3A_308], %add3A_306 {strides = array<i32>} : memref<256x240xi32, #tpu.memory_space<vmem>>, vector<256x16xi32>,
    %mul3A_310 = arith.constant 2048 : i32
    %mul3A_311 = vector.broadcast %mul3A_310 : i32 to vector<256x1xi32>
    %mul3A_312 = arith.muli %broadcast_in_dim3A_149, %mul3A_311 : vector<256x1xi32>
    %add3A_313 = vector.broadcast %mul3A_312 : vector<256x1xi32> to vector<256x16xi32>
    %add3A_314 = arith.addi %add3A_313, %concatenate3A_234 : vector<256x16xi32>
    %swap3A_315 = arith.constant 0 : index
    %swap3A_316 = arith.constant 144 : index
    %swap3A_317 = vector.load %arg4[%swap3A_315, %swap3A_316] : memref<256x240xi32, #tpu.memory_space<vmem>>, vector<256x16xi32>
    tpu.vector_store %arg4[%swap3A_315, %swap3A_316], %add3A_314 {strides = array<i32>} : memref<256x240xi32, #tpu.memory_space<vmem>>, vector<256x16xi32>,
    %mul3A_318 = arith.constant 2048 : i32
    %mul3A_319 = vector.broadcast %mul3A_318 : i32 to vector<256x1xi32>
    %mul3A_320 = arith.muli %broadcast_in_dim3A_165, %mul3A_319 : vector<256x1xi32>
    %add3A_321 = vector.broadcast %mul3A_320 : vector<256x1xi32> to vector<256x16xi32>
    %add3A_322 = arith.addi %add3A_321, %concatenate3A_234 : vector<256x16xi32>
    %swap3A_323 = arith.constant 0 : index
    %swap3A_324 = arith.constant 160 : index
    %swap3A_325 = vector.load %arg4[%swap3A_323, %swap3A_324] : memref<256x240xi32, #tpu.memory_space<vmem>>, vector<256x16xi32>
    tpu.vector_store %arg4[%swap3A_323, %swap3A_324], %add3A_322 {strides = array<i32>} : memref<256x240xi32, #tpu.memory_space<vmem>>, vector<256x16xi32>,
    %mul3A_326 = arith.constant 2048 : i32
    %mul3A_327 = vector.broadcast %mul3A_326 : i32 to vector<256x1xi32>
    %mul3A_328 = arith.muli %broadcast_in_dim3A_181, %mul3A_327 : vector<256x1xi32>
    %add3A_329 = vector.broadcast %mul3A_328 : vector<256x1xi32> to vector<256x16xi32>
    %add3A_330 = arith.addi %add3A_329, %concatenate3A_234 : vector<256x16xi32>
    %swap3A_331 = arith.constant 0 : index
    %swap3A_332 = arith.constant 176 : index
    %swap3A_333 = vector.load %arg4[%swap3A_331, %swap3A_332] : memref<256x240xi32, #tpu.memory_space<vmem>>, vector<256x16xi32>
    tpu.vector_store %arg4[%swap3A_331, %swap3A_332], %add3A_330 {strides = array<i32>} : memref<256x240xi32, #tpu.memory_space<vmem>>, vector<256x16xi32>,
    %mul3A_334 = arith.constant 2048 : i32
    %mul3A_335 = vector.broadcast %mul3A_334 : i32 to vector<256x1xi32>
    %mul3A_336 = arith.muli %broadcast_in_dim3A_197, %mul3A_335 : vector<256x1xi32>
    %add3A_337 = vector.broadcast %mul3A_336 : vector<256x1xi32> to vector<256x16xi32>
    %add3A_338 = arith.addi %add3A_337, %concatenate3A_234 : vector<256x16xi32>
    %swap3A_339 = arith.constant 0 : index
    %swap3A_340 = arith.constant 192 : index
    %swap3A_341 = vector.load %arg4[%swap3A_339, %swap3A_340] : memref<256x240xi32, #tpu.memory_space<vmem>>, vector<256x16xi32>
    tpu.vector_store %arg4[%swap3A_339, %swap3A_340], %add3A_338 {strides = array<i32>} : memref<256x240xi32, #tpu.memory_space<vmem>>, vector<256x16xi32>,
    %mul3A_342 = arith.constant 2048 : i32
    %mul3A_343 = vector.broadcast %mul3A_342 : i32 to vector<256x1xi32>
    %mul3A_344 = arith.muli %broadcast_in_dim3A_213, %mul3A_343 : vector<256x1xi32>
    %add3A_345 = vector.broadcast %mul3A_344 : vector<256x1xi32> to vector<256x16xi32>
    %add3A_346 = arith.addi %add3A_345, %concatenate3A_234 : vector<256x16xi32>
    %swap3A_347 = arith.constant 0 : index
    %swap3A_348 = arith.constant 208 : index
    %swap3A_349 = vector.load %arg4[%swap3A_347, %swap3A_348] : memref<256x240xi32, #tpu.memory_space<vmem>>, vector<256x16xi32>
    tpu.vector_store %arg4[%swap3A_347, %swap3A_348], %add3A_346 {strides = array<i32>} : memref<256x240xi32, #tpu.memory_space<vmem>>, vector<256x16xi32>,
    %mul3A_350 = arith.constant 2048 : i32
    %mul3A_351 = vector.broadcast %mul3A_350 : i32 to vector<256x1xi32>
    %mul3A_352 = arith.muli %broadcast_in_dim3A_229, %mul3A_351 : vector<256x1xi32>
    %add3A_353 = vector.broadcast %mul3A_352 : vector<256x1xi32> to vector<256x16xi32>
    %add3A_354 = arith.addi %add3A_353, %concatenate3A_234 : vector<256x16xi32>
    %swap3A_355 = arith.constant 0 : index
    %swap3A_356 = arith.constant 224 : index
    %swap3A_357 = vector.load %arg4[%swap3A_355, %swap3A_356] : memref<256x240xi32, #tpu.memory_space<vmem>>, vector<256x16xi32>
    tpu.vector_store %arg4[%swap3A_355, %swap3A_356], %add3A_354 {strides = array<i32>} : memref<256x240xi32, #tpu.memory_space<vmem>>, vector<256x16xi32>,
    return
  }
  func.func @transform_0(%arg0: i32) -> (i32, i32) {
    %add3A = arith.constant 0 : i32
    %add3A_0 = arith.addi %arg0, %add3A : i32
    %c0_i32 = arith.constant 0 : i32
    %c0_i32_1 = arith.constant 0 : i32
    return %add3A_0, %c0_i32 : i32, i32
  }
  func.func @transform_1(%arg0: i32) -> (i32, i32) {
    %c0_i32 = arith.constant 0 : i32
    %c0_i32_0 = arith.constant 0 : i32
    return %arg0, %c0_i32 : i32, i32
  }
  func.func @transform_2(%arg0: i32) -> (i32, i32) {
    %c0_i32 = arith.constant 0 : i32
    %c0_i32_0 = arith.constant 0 : i32
    return %arg0, %c0_i32 : i32, i32
  }
  func.func @transform_3(%arg0: i32) -> (i32, i32) {
    %c0_i32 = arith.constant 0 : i32
    %c0_i32_0 = arith.constant 0 : i32
    return %arg0, %c0_i32 : i32, i32
  }
}

module attributes {stable_mosaic.version = 14 : i64} {
  func.func @_pal_body(%arg0: memref<1024x256xf32, #tpu.memory_space<vmem>>, %arg1: memref<1024x1024xf32, #tpu.memory_space<vmem>>, %arg2: memref<256x1024xf32, #tpu.memory_space<vmem>>) attributes {dimension_semantics = [], scalar_prefetch = 0 : i64, scratch_operands = 0 : i64, tpu.core_type = #tpu.core_type<tc>} {
    %get3A = arith.constant 0 : index
    %get3A_0 = arith.constant 0 : index
    %get3A_1 = vector.load %arg0[%get3A, %get3A_0] : memref<1024x256xf32, #tpu.memory_space<vmem>>, vector<1024x256xf32>
    %convert_element_type3A = arith.truncf %get3A_1 : vector<1024x256xf32> to vector<1024x256xbf16>
    %get3A_2 = arith.constant 0 : index
    %get3A_3 = arith.constant 0 : index
    %get3A_4 = vector.load %arg1[%get3A_2, %get3A_3] : memref<1024x1024xf32, #tpu.memory_space<vmem>>, vector<1024x1024xf32>
    %convert_element_type3A_5 = arith.truncf %get3A_4 : vector<1024x1024xf32> to vector<1024x1024xbf16>
    %dot_general3A = arith.constant dense<0.000000e+00> : vector<256x1024xf32>
    %dot_general3A_6 = tpu.matmul %convert_element_type3A, %convert_element_type3A_5, %dot_general3A {dimension_numbers = #tpu.dot_dimension_numbers<[0], [0], [1], [1], [0, 1, 1, 1], [], []>, transpose_lhs_hint = false} : vector<1024x256xbf16>, vector<1024x1024xbf16>, vector<256x1024xf32> -> vector<256x1024xf32>
    %swap3A = arith.constant 0 : index
    %swap3A_7 = arith.constant 0 : index
    %swap3A_8 = vector.load %arg2[%swap3A, %swap3A_7] : memref<256x1024xf32, #tpu.memory_space<vmem>>, vector<256x1024xf32>
    tpu.vector_store %arg2[%swap3A, %swap3A_7], %dot_general3A_6 {strides = array<i32>} : memref<256x1024xf32, #tpu.memory_space<vmem>>, vector<256x1024xf32>,
    return
  }
}

module attributes {stable_mosaic.version = 14 : i64} {
  func.func @_mega_body(%arg0: i32, %arg1: memref<256x16xf32, #tpu.memory_space<vmem>>, %arg2: memref<256x16xi32, #tpu.memory_space<vmem>>, %arg3: memref<256x1xf32, #tpu.memory_space<vmem>>, %arg4: memref<256x16xf32, #tpu.memory_space<vmem>>, %arg5: memref<256x240xf32, #tpu.memory_space<vmem>>, %arg6: memref<480x960xf32, #tpu.memory_space<vmem>>, %arg7: memref<1x960xf32, #tpu.memory_space<vmem>>, %arg8: memref<960x960xf32, #tpu.memory_space<vmem>>, %arg9: memref<1x960xf32, #tpu.memory_space<vmem>>, %arg10: memref<960x48xf32, #tpu.memory_space<vmem>>, %arg11: memref<1x48xf32, #tpu.memory_space<vmem>>, %arg12: memref<256x1024xf32, #tpu.memory_space<vmem>>, %arg13: memref<256x1024xf32, #tpu.memory_space<vmem>>) attributes {dimension_semantics = [#tpu.dimension_semantics<arbitrary>], iteration_bounds = array<i64: 8>, scalar_prefetch = 0 : i64, scratch_operands = 0 : i64, tpu.core_type = #tpu.core_type<tc>, window_params = [{transform_indices = @transform_0, window_bounds = array<i64: 256, 16>}, {transform_indices = @transform_1, window_bounds = array<i64: 256, 16>}, {transform_indices = @transform_2, window_bounds = array<i64: 256, 1>}, {transform_indices = @transform_3, window_bounds = array<i64: 256, 16>}, {transform_indices = @transform_4, window_bounds = array<i64: 256, 240>}, {pipeline_mode = #tpu.pipeline_mode<synchronous>, transform_indices = @transform_5, window_bounds = array<i64: 480, 960>}, {pipeline_mode = #tpu.pipeline_mode<synchronous>, transform_indices = @transform_6, window_bounds = array<i64: 1, 960>}, {pipeline_mode = #tpu.pipeline_mode<synchronous>, transform_indices = @transform_7, window_bounds = array<i64: 960, 960>}, {pipeline_mode = #tpu.pipeline_mode<synchronous>, transform_indices = @transform_8, window_bounds = array<i64: 1, 960>}, {pipeline_mode = #tpu.pipeline_mode<synchronous>, transform_indices = @transform_9, window_bounds = array<i64: 960, 48>}, {pipeline_mode = #tpu.pipeline_mode<synchronous>, transform_indices = @transform_10, window_bounds = array<i64: 1, 48>}, {pipeline_mode = #tpu.pipeline_mode<synchronous>, transform_indices = @transform_11, window_bounds = array<i64: 256, 1024>}, {transform_indices = @transform_12, window_bounds = array<i64: 256, 1024>}]} {
    %iota3A = tpu.iota {dimensions = array<i32: 0>} : vector<256x1xi32>
    %mul3A = arith.constant 256 : i32
    %mul3A_0 = arith.muli %arg0, %mul3A : i32
    %add3A = vector.broadcast %mul3A_0 : i32 to vector<256x1xi32>
    %add3A_1 = arith.addi %iota3A, %add3A : vector<256x1xi32>
    %iota3A_2 = tpu.iota {dimensions = array<i32: 1>} : vector<256x16xi32>
    %le3A = vector.broadcast %add3A_1 : vector<256x1xi32> to vector<256x16xi32>
    %le3A_3 = arith.cmpi sle, %iota3A_2, %le3A : vector<256x16xi32>
    %lt3A = arith.constant 15 : i32
    %lt3A_4 = vector.broadcast %lt3A : i32 to vector<256x16xi32>
    %lt3A_5 = arith.cmpi slt, %iota3A_2, %lt3A_4 : vector<256x16xi32>
    %and3A = arith.andi %le3A_3, %lt3A_5 : vector<256x16xi1>
    %convert_element_type3A = arith.extui %and3A : vector<256x16xi1> to vector<256x16xi32>
    %convert_element_type3A_6 = arith.sitofp %convert_element_type3A : vector<256x16xi32> to vector<256x16xf32>
    %get3A = arith.constant 0 : index
    %get3A_7 = arith.constant 0 : index
    %get3A_8 = vector.load %arg1[%get3A, %get3A_7] : memref<256x16xf32, #tpu.memory_space<vmem>>, vector<256x16xf32>
    %get3A_9 = arith.constant 0 : index
    %get3A_10 = arith.constant 0 : index
    %get3A_11 = vector.load %arg2[%get3A_9, %get3A_10] : memref<256x16xi32, #tpu.memory_space<vmem>>, vector<256x16xi32>
    %get3A_12 = arith.constant 0 : index
    %get3A_13 = arith.constant 0 : index
    %get3A_14 = vector.load %arg3[%get3A_12, %get3A_13] : memref<256x1xf32, #tpu.memory_space<vmem>>, vector<256x1xf32>
    %get3A_15 = arith.constant 0 : index
    %get3A_16 = arith.constant 0 : index
    %get3A_17 = vector.load %arg4[%get3A_15, %get3A_16] : memref<256x16xf32, #tpu.memory_space<vmem>>, vector<256x16xf32>
    %mul3A_18 = arith.constant 3.200000e+01 : f32
    %mul3A_19 = vector.broadcast %mul3A_18 : f32 to vector<256x16xf32>
    %mul3A_20 = arith.mulf %get3A_8, %mul3A_19 : vector<256x16xf32>
    %mul3A_21 = vector.broadcast %get3A_14 : vector<256x1xf32> to vector<256x16xf32>
    %mul3A_22 = arith.mulf %mul3A_21, %get3A_17 : vector<256x16xf32>
    %div3A = arith.divf %mul3A_20, %mul3A_22 : vector<256x16xf32>
    %jit3A = arith.constant -1.000000e+00 : f32
    %jit3A_23 = arith.constant 1.000000e+00 : f32
    %max3A = vector.broadcast %jit3A : f32 to vector<256x16xf32>
    %max3A_24 = arith.maximumf %max3A, %div3A : vector<256x16xf32>
    %min3A = vector.broadcast %jit3A_23 : f32 to vector<256x16xf32>
    %min3A_25 = arith.minimumf %min3A, %max3A_24 : vector<256x16xf32>
    %mul3A_26 = arith.mulf %min3A_25, %convert_element_type3A_6 : vector<256x16xf32>
    %sub3A = vector.broadcast %add3A_1 : vector<256x1xi32> to vector<256x16xi32>
    %sub3A_27 = arith.subi %sub3A, %get3A_11 : vector<256x16xi32>
    %convert_element_type3A_28 = arith.sitofp %sub3A_27 : vector<256x16xi32> to vector<256x16xf32>
    %max3A_29 = arith.constant 0.000000e+00 : f32
    %max3A_30 = vector.broadcast %max3A_29 : f32 to vector<256x16xf32>
    %max3A_31 = arith.maximumf %convert_element_type3A_28, %max3A_30 : vector<256x16xf32>
    %mul3A_32 = arith.constant 4.8828125E-4 : f32
    %mul3A_33 = vector.broadcast %mul3A_32 : f32 to vector<256x16xf32>
    %mul3A_34 = arith.mulf %max3A_31, %mul3A_33 : vector<256x16xf32>
    %mul3A_35 = arith.mulf %mul3A_34, %convert_element_type3A_6 : vector<256x16xf32>
    %broadcast_in_dim3A = arith.constant 0.000000e+00 : f32
    %broadcast_in_dim3A_36 = vector.broadcast %broadcast_in_dim3A : f32 to vector<256x15xf32>
    %get3A_37 = arith.constant 0 : index
    %get3A_38 = arith.constant 0 : index
    %get3A_39 = vector.load %arg5[%get3A_37, %get3A_38] : memref<256x240xf32, #tpu.memory_space<vmem>>, vector<256x16xf32>
    %jit3A_40 = arith.constant -1.000000e+00 : f32
    %jit3A_41 = arith.constant 1.000000e+00 : f32
    %max3A_42 = vector.broadcast %jit3A_40 : f32 to vector<256x16xf32>
    %max3A_43 = arith.maximumf %max3A_42, %get3A_39 : vector<256x16xf32>
    %min3A_44 = vector.broadcast %jit3A_41 : f32 to vector<256x16xf32>
    %min3A_45 = arith.minimumf %min3A_44, %max3A_43 : vector<256x16xf32>
    %slice3A = vector.extract_strided_slice %convert_element_type3A_6 {offsets = [0, 0], sizes = [256, 1], strides = [1, 1]} : vector<256x16xf32> to vector<256x1xf32>
    %mul3A_46 = vector.broadcast %slice3A : vector<256x1xf32> to vector<256x16xf32>
    %mul3A_47 = arith.mulf %min3A_45, %mul3A_46 : vector<256x16xf32>
    %mul3A_48 = arith.mulf %mul3A_47, %convert_element_type3A_6 : vector<256x16xf32>
    %slice3A_49 = vector.extract_strided_slice %mul3A_48 {offsets = [0, 0], sizes = [256, 15], strides = [1, 1]} : vector<256x16xf32> to vector<256x15xf32>
    %slice3A_50 = vector.extract_strided_slice %mul3A_26 {offsets = [0, 0], sizes = [256, 1], strides = [1, 1]} : vector<256x16xf32> to vector<256x1xf32>
    %slice3A_51 = vector.extract_strided_slice %mul3A_35 {offsets = [0, 0], sizes = [256, 1], strides = [1, 1]} : vector<256x16xf32> to vector<256x1xf32>
    %concatenate3A = tpu.concatenate %slice3A_49, %slice3A_50, %slice3A_51, %broadcast_in_dim3A_36 in 1 : vector<256x15xf32>, vector<256x1xf32>, vector<256x1xf32>, vector<256x15xf32> -> vector<256x32xf32>
    %get3A_52 = arith.constant 0 : index
    %get3A_53 = arith.constant 16 : index
    %get3A_54 = vector.load %arg5[%get3A_52, %get3A_53] : memref<256x240xf32, #tpu.memory_space<vmem>>, vector<256x16xf32>
    %jit3A_55 = arith.constant -1.000000e+00 : f32
    %jit3A_56 = arith.constant 1.000000e+00 : f32
    %max3A_57 = vector.broadcast %jit3A_55 : f32 to vector<256x16xf32>
    %max3A_58 = arith.maximumf %max3A_57, %get3A_54 : vector<256x16xf32>
    %min3A_59 = vector.broadcast %jit3A_56 : f32 to vector<256x16xf32>
    %min3A_60 = arith.minimumf %min3A_59, %max3A_58 : vector<256x16xf32>
    %slice3A_61 = vector.extract_strided_slice %convert_element_type3A_6 {offsets = [0, 1], sizes = [256, 1], strides = [1, 1]} : vector<256x16xf32> to vector<256x1xf32>
    %mul3A_62 = vector.broadcast %slice3A_61 : vector<256x1xf32> to vector<256x16xf32>
    %mul3A_63 = arith.mulf %min3A_60, %mul3A_62 : vector<256x16xf32>
    %mul3A_64 = arith.mulf %mul3A_63, %convert_element_type3A_6 : vector<256x16xf32>
    %slice3A_65 = vector.extract_strided_slice %mul3A_64 {offsets = [0, 0], sizes = [256, 15], strides = [1, 1]} : vector<256x16xf32> to vector<256x15xf32>
    %slice3A_66 = vector.extract_strided_slice %mul3A_26 {offsets = [0, 1], sizes = [256, 1], strides = [1, 1]} : vector<256x16xf32> to vector<256x1xf32>
    %slice3A_67 = vector.extract_strided_slice %mul3A_35 {offsets = [0, 1], sizes = [256, 1], strides = [1, 1]} : vector<256x16xf32> to vector<256x1xf32>
    %concatenate3A_68 = tpu.concatenate %slice3A_65, %slice3A_66, %slice3A_67, %broadcast_in_dim3A_36 in 1 : vector<256x15xf32>, vector<256x1xf32>, vector<256x1xf32>, vector<256x15xf32> -> vector<256x32xf32>
    %get3A_69 = arith.constant 0 : index
    %get3A_70 = arith.constant 32 : index
    %get3A_71 = vector.load %arg5[%get3A_69, %get3A_70] : memref<256x240xf32, #tpu.memory_space<vmem>>, vector<256x16xf32>
    %jit3A_72 = arith.constant -1.000000e+00 : f32
    %jit3A_73 = arith.constant 1.000000e+00 : f32
    %max3A_74 = vector.broadcast %jit3A_72 : f32 to vector<256x16xf32>
    %max3A_75 = arith.maximumf %max3A_74, %get3A_71 : vector<256x16xf32>
    %min3A_76 = vector.broadcast %jit3A_73 : f32 to vector<256x16xf32>
    %min3A_77 = arith.minimumf %min3A_76, %max3A_75 : vector<256x16xf32>
    %slice3A_78 = vector.extract_strided_slice %convert_element_type3A_6 {offsets = [0, 2], sizes = [256, 1], strides = [1, 1]} : vector<256x16xf32> to vector<256x1xf32>
    %mul3A_79 = vector.broadcast %slice3A_78 : vector<256x1xf32> to vector<256x16xf32>
    %mul3A_80 = arith.mulf %min3A_77, %mul3A_79 : vector<256x16xf32>
    %mul3A_81 = arith.mulf %mul3A_80, %convert_element_type3A_6 : vector<256x16xf32>
    %slice3A_82 = vector.extract_strided_slice %mul3A_81 {offsets = [0, 0], sizes = [256, 15], strides = [1, 1]} : vector<256x16xf32> to vector<256x15xf32>
    %slice3A_83 = vector.extract_strided_slice %mul3A_26 {offsets = [0, 2], sizes = [256, 1], strides = [1, 1]} : vector<256x16xf32> to vector<256x1xf32>
    %slice3A_84 = vector.extract_strided_slice %mul3A_35 {offsets = [0, 2], sizes = [256, 1], strides = [1, 1]} : vector<256x16xf32> to vector<256x1xf32>
    %concatenate3A_85 = tpu.concatenate %slice3A_82, %slice3A_83, %slice3A_84, %broadcast_in_dim3A_36 in 1 : vector<256x15xf32>, vector<256x1xf32>, vector<256x1xf32>, vector<256x15xf32> -> vector<256x32xf32>
    %get3A_86 = arith.constant 0 : index
    %get3A_87 = arith.constant 48 : index
    %get3A_88 = vector.load %arg5[%get3A_86, %get3A_87] : memref<256x240xf32, #tpu.memory_space<vmem>>, vector<256x16xf32>
    %jit3A_89 = arith.constant -1.000000e+00 : f32
    %jit3A_90 = arith.constant 1.000000e+00 : f32
    %max3A_91 = vector.broadcast %jit3A_89 : f32 to vector<256x16xf32>
    %max3A_92 = arith.maximumf %max3A_91, %get3A_88 : vector<256x16xf32>
    %min3A_93 = vector.broadcast %jit3A_90 : f32 to vector<256x16xf32>
    %min3A_94 = arith.minimumf %min3A_93, %max3A_92 : vector<256x16xf32>
    %slice3A_95 = vector.extract_strided_slice %convert_element_type3A_6 {offsets = [0, 3], sizes = [256, 1], strides = [1, 1]} : vector<256x16xf32> to vector<256x1xf32>
    %mul3A_96 = vector.broadcast %slice3A_95 : vector<256x1xf32> to vector<256x16xf32>
    %mul3A_97 = arith.mulf %min3A_94, %mul3A_96 : vector<256x16xf32>
    %mul3A_98 = arith.mulf %mul3A_97, %convert_element_type3A_6 : vector<256x16xf32>
    %slice3A_99 = vector.extract_strided_slice %mul3A_98 {offsets = [0, 0], sizes = [256, 15], strides = [1, 1]} : vector<256x16xf32> to vector<256x15xf32>
    %slice3A_100 = vector.extract_strided_slice %mul3A_26 {offsets = [0, 3], sizes = [256, 1], strides = [1, 1]} : vector<256x16xf32> to vector<256x1xf32>
    %slice3A_101 = vector.extract_strided_slice %mul3A_35 {offsets = [0, 3], sizes = [256, 1], strides = [1, 1]} : vector<256x16xf32> to vector<256x1xf32>
    %concatenate3A_102 = tpu.concatenate %slice3A_99, %slice3A_100, %slice3A_101, %broadcast_in_dim3A_36 in 1 : vector<256x15xf32>, vector<256x1xf32>, vector<256x1xf32>, vector<256x15xf32> -> vector<256x32xf32>
    %get3A_103 = arith.constant 0 : index
    %get3A_104 = arith.constant 64 : index
    %get3A_105 = vector.load %arg5[%get3A_103, %get3A_104] : memref<256x240xf32, #tpu.memory_space<vmem>>, vector<256x16xf32>
    %jit3A_106 = arith.constant -1.000000e+00 : f32
    %jit3A_107 = arith.constant 1.000000e+00 : f32
    %max3A_108 = vector.broadcast %jit3A_106 : f32 to vector<256x16xf32>
    %max3A_109 = arith.maximumf %max3A_108, %get3A_105 : vector<256x16xf32>
    %min3A_110 = vector.broadcast %jit3A_107 : f32 to vector<256x16xf32>
    %min3A_111 = arith.minimumf %min3A_110, %max3A_109 : vector<256x16xf32>
    %slice3A_112 = vector.extract_strided_slice %convert_element_type3A_6 {offsets = [0, 4], sizes = [256, 1], strides = [1, 1]} : vector<256x16xf32> to vector<256x1xf32>
    %mul3A_113 = vector.broadcast %slice3A_112 : vector<256x1xf32> to vector<256x16xf32>
    %mul3A_114 = arith.mulf %min3A_111, %mul3A_113 : vector<256x16xf32>
    %mul3A_115 = arith.mulf %mul3A_114, %convert_element_type3A_6 : vector<256x16xf32>
    %slice3A_116 = vector.extract_strided_slice %mul3A_115 {offsets = [0, 0], sizes = [256, 15], strides = [1, 1]} : vector<256x16xf32> to vector<256x15xf32>
    %slice3A_117 = vector.extract_strided_slice %mul3A_26 {offsets = [0, 4], sizes = [256, 1], strides = [1, 1]} : vector<256x16xf32> to vector<256x1xf32>
    %slice3A_118 = vector.extract_strided_slice %mul3A_35 {offsets = [0, 4], sizes = [256, 1], strides = [1, 1]} : vector<256x16xf32> to vector<256x1xf32>
    %concatenate3A_119 = tpu.concatenate %slice3A_116, %slice3A_117, %slice3A_118, %broadcast_in_dim3A_36 in 1 : vector<256x15xf32>, vector<256x1xf32>, vector<256x1xf32>, vector<256x15xf32> -> vector<256x32xf32>
    %get3A_120 = arith.constant 0 : index
    %get3A_121 = arith.constant 80 : index
    %get3A_122 = vector.load %arg5[%get3A_120, %get3A_121] : memref<256x240xf32, #tpu.memory_space<vmem>>, vector<256x16xf32>
    %jit3A_123 = arith.constant -1.000000e+00 : f32
    %jit3A_124 = arith.constant 1.000000e+00 : f32
    %max3A_125 = vector.broadcast %jit3A_123 : f32 to vector<256x16xf32>
    %max3A_126 = arith.maximumf %max3A_125, %get3A_122 : vector<256x16xf32>
    %min3A_127 = vector.broadcast %jit3A_124 : f32 to vector<256x16xf32>
    %min3A_128 = arith.minimumf %min3A_127, %max3A_126 : vector<256x16xf32>
    %slice3A_129 = vector.extract_strided_slice %convert_element_type3A_6 {offsets = [0, 5], sizes = [256, 1], strides = [1, 1]} : vector<256x16xf32> to vector<256x1xf32>
    %mul3A_130 = vector.broadcast %slice3A_129 : vector<256x1xf32> to vector<256x16xf32>
    %mul3A_131 = arith.mulf %min3A_128, %mul3A_130 : vector<256x16xf32>
    %mul3A_132 = arith.mulf %mul3A_131, %convert_element_type3A_6 : vector<256x16xf32>
    %slice3A_133 = vector.extract_strided_slice %mul3A_132 {offsets = [0, 0], sizes = [256, 15], strides = [1, 1]} : vector<256x16xf32> to vector<256x15xf32>
    %slice3A_134 = vector.extract_strided_slice %mul3A_26 {offsets = [0, 5], sizes = [256, 1], strides = [1, 1]} : vector<256x16xf32> to vector<256x1xf32>
    %slice3A_135 = vector.extract_strided_slice %mul3A_35 {offsets = [0, 5], sizes = [256, 1], strides = [1, 1]} : vector<256x16xf32> to vector<256x1xf32>
    %concatenate3A_136 = tpu.concatenate %slice3A_133, %slice3A_134, %slice3A_135, %broadcast_in_dim3A_36 in 1 : vector<256x15xf32>, vector<256x1xf32>, vector<256x1xf32>, vector<256x15xf32> -> vector<256x32xf32>
    %get3A_137 = arith.constant 0 : index
    %get3A_138 = arith.constant 96 : index
    %get3A_139 = vector.load %arg5[%get3A_137, %get3A_138] : memref<256x240xf32, #tpu.memory_space<vmem>>, vector<256x16xf32>
    %jit3A_140 = arith.constant -1.000000e+00 : f32
    %jit3A_141 = arith.constant 1.000000e+00 : f32
    %max3A_142 = vector.broadcast %jit3A_140 : f32 to vector<256x16xf32>
    %max3A_143 = arith.maximumf %max3A_142, %get3A_139 : vector<256x16xf32>
    %min3A_144 = vector.broadcast %jit3A_141 : f32 to vector<256x16xf32>
    %min3A_145 = arith.minimumf %min3A_144, %max3A_143 : vector<256x16xf32>
    %slice3A_146 = vector.extract_strided_slice %convert_element_type3A_6 {offsets = [0, 6], sizes = [256, 1], strides = [1, 1]} : vector<256x16xf32> to vector<256x1xf32>
    %mul3A_147 = vector.broadcast %slice3A_146 : vector<256x1xf32> to vector<256x16xf32>
    %mul3A_148 = arith.mulf %min3A_145, %mul3A_147 : vector<256x16xf32>
    %mul3A_149 = arith.mulf %mul3A_148, %convert_element_type3A_6 : vector<256x16xf32>
    %slice3A_150 = vector.extract_strided_slice %mul3A_149 {offsets = [0, 0], sizes = [256, 15], strides = [1, 1]} : vector<256x16xf32> to vector<256x15xf32>
    %slice3A_151 = vector.extract_strided_slice %mul3A_26 {offsets = [0, 6], sizes = [256, 1], strides = [1, 1]} : vector<256x16xf32> to vector<256x1xf32>
    %slice3A_152 = vector.extract_strided_slice %mul3A_35 {offsets = [0, 6], sizes = [256, 1], strides = [1, 1]} : vector<256x16xf32> to vector<256x1xf32>
    %concatenate3A_153 = tpu.concatenate %slice3A_150, %slice3A_151, %slice3A_152, %broadcast_in_dim3A_36 in 1 : vector<256x15xf32>, vector<256x1xf32>, vector<256x1xf32>, vector<256x15xf32> -> vector<256x32xf32>
    %get3A_154 = arith.constant 0 : index
    %get3A_155 = arith.constant 112 : index
    %get3A_156 = vector.load %arg5[%get3A_154, %get3A_155] : memref<256x240xf32, #tpu.memory_space<vmem>>, vector<256x16xf32>
    %jit3A_157 = arith.constant -1.000000e+00 : f32
    %jit3A_158 = arith.constant 1.000000e+00 : f32
    %max3A_159 = vector.broadcast %jit3A_157 : f32 to vector<256x16xf32>
    %max3A_160 = arith.maximumf %max3A_159, %get3A_156 : vector<256x16xf32>
    %min3A_161 = vector.broadcast %jit3A_158 : f32 to vector<256x16xf32>
    %min3A_162 = arith.minimumf %min3A_161, %max3A_160 : vector<256x16xf32>
    %slice3A_163 = vector.extract_strided_slice %convert_element_type3A_6 {offsets = [0, 7], sizes = [256, 1], strides = [1, 1]} : vector<256x16xf32> to vector<256x1xf32>
    %mul3A_164 = vector.broadcast %slice3A_163 : vector<256x1xf32> to vector<256x16xf32>
    %mul3A_165 = arith.mulf %min3A_162, %mul3A_164 : vector<256x16xf32>
    %mul3A_166 = arith.mulf %mul3A_165, %convert_element_type3A_6 : vector<256x16xf32>
    %slice3A_167 = vector.extract_strided_slice %mul3A_166 {offsets = [0, 0], sizes = [256, 15], strides = [1, 1]} : vector<256x16xf32> to vector<256x15xf32>
    %slice3A_168 = vector.extract_strided_slice %mul3A_26 {offsets = [0, 7], sizes = [256, 1], strides = [1, 1]} : vector<256x16xf32> to vector<256x1xf32>
    %slice3A_169 = vector.extract_strided_slice %mul3A_35 {offsets = [0, 7], sizes = [256, 1], strides = [1, 1]} : vector<256x16xf32> to vector<256x1xf32>
    %concatenate3A_170 = tpu.concatenate %slice3A_167, %slice3A_168, %slice3A_169, %broadcast_in_dim3A_36 in 1 : vector<256x15xf32>, vector<256x1xf32>, vector<256x1xf32>, vector<256x15xf32> -> vector<256x32xf32>
    %get3A_171 = arith.constant 0 : index
    %get3A_172 = arith.constant 128 : index
    %get3A_173 = vector.load %arg5[%get3A_171, %get3A_172] : memref<256x240xf32, #tpu.memory_space<vmem>>, vector<256x16xf32>
    %jit3A_174 = arith.constant -1.000000e+00 : f32
    %jit3A_175 = arith.constant 1.000000e+00 : f32
    %max3A_176 = vector.broadcast %jit3A_174 : f32 to vector<256x16xf32>
    %max3A_177 = arith.maximumf %max3A_176, %get3A_173 : vector<256x16xf32>
    %min3A_178 = vector.broadcast %jit3A_175 : f32 to vector<256x16xf32>
    %min3A_179 = arith.minimumf %min3A_178, %max3A_177 : vector<256x16xf32>
    %slice3A_180 = vector.extract_strided_slice %convert_element_type3A_6 {offsets = [0, 8], sizes = [256, 1], strides = [1, 1]} : vector<256x16xf32> to vector<256x1xf32>
    %mul3A_181 = vector.broadcast %slice3A_180 : vector<256x1xf32> to vector<256x16xf32>
    %mul3A_182 = arith.mulf %min3A_179, %mul3A_181 : vector<256x16xf32>
    %mul3A_183 = arith.mulf %mul3A_182, %convert_element_type3A_6 : vector<256x16xf32>
    %slice3A_184 = vector.extract_strided_slice %mul3A_183 {offsets = [0, 0], sizes = [256, 15], strides = [1, 1]} : vector<256x16xf32> to vector<256x15xf32>
    %slice3A_185 = vector.extract_strided_slice %mul3A_26 {offsets = [0, 8], sizes = [256, 1], strides = [1, 1]} : vector<256x16xf32> to vector<256x1xf32>
    %slice3A_186 = vector.extract_strided_slice %mul3A_35 {offsets = [0, 8], sizes = [256, 1], strides = [1, 1]} : vector<256x16xf32> to vector<256x1xf32>
    %concatenate3A_187 = tpu.concatenate %slice3A_184, %slice3A_185, %slice3A_186, %broadcast_in_dim3A_36 in 1 : vector<256x15xf32>, vector<256x1xf32>, vector<256x1xf32>, vector<256x15xf32> -> vector<256x32xf32>
    %get3A_188 = arith.constant 0 : index
    %get3A_189 = arith.constant 144 : index
    %get3A_190 = vector.load %arg5[%get3A_188, %get3A_189] : memref<256x240xf32, #tpu.memory_space<vmem>>, vector<256x16xf32>
    %jit3A_191 = arith.constant -1.000000e+00 : f32
    %jit3A_192 = arith.constant 1.000000e+00 : f32
    %max3A_193 = vector.broadcast %jit3A_191 : f32 to vector<256x16xf32>
    %max3A_194 = arith.maximumf %max3A_193, %get3A_190 : vector<256x16xf32>
    %min3A_195 = vector.broadcast %jit3A_192 : f32 to vector<256x16xf32>
    %min3A_196 = arith.minimumf %min3A_195, %max3A_194 : vector<256x16xf32>
    %slice3A_197 = vector.extract_strided_slice %convert_element_type3A_6 {offsets = [0, 9], sizes = [256, 1], strides = [1, 1]} : vector<256x16xf32> to vector<256x1xf32>
    %mul3A_198 = vector.broadcast %slice3A_197 : vector<256x1xf32> to vector<256x16xf32>
    %mul3A_199 = arith.mulf %min3A_196, %mul3A_198 : vector<256x16xf32>
    %mul3A_200 = arith.mulf %mul3A_199, %convert_element_type3A_6 : vector<256x16xf32>
    %slice3A_201 = vector.extract_strided_slice %mul3A_200 {offsets = [0, 0], sizes = [256, 15], strides = [1, 1]} : vector<256x16xf32> to vector<256x15xf32>
    %slice3A_202 = vector.extract_strided_slice %mul3A_26 {offsets = [0, 9], sizes = [256, 1], strides = [1, 1]} : vector<256x16xf32> to vector<256x1xf32>
    %slice3A_203 = vector.extract_strided_slice %mul3A_35 {offsets = [0, 9], sizes = [256, 1], strides = [1, 1]} : vector<256x16xf32> to vector<256x1xf32>
    %concatenate3A_204 = tpu.concatenate %slice3A_201, %slice3A_202, %slice3A_203, %broadcast_in_dim3A_36 in 1 : vector<256x15xf32>, vector<256x1xf32>, vector<256x1xf32>, vector<256x15xf32> -> vector<256x32xf32>
    %get3A_205 = arith.constant 0 : index
    %get3A_206 = arith.constant 160 : index
    %get3A_207 = vector.load %arg5[%get3A_205, %get3A_206] : memref<256x240xf32, #tpu.memory_space<vmem>>, vector<256x16xf32>
    %jit3A_208 = arith.constant -1.000000e+00 : f32
    %jit3A_209 = arith.constant 1.000000e+00 : f32
    %max3A_210 = vector.broadcast %jit3A_208 : f32 to vector<256x16xf32>
    %max3A_211 = arith.maximumf %max3A_210, %get3A_207 : vector<256x16xf32>
    %min3A_212 = vector.broadcast %jit3A_209 : f32 to vector<256x16xf32>
    %min3A_213 = arith.minimumf %min3A_212, %max3A_211 : vector<256x16xf32>
    %slice3A_214 = vector.extract_strided_slice %convert_element_type3A_6 {offsets = [0, 10], sizes = [256, 1], strides = [1, 1]} : vector<256x16xf32> to vector<256x1xf32>
    %mul3A_215 = vector.broadcast %slice3A_214 : vector<256x1xf32> to vector<256x16xf32>
    %mul3A_216 = arith.mulf %min3A_213, %mul3A_215 : vector<256x16xf32>
    %mul3A_217 = arith.mulf %mul3A_216, %convert_element_type3A_6 : vector<256x16xf32>
    %slice3A_218 = vector.extract_strided_slice %mul3A_217 {offsets = [0, 0], sizes = [256, 15], strides = [1, 1]} : vector<256x16xf32> to vector<256x15xf32>
    %slice3A_219 = vector.extract_strided_slice %mul3A_26 {offsets = [0, 10], sizes = [256, 1], strides = [1, 1]} : vector<256x16xf32> to vector<256x1xf32>
    %slice3A_220 = vector.extract_strided_slice %mul3A_35 {offsets = [0, 10], sizes = [256, 1], strides = [1, 1]} : vector<256x16xf32> to vector<256x1xf32>
    %concatenate3A_221 = tpu.concatenate %slice3A_218, %slice3A_219, %slice3A_220, %broadcast_in_dim3A_36 in 1 : vector<256x15xf32>, vector<256x1xf32>, vector<256x1xf32>, vector<256x15xf32> -> vector<256x32xf32>
    %get3A_222 = arith.constant 0 : index
    %get3A_223 = arith.constant 176 : index
    %get3A_224 = vector.load %arg5[%get3A_222, %get3A_223] : memref<256x240xf32, #tpu.memory_space<vmem>>, vector<256x16xf32>
    %jit3A_225 = arith.constant -1.000000e+00 : f32
    %jit3A_226 = arith.constant 1.000000e+00 : f32
    %max3A_227 = vector.broadcast %jit3A_225 : f32 to vector<256x16xf32>
    %max3A_228 = arith.maximumf %max3A_227, %get3A_224 : vector<256x16xf32>
    %min3A_229 = vector.broadcast %jit3A_226 : f32 to vector<256x16xf32>
    %min3A_230 = arith.minimumf %min3A_229, %max3A_228 : vector<256x16xf32>
    %slice3A_231 = vector.extract_strided_slice %convert_element_type3A_6 {offsets = [0, 11], sizes = [256, 1], strides = [1, 1]} : vector<256x16xf32> to vector<256x1xf32>
    %mul3A_232 = vector.broadcast %slice3A_231 : vector<256x1xf32> to vector<256x16xf32>
    %mul3A_233 = arith.mulf %min3A_230, %mul3A_232 : vector<256x16xf32>
    %mul3A_234 = arith.mulf %mul3A_233, %convert_element_type3A_6 : vector<256x16xf32>
    %slice3A_235 = vector.extract_strided_slice %mul3A_234 {offsets = [0, 0], sizes = [256, 15], strides = [1, 1]} : vector<256x16xf32> to vector<256x15xf32>
    %slice3A_236 = vector.extract_strided_slice %mul3A_26 {offsets = [0, 11], sizes = [256, 1], strides = [1, 1]} : vector<256x16xf32> to vector<256x1xf32>
    %slice3A_237 = vector.extract_strided_slice %mul3A_35 {offsets = [0, 11], sizes = [256, 1], strides = [1, 1]} : vector<256x16xf32> to vector<256x1xf32>
    %concatenate3A_238 = tpu.concatenate %slice3A_235, %slice3A_236, %slice3A_237, %broadcast_in_dim3A_36 in 1 : vector<256x15xf32>, vector<256x1xf32>, vector<256x1xf32>, vector<256x15xf32> -> vector<256x32xf32>
    %get3A_239 = arith.constant 0 : index
    %get3A_240 = arith.constant 192 : index
    %get3A_241 = vector.load %arg5[%get3A_239, %get3A_240] : memref<256x240xf32, #tpu.memory_space<vmem>>, vector<256x16xf32>
    %jit3A_242 = arith.constant -1.000000e+00 : f32
    %jit3A_243 = arith.constant 1.000000e+00 : f32
    %max3A_244 = vector.broadcast %jit3A_242 : f32 to vector<256x16xf32>
    %max3A_245 = arith.maximumf %max3A_244, %get3A_241 : vector<256x16xf32>
    %min3A_246 = vector.broadcast %jit3A_243 : f32 to vector<256x16xf32>
    %min3A_247 = arith.minimumf %min3A_246, %max3A_245 : vector<256x16xf32>
    %slice3A_248 = vector.extract_strided_slice %convert_element_type3A_6 {offsets = [0, 12], sizes = [256, 1], strides = [1, 1]} : vector<256x16xf32> to vector<256x1xf32>
    %mul3A_249 = vector.broadcast %slice3A_248 : vector<256x1xf32> to vector<256x16xf32>
    %mul3A_250 = arith.mulf %min3A_247, %mul3A_249 : vector<256x16xf32>
    %mul3A_251 = arith.mulf %mul3A_250, %convert_element_type3A_6 : vector<256x16xf32>
    %slice3A_252 = vector.extract_strided_slice %mul3A_251 {offsets = [0, 0], sizes = [256, 15], strides = [1, 1]} : vector<256x16xf32> to vector<256x15xf32>
    %slice3A_253 = vector.extract_strided_slice %mul3A_26 {offsets = [0, 12], sizes = [256, 1], strides = [1, 1]} : vector<256x16xf32> to vector<256x1xf32>
    %slice3A_254 = vector.extract_strided_slice %mul3A_35 {offsets = [0, 12], sizes = [256, 1], strides = [1, 1]} : vector<256x16xf32> to vector<256x1xf32>
    %concatenate3A_255 = tpu.concatenate %slice3A_252, %slice3A_253, %slice3A_254, %broadcast_in_dim3A_36 in 1 : vector<256x15xf32>, vector<256x1xf32>, vector<256x1xf32>, vector<256x15xf32> -> vector<256x32xf32>
    %get3A_256 = arith.constant 0 : index
    %get3A_257 = arith.constant 208 : index
    %get3A_258 = vector.load %arg5[%get3A_256, %get3A_257] : memref<256x240xf32, #tpu.memory_space<vmem>>, vector<256x16xf32>
    %jit3A_259 = arith.constant -1.000000e+00 : f32
    %jit3A_260 = arith.constant 1.000000e+00 : f32
    %max3A_261 = vector.broadcast %jit3A_259 : f32 to vector<256x16xf32>
    %max3A_262 = arith.maximumf %max3A_261, %get3A_258 : vector<256x16xf32>
    %min3A_263 = vector.broadcast %jit3A_260 : f32 to vector<256x16xf32>
    %min3A_264 = arith.minimumf %min3A_263, %max3A_262 : vector<256x16xf32>
    %slice3A_265 = vector.extract_strided_slice %convert_element_type3A_6 {offsets = [0, 13], sizes = [256, 1], strides = [1, 1]} : vector<256x16xf32> to vector<256x1xf32>
    %mul3A_266 = vector.broadcast %slice3A_265 : vector<256x1xf32> to vector<256x16xf32>
    %mul3A_267 = arith.mulf %min3A_264, %mul3A_266 : vector<256x16xf32>
    %mul3A_268 = arith.mulf %mul3A_267, %convert_element_type3A_6 : vector<256x16xf32>
    %slice3A_269 = vector.extract_strided_slice %mul3A_268 {offsets = [0, 0], sizes = [256, 15], strides = [1, 1]} : vector<256x16xf32> to vector<256x15xf32>
    %slice3A_270 = vector.extract_strided_slice %mul3A_26 {offsets = [0, 13], sizes = [256, 1], strides = [1, 1]} : vector<256x16xf32> to vector<256x1xf32>
    %slice3A_271 = vector.extract_strided_slice %mul3A_35 {offsets = [0, 13], sizes = [256, 1], strides = [1, 1]} : vector<256x16xf32> to vector<256x1xf32>
    %concatenate3A_272 = tpu.concatenate %slice3A_269, %slice3A_270, %slice3A_271, %broadcast_in_dim3A_36 in 1 : vector<256x15xf32>, vector<256x1xf32>, vector<256x1xf32>, vector<256x15xf32> -> vector<256x32xf32>
    %get3A_273 = arith.constant 0 : index
    %get3A_274 = arith.constant 224 : index
    %get3A_275 = vector.load %arg5[%get3A_273, %get3A_274] : memref<256x240xf32, #tpu.memory_space<vmem>>, vector<256x16xf32>
    %jit3A_276 = arith.constant -1.000000e+00 : f32
    %jit3A_277 = arith.constant 1.000000e+00 : f32
    %max3A_278 = vector.broadcast %jit3A_276 : f32 to vector<256x16xf32>
    %max3A_279 = arith.maximumf %max3A_278, %get3A_275 : vector<256x16xf32>
    %min3A_280 = vector.broadcast %jit3A_277 : f32 to vector<256x16xf32>
    %min3A_281 = arith.minimumf %min3A_280, %max3A_279 : vector<256x16xf32>
    %slice3A_282 = vector.extract_strided_slice %convert_element_type3A_6 {offsets = [0, 14], sizes = [256, 1], strides = [1, 1]} : vector<256x16xf32> to vector<256x1xf32>
    %mul3A_283 = vector.broadcast %slice3A_282 : vector<256x1xf32> to vector<256x16xf32>
    %mul3A_284 = arith.mulf %min3A_281, %mul3A_283 : vector<256x16xf32>
    %mul3A_285 = arith.mulf %mul3A_284, %convert_element_type3A_6 : vector<256x16xf32>
    %slice3A_286 = vector.extract_strided_slice %mul3A_285 {offsets = [0, 0], sizes = [256, 15], strides = [1, 1]} : vector<256x16xf32> to vector<256x15xf32>
    %slice3A_287 = vector.extract_strided_slice %mul3A_26 {offsets = [0, 14], sizes = [256, 1], strides = [1, 1]} : vector<256x16xf32> to vector<256x1xf32>
    %slice3A_288 = vector.extract_strided_slice %mul3A_35 {offsets = [0, 14], sizes = [256, 1], strides = [1, 1]} : vector<256x16xf32> to vector<256x1xf32>
    %concatenate3A_289 = tpu.concatenate %slice3A_286, %slice3A_287, %slice3A_288, %broadcast_in_dim3A_36 in 1 : vector<256x15xf32>, vector<256x1xf32>, vector<256x1xf32>, vector<256x15xf32> -> vector<256x32xf32>
    %concatenate3A_290 = tpu.concatenate %concatenate3A, %concatenate3A_68, %concatenate3A_85, %concatenate3A_102, %concatenate3A_119, %concatenate3A_136, %concatenate3A_153, %concatenate3A_170, %concatenate3A_187, %concatenate3A_204, %concatenate3A_221, %concatenate3A_238, %concatenate3A_255, %concatenate3A_272, %concatenate3A_289 in 1 : vector<256x32xf32>, vector<256x32xf32>, vector<256x32xf32>, vector<256x32xf32>, vector<256x32xf32>, vector<256x32xf32>, vector<256x32xf32>, vector<256x32xf32>, vector<256x32xf32>, vector<256x32xf32>, vector<256x32xf32>, vector<256x32xf32>, vector<256x32xf32>, vector<256x32xf32>, vector<256x32xf32> -> vector<256x480xf32>
    %get3A_291 = arith.constant 0 : index
    %get3A_292 = arith.constant 0 : index
    %get3A_293 = vector.load %arg6[%get3A_291, %get3A_292] : memref<480x960xf32, #tpu.memory_space<vmem>>, vector<480x960xf32>
    %convert_element_type3A_294 = arith.truncf %concatenate3A_290 : vector<256x480xf32> to vector<256x480xbf16>
    %convert_element_type3A_295 = arith.truncf %get3A_293 : vector<480x960xf32> to vector<480x960xbf16>
    %dot_general3A = arith.constant dense<0.000000e+00> : vector<256x960xf32>
    %dot_general3A_296 = tpu.matmul %convert_element_type3A_294, %convert_element_type3A_295, %dot_general3A {dimension_numbers = #tpu.dot_dimension_numbers<[1], [0], [0], [1], [0, 0, 1, 1], [], []>, transpose_lhs_hint = false} : vector<256x480xbf16>, vector<480x960xbf16>, vector<256x960xf32> -> vector<256x960xf32>
    %get3A_297 = arith.constant 0 : index
    %get3A_298 = arith.constant 0 : index
    %get3A_299 = vector.load %arg7[%get3A_297, %get3A_298] : memref<1x960xf32, #tpu.memory_space<vmem>>, vector<1x960xf32>
    %add3A_300 = vector.broadcast %get3A_299 : vector<1x960xf32> to vector<256x960xf32>
    %add3A_301 = arith.addf %dot_general3A_296, %add3A_300 : vector<256x960xf32>
    %mul3A_302 = arith.constant 5.000000e-01 : f32
    %mul3A_303 = vector.broadcast %mul3A_302 : f32 to vector<256x960xf32>
    %mul3A_304 = arith.mulf %add3A_301, %mul3A_303 : vector<256x960xf32>
    %mul3A_305 = arith.constant 0.707106769 : f32
    %mul3A_306 = vector.broadcast %mul3A_305 : f32 to vector<256x960xf32>
    %mul3A_307 = arith.mulf %add3A_301, %mul3A_306 : vector<256x960xf32>
    %erf3A = math.erf %mul3A_307 : vector<256x960xf32>
    %add3A_308 = arith.constant 1.000000e+00 : f32
    %add3A_309 = vector.broadcast %add3A_308 : f32 to vector<256x960xf32>
    %add3A_310 = arith.addf %add3A_309, %erf3A : vector<256x960xf32>
    %mul3A_311 = arith.mulf %mul3A_304, %add3A_310 : vector<256x960xf32>
    %get3A_312 = arith.constant 0 : index
    %get3A_313 = arith.constant 0 : index
    %get3A_314 = vector.load %arg8[%get3A_312, %get3A_313] : memref<960x960xf32, #tpu.memory_space<vmem>>, vector<960x960xf32>
    %convert_element_type3A_315 = arith.truncf %mul3A_311 : vector<256x960xf32> to vector<256x960xbf16>
    %convert_element_type3A_316 = arith.truncf %get3A_314 : vector<960x960xf32> to vector<960x960xbf16>
    %dot_general3A_317 = arith.constant dense<0.000000e+00> : vector<256x960xf32>
    %dot_general3A_318 = tpu.matmul %convert_element_type3A_315, %convert_element_type3A_316, %dot_general3A_317 {dimension_numbers = #tpu.dot_dimension_numbers<[1], [0], [0], [1], [0, 0, 1, 1], [], []>, transpose_lhs_hint = false} : vector<256x960xbf16>, vector<960x960xbf16>, vector<256x960xf32> -> vector<256x960xf32>
    %get3A_319 = arith.constant 0 : index
    %get3A_320 = arith.constant 0 : index
    %get3A_321 = vector.load %arg9[%get3A_319, %get3A_320] : memref<1x960xf32, #tpu.memory_space<vmem>>, vector<1x960xf32>
    %add3A_322 = vector.broadcast %get3A_321 : vector<1x960xf32> to vector<256x960xf32>
    %add3A_323 = arith.addf %dot_general3A_318, %add3A_322 : vector<256x960xf32>
    %mul3A_324 = arith.constant 5.000000e-01 : f32
    %mul3A_325 = vector.broadcast %mul3A_324 : f32 to vector<256x960xf32>
    %mul3A_326 = arith.mulf %add3A_323, %mul3A_325 : vector<256x960xf32>
    %mul3A_327 = arith.constant 0.707106769 : f32
    %mul3A_328 = vector.broadcast %mul3A_327 : f32 to vector<256x960xf32>
    %mul3A_329 = arith.mulf %add3A_323, %mul3A_328 : vector<256x960xf32>
    %erf3A_330 = math.erf %mul3A_329 : vector<256x960xf32>
    %add3A_331 = arith.constant 1.000000e+00 : f32
    %add3A_332 = vector.broadcast %add3A_331 : f32 to vector<256x960xf32>
    %add3A_333 = arith.addf %add3A_332, %erf3A_330 : vector<256x960xf32>
    %mul3A_334 = arith.mulf %mul3A_326, %add3A_333 : vector<256x960xf32>
    %get3A_335 = arith.constant 0 : index
    %get3A_336 = arith.constant 0 : index
    %get3A_337 = vector.load %arg10[%get3A_335, %get3A_336] : memref<960x48xf32, #tpu.memory_space<vmem>>, vector<960x48xf32>
    %convert_element_type3A_338 = arith.truncf %mul3A_334 : vector<256x960xf32> to vector<256x960xbf16>
    %convert_element_type3A_339 = arith.truncf %get3A_337 : vector<960x48xf32> to vector<960x48xbf16>
    %dot_general3A_340 = arith.constant dense<0.000000e+00> : vector<256x48xf32>
    %dot_general3A_341 = tpu.matmul %convert_element_type3A_338, %convert_element_type3A_339, %dot_general3A_340 {dimension_numbers = #tpu.dot_dimension_numbers<[1], [0], [0], [1], [0, 0, 1, 1], [], []>, transpose_lhs_hint = false} : vector<256x960xbf16>, vector<960x48xbf16>, vector<256x48xf32> -> vector<256x48xf32>
    %get3A_342 = arith.constant 0 : index
    %get3A_343 = arith.constant 0 : index
    %get3A_344 = vector.load %arg11[%get3A_342, %get3A_343] : memref<1x48xf32, #tpu.memory_space<vmem>>, vector<1x48xf32>
    %add3A_345 = vector.broadcast %get3A_344 : vector<1x48xf32> to vector<256x48xf32>
    %add3A_346 = arith.addf %dot_general3A_341, %add3A_345 : vector<256x48xf32>
    %slice3A_347 = vector.extract_strided_slice %add3A_346 {offsets = [0, 0], sizes = [256, 16], strides = [1, 1]} : vector<256x48xf32> to vector<256x16xf32>
    %tanh3A = math.tanh %slice3A_347 : vector<256x16xf32>
    %slice3A_348 = vector.extract_strided_slice %add3A_346 {offsets = [0, 16], sizes = [256, 16], strides = [1, 1]} : vector<256x48xf32> to vector<256x16xf32>
    %tanh3A_349 = math.tanh %slice3A_348 : vector<256x16xf32>
    %slice3A_350 = vector.extract_strided_slice %add3A_346 {offsets = [0, 32], sizes = [256, 16], strides = [1, 1]} : vector<256x48xf32> to vector<256x16xf32>
    %jit3A_351 = arith.constant -1.000000e+30 : f32
    %broadcast_in_dim3A_352 = vector.broadcast %jit3A_351 : f32 to vector<256x16xf32>
    %select_n3A = arith.select %and3A, %slice3A_350, %broadcast_in_dim3A_352 : vector<256x16xi1>, vector<256x16xf32>
    %reduce_max3A = arith.constant dense<0xFF800000> : vector<256xf32>
    %reduce_max3A_353 = vector.multi_reduction <maximumf>, %select_n3A, %reduce_max3A [1] : vector<256x16xf32> to vector<256xf32>
    %broadcast_in_dim3A_354 = vector.shape_cast %reduce_max3A_353 : vector<256xf32> to vector<256x1xf32>
    %sub3A_355 = vector.broadcast %broadcast_in_dim3A_354 : vector<256x1xf32> to vector<256x16xf32>
    %sub3A_356 = arith.subf %select_n3A, %sub3A_355 : vector<256x16xf32>
    %exp3A = math.exp %sub3A_356 : vector<256x16xf32>
    %mul3A_357 = arith.mulf %exp3A, %convert_element_type3A_6 : vector<256x16xf32>
    %reduce_sum3A = arith.constant dense<0.000000e+00> : vector<256xf32>
    %reduce_sum3A_358 = vector.multi_reduction <add>, %mul3A_357, %reduce_sum3A [1] : vector<256x16xf32> to vector<256xf32>
    %broadcast_in_dim3A_359 = vector.shape_cast %reduce_sum3A_358 : vector<256xf32> to vector<256x1xf32>
    %div3A_360 = vector.broadcast %broadcast_in_dim3A_359 : vector<256x1xf32> to vector<256x16xf32>
    %div3A_361 = arith.divf %mul3A_357, %div3A_360 : vector<256x16xf32>
    %add3A_362 = arith.constant 1.000000e+00 : f32
    %add3A_363 = vector.broadcast %add3A_362 : f32 to vector<256x16xf32>
    %add3A_364 = arith.addf %tanh3A, %add3A_363 : vector<256x16xf32>
    %mul3A_365 = arith.constant 7.500000e+00 : f32
    %mul3A_366 = vector.broadcast %mul3A_365 : f32 to vector<256x16xf32>
    %mul3A_367 = arith.mulf %add3A_364, %mul3A_366 : vector<256x16xf32>
    %jit3A_368 = arith.constant 0.000000e+00 : f32
    %jit3A_369 = arith.constant 1.500000e+01 : f32
    %max3A_370 = vector.broadcast %jit3A_368 : f32 to vector<256x16xf32>
    %max3A_371 = arith.maximumf %max3A_370, %mul3A_367 : vector<256x16xf32>
    %min3A_372 = vector.broadcast %jit3A_369 : f32 to vector<256x16xf32>
    %min3A_373 = arith.minimumf %min3A_372, %max3A_371 : vector<256x16xf32>
    %add3A_374 = arith.constant 1.000000e+00 : f32
    %add3A_375 = vector.broadcast %add3A_374 : f32 to vector<256x16xf32>
    %add3A_376 = arith.addf %tanh3A_349, %add3A_375 : vector<256x16xf32>
    %mul3A_377 = arith.constant 7.500000e+00 : f32
    %mul3A_378 = vector.broadcast %mul3A_377 : f32 to vector<256x16xf32>
    %mul3A_379 = arith.mulf %add3A_376, %mul3A_378 : vector<256x16xf32>
    %jit3A_380 = arith.constant 0.000000e+00 : f32
    %jit3A_381 = arith.constant 1.500000e+01 : f32
    %max3A_382 = vector.broadcast %jit3A_380 : f32 to vector<256x16xf32>
    %max3A_383 = arith.maximumf %max3A_382, %mul3A_379 : vector<256x16xf32>
    %min3A_384 = vector.broadcast %jit3A_381 : f32 to vector<256x16xf32>
    %min3A_385 = arith.minimumf %min3A_384, %max3A_383 : vector<256x16xf32>
    %floor3A = math.floor %min3A_373 : vector<256x16xf32>
    %floor3A_386 = math.floor %min3A_385 : vector<256x16xf32>
    %sub3A_387 = arith.subf %min3A_373, %floor3A : vector<256x16xf32>
    %sub3A_388 = arith.subf %min3A_385, %floor3A_386 : vector<256x16xf32>
    %sub3A_389 = arith.constant 1.000000e+00 : f32
    %sub3A_390 = vector.broadcast %sub3A_389 : f32 to vector<256x16xf32>
    %sub3A_391 = arith.subf %sub3A_390, %sub3A_387 : vector<256x16xf32>
    %sub3A_392 = arith.constant 1.000000e+00 : f32
    %sub3A_393 = vector.broadcast %sub3A_392 : f32 to vector<256x16xf32>
    %sub3A_394 = arith.subf %sub3A_393, %sub3A_388 : vector<256x16xf32>
    %convert_element_type3A_395 = arith.fptosi %floor3A : vector<256x16xf32> to vector<256x16xi32>
    %jit3A_396 = arith.constant 0 : i32
    %jit3A_397 = arith.constant 15 : i32
    %max3A_398 = vector.broadcast %jit3A_396 : i32 to vector<256x16xi32>
    %max3A_399 = arith.maxsi %max3A_398, %convert_element_type3A_395 : vector<256x16xi32>
    %min3A_400 = vector.broadcast %jit3A_397 : i32 to vector<256x16xi32>
    %min3A_401 = arith.minsi %min3A_400, %max3A_399 : vector<256x16xi32>
    %convert_element_type3A_402 = arith.fptosi %floor3A_386 : vector<256x16xf32> to vector<256x16xi32>
    %jit3A_403 = arith.constant 0 : i32
    %jit3A_404 = arith.constant 15 : i32
    %max3A_405 = vector.broadcast %jit3A_403 : i32 to vector<256x16xi32>
    %max3A_406 = arith.maxsi %max3A_405, %convert_element_type3A_402 : vector<256x16xi32>
    %min3A_407 = vector.broadcast %jit3A_404 : i32 to vector<256x16xi32>
    %min3A_408 = arith.minsi %min3A_407, %max3A_406 : vector<256x16xi32>
    %convert_element_type3A_409 = arith.fptosi %floor3A : vector<256x16xf32> to vector<256x16xi32>
    %add3A_410 = arith.constant 1 : i32
    %add3A_411 = vector.broadcast %add3A_410 : i32 to vector<256x16xi32>
    %add3A_412 = arith.addi %convert_element_type3A_409, %add3A_411 : vector<256x16xi32>
    %jit3A_413 = arith.constant 0 : i32
    %jit3A_414 = arith.constant 15 : i32
    %max3A_415 = vector.broadcast %jit3A_413 : i32 to vector<256x16xi32>
    %max3A_416 = arith.maxsi %max3A_415, %add3A_412 : vector<256x16xi32>
    %min3A_417 = vector.broadcast %jit3A_414 : i32 to vector<256x16xi32>
    %min3A_418 = arith.minsi %min3A_417, %max3A_416 : vector<256x16xi32>
    %convert_element_type3A_419 = arith.fptosi %floor3A_386 : vector<256x16xf32> to vector<256x16xi32>
    %add3A_420 = arith.constant 1 : i32
    %add3A_421 = vector.broadcast %add3A_420 : i32 to vector<256x16xi32>
    %add3A_422 = arith.addi %convert_element_type3A_419, %add3A_421 : vector<256x16xi32>
    %jit3A_423 = arith.constant 0 : i32
    %jit3A_424 = arith.constant 15 : i32
    %max3A_425 = vector.broadcast %jit3A_423 : i32 to vector<256x16xi32>
    %max3A_426 = arith.maxsi %max3A_425, %add3A_422 : vector<256x16xi32>
    %min3A_427 = vector.broadcast %jit3A_424 : i32 to vector<256x16xi32>
    %min3A_428 = arith.minsi %min3A_427, %max3A_426 : vector<256x16xi32>
    %iota3A_429 = tpu.iota {dimensions = array<i32: 1>} : vector<256x256xi32>
    %broadcast_in_dim3A_430 = arith.constant 0.000000e+00 : f32
    %broadcast_in_dim3A_431 = vector.broadcast %broadcast_in_dim3A_430 : f32 to vector<256x256xf32>
    %slice3A_432 = vector.extract_strided_slice %div3A_361 {offsets = [0, 0], sizes = [256, 1], strides = [1, 1]} : vector<256x16xf32> to vector<256x1xf32>
    %slice3A_433 = vector.extract_strided_slice %min3A_408 {offsets = [0, 0], sizes = [256, 1], strides = [1, 1]} : vector<256x16xi32> to vector<256x1xi32>
    %mul3A_434 = arith.constant 16 : i32
    %mul3A_435 = vector.broadcast %mul3A_434 : i32 to vector<256x1xi32>
    %mul3A_436 = arith.muli %slice3A_433, %mul3A_435 : vector<256x1xi32>
    %slice3A_437 = vector.extract_strided_slice %min3A_401 {offsets = [0, 0], sizes = [256, 1], strides = [1, 1]} : vector<256x16xi32> to vector<256x1xi32>
    %add3A_438 = arith.addi %mul3A_436, %slice3A_437 : vector<256x1xi32>
    %slice3A_439 = vector.extract_strided_slice %sub3A_394 {offsets = [0, 0], sizes = [256, 1], strides = [1, 1]} : vector<256x16xf32> to vector<256x1xf32>
    %slice3A_440 = vector.extract_strided_slice %sub3A_391 {offsets = [0, 0], sizes = [256, 1], strides = [1, 1]} : vector<256x16xf32> to vector<256x1xf32>
    %mul3A_441 = arith.mulf %slice3A_439, %slice3A_440 : vector<256x1xf32>
    %mul3A_442 = arith.mulf %slice3A_432, %mul3A_441 : vector<256x1xf32>
    %eq3A = vector.broadcast %add3A_438 : vector<256x1xi32> to vector<256x256xi32>
    %eq3A_443 = arith.cmpi eq, %iota3A_429, %eq3A : vector<256x256xi32>
    %jit3A_444 = arith.constant 0.000000e+00 : f32
    %broadcast_in_dim3A_445 = vector.shape_cast %mul3A_442 : vector<256x1xf32> to vector<256x1xf32>
    %broadcast_in_dim3A_446 = vector.broadcast %broadcast_in_dim3A_445 : vector<256x1xf32> to vector<256x256xf32>
    %broadcast_in_dim3A_447 = vector.broadcast %jit3A_444 : f32 to vector<256x256xf32>
    %select_n3A_448 = arith.select %eq3A_443, %broadcast_in_dim3A_446, %broadcast_in_dim3A_447 : vector<256x256xi1>, vector<256x256xf32>
    %add3A_449 = arith.addf %broadcast_in_dim3A_431, %select_n3A_448 : vector<256x256xf32>
    %slice3A_450 = vector.extract_strided_slice %min3A_408 {offsets = [0, 0], sizes = [256, 1], strides = [1, 1]} : vector<256x16xi32> to vector<256x1xi32>
    %mul3A_451 = arith.constant 16 : i32
    %mul3A_452 = vector.broadcast %mul3A_451 : i32 to vector<256x1xi32>
    %mul3A_453 = arith.muli %slice3A_450, %mul3A_452 : vector<256x1xi32>
    %slice3A_454 = vector.extract_strided_slice %min3A_418 {offsets = [0, 0], sizes = [256, 1], strides = [1, 1]} : vector<256x16xi32> to vector<256x1xi32>
    %add3A_455 = arith.addi %mul3A_453, %slice3A_454 : vector<256x1xi32>
    %slice3A_456 = vector.extract_strided_slice %sub3A_394 {offsets = [0, 0], sizes = [256, 1], strides = [1, 1]} : vector<256x16xf32> to vector<256x1xf32>
    %slice3A_457 = vector.extract_strided_slice %sub3A_387 {offsets = [0, 0], sizes = [256, 1], strides = [1, 1]} : vector<256x16xf32> to vector<256x1xf32>
    %mul3A_458 = arith.mulf %slice3A_456, %slice3A_457 : vector<256x1xf32>
    %mul3A_459 = arith.mulf %slice3A_432, %mul3A_458 : vector<256x1xf32>
    %eq3A_460 = vector.broadcast %add3A_455 : vector<256x1xi32> to vector<256x256xi32>
    %eq3A_461 = arith.cmpi eq, %iota3A_429, %eq3A_460 : vector<256x256xi32>
    %jit3A_462 = arith.constant 0.000000e+00 : f32
    %broadcast_in_dim3A_463 = vector.shape_cast %mul3A_459 : vector<256x1xf32> to vector<256x1xf32>
    %broadcast_in_dim3A_464 = vector.broadcast %broadcast_in_dim3A_463 : vector<256x1xf32> to vector<256x256xf32>
    %broadcast_in_dim3A_465 = vector.broadcast %jit3A_462 : f32 to vector<256x256xf32>
    %select_n3A_466 = arith.select %eq3A_461, %broadcast_in_dim3A_464, %broadcast_in_dim3A_465 : vector<256x256xi1>, vector<256x256xf32>
    %add3A_467 = arith.addf %add3A_449, %select_n3A_466 : vector<256x256xf32>
    %slice3A_468 = vector.extract_strided_slice %min3A_428 {offsets = [0, 0], sizes = [256, 1], strides = [1, 1]} : vector<256x16xi32> to vector<256x1xi32>
    %mul3A_469 = arith.constant 16 : i32
    %mul3A_470 = vector.broadcast %mul3A_469 : i32 to vector<256x1xi32>
    %mul3A_471 = arith.muli %slice3A_468, %mul3A_470 : vector<256x1xi32>
    %slice3A_472 = vector.extract_strided_slice %min3A_401 {offsets = [0, 0], sizes = [256, 1], strides = [1, 1]} : vector<256x16xi32> to vector<256x1xi32>
    %add3A_473 = arith.addi %mul3A_471, %slice3A_472 : vector<256x1xi32>
    %slice3A_474 = vector.extract_strided_slice %sub3A_388 {offsets = [0, 0], sizes = [256, 1], strides = [1, 1]} : vector<256x16xf32> to vector<256x1xf32>
    %slice3A_475 = vector.extract_strided_slice %sub3A_391 {offsets = [0, 0], sizes = [256, 1], strides = [1, 1]} : vector<256x16xf32> to vector<256x1xf32>
    %mul3A_476 = arith.mulf %slice3A_474, %slice3A_475 : vector<256x1xf32>
    %mul3A_477 = arith.mulf %slice3A_432, %mul3A_476 : vector<256x1xf32>
    %eq3A_478 = vector.broadcast %add3A_473 : vector<256x1xi32> to vector<256x256xi32>
    %eq3A_479 = arith.cmpi eq, %iota3A_429, %eq3A_478 : vector<256x256xi32>
    %jit3A_480 = arith.constant 0.000000e+00 : f32
    %broadcast_in_dim3A_481 = vector.shape_cast %mul3A_477 : vector<256x1xf32> to vector<256x1xf32>
    %broadcast_in_dim3A_482 = vector.broadcast %broadcast_in_dim3A_481 : vector<256x1xf32> to vector<256x256xf32>
    %broadcast_in_dim3A_483 = vector.broadcast %jit3A_480 : f32 to vector<256x256xf32>
    %select_n3A_484 = arith.select %eq3A_479, %broadcast_in_dim3A_482, %broadcast_in_dim3A_483 : vector<256x256xi1>, vector<256x256xf32>
    %add3A_485 = arith.addf %add3A_467, %select_n3A_484 : vector<256x256xf32>
    %slice3A_486 = vector.extract_strided_slice %min3A_428 {offsets = [0, 0], sizes = [256, 1], strides = [1, 1]} : vector<256x16xi32> to vector<256x1xi32>
    %mul3A_487 = arith.constant 16 : i32
    %mul3A_488 = vector.broadcast %mul3A_487 : i32 to vector<256x1xi32>
    %mul3A_489 = arith.muli %slice3A_486, %mul3A_488 : vector<256x1xi32>
    %slice3A_490 = vector.extract_strided_slice %min3A_418 {offsets = [0, 0], sizes = [256, 1], strides = [1, 1]} : vector<256x16xi32> to vector<256x1xi32>
    %add3A_491 = arith.addi %mul3A_489, %slice3A_490 : vector<256x1xi32>
    %slice3A_492 = vector.extract_strided_slice %sub3A_388 {offsets = [0, 0], sizes = [256, 1], strides = [1, 1]} : vector<256x16xf32> to vector<256x1xf32>
    %slice3A_493 = vector.extract_strided_slice %sub3A_387 {offsets = [0, 0], sizes = [256, 1], strides = [1, 1]} : vector<256x16xf32> to vector<256x1xf32>
    %mul3A_494 = arith.mulf %slice3A_492, %slice3A_493 : vector<256x1xf32>
    %mul3A_495 = arith.mulf %slice3A_432, %mul3A_494 : vector<256x1xf32>
    %eq3A_496 = vector.broadcast %add3A_491 : vector<256x1xi32> to vector<256x256xi32>
    %eq3A_497 = arith.cmpi eq, %iota3A_429, %eq3A_496 : vector<256x256xi32>
    %jit3A_498 = arith.constant 0.000000e+00 : f32
    %broadcast_in_dim3A_499 = vector.shape_cast %mul3A_495 : vector<256x1xf32> to vector<256x1xf32>
    %broadcast_in_dim3A_500 = vector.broadcast %broadcast_in_dim3A_499 : vector<256x1xf32> to vector<256x256xf32>
    %broadcast_in_dim3A_501 = vector.broadcast %jit3A_498 : f32 to vector<256x256xf32>
    %select_n3A_502 = arith.select %eq3A_497, %broadcast_in_dim3A_500, %broadcast_in_dim3A_501 : vector<256x256xi1>, vector<256x256xf32>
    %add3A_503 = arith.addf %add3A_485, %select_n3A_502 : vector<256x256xf32>
    %slice3A_504 = vector.extract_strided_slice %div3A_361 {offsets = [0, 1], sizes = [256, 1], strides = [1, 1]} : vector<256x16xf32> to vector<256x1xf32>
    %slice3A_505 = vector.extract_strided_slice %min3A_408 {offsets = [0, 1], sizes = [256, 1], strides = [1, 1]} : vector<256x16xi32> to vector<256x1xi32>
    %mul3A_506 = arith.constant 16 : i32
    %mul3A_507 = vector.broadcast %mul3A_506 : i32 to vector<256x1xi32>
    %mul3A_508 = arith.muli %slice3A_505, %mul3A_507 : vector<256x1xi32>
    %slice3A_509 = vector.extract_strided_slice %min3A_401 {offsets = [0, 1], sizes = [256, 1], strides = [1, 1]} : vector<256x16xi32> to vector<256x1xi32>
    %add3A_510 = arith.addi %mul3A_508, %slice3A_509 : vector<256x1xi32>
    %slice3A_511 = vector.extract_strided_slice %sub3A_394 {offsets = [0, 1], sizes = [256, 1], strides = [1, 1]} : vector<256x16xf32> to vector<256x1xf32>
    %slice3A_512 = vector.extract_strided_slice %sub3A_391 {offsets = [0, 1], sizes = [256, 1], strides = [1, 1]} : vector<256x16xf32> to vector<256x1xf32>
    %mul3A_513 = arith.mulf %slice3A_511, %slice3A_512 : vector<256x1xf32>
    %mul3A_514 = arith.mulf %slice3A_504, %mul3A_513 : vector<256x1xf32>
    %eq3A_515 = vector.broadcast %add3A_510 : vector<256x1xi32> to vector<256x256xi32>
    %eq3A_516 = arith.cmpi eq, %iota3A_429, %eq3A_515 : vector<256x256xi32>
    %jit3A_517 = arith.constant 0.000000e+00 : f32
    %broadcast_in_dim3A_518 = vector.shape_cast %mul3A_514 : vector<256x1xf32> to vector<256x1xf32>
    %broadcast_in_dim3A_519 = vector.broadcast %broadcast_in_dim3A_518 : vector<256x1xf32> to vector<256x256xf32>
    %broadcast_in_dim3A_520 = vector.broadcast %jit3A_517 : f32 to vector<256x256xf32>
    %select_n3A_521 = arith.select %eq3A_516, %broadcast_in_dim3A_519, %broadcast_in_dim3A_520 : vector<256x256xi1>, vector<256x256xf32>
    %add3A_522 = arith.addf %add3A_503, %select_n3A_521 : vector<256x256xf32>
    %slice3A_523 = vector.extract_strided_slice %min3A_408 {offsets = [0, 1], sizes = [256, 1], strides = [1, 1]} : vector<256x16xi32> to vector<256x1xi32>
    %mul3A_524 = arith.constant 16 : i32
    %mul3A_525 = vector.broadcast %mul3A_524 : i32 to vector<256x1xi32>
    %mul3A_526 = arith.muli %slice3A_523, %mul3A_525 : vector<256x1xi32>
    %slice3A_527 = vector.extract_strided_slice %min3A_418 {offsets = [0, 1], sizes = [256, 1], strides = [1, 1]} : vector<256x16xi32> to vector<256x1xi32>
    %add3A_528 = arith.addi %mul3A_526, %slice3A_527 : vector<256x1xi32>
    %slice3A_529 = vector.extract_strided_slice %sub3A_394 {offsets = [0, 1], sizes = [256, 1], strides = [1, 1]} : vector<256x16xf32> to vector<256x1xf32>
    %slice3A_530 = vector.extract_strided_slice %sub3A_387 {offsets = [0, 1], sizes = [256, 1], strides = [1, 1]} : vector<256x16xf32> to vector<256x1xf32>
    %mul3A_531 = arith.mulf %slice3A_529, %slice3A_530 : vector<256x1xf32>
    %mul3A_532 = arith.mulf %slice3A_504, %mul3A_531 : vector<256x1xf32>
    %eq3A_533 = vector.broadcast %add3A_528 : vector<256x1xi32> to vector<256x256xi32>
    %eq3A_534 = arith.cmpi eq, %iota3A_429, %eq3A_533 : vector<256x256xi32>
    %jit3A_535 = arith.constant 0.000000e+00 : f32
    %broadcast_in_dim3A_536 = vector.shape_cast %mul3A_532 : vector<256x1xf32> to vector<256x1xf32>
    %broadcast_in_dim3A_537 = vector.broadcast %broadcast_in_dim3A_536 : vector<256x1xf32> to vector<256x256xf32>
    %broadcast_in_dim3A_538 = vector.broadcast %jit3A_535 : f32 to vector<256x256xf32>
    %select_n3A_539 = arith.select %eq3A_534, %broadcast_in_dim3A_537, %broadcast_in_dim3A_538 : vector<256x256xi1>, vector<256x256xf32>
    %add3A_540 = arith.addf %add3A_522, %select_n3A_539 : vector<256x256xf32>
    %slice3A_541 = vector.extract_strided_slice %min3A_428 {offsets = [0, 1], sizes = [256, 1], strides = [1, 1]} : vector<256x16xi32> to vector<256x1xi32>
    %mul3A_542 = arith.constant 16 : i32
    %mul3A_543 = vector.broadcast %mul3A_542 : i32 to vector<256x1xi32>
    %mul3A_544 = arith.muli %slice3A_541, %mul3A_543 : vector<256x1xi32>
    %slice3A_545 = vector.extract_strided_slice %min3A_401 {offsets = [0, 1], sizes = [256, 1], strides = [1, 1]} : vector<256x16xi32> to vector<256x1xi32>
    %add3A_546 = arith.addi %mul3A_544, %slice3A_545 : vector<256x1xi32>
    %slice3A_547 = vector.extract_strided_slice %sub3A_388 {offsets = [0, 1], sizes = [256, 1], strides = [1, 1]} : vector<256x16xf32> to vector<256x1xf32>
    %slice3A_548 = vector.extract_strided_slice %sub3A_391 {offsets = [0, 1], sizes = [256, 1], strides = [1, 1]} : vector<256x16xf32> to vector<256x1xf32>
    %mul3A_549 = arith.mulf %slice3A_547, %slice3A_548 : vector<256x1xf32>
    %mul3A_550 = arith.mulf %slice3A_504, %mul3A_549 : vector<256x1xf32>
    %eq3A_551 = vector.broadcast %add3A_546 : vector<256x1xi32> to vector<256x256xi32>
    %eq3A_552 = arith.cmpi eq, %iota3A_429, %eq3A_551 : vector<256x256xi32>
    %jit3A_553 = arith.constant 0.000000e+00 : f32
    %broadcast_in_dim3A_554 = vector.shape_cast %mul3A_550 : vector<256x1xf32> to vector<256x1xf32>
    %broadcast_in_dim3A_555 = vector.broadcast %broadcast_in_dim3A_554 : vector<256x1xf32> to vector<256x256xf32>
    %broadcast_in_dim3A_556 = vector.broadcast %jit3A_553 : f32 to vector<256x256xf32>
    %select_n3A_557 = arith.select %eq3A_552, %broadcast_in_dim3A_555, %broadcast_in_dim3A_556 : vector<256x256xi1>, vector<256x256xf32>
    %add3A_558 = arith.addf %add3A_540, %select_n3A_557 : vector<256x256xf32>
    %slice3A_559 = vector.extract_strided_slice %min3A_428 {offsets = [0, 1], sizes = [256, 1], strides = [1, 1]} : vector<256x16xi32> to vector<256x1xi32>
    %mul3A_560 = arith.constant 16 : i32
    %mul3A_561 = vector.broadcast %mul3A_560 : i32 to vector<256x1xi32>
    %mul3A_562 = arith.muli %slice3A_559, %mul3A_561 : vector<256x1xi32>
    %slice3A_563 = vector.extract_strided_slice %min3A_418 {offsets = [0, 1], sizes = [256, 1], strides = [1, 1]} : vector<256x16xi32> to vector<256x1xi32>
    %add3A_564 = arith.addi %mul3A_562, %slice3A_563 : vector<256x1xi32>
    %slice3A_565 = vector.extract_strided_slice %sub3A_388 {offsets = [0, 1], sizes = [256, 1], strides = [1, 1]} : vector<256x16xf32> to vector<256x1xf32>
    %slice3A_566 = vector.extract_strided_slice %sub3A_387 {offsets = [0, 1], sizes = [256, 1], strides = [1, 1]} : vector<256x16xf32> to vector<256x1xf32>
    %mul3A_567 = arith.mulf %slice3A_565, %slice3A_566 : vector<256x1xf32>
    %mul3A_568 = arith.mulf %slice3A_504, %mul3A_567 : vector<256x1xf32>
    %eq3A_569 = vector.broadcast %add3A_564 : vector<256x1xi32> to vector<256x256xi32>
    %eq3A_570 = arith.cmpi eq, %iota3A_429, %eq3A_569 : vector<256x256xi32>
    %jit3A_571 = arith.constant 0.000000e+00 : f32
    %broadcast_in_dim3A_572 = vector.shape_cast %mul3A_568 : vector<256x1xf32> to vector<256x1xf32>
    %broadcast_in_dim3A_573 = vector.broadcast %broadcast_in_dim3A_572 : vector<256x1xf32> to vector<256x256xf32>
    %broadcast_in_dim3A_574 = vector.broadcast %jit3A_571 : f32 to vector<256x256xf32>
    %select_n3A_575 = arith.select %eq3A_570, %broadcast_in_dim3A_573, %broadcast_in_dim3A_574 : vector<256x256xi1>, vector<256x256xf32>
    %add3A_576 = arith.addf %add3A_558, %select_n3A_575 : vector<256x256xf32>
    %slice3A_577 = vector.extract_strided_slice %div3A_361 {offsets = [0, 2], sizes = [256, 1], strides = [1, 1]} : vector<256x16xf32> to vector<256x1xf32>
    %slice3A_578 = vector.extract_strided_slice %min3A_408 {offsets = [0, 2], sizes = [256, 1], strides = [1, 1]} : vector<256x16xi32> to vector<256x1xi32>
    %mul3A_579 = arith.constant 16 : i32
    %mul3A_580 = vector.broadcast %mul3A_579 : i32 to vector<256x1xi32>
    %mul3A_581 = arith.muli %slice3A_578, %mul3A_580 : vector<256x1xi32>
    %slice3A_582 = vector.extract_strided_slice %min3A_401 {offsets = [0, 2], sizes = [256, 1], strides = [1, 1]} : vector<256x16xi32> to vector<256x1xi32>
    %add3A_583 = arith.addi %mul3A_581, %slice3A_582 : vector<256x1xi32>
    %slice3A_584 = vector.extract_strided_slice %sub3A_394 {offsets = [0, 2], sizes = [256, 1], strides = [1, 1]} : vector<256x16xf32> to vector<256x1xf32>
    %slice3A_585 = vector.extract_strided_slice %sub3A_391 {offsets = [0, 2], sizes = [256, 1], strides = [1, 1]} : vector<256x16xf32> to vector<256x1xf32>
    %mul3A_586 = arith.mulf %slice3A_584, %slice3A_585 : vector<256x1xf32>
    %mul3A_587 = arith.mulf %slice3A_577, %mul3A_586 : vector<256x1xf32>
    %eq3A_588 = vector.broadcast %add3A_583 : vector<256x1xi32> to vector<256x256xi32>
    %eq3A_589 = arith.cmpi eq, %iota3A_429, %eq3A_588 : vector<256x256xi32>
    %jit3A_590 = arith.constant 0.000000e+00 : f32
    %broadcast_in_dim3A_591 = vector.shape_cast %mul3A_587 : vector<256x1xf32> to vector<256x1xf32>
    %broadcast_in_dim3A_592 = vector.broadcast %broadcast_in_dim3A_591 : vector<256x1xf32> to vector<256x256xf32>
    %broadcast_in_dim3A_593 = vector.broadcast %jit3A_590 : f32 to vector<256x256xf32>
    %select_n3A_594 = arith.select %eq3A_589, %broadcast_in_dim3A_592, %broadcast_in_dim3A_593 : vector<256x256xi1>, vector<256x256xf32>
    %add3A_595 = arith.addf %add3A_576, %select_n3A_594 : vector<256x256xf32>
    %slice3A_596 = vector.extract_strided_slice %min3A_408 {offsets = [0, 2], sizes = [256, 1], strides = [1, 1]} : vector<256x16xi32> to vector<256x1xi32>
    %mul3A_597 = arith.constant 16 : i32
    %mul3A_598 = vector.broadcast %mul3A_597 : i32 to vector<256x1xi32>
    %mul3A_599 = arith.muli %slice3A_596, %mul3A_598 : vector<256x1xi32>
    %slice3A_600 = vector.extract_strided_slice %min3A_418 {offsets = [0, 2], sizes = [256, 1], strides = [1, 1]} : vector<256x16xi32> to vector<256x1xi32>
    %add3A_601 = arith.addi %mul3A_599, %slice3A_600 : vector<256x1xi32>
    %slice3A_602 = vector.extract_strided_slice %sub3A_394 {offsets = [0, 2], sizes = [256, 1], strides = [1, 1]} : vector<256x16xf32> to vector<256x1xf32>
    %slice3A_603 = vector.extract_strided_slice %sub3A_387 {offsets = [0, 2], sizes = [256, 1], strides = [1, 1]} : vector<256x16xf32> to vector<256x1xf32>
    %mul3A_604 = arith.mulf %slice3A_602, %slice3A_603 : vector<256x1xf32>
    %mul3A_605 = arith.mulf %slice3A_577, %mul3A_604 : vector<256x1xf32>
    %eq3A_606 = vector.broadcast %add3A_601 : vector<256x1xi32> to vector<256x256xi32>
    %eq3A_607 = arith.cmpi eq, %iota3A_429, %eq3A_606 : vector<256x256xi32>
    %jit3A_608 = arith.constant 0.000000e+00 : f32
    %broadcast_in_dim3A_609 = vector.shape_cast %mul3A_605 : vector<256x1xf32> to vector<256x1xf32>
    %broadcast_in_dim3A_610 = vector.broadcast %broadcast_in_dim3A_609 : vector<256x1xf32> to vector<256x256xf32>
    %broadcast_in_dim3A_611 = vector.broadcast %jit3A_608 : f32 to vector<256x256xf32>
    %select_n3A_612 = arith.select %eq3A_607, %broadcast_in_dim3A_610, %broadcast_in_dim3A_611 : vector<256x256xi1>, vector<256x256xf32>
    %add3A_613 = arith.addf %add3A_595, %select_n3A_612 : vector<256x256xf32>
    %slice3A_614 = vector.extract_strided_slice %min3A_428 {offsets = [0, 2], sizes = [256, 1], strides = [1, 1]} : vector<256x16xi32> to vector<256x1xi32>
    %mul3A_615 = arith.constant 16 : i32
    %mul3A_616 = vector.broadcast %mul3A_615 : i32 to vector<256x1xi32>
    %mul3A_617 = arith.muli %slice3A_614, %mul3A_616 : vector<256x1xi32>
    %slice3A_618 = vector.extract_strided_slice %min3A_401 {offsets = [0, 2], sizes = [256, 1], strides = [1, 1]} : vector<256x16xi32> to vector<256x1xi32>
    %add3A_619 = arith.addi %mul3A_617, %slice3A_618 : vector<256x1xi32>
    %slice3A_620 = vector.extract_strided_slice %sub3A_388 {offsets = [0, 2], sizes = [256, 1], strides = [1, 1]} : vector<256x16xf32> to vector<256x1xf32>
    %slice3A_621 = vector.extract_strided_slice %sub3A_391 {offsets = [0, 2], sizes = [256, 1], strides = [1, 1]} : vector<256x16xf32> to vector<256x1xf32>
    %mul3A_622 = arith.mulf %slice3A_620, %slice3A_621 : vector<256x1xf32>
    %mul3A_623 = arith.mulf %slice3A_577, %mul3A_622 : vector<256x1xf32>
    %eq3A_624 = vector.broadcast %add3A_619 : vector<256x1xi32> to vector<256x256xi32>
    %eq3A_625 = arith.cmpi eq, %iota3A_429, %eq3A_624 : vector<256x256xi32>
    %jit3A_626 = arith.constant 0.000000e+00 : f32
    %broadcast_in_dim3A_627 = vector.shape_cast %mul3A_623 : vector<256x1xf32> to vector<256x1xf32>
    %broadcast_in_dim3A_628 = vector.broadcast %broadcast_in_dim3A_627 : vector<256x1xf32> to vector<256x256xf32>
    %broadcast_in_dim3A_629 = vector.broadcast %jit3A_626 : f32 to vector<256x256xf32>
    %select_n3A_630 = arith.select %eq3A_625, %broadcast_in_dim3A_628, %broadcast_in_dim3A_629 : vector<256x256xi1>, vector<256x256xf32>
    %add3A_631 = arith.addf %add3A_613, %select_n3A_630 : vector<256x256xf32>
    %slice3A_632 = vector.extract_strided_slice %min3A_428 {offsets = [0, 2], sizes = [256, 1], strides = [1, 1]} : vector<256x16xi32> to vector<256x1xi32>
    %mul3A_633 = arith.constant 16 : i32
    %mul3A_634 = vector.broadcast %mul3A_633 : i32 to vector<256x1xi32>
    %mul3A_635 = arith.muli %slice3A_632, %mul3A_634 : vector<256x1xi32>
    %slice3A_636 = vector.extract_strided_slice %min3A_418 {offsets = [0, 2], sizes = [256, 1], strides = [1, 1]} : vector<256x16xi32> to vector<256x1xi32>
    %add3A_637 = arith.addi %mul3A_635, %slice3A_636 : vector<256x1xi32>
    %slice3A_638 = vector.extract_strided_slice %sub3A_388 {offsets = [0, 2], sizes = [256, 1], strides = [1, 1]} : vector<256x16xf32> to vector<256x1xf32>
    %slice3A_639 = vector.extract_strided_slice %sub3A_387 {offsets = [0, 2], sizes = [256, 1], strides = [1, 1]} : vector<256x16xf32> to vector<256x1xf32>
    %mul3A_640 = arith.mulf %slice3A_638, %slice3A_639 : vector<256x1xf32>
    %mul3A_641 = arith.mulf %slice3A_577, %mul3A_640 : vector<256x1xf32>
    %eq3A_642 = vector.broadcast %add3A_637 : vector<256x1xi32> to vector<256x256xi32>
    %eq3A_643 = arith.cmpi eq, %iota3A_429, %eq3A_642 : vector<256x256xi32>
    %jit3A_644 = arith.constant 0.000000e+00 : f32
    %broadcast_in_dim3A_645 = vector.shape_cast %mul3A_641 : vector<256x1xf32> to vector<256x1xf32>
    %broadcast_in_dim3A_646 = vector.broadcast %broadcast_in_dim3A_645 : vector<256x1xf32> to vector<256x256xf32>
    %broadcast_in_dim3A_647 = vector.broadcast %jit3A_644 : f32 to vector<256x256xf32>
    %select_n3A_648 = arith.select %eq3A_643, %broadcast_in_dim3A_646, %broadcast_in_dim3A_647 : vector<256x256xi1>, vector<256x256xf32>
    %add3A_649 = arith.addf %add3A_631, %select_n3A_648 : vector<256x256xf32>
    %slice3A_650 = vector.extract_strided_slice %div3A_361 {offsets = [0, 3], sizes = [256, 1], strides = [1, 1]} : vector<256x16xf32> to vector<256x1xf32>
    %slice3A_651 = vector.extract_strided_slice %min3A_408 {offsets = [0, 3], sizes = [256, 1], strides = [1, 1]} : vector<256x16xi32> to vector<256x1xi32>
    %mul3A_652 = arith.constant 16 : i32
    %mul3A_653 = vector.broadcast %mul3A_652 : i32 to vector<256x1xi32>
    %mul3A_654 = arith.muli %slice3A_651, %mul3A_653 : vector<256x1xi32>
    %slice3A_655 = vector.extract_strided_slice %min3A_401 {offsets = [0, 3], sizes = [256, 1], strides = [1, 1]} : vector<256x16xi32> to vector<256x1xi32>
    %add3A_656 = arith.addi %mul3A_654, %slice3A_655 : vector<256x1xi32>
    %slice3A_657 = vector.extract_strided_slice %sub3A_394 {offsets = [0, 3], sizes = [256, 1], strides = [1, 1]} : vector<256x16xf32> to vector<256x1xf32>
    %slice3A_658 = vector.extract_strided_slice %sub3A_391 {offsets = [0, 3], sizes = [256, 1], strides = [1, 1]} : vector<256x16xf32> to vector<256x1xf32>
    %mul3A_659 = arith.mulf %slice3A_657, %slice3A_658 : vector<256x1xf32>
    %mul3A_660 = arith.mulf %slice3A_650, %mul3A_659 : vector<256x1xf32>
    %eq3A_661 = vector.broadcast %add3A_656 : vector<256x1xi32> to vector<256x256xi32>
    %eq3A_662 = arith.cmpi eq, %iota3A_429, %eq3A_661 : vector<256x256xi32>
    %jit3A_663 = arith.constant 0.000000e+00 : f32
    %broadcast_in_dim3A_664 = vector.shape_cast %mul3A_660 : vector<256x1xf32> to vector<256x1xf32>
    %broadcast_in_dim3A_665 = vector.broadcast %broadcast_in_dim3A_664 : vector<256x1xf32> to vector<256x256xf32>
    %broadcast_in_dim3A_666 = vector.broadcast %jit3A_663 : f32 to vector<256x256xf32>
    %select_n3A_667 = arith.select %eq3A_662, %broadcast_in_dim3A_665, %broadcast_in_dim3A_666 : vector<256x256xi1>, vector<256x256xf32>
    %add3A_668 = arith.addf %add3A_649, %select_n3A_667 : vector<256x256xf32>
    %slice3A_669 = vector.extract_strided_slice %min3A_408 {offsets = [0, 3], sizes = [256, 1], strides = [1, 1]} : vector<256x16xi32> to vector<256x1xi32>
    %mul3A_670 = arith.constant 16 : i32
    %mul3A_671 = vector.broadcast %mul3A_670 : i32 to vector<256x1xi32>
    %mul3A_672 = arith.muli %slice3A_669, %mul3A_671 : vector<256x1xi32>
    %slice3A_673 = vector.extract_strided_slice %min3A_418 {offsets = [0, 3], sizes = [256, 1], strides = [1, 1]} : vector<256x16xi32> to vector<256x1xi32>
    %add3A_674 = arith.addi %mul3A_672, %slice3A_673 : vector<256x1xi32>
    %slice3A_675 = vector.extract_strided_slice %sub3A_394 {offsets = [0, 3], sizes = [256, 1], strides = [1, 1]} : vector<256x16xf32> to vector<256x1xf32>
    %slice3A_676 = vector.extract_strided_slice %sub3A_387 {offsets = [0, 3], sizes = [256, 1], strides = [1, 1]} : vector<256x16xf32> to vector<256x1xf32>
    %mul3A_677 = arith.mulf %slice3A_675, %slice3A_676 : vector<256x1xf32>
    %mul3A_678 = arith.mulf %slice3A_650, %mul3A_677 : vector<256x1xf32>
    %eq3A_679 = vector.broadcast %add3A_674 : vector<256x1xi32> to vector<256x256xi32>
    %eq3A_680 = arith.cmpi eq, %iota3A_429, %eq3A_679 : vector<256x256xi32>
    %jit3A_681 = arith.constant 0.000000e+00 : f32
    %broadcast_in_dim3A_682 = vector.shape_cast %mul3A_678 : vector<256x1xf32> to vector<256x1xf32>
    %broadcast_in_dim3A_683 = vector.broadcast %broadcast_in_dim3A_682 : vector<256x1xf32> to vector<256x256xf32>
    %broadcast_in_dim3A_684 = vector.broadcast %jit3A_681 : f32 to vector<256x256xf32>
    %select_n3A_685 = arith.select %eq3A_680, %broadcast_in_dim3A_683, %broadcast_in_dim3A_684 : vector<256x256xi1>, vector<256x256xf32>
    %add3A_686 = arith.addf %add3A_668, %select_n3A_685 : vector<256x256xf32>
    %slice3A_687 = vector.extract_strided_slice %min3A_428 {offsets = [0, 3], sizes = [256, 1], strides = [1, 1]} : vector<256x16xi32> to vector<256x1xi32>
    %mul3A_688 = arith.constant 16 : i32
    %mul3A_689 = vector.broadcast %mul3A_688 : i32 to vector<256x1xi32>
    %mul3A_690 = arith.muli %slice3A_687, %mul3A_689 : vector<256x1xi32>
    %slice3A_691 = vector.extract_strided_slice %min3A_401 {offsets = [0, 3], sizes = [256, 1], strides = [1, 1]} : vector<256x16xi32> to vector<256x1xi32>
    %add3A_692 = arith.addi %mul3A_690, %slice3A_691 : vector<256x1xi32>
    %slice3A_693 = vector.extract_strided_slice %sub3A_388 {offsets = [0, 3], sizes = [256, 1], strides = [1, 1]} : vector<256x16xf32> to vector<256x1xf32>
    %slice3A_694 = vector.extract_strided_slice %sub3A_391 {offsets = [0, 3], sizes = [256, 1], strides = [1, 1]} : vector<256x16xf32> to vector<256x1xf32>
    %mul3A_695 = arith.mulf %slice3A_693, %slice3A_694 : vector<256x1xf32>
    %mul3A_696 = arith.mulf %slice3A_650, %mul3A_695 : vector<256x1xf32>
    %eq3A_697 = vector.broadcast %add3A_692 : vector<256x1xi32> to vector<256x256xi32>
    %eq3A_698 = arith.cmpi eq, %iota3A_429, %eq3A_697 : vector<256x256xi32>
    %jit3A_699 = arith.constant 0.000000e+00 : f32
    %broadcast_in_dim3A_700 = vector.shape_cast %mul3A_696 : vector<256x1xf32> to vector<256x1xf32>
    %broadcast_in_dim3A_701 = vector.broadcast %broadcast_in_dim3A_700 : vector<256x1xf32> to vector<256x256xf32>
    %broadcast_in_dim3A_702 = vector.broadcast %jit3A_699 : f32 to vector<256x256xf32>
    %select_n3A_703 = arith.select %eq3A_698, %broadcast_in_dim3A_701, %broadcast_in_dim3A_702 : vector<256x256xi1>, vector<256x256xf32>
    %add3A_704 = arith.addf %add3A_686, %select_n3A_703 : vector<256x256xf32>
    %slice3A_705 = vector.extract_strided_slice %min3A_428 {offsets = [0, 3], sizes = [256, 1], strides = [1, 1]} : vector<256x16xi32> to vector<256x1xi32>
    %mul3A_706 = arith.constant 16 : i32
    %mul3A_707 = vector.broadcast %mul3A_706 : i32 to vector<256x1xi32>
    %mul3A_708 = arith.muli %slice3A_705, %mul3A_707 : vector<256x1xi32>
    %slice3A_709 = vector.extract_strided_slice %min3A_418 {offsets = [0, 3], sizes = [256, 1], strides = [1, 1]} : vector<256x16xi32> to vector<256x1xi32>
    %add3A_710 = arith.addi %mul3A_708, %slice3A_709 : vector<256x1xi32>
    %slice3A_711 = vector.extract_strided_slice %sub3A_388 {offsets = [0, 3], sizes = [256, 1], strides = [1, 1]} : vector<256x16xf32> to vector<256x1xf32>
    %slice3A_712 = vector.extract_strided_slice %sub3A_387 {offsets = [0, 3], sizes = [256, 1], strides = [1, 1]} : vector<256x16xf32> to vector<256x1xf32>
    %mul3A_713 = arith.mulf %slice3A_711, %slice3A_712 : vector<256x1xf32>
    %mul3A_714 = arith.mulf %slice3A_650, %mul3A_713 : vector<256x1xf32>
    %eq3A_715 = vector.broadcast %add3A_710 : vector<256x1xi32> to vector<256x256xi32>
    %eq3A_716 = arith.cmpi eq, %iota3A_429, %eq3A_715 : vector<256x256xi32>
    %jit3A_717 = arith.constant 0.000000e+00 : f32
    %broadcast_in_dim3A_718 = vector.shape_cast %mul3A_714 : vector<256x1xf32> to vector<256x1xf32>
    %broadcast_in_dim3A_719 = vector.broadcast %broadcast_in_dim3A_718 : vector<256x1xf32> to vector<256x256xf32>
    %broadcast_in_dim3A_720 = vector.broadcast %jit3A_717 : f32 to vector<256x256xf32>
    %select_n3A_721 = arith.select %eq3A_716, %broadcast_in_dim3A_719, %broadcast_in_dim3A_720 : vector<256x256xi1>, vector<256x256xf32>
    %add3A_722 = arith.addf %add3A_704, %select_n3A_721 : vector<256x256xf32>
    %slice3A_723 = vector.extract_strided_slice %div3A_361 {offsets = [0, 4], sizes = [256, 1], strides = [1, 1]} : vector<256x16xf32> to vector<256x1xf32>
    %slice3A_724 = vector.extract_strided_slice %min3A_408 {offsets = [0, 4], sizes = [256, 1], strides = [1, 1]} : vector<256x16xi32> to vector<256x1xi32>
    %mul3A_725 = arith.constant 16 : i32
    %mul3A_726 = vector.broadcast %mul3A_725 : i32 to vector<256x1xi32>
    %mul3A_727 = arith.muli %slice3A_724, %mul3A_726 : vector<256x1xi32>
    %slice3A_728 = vector.extract_strided_slice %min3A_401 {offsets = [0, 4], sizes = [256, 1], strides = [1, 1]} : vector<256x16xi32> to vector<256x1xi32>
    %add3A_729 = arith.addi %mul3A_727, %slice3A_728 : vector<256x1xi32>
    %slice3A_730 = vector.extract_strided_slice %sub3A_394 {offsets = [0, 4], sizes = [256, 1], strides = [1, 1]} : vector<256x16xf32> to vector<256x1xf32>
    %slice3A_731 = vector.extract_strided_slice %sub3A_391 {offsets = [0, 4], sizes = [256, 1], strides = [1, 1]} : vector<256x16xf32> to vector<256x1xf32>
    %mul3A_732 = arith.mulf %slice3A_730, %slice3A_731 : vector<256x1xf32>
    %mul3A_733 = arith.mulf %slice3A_723, %mul3A_732 : vector<256x1xf32>
    %eq3A_734 = vector.broadcast %add3A_729 : vector<256x1xi32> to vector<256x256xi32>
    %eq3A_735 = arith.cmpi eq, %iota3A_429, %eq3A_734 : vector<256x256xi32>
    %jit3A_736 = arith.constant 0.000000e+00 : f32
    %broadcast_in_dim3A_737 = vector.shape_cast %mul3A_733 : vector<256x1xf32> to vector<256x1xf32>
    %broadcast_in_dim3A_738 = vector.broadcast %broadcast_in_dim3A_737 : vector<256x1xf32> to vector<256x256xf32>
    %broadcast_in_dim3A_739 = vector.broadcast %jit3A_736 : f32 to vector<256x256xf32>
    %select_n3A_740 = arith.select %eq3A_735, %broadcast_in_dim3A_738, %broadcast_in_dim3A_739 : vector<256x256xi1>, vector<256x256xf32>
    %add3A_741 = arith.addf %add3A_722, %select_n3A_740 : vector<256x256xf32>
    %slice3A_742 = vector.extract_strided_slice %min3A_408 {offsets = [0, 4], sizes = [256, 1], strides = [1, 1]} : vector<256x16xi32> to vector<256x1xi32>
    %mul3A_743 = arith.constant 16 : i32
    %mul3A_744 = vector.broadcast %mul3A_743 : i32 to vector<256x1xi32>
    %mul3A_745 = arith.muli %slice3A_742, %mul3A_744 : vector<256x1xi32>
    %slice3A_746 = vector.extract_strided_slice %min3A_418 {offsets = [0, 4], sizes = [256, 1], strides = [1, 1]} : vector<256x16xi32> to vector<256x1xi32>
    %add3A_747 = arith.addi %mul3A_745, %slice3A_746 : vector<256x1xi32>
    %slice3A_748 = vector.extract_strided_slice %sub3A_394 {offsets = [0, 4], sizes = [256, 1], strides = [1, 1]} : vector<256x16xf32> to vector<256x1xf32>
    %slice3A_749 = vector.extract_strided_slice %sub3A_387 {offsets = [0, 4], sizes = [256, 1], strides = [1, 1]} : vector<256x16xf32> to vector<256x1xf32>
    %mul3A_750 = arith.mulf %slice3A_748, %slice3A_749 : vector<256x1xf32>
    %mul3A_751 = arith.mulf %slice3A_723, %mul3A_750 : vector<256x1xf32>
    %eq3A_752 = vector.broadcast %add3A_747 : vector<256x1xi32> to vector<256x256xi32>
    %eq3A_753 = arith.cmpi eq, %iota3A_429, %eq3A_752 : vector<256x256xi32>
    %jit3A_754 = arith.constant 0.000000e+00 : f32
    %broadcast_in_dim3A_755 = vector.shape_cast %mul3A_751 : vector<256x1xf32> to vector<256x1xf32>
    %broadcast_in_dim3A_756 = vector.broadcast %broadcast_in_dim3A_755 : vector<256x1xf32> to vector<256x256xf32>
    %broadcast_in_dim3A_757 = vector.broadcast %jit3A_754 : f32 to vector<256x256xf32>
    %select_n3A_758 = arith.select %eq3A_753, %broadcast_in_dim3A_756, %broadcast_in_dim3A_757 : vector<256x256xi1>, vector<256x256xf32>
    %add3A_759 = arith.addf %add3A_741, %select_n3A_758 : vector<256x256xf32>
    %slice3A_760 = vector.extract_strided_slice %min3A_428 {offsets = [0, 4], sizes = [256, 1], strides = [1, 1]} : vector<256x16xi32> to vector<256x1xi32>
    %mul3A_761 = arith.constant 16 : i32
    %mul3A_762 = vector.broadcast %mul3A_761 : i32 to vector<256x1xi32>
    %mul3A_763 = arith.muli %slice3A_760, %mul3A_762 : vector<256x1xi32>
    %slice3A_764 = vector.extract_strided_slice %min3A_401 {offsets = [0, 4], sizes = [256, 1], strides = [1, 1]} : vector<256x16xi32> to vector<256x1xi32>
    %add3A_765 = arith.addi %mul3A_763, %slice3A_764 : vector<256x1xi32>
    %slice3A_766 = vector.extract_strided_slice %sub3A_388 {offsets = [0, 4], sizes = [256, 1], strides = [1, 1]} : vector<256x16xf32> to vector<256x1xf32>
    %slice3A_767 = vector.extract_strided_slice %sub3A_391 {offsets = [0, 4], sizes = [256, 1], strides = [1, 1]} : vector<256x16xf32> to vector<256x1xf32>
    %mul3A_768 = arith.mulf %slice3A_766, %slice3A_767 : vector<256x1xf32>
    %mul3A_769 = arith.mulf %slice3A_723, %mul3A_768 : vector<256x1xf32>
    %eq3A_770 = vector.broadcast %add3A_765 : vector<256x1xi32> to vector<256x256xi32>
    %eq3A_771 = arith.cmpi eq, %iota3A_429, %eq3A_770 : vector<256x256xi32>
    %jit3A_772 = arith.constant 0.000000e+00 : f32
    %broadcast_in_dim3A_773 = vector.shape_cast %mul3A_769 : vector<256x1xf32> to vector<256x1xf32>
    %broadcast_in_dim3A_774 = vector.broadcast %broadcast_in_dim3A_773 : vector<256x1xf32> to vector<256x256xf32>
    %broadcast_in_dim3A_775 = vector.broadcast %jit3A_772 : f32 to vector<256x256xf32>
    %select_n3A_776 = arith.select %eq3A_771, %broadcast_in_dim3A_774, %broadcast_in_dim3A_775 : vector<256x256xi1>, vector<256x256xf32>
    %add3A_777 = arith.addf %add3A_759, %select_n3A_776 : vector<256x256xf32>
    %slice3A_778 = vector.extract_strided_slice %min3A_428 {offsets = [0, 4], sizes = [256, 1], strides = [1, 1]} : vector<256x16xi32> to vector<256x1xi32>
    %mul3A_779 = arith.constant 16 : i32
    %mul3A_780 = vector.broadcast %mul3A_779 : i32 to vector<256x1xi32>
    %mul3A_781 = arith.muli %slice3A_778, %mul3A_780 : vector<256x1xi32>
    %slice3A_782 = vector.extract_strided_slice %min3A_418 {offsets = [0, 4], sizes = [256, 1], strides = [1, 1]} : vector<256x16xi32> to vector<256x1xi32>
    %add3A_783 = arith.addi %mul3A_781, %slice3A_782 : vector<256x1xi32>
    %slice3A_784 = vector.extract_strided_slice %sub3A_388 {offsets = [0, 4], sizes = [256, 1], strides = [1, 1]} : vector<256x16xf32> to vector<256x1xf32>
    %slice3A_785 = vector.extract_strided_slice %sub3A_387 {offsets = [0, 4], sizes = [256, 1], strides = [1, 1]} : vector<256x16xf32> to vector<256x1xf32>
    %mul3A_786 = arith.mulf %slice3A_784, %slice3A_785 : vector<256x1xf32>
    %mul3A_787 = arith.mulf %slice3A_723, %mul3A_786 : vector<256x1xf32>
    %eq3A_788 = vector.broadcast %add3A_783 : vector<256x1xi32> to vector<256x256xi32>
    %eq3A_789 = arith.cmpi eq, %iota3A_429, %eq3A_788 : vector<256x256xi32>
    %jit3A_790 = arith.constant 0.000000e+00 : f32
    %broadcast_in_dim3A_791 = vector.shape_cast %mul3A_787 : vector<256x1xf32> to vector<256x1xf32>
    %broadcast_in_dim3A_792 = vector.broadcast %broadcast_in_dim3A_791 : vector<256x1xf32> to vector<256x256xf32>
    %broadcast_in_dim3A_793 = vector.broadcast %jit3A_790 : f32 to vector<256x256xf32>
    %select_n3A_794 = arith.select %eq3A_789, %broadcast_in_dim3A_792, %broadcast_in_dim3A_793 : vector<256x256xi1>, vector<256x256xf32>
    %add3A_795 = arith.addf %add3A_777, %select_n3A_794 : vector<256x256xf32>
    %slice3A_796 = vector.extract_strided_slice %div3A_361 {offsets = [0, 5], sizes = [256, 1], strides = [1, 1]} : vector<256x16xf32> to vector<256x1xf32>
    %slice3A_797 = vector.extract_strided_slice %min3A_408 {offsets = [0, 5], sizes = [256, 1], strides = [1, 1]} : vector<256x16xi32> to vector<256x1xi32>
    %mul3A_798 = arith.constant 16 : i32
    %mul3A_799 = vector.broadcast %mul3A_798 : i32 to vector<256x1xi32>
    %mul3A_800 = arith.muli %slice3A_797, %mul3A_799 : vector<256x1xi32>
    %slice3A_801 = vector.extract_strided_slice %min3A_401 {offsets = [0, 5], sizes = [256, 1], strides = [1, 1]} : vector<256x16xi32> to vector<256x1xi32>
    %add3A_802 = arith.addi %mul3A_800, %slice3A_801 : vector<256x1xi32>
    %slice3A_803 = vector.extract_strided_slice %sub3A_394 {offsets = [0, 5], sizes = [256, 1], strides = [1, 1]} : vector<256x16xf32> to vector<256x1xf32>
    %slice3A_804 = vector.extract_strided_slice %sub3A_391 {offsets = [0, 5], sizes = [256, 1], strides = [1, 1]} : vector<256x16xf32> to vector<256x1xf32>
    %mul3A_805 = arith.mulf %slice3A_803, %slice3A_804 : vector<256x1xf32>
    %mul3A_806 = arith.mulf %slice3A_796, %mul3A_805 : vector<256x1xf32>
    %eq3A_807 = vector.broadcast %add3A_802 : vector<256x1xi32> to vector<256x256xi32>
    %eq3A_808 = arith.cmpi eq, %iota3A_429, %eq3A_807 : vector<256x256xi32>
    %jit3A_809 = arith.constant 0.000000e+00 : f32
    %broadcast_in_dim3A_810 = vector.shape_cast %mul3A_806 : vector<256x1xf32> to vector<256x1xf32>
    %broadcast_in_dim3A_811 = vector.broadcast %broadcast_in_dim3A_810 : vector<256x1xf32> to vector<256x256xf32>
    %broadcast_in_dim3A_812 = vector.broadcast %jit3A_809 : f32 to vector<256x256xf32>
    %select_n3A_813 = arith.select %eq3A_808, %broadcast_in_dim3A_811, %broadcast_in_dim3A_812 : vector<256x256xi1>, vector<256x256xf32>
    %add3A_814 = arith.addf %add3A_795, %select_n3A_813 : vector<256x256xf32>
    %slice3A_815 = vector.extract_strided_slice %min3A_408 {offsets = [0, 5], sizes = [256, 1], strides = [1, 1]} : vector<256x16xi32> to vector<256x1xi32>
    %mul3A_816 = arith.constant 16 : i32
    %mul3A_817 = vector.broadcast %mul3A_816 : i32 to vector<256x1xi32>
    %mul3A_818 = arith.muli %slice3A_815, %mul3A_817 : vector<256x1xi32>
    %slice3A_819 = vector.extract_strided_slice %min3A_418 {offsets = [0, 5], sizes = [256, 1], strides = [1, 1]} : vector<256x16xi32> to vector<256x1xi32>
    %add3A_820 = arith.addi %mul3A_818, %slice3A_819 : vector<256x1xi32>
    %slice3A_821 = vector.extract_strided_slice %sub3A_394 {offsets = [0, 5], sizes = [256, 1], strides = [1, 1]} : vector<256x16xf32> to vector<256x1xf32>
    %slice3A_822 = vector.extract_strided_slice %sub3A_387 {offsets = [0, 5], sizes = [256, 1], strides = [1, 1]} : vector<256x16xf32> to vector<256x1xf32>
    %mul3A_823 = arith.mulf %slice3A_821, %slice3A_822 : vector<256x1xf32>
    %mul3A_824 = arith.mulf %slice3A_796, %mul3A_823 : vector<256x1xf32>
    %eq3A_825 = vector.broadcast %add3A_820 : vector<256x1xi32> to vector<256x256xi32>
    %eq3A_826 = arith.cmpi eq, %iota3A_429, %eq3A_825 : vector<256x256xi32>
    %jit3A_827 = arith.constant 0.000000e+00 : f32
    %broadcast_in_dim3A_828 = vector.shape_cast %mul3A_824 : vector<256x1xf32> to vector<256x1xf32>
    %broadcast_in_dim3A_829 = vector.broadcast %broadcast_in_dim3A_828 : vector<256x1xf32> to vector<256x256xf32>
    %broadcast_in_dim3A_830 = vector.broadcast %jit3A_827 : f32 to vector<256x256xf32>
    %select_n3A_831 = arith.select %eq3A_826, %broadcast_in_dim3A_829, %broadcast_in_dim3A_830 : vector<256x256xi1>, vector<256x256xf32>
    %add3A_832 = arith.addf %add3A_814, %select_n3A_831 : vector<256x256xf32>
    %slice3A_833 = vector.extract_strided_slice %min3A_428 {offsets = [0, 5], sizes = [256, 1], strides = [1, 1]} : vector<256x16xi32> to vector<256x1xi32>
    %mul3A_834 = arith.constant 16 : i32
    %mul3A_835 = vector.broadcast %mul3A_834 : i32 to vector<256x1xi32>
    %mul3A_836 = arith.muli %slice3A_833, %mul3A_835 : vector<256x1xi32>
    %slice3A_837 = vector.extract_strided_slice %min3A_401 {offsets = [0, 5], sizes = [256, 1], strides = [1, 1]} : vector<256x16xi32> to vector<256x1xi32>
    %add3A_838 = arith.addi %mul3A_836, %slice3A_837 : vector<256x1xi32>
    %slice3A_839 = vector.extract_strided_slice %sub3A_388 {offsets = [0, 5], sizes = [256, 1], strides = [1, 1]} : vector<256x16xf32> to vector<256x1xf32>
    %slice3A_840 = vector.extract_strided_slice %sub3A_391 {offsets = [0, 5], sizes = [256, 1], strides = [1, 1]} : vector<256x16xf32> to vector<256x1xf32>
    %mul3A_841 = arith.mulf %slice3A_839, %slice3A_840 : vector<256x1xf32>
    %mul3A_842 = arith.mulf %slice3A_796, %mul3A_841 : vector<256x1xf32>
    %eq3A_843 = vector.broadcast %add3A_838 : vector<256x1xi32> to vector<256x256xi32>
    %eq3A_844 = arith.cmpi eq, %iota3A_429, %eq3A_843 : vector<256x256xi32>
    %jit3A_845 = arith.constant 0.000000e+00 : f32
    %broadcast_in_dim3A_846 = vector.shape_cast %mul3A_842 : vector<256x1xf32> to vector<256x1xf32>
    %broadcast_in_dim3A_847 = vector.broadcast %broadcast_in_dim3A_846 : vector<256x1xf32> to vector<256x256xf32>
    %broadcast_in_dim3A_848 = vector.broadcast %jit3A_845 : f32 to vector<256x256xf32>
    %select_n3A_849 = arith.select %eq3A_844, %broadcast_in_dim3A_847, %broadcast_in_dim3A_848 : vector<256x256xi1>, vector<256x256xf32>
    %add3A_850 = arith.addf %add3A_832, %select_n3A_849 : vector<256x256xf32>
    %slice3A_851 = vector.extract_strided_slice %min3A_428 {offsets = [0, 5], sizes = [256, 1], strides = [1, 1]} : vector<256x16xi32> to vector<256x1xi32>
    %mul3A_852 = arith.constant 16 : i32
    %mul3A_853 = vector.broadcast %mul3A_852 : i32 to vector<256x1xi32>
    %mul3A_854 = arith.muli %slice3A_851, %mul3A_853 : vector<256x1xi32>
    %slice3A_855 = vector.extract_strided_slice %min3A_418 {offsets = [0, 5], sizes = [256, 1], strides = [1, 1]} : vector<256x16xi32> to vector<256x1xi32>
    %add3A_856 = arith.addi %mul3A_854, %slice3A_855 : vector<256x1xi32>
    %slice3A_857 = vector.extract_strided_slice %sub3A_388 {offsets = [0, 5], sizes = [256, 1], strides = [1, 1]} : vector<256x16xf32> to vector<256x1xf32>
    %slice3A_858 = vector.extract_strided_slice %sub3A_387 {offsets = [0, 5], sizes = [256, 1], strides = [1, 1]} : vector<256x16xf32> to vector<256x1xf32>
    %mul3A_859 = arith.mulf %slice3A_857, %slice3A_858 : vector<256x1xf32>
    %mul3A_860 = arith.mulf %slice3A_796, %mul3A_859 : vector<256x1xf32>
    %eq3A_861 = vector.broadcast %add3A_856 : vector<256x1xi32> to vector<256x256xi32>
    %eq3A_862 = arith.cmpi eq, %iota3A_429, %eq3A_861 : vector<256x256xi32>
    %jit3A_863 = arith.constant 0.000000e+00 : f32
    %broadcast_in_dim3A_864 = vector.shape_cast %mul3A_860 : vector<256x1xf32> to vector<256x1xf32>
    %broadcast_in_dim3A_865 = vector.broadcast %broadcast_in_dim3A_864 : vector<256x1xf32> to vector<256x256xf32>
    %broadcast_in_dim3A_866 = vector.broadcast %jit3A_863 : f32 to vector<256x256xf32>
    %select_n3A_867 = arith.select %eq3A_862, %broadcast_in_dim3A_865, %broadcast_in_dim3A_866 : vector<256x256xi1>, vector<256x256xf32>
    %add3A_868 = arith.addf %add3A_850, %select_n3A_867 : vector<256x256xf32>
    %slice3A_869 = vector.extract_strided_slice %div3A_361 {offsets = [0, 6], sizes = [256, 1], strides = [1, 1]} : vector<256x16xf32> to vector<256x1xf32>
    %slice3A_870 = vector.extract_strided_slice %min3A_408 {offsets = [0, 6], sizes = [256, 1], strides = [1, 1]} : vector<256x16xi32> to vector<256x1xi32>
    %mul3A_871 = arith.constant 16 : i32
    %mul3A_872 = vector.broadcast %mul3A_871 : i32 to vector<256x1xi32>
    %mul3A_873 = arith.muli %slice3A_870, %mul3A_872 : vector<256x1xi32>
    %slice3A_874 = vector.extract_strided_slice %min3A_401 {offsets = [0, 6], sizes = [256, 1], strides = [1, 1]} : vector<256x16xi32> to vector<256x1xi32>
    %add3A_875 = arith.addi %mul3A_873, %slice3A_874 : vector<256x1xi32>
    %slice3A_876 = vector.extract_strided_slice %sub3A_394 {offsets = [0, 6], sizes = [256, 1], strides = [1, 1]} : vector<256x16xf32> to vector<256x1xf32>
    %slice3A_877 = vector.extract_strided_slice %sub3A_391 {offsets = [0, 6], sizes = [256, 1], strides = [1, 1]} : vector<256x16xf32> to vector<256x1xf32>
    %mul3A_878 = arith.mulf %slice3A_876, %slice3A_877 : vector<256x1xf32>
    %mul3A_879 = arith.mulf %slice3A_869, %mul3A_878 : vector<256x1xf32>
    %eq3A_880 = vector.broadcast %add3A_875 : vector<256x1xi32> to vector<256x256xi32>
    %eq3A_881 = arith.cmpi eq, %iota3A_429, %eq3A_880 : vector<256x256xi32>
    %jit3A_882 = arith.constant 0.000000e+00 : f32
    %broadcast_in_dim3A_883 = vector.shape_cast %mul3A_879 : vector<256x1xf32> to vector<256x1xf32>
    %broadcast_in_dim3A_884 = vector.broadcast %broadcast_in_dim3A_883 : vector<256x1xf32> to vector<256x256xf32>
    %broadcast_in_dim3A_885 = vector.broadcast %jit3A_882 : f32 to vector<256x256xf32>
    %select_n3A_886 = arith.select %eq3A_881, %broadcast_in_dim3A_884, %broadcast_in_dim3A_885 : vector<256x256xi1>, vector<256x256xf32>
    %add3A_887 = arith.addf %add3A_868, %select_n3A_886 : vector<256x256xf32>
    %slice3A_888 = vector.extract_strided_slice %min3A_408 {offsets = [0, 6], sizes = [256, 1], strides = [1, 1]} : vector<256x16xi32> to vector<256x1xi32>
    %mul3A_889 = arith.constant 16 : i32
    %mul3A_890 = vector.broadcast %mul3A_889 : i32 to vector<256x1xi32>
    %mul3A_891 = arith.muli %slice3A_888, %mul3A_890 : vector<256x1xi32>
    %slice3A_892 = vector.extract_strided_slice %min3A_418 {offsets = [0, 6], sizes = [256, 1], strides = [1, 1]} : vector<256x16xi32> to vector<256x1xi32>
    %add3A_893 = arith.addi %mul3A_891, %slice3A_892 : vector<256x1xi32>
    %slice3A_894 = vector.extract_strided_slice %sub3A_394 {offsets = [0, 6], sizes = [256, 1], strides = [1, 1]} : vector<256x16xf32> to vector<256x1xf32>
    %slice3A_895 = vector.extract_strided_slice %sub3A_387 {offsets = [0, 6], sizes = [256, 1], strides = [1, 1]} : vector<256x16xf32> to vector<256x1xf32>
    %mul3A_896 = arith.mulf %slice3A_894, %slice3A_895 : vector<256x1xf32>
    %mul3A_897 = arith.mulf %slice3A_869, %mul3A_896 : vector<256x1xf32>
    %eq3A_898 = vector.broadcast %add3A_893 : vector<256x1xi32> to vector<256x256xi32>
    %eq3A_899 = arith.cmpi eq, %iota3A_429, %eq3A_898 : vector<256x256xi32>
    %jit3A_900 = arith.constant 0.000000e+00 : f32
    %broadcast_in_dim3A_901 = vector.shape_cast %mul3A_897 : vector<256x1xf32> to vector<256x1xf32>
    %broadcast_in_dim3A_902 = vector.broadcast %broadcast_in_dim3A_901 : vector<256x1xf32> to vector<256x256xf32>
    %broadcast_in_dim3A_903 = vector.broadcast %jit3A_900 : f32 to vector<256x256xf32>
    %select_n3A_904 = arith.select %eq3A_899, %broadcast_in_dim3A_902, %broadcast_in_dim3A_903 : vector<256x256xi1>, vector<256x256xf32>
    %add3A_905 = arith.addf %add3A_887, %select_n3A_904 : vector<256x256xf32>
    %slice3A_906 = vector.extract_strided_slice %min3A_428 {offsets = [0, 6], sizes = [256, 1], strides = [1, 1]} : vector<256x16xi32> to vector<256x1xi32>
    %mul3A_907 = arith.constant 16 : i32
    %mul3A_908 = vector.broadcast %mul3A_907 : i32 to vector<256x1xi32>
    %mul3A_909 = arith.muli %slice3A_906, %mul3A_908 : vector<256x1xi32>
    %slice3A_910 = vector.extract_strided_slice %min3A_401 {offsets = [0, 6], sizes = [256, 1], strides = [1, 1]} : vector<256x16xi32> to vector<256x1xi32>
    %add3A_911 = arith.addi %mul3A_909, %slice3A_910 : vector<256x1xi32>
    %slice3A_912 = vector.extract_strided_slice %sub3A_388 {offsets = [0, 6], sizes = [256, 1], strides = [1, 1]} : vector<256x16xf32> to vector<256x1xf32>
    %slice3A_913 = vector.extract_strided_slice %sub3A_391 {offsets = [0, 6], sizes = [256, 1], strides = [1, 1]} : vector<256x16xf32> to vector<256x1xf32>
    %mul3A_914 = arith.mulf %slice3A_912, %slice3A_913 : vector<256x1xf32>
    %mul3A_915 = arith.mulf %slice3A_869, %mul3A_914 : vector<256x1xf32>
    %eq3A_916 = vector.broadcast %add3A_911 : vector<256x1xi32> to vector<256x256xi32>
    %eq3A_917 = arith.cmpi eq, %iota3A_429, %eq3A_916 : vector<256x256xi32>
    %jit3A_918 = arith.constant 0.000000e+00 : f32
    %broadcast_in_dim3A_919 = vector.shape_cast %mul3A_915 : vector<256x1xf32> to vector<256x1xf32>
    %broadcast_in_dim3A_920 = vector.broadcast %broadcast_in_dim3A_919 : vector<256x1xf32> to vector<256x256xf32>
    %broadcast_in_dim3A_921 = vector.broadcast %jit3A_918 : f32 to vector<256x256xf32>
    %select_n3A_922 = arith.select %eq3A_917, %broadcast_in_dim3A_920, %broadcast_in_dim3A_921 : vector<256x256xi1>, vector<256x256xf32>
    %add3A_923 = arith.addf %add3A_905, %select_n3A_922 : vector<256x256xf32>
    %slice3A_924 = vector.extract_strided_slice %min3A_428 {offsets = [0, 6], sizes = [256, 1], strides = [1, 1]} : vector<256x16xi32> to vector<256x1xi32>
    %mul3A_925 = arith.constant 16 : i32
    %mul3A_926 = vector.broadcast %mul3A_925 : i32 to vector<256x1xi32>
    %mul3A_927 = arith.muli %slice3A_924, %mul3A_926 : vector<256x1xi32>
    %slice3A_928 = vector.extract_strided_slice %min3A_418 {offsets = [0, 6], sizes = [256, 1], strides = [1, 1]} : vector<256x16xi32> to vector<256x1xi32>
    %add3A_929 = arith.addi %mul3A_927, %slice3A_928 : vector<256x1xi32>
    %slice3A_930 = vector.extract_strided_slice %sub3A_388 {offsets = [0, 6], sizes = [256, 1], strides = [1, 1]} : vector<256x16xf32> to vector<256x1xf32>
    %slice3A_931 = vector.extract_strided_slice %sub3A_387 {offsets = [0, 6], sizes = [256, 1], strides = [1, 1]} : vector<256x16xf32> to vector<256x1xf32>
    %mul3A_932 = arith.mulf %slice3A_930, %slice3A_931 : vector<256x1xf32>
    %mul3A_933 = arith.mulf %slice3A_869, %mul3A_932 : vector<256x1xf32>
    %eq3A_934 = vector.broadcast %add3A_929 : vector<256x1xi32> to vector<256x256xi32>
    %eq3A_935 = arith.cmpi eq, %iota3A_429, %eq3A_934 : vector<256x256xi32>
    %jit3A_936 = arith.constant 0.000000e+00 : f32
    %broadcast_in_dim3A_937 = vector.shape_cast %mul3A_933 : vector<256x1xf32> to vector<256x1xf32>
    %broadcast_in_dim3A_938 = vector.broadcast %broadcast_in_dim3A_937 : vector<256x1xf32> to vector<256x256xf32>
    %broadcast_in_dim3A_939 = vector.broadcast %jit3A_936 : f32 to vector<256x256xf32>
    %select_n3A_940 = arith.select %eq3A_935, %broadcast_in_dim3A_938, %broadcast_in_dim3A_939 : vector<256x256xi1>, vector<256x256xf32>
    %add3A_941 = arith.addf %add3A_923, %select_n3A_940 : vector<256x256xf32>
    %slice3A_942 = vector.extract_strided_slice %div3A_361 {offsets = [0, 7], sizes = [256, 1], strides = [1, 1]} : vector<256x16xf32> to vector<256x1xf32>
    %slice3A_943 = vector.extract_strided_slice %min3A_408 {offsets = [0, 7], sizes = [256, 1], strides = [1, 1]} : vector<256x16xi32> to vector<256x1xi32>
    %mul3A_944 = arith.constant 16 : i32
    %mul3A_945 = vector.broadcast %mul3A_944 : i32 to vector<256x1xi32>
    %mul3A_946 = arith.muli %slice3A_943, %mul3A_945 : vector<256x1xi32>
    %slice3A_947 = vector.extract_strided_slice %min3A_401 {offsets = [0, 7], sizes = [256, 1], strides = [1, 1]} : vector<256x16xi32> to vector<256x1xi32>
    %add3A_948 = arith.addi %mul3A_946, %slice3A_947 : vector<256x1xi32>
    %slice3A_949 = vector.extract_strided_slice %sub3A_394 {offsets = [0, 7], sizes = [256, 1], strides = [1, 1]} : vector<256x16xf32> to vector<256x1xf32>
    %slice3A_950 = vector.extract_strided_slice %sub3A_391 {offsets = [0, 7], sizes = [256, 1], strides = [1, 1]} : vector<256x16xf32> to vector<256x1xf32>
    %mul3A_951 = arith.mulf %slice3A_949, %slice3A_950 : vector<256x1xf32>
    %mul3A_952 = arith.mulf %slice3A_942, %mul3A_951 : vector<256x1xf32>
    %eq3A_953 = vector.broadcast %add3A_948 : vector<256x1xi32> to vector<256x256xi32>
    %eq3A_954 = arith.cmpi eq, %iota3A_429, %eq3A_953 : vector<256x256xi32>
    %jit3A_955 = arith.constant 0.000000e+00 : f32
    %broadcast_in_dim3A_956 = vector.shape_cast %mul3A_952 : vector<256x1xf32> to vector<256x1xf32>
    %broadcast_in_dim3A_957 = vector.broadcast %broadcast_in_dim3A_956 : vector<256x1xf32> to vector<256x256xf32>
    %broadcast_in_dim3A_958 = vector.broadcast %jit3A_955 : f32 to vector<256x256xf32>
    %select_n3A_959 = arith.select %eq3A_954, %broadcast_in_dim3A_957, %broadcast_in_dim3A_958 : vector<256x256xi1>, vector<256x256xf32>
    %add3A_960 = arith.addf %add3A_941, %select_n3A_959 : vector<256x256xf32>
    %slice3A_961 = vector.extract_strided_slice %min3A_408 {offsets = [0, 7], sizes = [256, 1], strides = [1, 1]} : vector<256x16xi32> to vector<256x1xi32>
    %mul3A_962 = arith.constant 16 : i32
    %mul3A_963 = vector.broadcast %mul3A_962 : i32 to vector<256x1xi32>
    %mul3A_964 = arith.muli %slice3A_961, %mul3A_963 : vector<256x1xi32>
    %slice3A_965 = vector.extract_strided_slice %min3A_418 {offsets = [0, 7], sizes = [256, 1], strides = [1, 1]} : vector<256x16xi32> to vector<256x1xi32>
    %add3A_966 = arith.addi %mul3A_964, %slice3A_965 : vector<256x1xi32>
    %slice3A_967 = vector.extract_strided_slice %sub3A_394 {offsets = [0, 7], sizes = [256, 1], strides = [1, 1]} : vector<256x16xf32> to vector<256x1xf32>
    %slice3A_968 = vector.extract_strided_slice %sub3A_387 {offsets = [0, 7], sizes = [256, 1], strides = [1, 1]} : vector<256x16xf32> to vector<256x1xf32>
    %mul3A_969 = arith.mulf %slice3A_967, %slice3A_968 : vector<256x1xf32>
    %mul3A_970 = arith.mulf %slice3A_942, %mul3A_969 : vector<256x1xf32>
    %eq3A_971 = vector.broadcast %add3A_966 : vector<256x1xi32> to vector<256x256xi32>
    %eq3A_972 = arith.cmpi eq, %iota3A_429, %eq3A_971 : vector<256x256xi32>
    %jit3A_973 = arith.constant 0.000000e+00 : f32
    %broadcast_in_dim3A_974 = vector.shape_cast %mul3A_970 : vector<256x1xf32> to vector<256x1xf32>
    %broadcast_in_dim3A_975 = vector.broadcast %broadcast_in_dim3A_974 : vector<256x1xf32> to vector<256x256xf32>
    %broadcast_in_dim3A_976 = vector.broadcast %jit3A_973 : f32 to vector<256x256xf32>
    %select_n3A_977 = arith.select %eq3A_972, %broadcast_in_dim3A_975, %broadcast_in_dim3A_976 : vector<256x256xi1>, vector<256x256xf32>
    %add3A_978 = arith.addf %add3A_960, %select_n3A_977 : vector<256x256xf32>
    %slice3A_979 = vector.extract_strided_slice %min3A_428 {offsets = [0, 7], sizes = [256, 1], strides = [1, 1]} : vector<256x16xi32> to vector<256x1xi32>
    %mul3A_980 = arith.constant 16 : i32
    %mul3A_981 = vector.broadcast %mul3A_980 : i32 to vector<256x1xi32>
    %mul3A_982 = arith.muli %slice3A_979, %mul3A_981 : vector<256x1xi32>
    %slice3A_983 = vector.extract_strided_slice %min3A_401 {offsets = [0, 7], sizes = [256, 1], strides = [1, 1]} : vector<256x16xi32> to vector<256x1xi32>
    %add3A_984 = arith.addi %mul3A_982, %slice3A_983 : vector<256x1xi32>
    %slice3A_985 = vector.extract_strided_slice %sub3A_388 {offsets = [0, 7], sizes = [256, 1], strides = [1, 1]} : vector<256x16xf32> to vector<256x1xf32>
    %slice3A_986 = vector.extract_strided_slice %sub3A_391 {offsets = [0, 7], sizes = [256, 1], strides = [1, 1]} : vector<256x16xf32> to vector<256x1xf32>
    %mul3A_987 = arith.mulf %slice3A_985, %slice3A_986 : vector<256x1xf32>
    %mul3A_988 = arith.mulf %slice3A_942, %mul3A_987 : vector<256x1xf32>
    %eq3A_989 = vector.broadcast %add3A_984 : vector<256x1xi32> to vector<256x256xi32>
    %eq3A_990 = arith.cmpi eq, %iota3A_429, %eq3A_989 : vector<256x256xi32>
    %jit3A_991 = arith.constant 0.000000e+00 : f32
    %broadcast_in_dim3A_992 = vector.shape_cast %mul3A_988 : vector<256x1xf32> to vector<256x1xf32>
    %broadcast_in_dim3A_993 = vector.broadcast %broadcast_in_dim3A_992 : vector<256x1xf32> to vector<256x256xf32>
    %broadcast_in_dim3A_994 = vector.broadcast %jit3A_991 : f32 to vector<256x256xf32>
    %select_n3A_995 = arith.select %eq3A_990, %broadcast_in_dim3A_993, %broadcast_in_dim3A_994 : vector<256x256xi1>, vector<256x256xf32>
    %add3A_996 = arith.addf %add3A_978, %select_n3A_995 : vector<256x256xf32>
    %slice3A_997 = vector.extract_strided_slice %min3A_428 {offsets = [0, 7], sizes = [256, 1], strides = [1, 1]} : vector<256x16xi32> to vector<256x1xi32>
    %mul3A_998 = arith.constant 16 : i32
    %mul3A_999 = vector.broadcast %mul3A_998 : i32 to vector<256x1xi32>
    %mul3A_1000 = arith.muli %slice3A_997, %mul3A_999 : vector<256x1xi32>
    %slice3A_1001 = vector.extract_strided_slice %min3A_418 {offsets = [0, 7], sizes = [256, 1], strides = [1, 1]} : vector<256x16xi32> to vector<256x1xi32>
    %add3A_1002 = arith.addi %mul3A_1000, %slice3A_1001 : vector<256x1xi32>
    %slice3A_1003 = vector.extract_strided_slice %sub3A_388 {offsets = [0, 7], sizes = [256, 1], strides = [1, 1]} : vector<256x16xf32> to vector<256x1xf32>
    %slice3A_1004 = vector.extract_strided_slice %sub3A_387 {offsets = [0, 7], sizes = [256, 1], strides = [1, 1]} : vector<256x16xf32> to vector<256x1xf32>
    %mul3A_1005 = arith.mulf %slice3A_1003, %slice3A_1004 : vector<256x1xf32>
    %mul3A_1006 = arith.mulf %slice3A_942, %mul3A_1005 : vector<256x1xf32>
    %eq3A_1007 = vector.broadcast %add3A_1002 : vector<256x1xi32> to vector<256x256xi32>
    %eq3A_1008 = arith.cmpi eq, %iota3A_429, %eq3A_1007 : vector<256x256xi32>
    %jit3A_1009 = arith.constant 0.000000e+00 : f32
    %broadcast_in_dim3A_1010 = vector.shape_cast %mul3A_1006 : vector<256x1xf32> to vector<256x1xf32>
    %broadcast_in_dim3A_1011 = vector.broadcast %broadcast_in_dim3A_1010 : vector<256x1xf32> to vector<256x256xf32>
    %broadcast_in_dim3A_1012 = vector.broadcast %jit3A_1009 : f32 to vector<256x256xf32>
    %select_n3A_1013 = arith.select %eq3A_1008, %broadcast_in_dim3A_1011, %broadcast_in_dim3A_1012 : vector<256x256xi1>, vector<256x256xf32>
    %add3A_1014 = arith.addf %add3A_996, %select_n3A_1013 : vector<256x256xf32>
    %slice3A_1015 = vector.extract_strided_slice %div3A_361 {offsets = [0, 8], sizes = [256, 1], strides = [1, 1]} : vector<256x16xf32> to vector<256x1xf32>
    %slice3A_1016 = vector.extract_strided_slice %min3A_408 {offsets = [0, 8], sizes = [256, 1], strides = [1, 1]} : vector<256x16xi32> to vector<256x1xi32>
    %mul3A_1017 = arith.constant 16 : i32
    %mul3A_1018 = vector.broadcast %mul3A_1017 : i32 to vector<256x1xi32>
    %mul3A_1019 = arith.muli %slice3A_1016, %mul3A_1018 : vector<256x1xi32>
    %slice3A_1020 = vector.extract_strided_slice %min3A_401 {offsets = [0, 8], sizes = [256, 1], strides = [1, 1]} : vector<256x16xi32> to vector<256x1xi32>
    %add3A_1021 = arith.addi %mul3A_1019, %slice3A_1020 : vector<256x1xi32>
    %slice3A_1022 = vector.extract_strided_slice %sub3A_394 {offsets = [0, 8], sizes = [256, 1], strides = [1, 1]} : vector<256x16xf32> to vector<256x1xf32>
    %slice3A_1023 = vector.extract_strided_slice %sub3A_391 {offsets = [0, 8], sizes = [256, 1], strides = [1, 1]} : vector<256x16xf32> to vector<256x1xf32>
    %mul3A_1024 = arith.mulf %slice3A_1022, %slice3A_1023 : vector<256x1xf32>
    %mul3A_1025 = arith.mulf %slice3A_1015, %mul3A_1024 : vector<256x1xf32>
    %eq3A_1026 = vector.broadcast %add3A_1021 : vector<256x1xi32> to vector<256x256xi32>
    %eq3A_1027 = arith.cmpi eq, %iota3A_429, %eq3A_1026 : vector<256x256xi32>
    %jit3A_1028 = arith.constant 0.000000e+00 : f32
    %broadcast_in_dim3A_1029 = vector.shape_cast %mul3A_1025 : vector<256x1xf32> to vector<256x1xf32>
    %broadcast_in_dim3A_1030 = vector.broadcast %broadcast_in_dim3A_1029 : vector<256x1xf32> to vector<256x256xf32>
    %broadcast_in_dim3A_1031 = vector.broadcast %jit3A_1028 : f32 to vector<256x256xf32>
    %select_n3A_1032 = arith.select %eq3A_1027, %broadcast_in_dim3A_1030, %broadcast_in_dim3A_1031 : vector<256x256xi1>, vector<256x256xf32>
    %add3A_1033 = arith.addf %add3A_1014, %select_n3A_1032 : vector<256x256xf32>
    %slice3A_1034 = vector.extract_strided_slice %min3A_408 {offsets = [0, 8], sizes = [256, 1], strides = [1, 1]} : vector<256x16xi32> to vector<256x1xi32>
    %mul3A_1035 = arith.constant 16 : i32
    %mul3A_1036 = vector.broadcast %mul3A_1035 : i32 to vector<256x1xi32>
    %mul3A_1037 = arith.muli %slice3A_1034, %mul3A_1036 : vector<256x1xi32>
    %slice3A_1038 = vector.extract_strided_slice %min3A_418 {offsets = [0, 8], sizes = [256, 1], strides = [1, 1]} : vector<256x16xi32> to vector<256x1xi32>
    %add3A_1039 = arith.addi %mul3A_1037, %slice3A_1038 : vector<256x1xi32>
    %slice3A_1040 = vector.extract_strided_slice %sub3A_394 {offsets = [0, 8], sizes = [256, 1], strides = [1, 1]} : vector<256x16xf32> to vector<256x1xf32>
    %slice3A_1041 = vector.extract_strided_slice %sub3A_387 {offsets = [0, 8], sizes = [256, 1], strides = [1, 1]} : vector<256x16xf32> to vector<256x1xf32>
    %mul3A_1042 = arith.mulf %slice3A_1040, %slice3A_1041 : vector<256x1xf32>
    %mul3A_1043 = arith.mulf %slice3A_1015, %mul3A_1042 : vector<256x1xf32>
    %eq3A_1044 = vector.broadcast %add3A_1039 : vector<256x1xi32> to vector<256x256xi32>
    %eq3A_1045 = arith.cmpi eq, %iota3A_429, %eq3A_1044 : vector<256x256xi32>
    %jit3A_1046 = arith.constant 0.000000e+00 : f32
    %broadcast_in_dim3A_1047 = vector.shape_cast %mul3A_1043 : vector<256x1xf32> to vector<256x1xf32>
    %broadcast_in_dim3A_1048 = vector.broadcast %broadcast_in_dim3A_1047 : vector<256x1xf32> to vector<256x256xf32>
    %broadcast_in_dim3A_1049 = vector.broadcast %jit3A_1046 : f32 to vector<256x256xf32>
    %select_n3A_1050 = arith.select %eq3A_1045, %broadcast_in_dim3A_1048, %broadcast_in_dim3A_1049 : vector<256x256xi1>, vector<256x256xf32>
    %add3A_1051 = arith.addf %add3A_1033, %select_n3A_1050 : vector<256x256xf32>
    %slice3A_1052 = vector.extract_strided_slice %min3A_428 {offsets = [0, 8], sizes = [256, 1], strides = [1, 1]} : vector<256x16xi32> to vector<256x1xi32>
    %mul3A_1053 = arith.constant 16 : i32
    %mul3A_1054 = vector.broadcast %mul3A_1053 : i32 to vector<256x1xi32>
    %mul3A_1055 = arith.muli %slice3A_1052, %mul3A_1054 : vector<256x1xi32>
    %slice3A_1056 = vector.extract_strided_slice %min3A_401 {offsets = [0, 8], sizes = [256, 1], strides = [1, 1]} : vector<256x16xi32> to vector<256x1xi32>
    %add3A_1057 = arith.addi %mul3A_1055, %slice3A_1056 : vector<256x1xi32>
    %slice3A_1058 = vector.extract_strided_slice %sub3A_388 {offsets = [0, 8], sizes = [256, 1], strides = [1, 1]} : vector<256x16xf32> to vector<256x1xf32>
    %slice3A_1059 = vector.extract_strided_slice %sub3A_391 {offsets = [0, 8], sizes = [256, 1], strides = [1, 1]} : vector<256x16xf32> to vector<256x1xf32>
    %mul3A_1060 = arith.mulf %slice3A_1058, %slice3A_1059 : vector<256x1xf32>
    %mul3A_1061 = arith.mulf %slice3A_1015, %mul3A_1060 : vector<256x1xf32>
    %eq3A_1062 = vector.broadcast %add3A_1057 : vector<256x1xi32> to vector<256x256xi32>
    %eq3A_1063 = arith.cmpi eq, %iota3A_429, %eq3A_1062 : vector<256x256xi32>
    %jit3A_1064 = arith.constant 0.000000e+00 : f32
    %broadcast_in_dim3A_1065 = vector.shape_cast %mul3A_1061 : vector<256x1xf32> to vector<256x1xf32>
    %broadcast_in_dim3A_1066 = vector.broadcast %broadcast_in_dim3A_1065 : vector<256x1xf32> to vector<256x256xf32>
    %broadcast_in_dim3A_1067 = vector.broadcast %jit3A_1064 : f32 to vector<256x256xf32>
    %select_n3A_1068 = arith.select %eq3A_1063, %broadcast_in_dim3A_1066, %broadcast_in_dim3A_1067 : vector<256x256xi1>, vector<256x256xf32>
    %add3A_1069 = arith.addf %add3A_1051, %select_n3A_1068 : vector<256x256xf32>
    %slice3A_1070 = vector.extract_strided_slice %min3A_428 {offsets = [0, 8], sizes = [256, 1], strides = [1, 1]} : vector<256x16xi32> to vector<256x1xi32>
    %mul3A_1071 = arith.constant 16 : i32
    %mul3A_1072 = vector.broadcast %mul3A_1071 : i32 to vector<256x1xi32>
    %mul3A_1073 = arith.muli %slice3A_1070, %mul3A_1072 : vector<256x1xi32>
    %slice3A_1074 = vector.extract_strided_slice %min3A_418 {offsets = [0, 8], sizes = [256, 1], strides = [1, 1]} : vector<256x16xi32> to vector<256x1xi32>
    %add3A_1075 = arith.addi %mul3A_1073, %slice3A_1074 : vector<256x1xi32>
    %slice3A_1076 = vector.extract_strided_slice %sub3A_388 {offsets = [0, 8], sizes = [256, 1], strides = [1, 1]} : vector<256x16xf32> to vector<256x1xf32>
    %slice3A_1077 = vector.extract_strided_slice %sub3A_387 {offsets = [0, 8], sizes = [256, 1], strides = [1, 1]} : vector<256x16xf32> to vector<256x1xf32>
    %mul3A_1078 = arith.mulf %slice3A_1076, %slice3A_1077 : vector<256x1xf32>
    %mul3A_1079 = arith.mulf %slice3A_1015, %mul3A_1078 : vector<256x1xf32>
    %eq3A_1080 = vector.broadcast %add3A_1075 : vector<256x1xi32> to vector<256x256xi32>
    %eq3A_1081 = arith.cmpi eq, %iota3A_429, %eq3A_1080 : vector<256x256xi32>
    %jit3A_1082 = arith.constant 0.000000e+00 : f32
    %broadcast_in_dim3A_1083 = vector.shape_cast %mul3A_1079 : vector<256x1xf32> to vector<256x1xf32>
    %broadcast_in_dim3A_1084 = vector.broadcast %broadcast_in_dim3A_1083 : vector<256x1xf32> to vector<256x256xf32>
    %broadcast_in_dim3A_1085 = vector.broadcast %jit3A_1082 : f32 to vector<256x256xf32>
    %select_n3A_1086 = arith.select %eq3A_1081, %broadcast_in_dim3A_1084, %broadcast_in_dim3A_1085 : vector<256x256xi1>, vector<256x256xf32>
    %add3A_1087 = arith.addf %add3A_1069, %select_n3A_1086 : vector<256x256xf32>
    %slice3A_1088 = vector.extract_strided_slice %div3A_361 {offsets = [0, 9], sizes = [256, 1], strides = [1, 1]} : vector<256x16xf32> to vector<256x1xf32>
    %slice3A_1089 = vector.extract_strided_slice %min3A_408 {offsets = [0, 9], sizes = [256, 1], strides = [1, 1]} : vector<256x16xi32> to vector<256x1xi32>
    %mul3A_1090 = arith.constant 16 : i32
    %mul3A_1091 = vector.broadcast %mul3A_1090 : i32 to vector<256x1xi32>
    %mul3A_1092 = arith.muli %slice3A_1089, %mul3A_1091 : vector<256x1xi32>
    %slice3A_1093 = vector.extract_strided_slice %min3A_401 {offsets = [0, 9], sizes = [256, 1], strides = [1, 1]} : vector<256x16xi32> to vector<256x1xi32>
    %add3A_1094 = arith.addi %mul3A_1092, %slice3A_1093 : vector<256x1xi32>
    %slice3A_1095 = vector.extract_strided_slice %sub3A_394 {offsets = [0, 9], sizes = [256, 1], strides = [1, 1]} : vector<256x16xf32> to vector<256x1xf32>
    %slice3A_1096 = vector.extract_strided_slice %sub3A_391 {offsets = [0, 9], sizes = [256, 1], strides = [1, 1]} : vector<256x16xf32> to vector<256x1xf32>
    %mul3A_1097 = arith.mulf %slice3A_1095, %slice3A_1096 : vector<256x1xf32>
    %mul3A_1098 = arith.mulf %slice3A_1088, %mul3A_1097 : vector<256x1xf32>
    %eq3A_1099 = vector.broadcast %add3A_1094 : vector<256x1xi32> to vector<256x256xi32>
    %eq3A_1100 = arith.cmpi eq, %iota3A_429, %eq3A_1099 : vector<256x256xi32>
    %jit3A_1101 = arith.constant 0.000000e+00 : f32
    %broadcast_in_dim3A_1102 = vector.shape_cast %mul3A_1098 : vector<256x1xf32> to vector<256x1xf32>
    %broadcast_in_dim3A_1103 = vector.broadcast %broadcast_in_dim3A_1102 : vector<256x1xf32> to vector<256x256xf32>
    %broadcast_in_dim3A_1104 = vector.broadcast %jit3A_1101 : f32 to vector<256x256xf32>
    %select_n3A_1105 = arith.select %eq3A_1100, %broadcast_in_dim3A_1103, %broadcast_in_dim3A_1104 : vector<256x256xi1>, vector<256x256xf32>
    %add3A_1106 = arith.addf %add3A_1087, %select_n3A_1105 : vector<256x256xf32>
    %slice3A_1107 = vector.extract_strided_slice %min3A_408 {offsets = [0, 9], sizes = [256, 1], strides = [1, 1]} : vector<256x16xi32> to vector<256x1xi32>
    %mul3A_1108 = arith.constant 16 : i32
    %mul3A_1109 = vector.broadcast %mul3A_1108 : i32 to vector<256x1xi32>
    %mul3A_1110 = arith.muli %slice3A_1107, %mul3A_1109 : vector<256x1xi32>
    %slice3A_1111 = vector.extract_strided_slice %min3A_418 {offsets = [0, 9], sizes = [256, 1], strides = [1, 1]} : vector<256x16xi32> to vector<256x1xi32>
    %add3A_1112 = arith.addi %mul3A_1110, %slice3A_1111 : vector<256x1xi32>
    %slice3A_1113 = vector.extract_strided_slice %sub3A_394 {offsets = [0, 9], sizes = [256, 1], strides = [1, 1]} : vector<256x16xf32> to vector<256x1xf32>
    %slice3A_1114 = vector.extract_strided_slice %sub3A_387 {offsets = [0, 9], sizes = [256, 1], strides = [1, 1]} : vector<256x16xf32> to vector<256x1xf32>
    %mul3A_1115 = arith.mulf %slice3A_1113, %slice3A_1114 : vector<256x1xf32>
    %mul3A_1116 = arith.mulf %slice3A_1088, %mul3A_1115 : vector<256x1xf32>
    %eq3A_1117 = vector.broadcast %add3A_1112 : vector<256x1xi32> to vector<256x256xi32>
    %eq3A_1118 = arith.cmpi eq, %iota3A_429, %eq3A_1117 : vector<256x256xi32>
    %jit3A_1119 = arith.constant 0.000000e+00 : f32
    %broadcast_in_dim3A_1120 = vector.shape_cast %mul3A_1116 : vector<256x1xf32> to vector<256x1xf32>
    %broadcast_in_dim3A_1121 = vector.broadcast %broadcast_in_dim3A_1120 : vector<256x1xf32> to vector<256x256xf32>
    %broadcast_in_dim3A_1122 = vector.broadcast %jit3A_1119 : f32 to vector<256x256xf32>
    %select_n3A_1123 = arith.select %eq3A_1118, %broadcast_in_dim3A_1121, %broadcast_in_dim3A_1122 : vector<256x256xi1>, vector<256x256xf32>
    %add3A_1124 = arith.addf %add3A_1106, %select_n3A_1123 : vector<256x256xf32>
    %slice3A_1125 = vector.extract_strided_slice %min3A_428 {offsets = [0, 9], sizes = [256, 1], strides = [1, 1]} : vector<256x16xi32> to vector<256x1xi32>
    %mul3A_1126 = arith.constant 16 : i32
    %mul3A_1127 = vector.broadcast %mul3A_1126 : i32 to vector<256x1xi32>
    %mul3A_1128 = arith.muli %slice3A_1125, %mul3A_1127 : vector<256x1xi32>
    %slice3A_1129 = vector.extract_strided_slice %min3A_401 {offsets = [0, 9], sizes = [256, 1], strides = [1, 1]} : vector<256x16xi32> to vector<256x1xi32>
    %add3A_1130 = arith.addi %mul3A_1128, %slice3A_1129 : vector<256x1xi32>
    %slice3A_1131 = vector.extract_strided_slice %sub3A_388 {offsets = [0, 9], sizes = [256, 1], strides = [1, 1]} : vector<256x16xf32> to vector<256x1xf32>
    %slice3A_1132 = vector.extract_strided_slice %sub3A_391 {offsets = [0, 9], sizes = [256, 1], strides = [1, 1]} : vector<256x16xf32> to vector<256x1xf32>
    %mul3A_1133 = arith.mulf %slice3A_1131, %slice3A_1132 : vector<256x1xf32>
    %mul3A_1134 = arith.mulf %slice3A_1088, %mul3A_1133 : vector<256x1xf32>
    %eq3A_1135 = vector.broadcast %add3A_1130 : vector<256x1xi32> to vector<256x256xi32>
    %eq3A_1136 = arith.cmpi eq, %iota3A_429, %eq3A_1135 : vector<256x256xi32>
    %jit3A_1137 = arith.constant 0.000000e+00 : f32
    %broadcast_in_dim3A_1138 = vector.shape_cast %mul3A_1134 : vector<256x1xf32> to vector<256x1xf32>
    %broadcast_in_dim3A_1139 = vector.broadcast %broadcast_in_dim3A_1138 : vector<256x1xf32> to vector<256x256xf32>
    %broadcast_in_dim3A_1140 = vector.broadcast %jit3A_1137 : f32 to vector<256x256xf32>
    %select_n3A_1141 = arith.select %eq3A_1136, %broadcast_in_dim3A_1139, %broadcast_in_dim3A_1140 : vector<256x256xi1>, vector<256x256xf32>
    %add3A_1142 = arith.addf %add3A_1124, %select_n3A_1141 : vector<256x256xf32>
    %slice3A_1143 = vector.extract_strided_slice %min3A_428 {offsets = [0, 9], sizes = [256, 1], strides = [1, 1]} : vector<256x16xi32> to vector<256x1xi32>
    %mul3A_1144 = arith.constant 16 : i32
    %mul3A_1145 = vector.broadcast %mul3A_1144 : i32 to vector<256x1xi32>
    %mul3A_1146 = arith.muli %slice3A_1143, %mul3A_1145 : vector<256x1xi32>
    %slice3A_1147 = vector.extract_strided_slice %min3A_418 {offsets = [0, 9], sizes = [256, 1], strides = [1, 1]} : vector<256x16xi32> to vector<256x1xi32>
    %add3A_1148 = arith.addi %mul3A_1146, %slice3A_1147 : vector<256x1xi32>
    %slice3A_1149 = vector.extract_strided_slice %sub3A_388 {offsets = [0, 9], sizes = [256, 1], strides = [1, 1]} : vector<256x16xf32> to vector<256x1xf32>
    %slice3A_1150 = vector.extract_strided_slice %sub3A_387 {offsets = [0, 9], sizes = [256, 1], strides = [1, 1]} : vector<256x16xf32> to vector<256x1xf32>
    %mul3A_1151 = arith.mulf %slice3A_1149, %slice3A_1150 : vector<256x1xf32>
    %mul3A_1152 = arith.mulf %slice3A_1088, %mul3A_1151 : vector<256x1xf32>
    %eq3A_1153 = vector.broadcast %add3A_1148 : vector<256x1xi32> to vector<256x256xi32>
    %eq3A_1154 = arith.cmpi eq, %iota3A_429, %eq3A_1153 : vector<256x256xi32>
    %jit3A_1155 = arith.constant 0.000000e+00 : f32
    %broadcast_in_dim3A_1156 = vector.shape_cast %mul3A_1152 : vector<256x1xf32> to vector<256x1xf32>
    %broadcast_in_dim3A_1157 = vector.broadcast %broadcast_in_dim3A_1156 : vector<256x1xf32> to vector<256x256xf32>
    %broadcast_in_dim3A_1158 = vector.broadcast %jit3A_1155 : f32 to vector<256x256xf32>
    %select_n3A_1159 = arith.select %eq3A_1154, %broadcast_in_dim3A_1157, %broadcast_in_dim3A_1158 : vector<256x256xi1>, vector<256x256xf32>
    %add3A_1160 = arith.addf %add3A_1142, %select_n3A_1159 : vector<256x256xf32>
    %slice3A_1161 = vector.extract_strided_slice %div3A_361 {offsets = [0, 10], sizes = [256, 1], strides = [1, 1]} : vector<256x16xf32> to vector<256x1xf32>
    %slice3A_1162 = vector.extract_strided_slice %min3A_408 {offsets = [0, 10], sizes = [256, 1], strides = [1, 1]} : vector<256x16xi32> to vector<256x1xi32>
    %mul3A_1163 = arith.constant 16 : i32
    %mul3A_1164 = vector.broadcast %mul3A_1163 : i32 to vector<256x1xi32>
    %mul3A_1165 = arith.muli %slice3A_1162, %mul3A_1164 : vector<256x1xi32>
    %slice3A_1166 = vector.extract_strided_slice %min3A_401 {offsets = [0, 10], sizes = [256, 1], strides = [1, 1]} : vector<256x16xi32> to vector<256x1xi32>
    %add3A_1167 = arith.addi %mul3A_1165, %slice3A_1166 : vector<256x1xi32>
    %slice3A_1168 = vector.extract_strided_slice %sub3A_394 {offsets = [0, 10], sizes = [256, 1], strides = [1, 1]} : vector<256x16xf32> to vector<256x1xf32>
    %slice3A_1169 = vector.extract_strided_slice %sub3A_391 {offsets = [0, 10], sizes = [256, 1], strides = [1, 1]} : vector<256x16xf32> to vector<256x1xf32>
    %mul3A_1170 = arith.mulf %slice3A_1168, %slice3A_1169 : vector<256x1xf32>
    %mul3A_1171 = arith.mulf %slice3A_1161, %mul3A_1170 : vector<256x1xf32>
    %eq3A_1172 = vector.broadcast %add3A_1167 : vector<256x1xi32> to vector<256x256xi32>
    %eq3A_1173 = arith.cmpi eq, %iota3A_429, %eq3A_1172 : vector<256x256xi32>
    %jit3A_1174 = arith.constant 0.000000e+00 : f32
    %broadcast_in_dim3A_1175 = vector.shape_cast %mul3A_1171 : vector<256x1xf32> to vector<256x1xf32>
    %broadcast_in_dim3A_1176 = vector.broadcast %broadcast_in_dim3A_1175 : vector<256x1xf32> to vector<256x256xf32>
    %broadcast_in_dim3A_1177 = vector.broadcast %jit3A_1174 : f32 to vector<256x256xf32>
    %select_n3A_1178 = arith.select %eq3A_1173, %broadcast_in_dim3A_1176, %broadcast_in_dim3A_1177 : vector<256x256xi1>, vector<256x256xf32>
    %add3A_1179 = arith.addf %add3A_1160, %select_n3A_1178 : vector<256x256xf32>
    %slice3A_1180 = vector.extract_strided_slice %min3A_408 {offsets = [0, 10], sizes = [256, 1], strides = [1, 1]} : vector<256x16xi32> to vector<256x1xi32>
    %mul3A_1181 = arith.constant 16 : i32
    %mul3A_1182 = vector.broadcast %mul3A_1181 : i32 to vector<256x1xi32>
    %mul3A_1183 = arith.muli %slice3A_1180, %mul3A_1182 : vector<256x1xi32>
    %slice3A_1184 = vector.extract_strided_slice %min3A_418 {offsets = [0, 10], sizes = [256, 1], strides = [1, 1]} : vector<256x16xi32> to vector<256x1xi32>
    %add3A_1185 = arith.addi %mul3A_1183, %slice3A_1184 : vector<256x1xi32>
    %slice3A_1186 = vector.extract_strided_slice %sub3A_394 {offsets = [0, 10], sizes = [256, 1], strides = [1, 1]} : vector<256x16xf32> to vector<256x1xf32>
    %slice3A_1187 = vector.extract_strided_slice %sub3A_387 {offsets = [0, 10], sizes = [256, 1], strides = [1, 1]} : vector<256x16xf32> to vector<256x1xf32>
    %mul3A_1188 = arith.mulf %slice3A_1186, %slice3A_1187 : vector<256x1xf32>
    %mul3A_1189 = arith.mulf %slice3A_1161, %mul3A_1188 : vector<256x1xf32>
    %eq3A_1190 = vector.broadcast %add3A_1185 : vector<256x1xi32> to vector<256x256xi32>
    %eq3A_1191 = arith.cmpi eq, %iota3A_429, %eq3A_1190 : vector<256x256xi32>
    %jit3A_1192 = arith.constant 0.000000e+00 : f32
    %broadcast_in_dim3A_1193 = vector.shape_cast %mul3A_1189 : vector<256x1xf32> to vector<256x1xf32>
    %broadcast_in_dim3A_1194 = vector.broadcast %broadcast_in_dim3A_1193 : vector<256x1xf32> to vector<256x256xf32>
    %broadcast_in_dim3A_1195 = vector.broadcast %jit3A_1192 : f32 to vector<256x256xf32>
    %select_n3A_1196 = arith.select %eq3A_1191, %broadcast_in_dim3A_1194, %broadcast_in_dim3A_1195 : vector<256x256xi1>, vector<256x256xf32>
    %add3A_1197 = arith.addf %add3A_1179, %select_n3A_1196 : vector<256x256xf32>
    %slice3A_1198 = vector.extract_strided_slice %min3A_428 {offsets = [0, 10], sizes = [256, 1], strides = [1, 1]} : vector<256x16xi32> to vector<256x1xi32>
    %mul3A_1199 = arith.constant 16 : i32
    %mul3A_1200 = vector.broadcast %mul3A_1199 : i32 to vector<256x1xi32>
    %mul3A_1201 = arith.muli %slice3A_1198, %mul3A_1200 : vector<256x1xi32>
    %slice3A_1202 = vector.extract_strided_slice %min3A_401 {offsets = [0, 10], sizes = [256, 1], strides = [1, 1]} : vector<256x16xi32> to vector<256x1xi32>
    %add3A_1203 = arith.addi %mul3A_1201, %slice3A_1202 : vector<256x1xi32>
    %slice3A_1204 = vector.extract_strided_slice %sub3A_388 {offsets = [0, 10], sizes = [256, 1], strides = [1, 1]} : vector<256x16xf32> to vector<256x1xf32>
    %slice3A_1205 = vector.extract_strided_slice %sub3A_391 {offsets = [0, 10], sizes = [256, 1], strides = [1, 1]} : vector<256x16xf32> to vector<256x1xf32>
    %mul3A_1206 = arith.mulf %slice3A_1204, %slice3A_1205 : vector<256x1xf32>
    %mul3A_1207 = arith.mulf %slice3A_1161, %mul3A_1206 : vector<256x1xf32>
    %eq3A_1208 = vector.broadcast %add3A_1203 : vector<256x1xi32> to vector<256x256xi32>
    %eq3A_1209 = arith.cmpi eq, %iota3A_429, %eq3A_1208 : vector<256x256xi32>
    %jit3A_1210 = arith.constant 0.000000e+00 : f32
    %broadcast_in_dim3A_1211 = vector.shape_cast %mul3A_1207 : vector<256x1xf32> to vector<256x1xf32>
    %broadcast_in_dim3A_1212 = vector.broadcast %broadcast_in_dim3A_1211 : vector<256x1xf32> to vector<256x256xf32>
    %broadcast_in_dim3A_1213 = vector.broadcast %jit3A_1210 : f32 to vector<256x256xf32>
    %select_n3A_1214 = arith.select %eq3A_1209, %broadcast_in_dim3A_1212, %broadcast_in_dim3A_1213 : vector<256x256xi1>, vector<256x256xf32>
    %add3A_1215 = arith.addf %add3A_1197, %select_n3A_1214 : vector<256x256xf32>
    %slice3A_1216 = vector.extract_strided_slice %min3A_428 {offsets = [0, 10], sizes = [256, 1], strides = [1, 1]} : vector<256x16xi32> to vector<256x1xi32>
    %mul3A_1217 = arith.constant 16 : i32
    %mul3A_1218 = vector.broadcast %mul3A_1217 : i32 to vector<256x1xi32>
    %mul3A_1219 = arith.muli %slice3A_1216, %mul3A_1218 : vector<256x1xi32>
    %slice3A_1220 = vector.extract_strided_slice %min3A_418 {offsets = [0, 10], sizes = [256, 1], strides = [1, 1]} : vector<256x16xi32> to vector<256x1xi32>
    %add3A_1221 = arith.addi %mul3A_1219, %slice3A_1220 : vector<256x1xi32>
    %slice3A_1222 = vector.extract_strided_slice %sub3A_388 {offsets = [0, 10], sizes = [256, 1], strides = [1, 1]} : vector<256x16xf32> to vector<256x1xf32>
    %slice3A_1223 = vector.extract_strided_slice %sub3A_387 {offsets = [0, 10], sizes = [256, 1], strides = [1, 1]} : vector<256x16xf32> to vector<256x1xf32>
    %mul3A_1224 = arith.mulf %slice3A_1222, %slice3A_1223 : vector<256x1xf32>
    %mul3A_1225 = arith.mulf %slice3A_1161, %mul3A_1224 : vector<256x1xf32>
    %eq3A_1226 = vector.broadcast %add3A_1221 : vector<256x1xi32> to vector<256x256xi32>
    %eq3A_1227 = arith.cmpi eq, %iota3A_429, %eq3A_1226 : vector<256x256xi32>
    %jit3A_1228 = arith.constant 0.000000e+00 : f32
    %broadcast_in_dim3A_1229 = vector.shape_cast %mul3A_1225 : vector<256x1xf32> to vector<256x1xf32>
    %broadcast_in_dim3A_1230 = vector.broadcast %broadcast_in_dim3A_1229 : vector<256x1xf32> to vector<256x256xf32>
    %broadcast_in_dim3A_1231 = vector.broadcast %jit3A_1228 : f32 to vector<256x256xf32>
    %select_n3A_1232 = arith.select %eq3A_1227, %broadcast_in_dim3A_1230, %broadcast_in_dim3A_1231 : vector<256x256xi1>, vector<256x256xf32>
    %add3A_1233 = arith.addf %add3A_1215, %select_n3A_1232 : vector<256x256xf32>
    %slice3A_1234 = vector.extract_strided_slice %div3A_361 {offsets = [0, 11], sizes = [256, 1], strides = [1, 1]} : vector<256x16xf32> to vector<256x1xf32>
    %slice3A_1235 = vector.extract_strided_slice %min3A_408 {offsets = [0, 11], sizes = [256, 1], strides = [1, 1]} : vector<256x16xi32> to vector<256x1xi32>
    %mul3A_1236 = arith.constant 16 : i32
    %mul3A_1237 = vector.broadcast %mul3A_1236 : i32 to vector<256x1xi32>
    %mul3A_1238 = arith.muli %slice3A_1235, %mul3A_1237 : vector<256x1xi32>
    %slice3A_1239 = vector.extract_strided_slice %min3A_401 {offsets = [0, 11], sizes = [256, 1], strides = [1, 1]} : vector<256x16xi32> to vector<256x1xi32>
    %add3A_1240 = arith.addi %mul3A_1238, %slice3A_1239 : vector<256x1xi32>
    %slice3A_1241 = vector.extract_strided_slice %sub3A_394 {offsets = [0, 11], sizes = [256, 1], strides = [1, 1]} : vector<256x16xf32> to vector<256x1xf32>
    %slice3A_1242 = vector.extract_strided_slice %sub3A_391 {offsets = [0, 11], sizes = [256, 1], strides = [1, 1]} : vector<256x16xf32> to vector<256x1xf32>
    %mul3A_1243 = arith.mulf %slice3A_1241, %slice3A_1242 : vector<256x1xf32>
    %mul3A_1244 = arith.mulf %slice3A_1234, %mul3A_1243 : vector<256x1xf32>
    %eq3A_1245 = vector.broadcast %add3A_1240 : vector<256x1xi32> to vector<256x256xi32>
    %eq3A_1246 = arith.cmpi eq, %iota3A_429, %eq3A_1245 : vector<256x256xi32>
    %jit3A_1247 = arith.constant 0.000000e+00 : f32
    %broadcast_in_dim3A_1248 = vector.shape_cast %mul3A_1244 : vector<256x1xf32> to vector<256x1xf32>
    %broadcast_in_dim3A_1249 = vector.broadcast %broadcast_in_dim3A_1248 : vector<256x1xf32> to vector<256x256xf32>
    %broadcast_in_dim3A_1250 = vector.broadcast %jit3A_1247 : f32 to vector<256x256xf32>
    %select_n3A_1251 = arith.select %eq3A_1246, %broadcast_in_dim3A_1249, %broadcast_in_dim3A_1250 : vector<256x256xi1>, vector<256x256xf32>
    %add3A_1252 = arith.addf %add3A_1233, %select_n3A_1251 : vector<256x256xf32>
    %slice3A_1253 = vector.extract_strided_slice %min3A_408 {offsets = [0, 11], sizes = [256, 1], strides = [1, 1]} : vector<256x16xi32> to vector<256x1xi32>
    %mul3A_1254 = arith.constant 16 : i32
    %mul3A_1255 = vector.broadcast %mul3A_1254 : i32 to vector<256x1xi32>
    %mul3A_1256 = arith.muli %slice3A_1253, %mul3A_1255 : vector<256x1xi32>
    %slice3A_1257 = vector.extract_strided_slice %min3A_418 {offsets = [0, 11], sizes = [256, 1], strides = [1, 1]} : vector<256x16xi32> to vector<256x1xi32>
    %add3A_1258 = arith.addi %mul3A_1256, %slice3A_1257 : vector<256x1xi32>
    %slice3A_1259 = vector.extract_strided_slice %sub3A_394 {offsets = [0, 11], sizes = [256, 1], strides = [1, 1]} : vector<256x16xf32> to vector<256x1xf32>
    %slice3A_1260 = vector.extract_strided_slice %sub3A_387 {offsets = [0, 11], sizes = [256, 1], strides = [1, 1]} : vector<256x16xf32> to vector<256x1xf32>
    %mul3A_1261 = arith.mulf %slice3A_1259, %slice3A_1260 : vector<256x1xf32>
    %mul3A_1262 = arith.mulf %slice3A_1234, %mul3A_1261 : vector<256x1xf32>
    %eq3A_1263 = vector.broadcast %add3A_1258 : vector<256x1xi32> to vector<256x256xi32>
    %eq3A_1264 = arith.cmpi eq, %iota3A_429, %eq3A_1263 : vector<256x256xi32>
    %jit3A_1265 = arith.constant 0.000000e+00 : f32
    %broadcast_in_dim3A_1266 = vector.shape_cast %mul3A_1262 : vector<256x1xf32> to vector<256x1xf32>
    %broadcast_in_dim3A_1267 = vector.broadcast %broadcast_in_dim3A_1266 : vector<256x1xf32> to vector<256x256xf32>
    %broadcast_in_dim3A_1268 = vector.broadcast %jit3A_1265 : f32 to vector<256x256xf32>
    %select_n3A_1269 = arith.select %eq3A_1264, %broadcast_in_dim3A_1267, %broadcast_in_dim3A_1268 : vector<256x256xi1>, vector<256x256xf32>
    %add3A_1270 = arith.addf %add3A_1252, %select_n3A_1269 : vector<256x256xf32>
    %slice3A_1271 = vector.extract_strided_slice %min3A_428 {offsets = [0, 11], sizes = [256, 1], strides = [1, 1]} : vector<256x16xi32> to vector<256x1xi32>
    %mul3A_1272 = arith.constant 16 : i32
    %mul3A_1273 = vector.broadcast %mul3A_1272 : i32 to vector<256x1xi32>
    %mul3A_1274 = arith.muli %slice3A_1271, %mul3A_1273 : vector<256x1xi32>
    %slice3A_1275 = vector.extract_strided_slice %min3A_401 {offsets = [0, 11], sizes = [256, 1], strides = [1, 1]} : vector<256x16xi32> to vector<256x1xi32>
    %add3A_1276 = arith.addi %mul3A_1274, %slice3A_1275 : vector<256x1xi32>
    %slice3A_1277 = vector.extract_strided_slice %sub3A_388 {offsets = [0, 11], sizes = [256, 1], strides = [1, 1]} : vector<256x16xf32> to vector<256x1xf32>
    %slice3A_1278 = vector.extract_strided_slice %sub3A_391 {offsets = [0, 11], sizes = [256, 1], strides = [1, 1]} : vector<256x16xf32> to vector<256x1xf32>
    %mul3A_1279 = arith.mulf %slice3A_1277, %slice3A_1278 : vector<256x1xf32>
    %mul3A_1280 = arith.mulf %slice3A_1234, %mul3A_1279 : vector<256x1xf32>
    %eq3A_1281 = vector.broadcast %add3A_1276 : vector<256x1xi32> to vector<256x256xi32>
    %eq3A_1282 = arith.cmpi eq, %iota3A_429, %eq3A_1281 : vector<256x256xi32>
    %jit3A_1283 = arith.constant 0.000000e+00 : f32
    %broadcast_in_dim3A_1284 = vector.shape_cast %mul3A_1280 : vector<256x1xf32> to vector<256x1xf32>
    %broadcast_in_dim3A_1285 = vector.broadcast %broadcast_in_dim3A_1284 : vector<256x1xf32> to vector<256x256xf32>
    %broadcast_in_dim3A_1286 = vector.broadcast %jit3A_1283 : f32 to vector<256x256xf32>
    %select_n3A_1287 = arith.select %eq3A_1282, %broadcast_in_dim3A_1285, %broadcast_in_dim3A_1286 : vector<256x256xi1>, vector<256x256xf32>
    %add3A_1288 = arith.addf %add3A_1270, %select_n3A_1287 : vector<256x256xf32>
    %slice3A_1289 = vector.extract_strided_slice %min3A_428 {offsets = [0, 11], sizes = [256, 1], strides = [1, 1]} : vector<256x16xi32> to vector<256x1xi32>
    %mul3A_1290 = arith.constant 16 : i32
    %mul3A_1291 = vector.broadcast %mul3A_1290 : i32 to vector<256x1xi32>
    %mul3A_1292 = arith.muli %slice3A_1289, %mul3A_1291 : vector<256x1xi32>
    %slice3A_1293 = vector.extract_strided_slice %min3A_418 {offsets = [0, 11], sizes = [256, 1], strides = [1, 1]} : vector<256x16xi32> to vector<256x1xi32>
    %add3A_1294 = arith.addi %mul3A_1292, %slice3A_1293 : vector<256x1xi32>
    %slice3A_1295 = vector.extract_strided_slice %sub3A_388 {offsets = [0, 11], sizes = [256, 1], strides = [1, 1]} : vector<256x16xf32> to vector<256x1xf32>
    %slice3A_1296 = vector.extract_strided_slice %sub3A_387 {offsets = [0, 11], sizes = [256, 1], strides = [1, 1]} : vector<256x16xf32> to vector<256x1xf32>
    %mul3A_1297 = arith.mulf %slice3A_1295, %slice3A_1296 : vector<256x1xf32>
    %mul3A_1298 = arith.mulf %slice3A_1234, %mul3A_1297 : vector<256x1xf32>
    %eq3A_1299 = vector.broadcast %add3A_1294 : vector<256x1xi32> to vector<256x256xi32>
    %eq3A_1300 = arith.cmpi eq, %iota3A_429, %eq3A_1299 : vector<256x256xi32>
    %jit3A_1301 = arith.constant 0.000000e+00 : f32
    %broadcast_in_dim3A_1302 = vector.shape_cast %mul3A_1298 : vector<256x1xf32> to vector<256x1xf32>
    %broadcast_in_dim3A_1303 = vector.broadcast %broadcast_in_dim3A_1302 : vector<256x1xf32> to vector<256x256xf32>
    %broadcast_in_dim3A_1304 = vector.broadcast %jit3A_1301 : f32 to vector<256x256xf32>
    %select_n3A_1305 = arith.select %eq3A_1300, %broadcast_in_dim3A_1303, %broadcast_in_dim3A_1304 : vector<256x256xi1>, vector<256x256xf32>
    %add3A_1306 = arith.addf %add3A_1288, %select_n3A_1305 : vector<256x256xf32>
    %slice3A_1307 = vector.extract_strided_slice %div3A_361 {offsets = [0, 12], sizes = [256, 1], strides = [1, 1]} : vector<256x16xf32> to vector<256x1xf32>
    %slice3A_1308 = vector.extract_strided_slice %min3A_408 {offsets = [0, 12], sizes = [256, 1], strides = [1, 1]} : vector<256x16xi32> to vector<256x1xi32>
    %mul3A_1309 = arith.constant 16 : i32
    %mul3A_1310 = vector.broadcast %mul3A_1309 : i32 to vector<256x1xi32>
    %mul3A_1311 = arith.muli %slice3A_1308, %mul3A_1310 : vector<256x1xi32>
    %slice3A_1312 = vector.extract_strided_slice %min3A_401 {offsets = [0, 12], sizes = [256, 1], strides = [1, 1]} : vector<256x16xi32> to vector<256x1xi32>
    %add3A_1313 = arith.addi %mul3A_1311, %slice3A_1312 : vector<256x1xi32>
    %slice3A_1314 = vector.extract_strided_slice %sub3A_394 {offsets = [0, 12], sizes = [256, 1], strides = [1, 1]} : vector<256x16xf32> to vector<256x1xf32>
    %slice3A_1315 = vector.extract_strided_slice %sub3A_391 {offsets = [0, 12], sizes = [256, 1], strides = [1, 1]} : vector<256x16xf32> to vector<256x1xf32>
    %mul3A_1316 = arith.mulf %slice3A_1314, %slice3A_1315 : vector<256x1xf32>
    %mul3A_1317 = arith.mulf %slice3A_1307, %mul3A_1316 : vector<256x1xf32>
    %eq3A_1318 = vector.broadcast %add3A_1313 : vector<256x1xi32> to vector<256x256xi32>
    %eq3A_1319 = arith.cmpi eq, %iota3A_429, %eq3A_1318 : vector<256x256xi32>
    %jit3A_1320 = arith.constant 0.000000e+00 : f32
    %broadcast_in_dim3A_1321 = vector.shape_cast %mul3A_1317 : vector<256x1xf32> to vector<256x1xf32>
    %broadcast_in_dim3A_1322 = vector.broadcast %broadcast_in_dim3A_1321 : vector<256x1xf32> to vector<256x256xf32>
    %broadcast_in_dim3A_1323 = vector.broadcast %jit3A_1320 : f32 to vector<256x256xf32>
    %select_n3A_1324 = arith.select %eq3A_1319, %broadcast_in_dim3A_1322, %broadcast_in_dim3A_1323 : vector<256x256xi1>, vector<256x256xf32>
    %add3A_1325 = arith.addf %add3A_1306, %select_n3A_1324 : vector<256x256xf32>
    %slice3A_1326 = vector.extract_strided_slice %min3A_408 {offsets = [0, 12], sizes = [256, 1], strides = [1, 1]} : vector<256x16xi32> to vector<256x1xi32>
    %mul3A_1327 = arith.constant 16 : i32
    %mul3A_1328 = vector.broadcast %mul3A_1327 : i32 to vector<256x1xi32>
    %mul3A_1329 = arith.muli %slice3A_1326, %mul3A_1328 : vector<256x1xi32>
    %slice3A_1330 = vector.extract_strided_slice %min3A_418 {offsets = [0, 12], sizes = [256, 1], strides = [1, 1]} : vector<256x16xi32> to vector<256x1xi32>
    %add3A_1331 = arith.addi %mul3A_1329, %slice3A_1330 : vector<256x1xi32>
    %slice3A_1332 = vector.extract_strided_slice %sub3A_394 {offsets = [0, 12], sizes = [256, 1], strides = [1, 1]} : vector<256x16xf32> to vector<256x1xf32>
    %slice3A_1333 = vector.extract_strided_slice %sub3A_387 {offsets = [0, 12], sizes = [256, 1], strides = [1, 1]} : vector<256x16xf32> to vector<256x1xf32>
    %mul3A_1334 = arith.mulf %slice3A_1332, %slice3A_1333 : vector<256x1xf32>
    %mul3A_1335 = arith.mulf %slice3A_1307, %mul3A_1334 : vector<256x1xf32>
    %eq3A_1336 = vector.broadcast %add3A_1331 : vector<256x1xi32> to vector<256x256xi32>
    %eq3A_1337 = arith.cmpi eq, %iota3A_429, %eq3A_1336 : vector<256x256xi32>
    %jit3A_1338 = arith.constant 0.000000e+00 : f32
    %broadcast_in_dim3A_1339 = vector.shape_cast %mul3A_1335 : vector<256x1xf32> to vector<256x1xf32>
    %broadcast_in_dim3A_1340 = vector.broadcast %broadcast_in_dim3A_1339 : vector<256x1xf32> to vector<256x256xf32>
    %broadcast_in_dim3A_1341 = vector.broadcast %jit3A_1338 : f32 to vector<256x256xf32>
    %select_n3A_1342 = arith.select %eq3A_1337, %broadcast_in_dim3A_1340, %broadcast_in_dim3A_1341 : vector<256x256xi1>, vector<256x256xf32>
    %add3A_1343 = arith.addf %add3A_1325, %select_n3A_1342 : vector<256x256xf32>
    %slice3A_1344 = vector.extract_strided_slice %min3A_428 {offsets = [0, 12], sizes = [256, 1], strides = [1, 1]} : vector<256x16xi32> to vector<256x1xi32>
    %mul3A_1345 = arith.constant 16 : i32
    %mul3A_1346 = vector.broadcast %mul3A_1345 : i32 to vector<256x1xi32>
    %mul3A_1347 = arith.muli %slice3A_1344, %mul3A_1346 : vector<256x1xi32>
    %slice3A_1348 = vector.extract_strided_slice %min3A_401 {offsets = [0, 12], sizes = [256, 1], strides = [1, 1]} : vector<256x16xi32> to vector<256x1xi32>
    %add3A_1349 = arith.addi %mul3A_1347, %slice3A_1348 : vector<256x1xi32>
    %slice3A_1350 = vector.extract_strided_slice %sub3A_388 {offsets = [0, 12], sizes = [256, 1], strides = [1, 1]} : vector<256x16xf32> to vector<256x1xf32>
    %slice3A_1351 = vector.extract_strided_slice %sub3A_391 {offsets = [0, 12], sizes = [256, 1], strides = [1, 1]} : vector<256x16xf32> to vector<256x1xf32>
    %mul3A_1352 = arith.mulf %slice3A_1350, %slice3A_1351 : vector<256x1xf32>
    %mul3A_1353 = arith.mulf %slice3A_1307, %mul3A_1352 : vector<256x1xf32>
    %eq3A_1354 = vector.broadcast %add3A_1349 : vector<256x1xi32> to vector<256x256xi32>
    %eq3A_1355 = arith.cmpi eq, %iota3A_429, %eq3A_1354 : vector<256x256xi32>
    %jit3A_1356 = arith.constant 0.000000e+00 : f32
    %broadcast_in_dim3A_1357 = vector.shape_cast %mul3A_1353 : vector<256x1xf32> to vector<256x1xf32>
    %broadcast_in_dim3A_1358 = vector.broadcast %broadcast_in_dim3A_1357 : vector<256x1xf32> to vector<256x256xf32>
    %broadcast_in_dim3A_1359 = vector.broadcast %jit3A_1356 : f32 to vector<256x256xf32>
    %select_n3A_1360 = arith.select %eq3A_1355, %broadcast_in_dim3A_1358, %broadcast_in_dim3A_1359 : vector<256x256xi1>, vector<256x256xf32>
    %add3A_1361 = arith.addf %add3A_1343, %select_n3A_1360 : vector<256x256xf32>
    %slice3A_1362 = vector.extract_strided_slice %min3A_428 {offsets = [0, 12], sizes = [256, 1], strides = [1, 1]} : vector<256x16xi32> to vector<256x1xi32>
    %mul3A_1363 = arith.constant 16 : i32
    %mul3A_1364 = vector.broadcast %mul3A_1363 : i32 to vector<256x1xi32>
    %mul3A_1365 = arith.muli %slice3A_1362, %mul3A_1364 : vector<256x1xi32>
    %slice3A_1366 = vector.extract_strided_slice %min3A_418 {offsets = [0, 12], sizes = [256, 1], strides = [1, 1]} : vector<256x16xi32> to vector<256x1xi32>
    %add3A_1367 = arith.addi %mul3A_1365, %slice3A_1366 : vector<256x1xi32>
    %slice3A_1368 = vector.extract_strided_slice %sub3A_388 {offsets = [0, 12], sizes = [256, 1], strides = [1, 1]} : vector<256x16xf32> to vector<256x1xf32>
    %slice3A_1369 = vector.extract_strided_slice %sub3A_387 {offsets = [0, 12], sizes = [256, 1], strides = [1, 1]} : vector<256x16xf32> to vector<256x1xf32>
    %mul3A_1370 = arith.mulf %slice3A_1368, %slice3A_1369 : vector<256x1xf32>
    %mul3A_1371 = arith.mulf %slice3A_1307, %mul3A_1370 : vector<256x1xf32>
    %eq3A_1372 = vector.broadcast %add3A_1367 : vector<256x1xi32> to vector<256x256xi32>
    %eq3A_1373 = arith.cmpi eq, %iota3A_429, %eq3A_1372 : vector<256x256xi32>
    %jit3A_1374 = arith.constant 0.000000e+00 : f32
    %broadcast_in_dim3A_1375 = vector.shape_cast %mul3A_1371 : vector<256x1xf32> to vector<256x1xf32>
    %broadcast_in_dim3A_1376 = vector.broadcast %broadcast_in_dim3A_1375 : vector<256x1xf32> to vector<256x256xf32>
    %broadcast_in_dim3A_1377 = vector.broadcast %jit3A_1374 : f32 to vector<256x256xf32>
    %select_n3A_1378 = arith.select %eq3A_1373, %broadcast_in_dim3A_1376, %broadcast_in_dim3A_1377 : vector<256x256xi1>, vector<256x256xf32>
    %add3A_1379 = arith.addf %add3A_1361, %select_n3A_1378 : vector<256x256xf32>
    %slice3A_1380 = vector.extract_strided_slice %div3A_361 {offsets = [0, 13], sizes = [256, 1], strides = [1, 1]} : vector<256x16xf32> to vector<256x1xf32>
    %slice3A_1381 = vector.extract_strided_slice %min3A_408 {offsets = [0, 13], sizes = [256, 1], strides = [1, 1]} : vector<256x16xi32> to vector<256x1xi32>
    %mul3A_1382 = arith.constant 16 : i32
    %mul3A_1383 = vector.broadcast %mul3A_1382 : i32 to vector<256x1xi32>
    %mul3A_1384 = arith.muli %slice3A_1381, %mul3A_1383 : vector<256x1xi32>
    %slice3A_1385 = vector.extract_strided_slice %min3A_401 {offsets = [0, 13], sizes = [256, 1], strides = [1, 1]} : vector<256x16xi32> to vector<256x1xi32>
    %add3A_1386 = arith.addi %mul3A_1384, %slice3A_1385 : vector<256x1xi32>
    %slice3A_1387 = vector.extract_strided_slice %sub3A_394 {offsets = [0, 13], sizes = [256, 1], strides = [1, 1]} : vector<256x16xf32> to vector<256x1xf32>
    %slice3A_1388 = vector.extract_strided_slice %sub3A_391 {offsets = [0, 13], sizes = [256, 1], strides = [1, 1]} : vector<256x16xf32> to vector<256x1xf32>
    %mul3A_1389 = arith.mulf %slice3A_1387, %slice3A_1388 : vector<256x1xf32>
    %mul3A_1390 = arith.mulf %slice3A_1380, %mul3A_1389 : vector<256x1xf32>
    %eq3A_1391 = vector.broadcast %add3A_1386 : vector<256x1xi32> to vector<256x256xi32>
    %eq3A_1392 = arith.cmpi eq, %iota3A_429, %eq3A_1391 : vector<256x256xi32>
    %jit3A_1393 = arith.constant 0.000000e+00 : f32
    %broadcast_in_dim3A_1394 = vector.shape_cast %mul3A_1390 : vector<256x1xf32> to vector<256x1xf32>
    %broadcast_in_dim3A_1395 = vector.broadcast %broadcast_in_dim3A_1394 : vector<256x1xf32> to vector<256x256xf32>
    %broadcast_in_dim3A_1396 = vector.broadcast %jit3A_1393 : f32 to vector<256x256xf32>
    %select_n3A_1397 = arith.select %eq3A_1392, %broadcast_in_dim3A_1395, %broadcast_in_dim3A_1396 : vector<256x256xi1>, vector<256x256xf32>
    %add3A_1398 = arith.addf %add3A_1379, %select_n3A_1397 : vector<256x256xf32>
    %slice3A_1399 = vector.extract_strided_slice %min3A_408 {offsets = [0, 13], sizes = [256, 1], strides = [1, 1]} : vector<256x16xi32> to vector<256x1xi32>
    %mul3A_1400 = arith.constant 16 : i32
    %mul3A_1401 = vector.broadcast %mul3A_1400 : i32 to vector<256x1xi32>
    %mul3A_1402 = arith.muli %slice3A_1399, %mul3A_1401 : vector<256x1xi32>
    %slice3A_1403 = vector.extract_strided_slice %min3A_418 {offsets = [0, 13], sizes = [256, 1], strides = [1, 1]} : vector<256x16xi32> to vector<256x1xi32>
    %add3A_1404 = arith.addi %mul3A_1402, %slice3A_1403 : vector<256x1xi32>
    %slice3A_1405 = vector.extract_strided_slice %sub3A_394 {offsets = [0, 13], sizes = [256, 1], strides = [1, 1]} : vector<256x16xf32> to vector<256x1xf32>
    %slice3A_1406 = vector.extract_strided_slice %sub3A_387 {offsets = [0, 13], sizes = [256, 1], strides = [1, 1]} : vector<256x16xf32> to vector<256x1xf32>
    %mul3A_1407 = arith.mulf %slice3A_1405, %slice3A_1406 : vector<256x1xf32>
    %mul3A_1408 = arith.mulf %slice3A_1380, %mul3A_1407 : vector<256x1xf32>
    %eq3A_1409 = vector.broadcast %add3A_1404 : vector<256x1xi32> to vector<256x256xi32>
    %eq3A_1410 = arith.cmpi eq, %iota3A_429, %eq3A_1409 : vector<256x256xi32>
    %jit3A_1411 = arith.constant 0.000000e+00 : f32
    %broadcast_in_dim3A_1412 = vector.shape_cast %mul3A_1408 : vector<256x1xf32> to vector<256x1xf32>
    %broadcast_in_dim3A_1413 = vector.broadcast %broadcast_in_dim3A_1412 : vector<256x1xf32> to vector<256x256xf32>
    %broadcast_in_dim3A_1414 = vector.broadcast %jit3A_1411 : f32 to vector<256x256xf32>
    %select_n3A_1415 = arith.select %eq3A_1410, %broadcast_in_dim3A_1413, %broadcast_in_dim3A_1414 : vector<256x256xi1>, vector<256x256xf32>
    %add3A_1416 = arith.addf %add3A_1398, %select_n3A_1415 : vector<256x256xf32>
    %slice3A_1417 = vector.extract_strided_slice %min3A_428 {offsets = [0, 13], sizes = [256, 1], strides = [1, 1]} : vector<256x16xi32> to vector<256x1xi32>
    %mul3A_1418 = arith.constant 16 : i32
    %mul3A_1419 = vector.broadcast %mul3A_1418 : i32 to vector<256x1xi32>
    %mul3A_1420 = arith.muli %slice3A_1417, %mul3A_1419 : vector<256x1xi32>
    %slice3A_1421 = vector.extract_strided_slice %min3A_401 {offsets = [0, 13], sizes = [256, 1], strides = [1, 1]} : vector<256x16xi32> to vector<256x1xi32>
    %add3A_1422 = arith.addi %mul3A_1420, %slice3A_1421 : vector<256x1xi32>
    %slice3A_1423 = vector.extract_strided_slice %sub3A_388 {offsets = [0, 13], sizes = [256, 1], strides = [1, 1]} : vector<256x16xf32> to vector<256x1xf32>
    %slice3A_1424 = vector.extract_strided_slice %sub3A_391 {offsets = [0, 13], sizes = [256, 1], strides = [1, 1]} : vector<256x16xf32> to vector<256x1xf32>
    %mul3A_1425 = arith.mulf %slice3A_1423, %slice3A_1424 : vector<256x1xf32>
    %mul3A_1426 = arith.mulf %slice3A_1380, %mul3A_1425 : vector<256x1xf32>
    %eq3A_1427 = vector.broadcast %add3A_1422 : vector<256x1xi32> to vector<256x256xi32>
    %eq3A_1428 = arith.cmpi eq, %iota3A_429, %eq3A_1427 : vector<256x256xi32>
    %jit3A_1429 = arith.constant 0.000000e+00 : f32
    %broadcast_in_dim3A_1430 = vector.shape_cast %mul3A_1426 : vector<256x1xf32> to vector<256x1xf32>
    %broadcast_in_dim3A_1431 = vector.broadcast %broadcast_in_dim3A_1430 : vector<256x1xf32> to vector<256x256xf32>
    %broadcast_in_dim3A_1432 = vector.broadcast %jit3A_1429 : f32 to vector<256x256xf32>
    %select_n3A_1433 = arith.select %eq3A_1428, %broadcast_in_dim3A_1431, %broadcast_in_dim3A_1432 : vector<256x256xi1>, vector<256x256xf32>
    %add3A_1434 = arith.addf %add3A_1416, %select_n3A_1433 : vector<256x256xf32>
    %slice3A_1435 = vector.extract_strided_slice %min3A_428 {offsets = [0, 13], sizes = [256, 1], strides = [1, 1]} : vector<256x16xi32> to vector<256x1xi32>
    %mul3A_1436 = arith.constant 16 : i32
    %mul3A_1437 = vector.broadcast %mul3A_1436 : i32 to vector<256x1xi32>
    %mul3A_1438 = arith.muli %slice3A_1435, %mul3A_1437 : vector<256x1xi32>
    %slice3A_1439 = vector.extract_strided_slice %min3A_418 {offsets = [0, 13], sizes = [256, 1], strides = [1, 1]} : vector<256x16xi32> to vector<256x1xi32>
    %add3A_1440 = arith.addi %mul3A_1438, %slice3A_1439 : vector<256x1xi32>
    %slice3A_1441 = vector.extract_strided_slice %sub3A_388 {offsets = [0, 13], sizes = [256, 1], strides = [1, 1]} : vector<256x16xf32> to vector<256x1xf32>
    %slice3A_1442 = vector.extract_strided_slice %sub3A_387 {offsets = [0, 13], sizes = [256, 1], strides = [1, 1]} : vector<256x16xf32> to vector<256x1xf32>
    %mul3A_1443 = arith.mulf %slice3A_1441, %slice3A_1442 : vector<256x1xf32>
    %mul3A_1444 = arith.mulf %slice3A_1380, %mul3A_1443 : vector<256x1xf32>
    %eq3A_1445 = vector.broadcast %add3A_1440 : vector<256x1xi32> to vector<256x256xi32>
    %eq3A_1446 = arith.cmpi eq, %iota3A_429, %eq3A_1445 : vector<256x256xi32>
    %jit3A_1447 = arith.constant 0.000000e+00 : f32
    %broadcast_in_dim3A_1448 = vector.shape_cast %mul3A_1444 : vector<256x1xf32> to vector<256x1xf32>
    %broadcast_in_dim3A_1449 = vector.broadcast %broadcast_in_dim3A_1448 : vector<256x1xf32> to vector<256x256xf32>
    %broadcast_in_dim3A_1450 = vector.broadcast %jit3A_1447 : f32 to vector<256x256xf32>
    %select_n3A_1451 = arith.select %eq3A_1446, %broadcast_in_dim3A_1449, %broadcast_in_dim3A_1450 : vector<256x256xi1>, vector<256x256xf32>
    %add3A_1452 = arith.addf %add3A_1434, %select_n3A_1451 : vector<256x256xf32>
    %slice3A_1453 = vector.extract_strided_slice %div3A_361 {offsets = [0, 14], sizes = [256, 1], strides = [1, 1]} : vector<256x16xf32> to vector<256x1xf32>
    %slice3A_1454 = vector.extract_strided_slice %min3A_408 {offsets = [0, 14], sizes = [256, 1], strides = [1, 1]} : vector<256x16xi32> to vector<256x1xi32>
    %mul3A_1455 = arith.constant 16 : i32
    %mul3A_1456 = vector.broadcast %mul3A_1455 : i32 to vector<256x1xi32>
    %mul3A_1457 = arith.muli %slice3A_1454, %mul3A_1456 : vector<256x1xi32>
    %slice3A_1458 = vector.extract_strided_slice %min3A_401 {offsets = [0, 14], sizes = [256, 1], strides = [1, 1]} : vector<256x16xi32> to vector<256x1xi32>
    %add3A_1459 = arith.addi %mul3A_1457, %slice3A_1458 : vector<256x1xi32>
    %slice3A_1460 = vector.extract_strided_slice %sub3A_394 {offsets = [0, 14], sizes = [256, 1], strides = [1, 1]} : vector<256x16xf32> to vector<256x1xf32>
    %slice3A_1461 = vector.extract_strided_slice %sub3A_391 {offsets = [0, 14], sizes = [256, 1], strides = [1, 1]} : vector<256x16xf32> to vector<256x1xf32>
    %mul3A_1462 = arith.mulf %slice3A_1460, %slice3A_1461 : vector<256x1xf32>
    %mul3A_1463 = arith.mulf %slice3A_1453, %mul3A_1462 : vector<256x1xf32>
    %eq3A_1464 = vector.broadcast %add3A_1459 : vector<256x1xi32> to vector<256x256xi32>
    %eq3A_1465 = arith.cmpi eq, %iota3A_429, %eq3A_1464 : vector<256x256xi32>
    %jit3A_1466 = arith.constant 0.000000e+00 : f32
    %broadcast_in_dim3A_1467 = vector.shape_cast %mul3A_1463 : vector<256x1xf32> to vector<256x1xf32>
    %broadcast_in_dim3A_1468 = vector.broadcast %broadcast_in_dim3A_1467 : vector<256x1xf32> to vector<256x256xf32>
    %broadcast_in_dim3A_1469 = vector.broadcast %jit3A_1466 : f32 to vector<256x256xf32>
    %select_n3A_1470 = arith.select %eq3A_1465, %broadcast_in_dim3A_1468, %broadcast_in_dim3A_1469 : vector<256x256xi1>, vector<256x256xf32>
    %add3A_1471 = arith.addf %add3A_1452, %select_n3A_1470 : vector<256x256xf32>
    %slice3A_1472 = vector.extract_strided_slice %min3A_408 {offsets = [0, 14], sizes = [256, 1], strides = [1, 1]} : vector<256x16xi32> to vector<256x1xi32>
    %mul3A_1473 = arith.constant 16 : i32
    %mul3A_1474 = vector.broadcast %mul3A_1473 : i32 to vector<256x1xi32>
    %mul3A_1475 = arith.muli %slice3A_1472, %mul3A_1474 : vector<256x1xi32>
    %slice3A_1476 = vector.extract_strided_slice %min3A_418 {offsets = [0, 14], sizes = [256, 1], strides = [1, 1]} : vector<256x16xi32> to vector<256x1xi32>
    %add3A_1477 = arith.addi %mul3A_1475, %slice3A_1476 : vector<256x1xi32>
    %slice3A_1478 = vector.extract_strided_slice %sub3A_394 {offsets = [0, 14], sizes = [256, 1], strides = [1, 1]} : vector<256x16xf32> to vector<256x1xf32>
    %slice3A_1479 = vector.extract_strided_slice %sub3A_387 {offsets = [0, 14], sizes = [256, 1], strides = [1, 1]} : vector<256x16xf32> to vector<256x1xf32>
    %mul3A_1480 = arith.mulf %slice3A_1478, %slice3A_1479 : vector<256x1xf32>
    %mul3A_1481 = arith.mulf %slice3A_1453, %mul3A_1480 : vector<256x1xf32>
    %eq3A_1482 = vector.broadcast %add3A_1477 : vector<256x1xi32> to vector<256x256xi32>
    %eq3A_1483 = arith.cmpi eq, %iota3A_429, %eq3A_1482 : vector<256x256xi32>
    %jit3A_1484 = arith.constant 0.000000e+00 : f32
    %broadcast_in_dim3A_1485 = vector.shape_cast %mul3A_1481 : vector<256x1xf32> to vector<256x1xf32>
    %broadcast_in_dim3A_1486 = vector.broadcast %broadcast_in_dim3A_1485 : vector<256x1xf32> to vector<256x256xf32>
    %broadcast_in_dim3A_1487 = vector.broadcast %jit3A_1484 : f32 to vector<256x256xf32>
    %select_n3A_1488 = arith.select %eq3A_1483, %broadcast_in_dim3A_1486, %broadcast_in_dim3A_1487 : vector<256x256xi1>, vector<256x256xf32>
    %add3A_1489 = arith.addf %add3A_1471, %select_n3A_1488 : vector<256x256xf32>
    %slice3A_1490 = vector.extract_strided_slice %min3A_428 {offsets = [0, 14], sizes = [256, 1], strides = [1, 1]} : vector<256x16xi32> to vector<256x1xi32>
    %mul3A_1491 = arith.constant 16 : i32
    %mul3A_1492 = vector.broadcast %mul3A_1491 : i32 to vector<256x1xi32>
    %mul3A_1493 = arith.muli %slice3A_1490, %mul3A_1492 : vector<256x1xi32>
    %slice3A_1494 = vector.extract_strided_slice %min3A_401 {offsets = [0, 14], sizes = [256, 1], strides = [1, 1]} : vector<256x16xi32> to vector<256x1xi32>
    %add3A_1495 = arith.addi %mul3A_1493, %slice3A_1494 : vector<256x1xi32>
    %slice3A_1496 = vector.extract_strided_slice %sub3A_388 {offsets = [0, 14], sizes = [256, 1], strides = [1, 1]} : vector<256x16xf32> to vector<256x1xf32>
    %slice3A_1497 = vector.extract_strided_slice %sub3A_391 {offsets = [0, 14], sizes = [256, 1], strides = [1, 1]} : vector<256x16xf32> to vector<256x1xf32>
    %mul3A_1498 = arith.mulf %slice3A_1496, %slice3A_1497 : vector<256x1xf32>
    %mul3A_1499 = arith.mulf %slice3A_1453, %mul3A_1498 : vector<256x1xf32>
    %eq3A_1500 = vector.broadcast %add3A_1495 : vector<256x1xi32> to vector<256x256xi32>
    %eq3A_1501 = arith.cmpi eq, %iota3A_429, %eq3A_1500 : vector<256x256xi32>
    %jit3A_1502 = arith.constant 0.000000e+00 : f32
    %broadcast_in_dim3A_1503 = vector.shape_cast %mul3A_1499 : vector<256x1xf32> to vector<256x1xf32>
    %broadcast_in_dim3A_1504 = vector.broadcast %broadcast_in_dim3A_1503 : vector<256x1xf32> to vector<256x256xf32>
    %broadcast_in_dim3A_1505 = vector.broadcast %jit3A_1502 : f32 to vector<256x256xf32>
    %select_n3A_1506 = arith.select %eq3A_1501, %broadcast_in_dim3A_1504, %broadcast_in_dim3A_1505 : vector<256x256xi1>, vector<256x256xf32>
    %add3A_1507 = arith.addf %add3A_1489, %select_n3A_1506 : vector<256x256xf32>
    %slice3A_1508 = vector.extract_strided_slice %min3A_428 {offsets = [0, 14], sizes = [256, 1], strides = [1, 1]} : vector<256x16xi32> to vector<256x1xi32>
    %mul3A_1509 = arith.constant 16 : i32
    %mul3A_1510 = vector.broadcast %mul3A_1509 : i32 to vector<256x1xi32>
    %mul3A_1511 = arith.muli %slice3A_1508, %mul3A_1510 : vector<256x1xi32>
    %slice3A_1512 = vector.extract_strided_slice %min3A_418 {offsets = [0, 14], sizes = [256, 1], strides = [1, 1]} : vector<256x16xi32> to vector<256x1xi32>
    %add3A_1513 = arith.addi %mul3A_1511, %slice3A_1512 : vector<256x1xi32>
    %slice3A_1514 = vector.extract_strided_slice %sub3A_388 {offsets = [0, 14], sizes = [256, 1], strides = [1, 1]} : vector<256x16xf32> to vector<256x1xf32>
    %slice3A_1515 = vector.extract_strided_slice %sub3A_387 {offsets = [0, 14], sizes = [256, 1], strides = [1, 1]} : vector<256x16xf32> to vector<256x1xf32>
    %mul3A_1516 = arith.mulf %slice3A_1514, %slice3A_1515 : vector<256x1xf32>
    %mul3A_1517 = arith.mulf %slice3A_1453, %mul3A_1516 : vector<256x1xf32>
    %eq3A_1518 = vector.broadcast %add3A_1513 : vector<256x1xi32> to vector<256x256xi32>
    %eq3A_1519 = arith.cmpi eq, %iota3A_429, %eq3A_1518 : vector<256x256xi32>
    %jit3A_1520 = arith.constant 0.000000e+00 : f32
    %broadcast_in_dim3A_1521 = vector.shape_cast %mul3A_1517 : vector<256x1xf32> to vector<256x1xf32>
    %broadcast_in_dim3A_1522 = vector.broadcast %broadcast_in_dim3A_1521 : vector<256x1xf32> to vector<256x256xf32>
    %broadcast_in_dim3A_1523 = vector.broadcast %jit3A_1520 : f32 to vector<256x256xf32>
    %select_n3A_1524 = arith.select %eq3A_1519, %broadcast_in_dim3A_1522, %broadcast_in_dim3A_1523 : vector<256x256xi1>, vector<256x256xf32>
    %add3A_1525 = arith.addf %add3A_1507, %select_n3A_1524 : vector<256x256xf32>
    %get3A_1526 = arith.constant 0 : index
    %get3A_1527 = arith.constant 0 : index
    %get3A_1528 = vector.load %arg12[%get3A_1526, %get3A_1527] : memref<256x1024xf32, #tpu.memory_space<vmem>>, vector<256x1024xf32>
    %convert_element_type3A_1529 = arith.truncf %add3A_1525 : vector<256x256xf32> to vector<256x256xbf16>
    %convert_element_type3A_1530 = arith.truncf %get3A_1528 : vector<256x1024xf32> to vector<256x1024xbf16>
    %dot_general3A_1531 = arith.constant dense<0.000000e+00> : vector<256x1024xf32>
    %dot_general3A_1532 = tpu.matmul %convert_element_type3A_1529, %convert_element_type3A_1530, %dot_general3A_1531 {dimension_numbers = #tpu.dot_dimension_numbers<[1], [0], [0], [1], [0, 0, 1, 1], [], []>, transpose_lhs_hint = false} : vector<256x256xbf16>, vector<256x1024xbf16>, vector<256x1024xf32> -> vector<256x1024xf32>
    %swap3A = arith.constant 0 : index
    %swap3A_1533 = arith.constant 0 : index
    %swap3A_1534 = vector.load %arg13[%swap3A, %swap3A_1533] : memref<256x1024xf32, #tpu.memory_space<vmem>>, vector<256x1024xf32>
    tpu.vector_store %arg13[%swap3A, %swap3A_1533], %dot_general3A_1532 {strides = array<i32>} : memref<256x1024xf32, #tpu.memory_space<vmem>>, vector<256x1024xf32>,
    return
  }
  func.func @transform_0(%arg0: i32) -> (i32, i32) {
    %c0_i32 = arith.constant 0 : i32
    %c0_i32_0 = arith.constant 0 : i32
    return %arg0, %c0_i32 : i32, i32
  }
  func.func @transform_1(%arg0: i32) -> (i32, i32) {
    %c0_i32 = arith.constant 0 : i32
    %c0_i32_0 = arith.constant 0 : i32
    return %arg0, %c0_i32 : i32, i32
  }
  func.func @transform_2(%arg0: i32) -> (i32, i32) {
    %c0_i32 = arith.constant 0 : i32
    %c0_i32_0 = arith.constant 0 : i32
    return %arg0, %c0_i32 : i32, i32
  }
  func.func @transform_3(%arg0: i32) -> (i32, i32) {
    %c0_i32 = arith.constant 0 : i32
    %c0_i32_0 = arith.constant 0 : i32
    return %arg0, %c0_i32 : i32, i32
  }
  func.func @transform_4(%arg0: i32) -> (i32, i32) {
    %c0_i32 = arith.constant 0 : i32
    %c0_i32_0 = arith.constant 0 : i32
    return %arg0, %c0_i32 : i32, i32
  }
  func.func @transform_5(%arg0: i32) -> (i32, i32) {
    %c0_i32 = arith.constant 0 : i32
    %c0_i32_0 = arith.constant 0 : i32
    %c0_i32_1 = arith.constant 0 : i32
    return %c0_i32, %c0_i32_0 : i32, i32
  }
  func.func @transform_6(%arg0: i32) -> (i32, i32) {
    %c0_i32 = arith.constant 0 : i32
    %c0_i32_0 = arith.constant 0 : i32
    %c0_i32_1 = arith.constant 0 : i32
    return %c0_i32, %c0_i32_0 : i32, i32
  }
  func.func @transform_7(%arg0: i32) -> (i32, i32) {
    %c0_i32 = arith.constant 0 : i32
    %c0_i32_0 = arith.constant 0 : i32
    %c0_i32_1 = arith.constant 0 : i32
    return %c0_i32, %c0_i32_0 : i32, i32
  }
  func.func @transform_8(%arg0: i32) -> (i32, i32) {
    %c0_i32 = arith.constant 0 : i32
    %c0_i32_0 = arith.constant 0 : i32
    %c0_i32_1 = arith.constant 0 : i32
    return %c0_i32, %c0_i32_0 : i32, i32
  }
  func.func @transform_9(%arg0: i32) -> (i32, i32) {
    %c0_i32 = arith.constant 0 : i32
    %c0_i32_0 = arith.constant 0 : i32
    %c0_i32_1 = arith.constant 0 : i32
    return %c0_i32, %c0_i32_0 : i32, i32
  }
  func.func @transform_10(%arg0: i32) -> (i32, i32) {
    %c0_i32 = arith.constant 0 : i32
    %c0_i32_0 = arith.constant 0 : i32
    %c0_i32_1 = arith.constant 0 : i32
    return %c0_i32, %c0_i32_0 : i32, i32
  }
  func.func @transform_11(%arg0: i32) -> (i32, i32) {
    %c0_i32 = arith.constant 0 : i32
    %c0_i32_0 = arith.constant 0 : i32
    %c0_i32_1 = arith.constant 0 : i32
    return %c0_i32, %c0_i32_0 : i32, i32
  }
  func.func @transform_12(%arg0: i32) -> (i32, i32) {
    %c0_i32 = arith.constant 0 : i32
    %c0_i32_0 = arith.constant 0 : i32
    return %arg0, %c0_i32 : i32, i32
  }
}

</mosaic_0001>

<sc_bundles>
// kernel: kernel.9.cloned.1.call-start
scs
__scs_entry_jumppad:
0x0: {  	(pc) =	sbr.rel $0x88, $3  }
0x1: {  	(tag) =	ssettag $0x0;
	lr =	simm.s32 $0x1  }
0x2: {  	[smem:$0x3F94] =	sst lr;
	_ =	strace $0xD0000000  }
0x3: {  	_ = 	snop  }
0x4: {  	_ = 	snop  }
0x5: {  	_ = 	snop  }
0x6: {  	_ = 	snop  }
0x7: {  	_ = 	snop  }
__scs_overlays_trampoline_lowered:
0x8: {  	[smem:$0x3FA3] =	sst s0  }
0x9: {  	[smem:$0x3FA4] =	sst s1  }
0xa: {  	[smem:$0x3FA5] =	sst s2  }
0xb: {  	[smem:$0x3FA6] =	sst s3  }
0xc: {  	[smem:$0x3FA7] =	sst s4  }
0xd: {  	[smem:$0x3FA8] =	sst s5  }
0xe: {  	[smem:$0x3FA9] =	sst s6  }
0xf: {  	[smem:$0x3FAA] =	sst s7  }
0x10: {  	[smem:$0x3FAB] =	sst s8  }
0x11: {  	[smem:$0x3FAC] =	sst s9;
	s0 =	simm.s32 @!p0 $0x0  }
0x12: {  	s1 =	sld [smem:$0x3F92];
	s0 =	simm.s32 @p0 $0x1  }
0x13: {  	[smem:$0x3FAD] =	sst s0;
	s0 =	simm.s32 @!p1 $0x0  }
0x14: {  	s2 =	sld [smem:$0x3F91];
	s0 =	simm.s32 @p1 $0x1  }
0x15: {  	[smem:$0x3FAE] =	sst s0;
	s0 =	simm.s32 @!p2 $0x0  }
0x16: {  	s3 =	sld [smem:$0x3FDB];
	s0 =	simm.s32 @p2 $0x1  }
0x17: {  	s4 =	simm.s32 $0x1BF5;
	[smem:$0x3FB0] =	sst s0  }
0x18: {  	s0 =	sld [smem:$0x3F93];
	_ =	swait.ge [sflag:s4], $0x0  }
0x19: {  	s7 =	sld [smem:$0x3F94]  }
0x1a: {  	s8 =	sadd.s32 $0xFFFFE003, lr  }
0x1b: {  	s9 =	sadd.s32 $0xFFFFFEF7, lr;
	s5 =	simm.s32 $0xFFFFFFFF;
	p2 =	slt.u32 s8, $0xFFFFF086  }
0x1c: {  	p1 =	slt.u32 s9, $0xF7A;
	s5 =	simm.s32 @!p2 $0x0  }
0x1d: {  	s5 =	simm.s32 @p1 $0x1;
	p0 =	seq.s32 s7, s2  }
0x1e: {  	s7 =	smul.u32 @!p0 $0xF7A, s2;
	p2 =	seq.s32 @!p0 s5, $0x0  }
0x1f: {  	s9 =	smul.u32 $0xF7A, s1;
	s8 =	simm.s32 @!p0 $0x1BF5;
	p2 =	por !p2, p0  }
0x20: {  	[sflag:s8] =	ssyncset.s32 @!p0 $0xFFFFF086;
	s6 =	sadd.s32 @!p0 s3, s7;
	s7 =	simm.s32 @!p0 $0x108  }
0x21: {  	s3 =	sadd.s32 s3, s9;
	s6 =	sadd.s32 @!p0 $0x88, s6;
	s7 =	simm.s32 @p2 $0x1082  }
0x22: {  	[simem:s7], [sflag:s8] =	dma.local @!p0 [hbm:s6], $0xF7A  }
0x23: {  	s9 =	sor.u32 $0xD0000000, s2;
	s6 =	simm.s32 $0x108;
	_ =	swait.ge @!p0 [sflag:s8], $0x0  }
0x24: {  	s3 =	sadd.s32 $0x88, s3;
	s6 =	simm.s32 @!p1 $0x1082;
	[sflag:s4] =	ssyncset.s32 $0xFFFFF086  }
0x25: {  	[simem:s6], [sflag:s4] =	dma.local [hbm:s3], $0xF7A  }
0x26: {  	[smem:$0x3F94] =	sst s1;
	(tag) =	ssettag s2;
	_ =	strace s9  }
0x27: {  	s1 =	sld [smem:$0x3FA4]  }
0x28: {  	s2 =	sld [smem:$0x3FA5]  }
0x29: {  	s4 =	sld [smem:$0x3FA7]  }
0x2a: {  	p0 =	seq.s32 s5, $0x0;
	s5 =	sld [smem:$0x3FA8]  }
0x2b: {  	s6 =	sld [smem:$0x3FA9]  }
0x2c: {  	s7 =	sld [smem:$0x3FAA]  }
0x2d: {  	s3 =	simm.s32 $0x108;
	s8 =	sld [smem:$0x3FAB]  }
0x2e: {  	s3 =	simm.s32 @!p0 $0x1082;
	s9 =	sld [smem:$0x3FAC]  }
0x2f: {  	lr =	sadd.s32 s0, s3;
	s0 =	sld [smem:$0x3FA3]  }
0x30: {  	s3 =	sld [smem:$0x3FA6]  }
0x31: {  	[smem:$0x3FAF] =	sst s10  }
0x32: {  	s10 =	sld [smem:$0x3FAD];
	_ =	sdelay $0x3  }
0x33: {  	p0 =	seq.s32 s10, $0x1;
	s10 =	sld [smem:$0x3FAF];
	_ =	sdelay $0x3  }
0x34: {  	[smem:$0x3FAF] =	sst s10  }
0x35: {  	s10 =	sld [smem:$0x3FAE];
	_ =	sdelay $0x3  }
0x36: {  	p1 =	seq.s32 s10, $0x1;
	s10 =	sld [smem:$0x3FAF];
	_ =	sdelay $0x3  }
0x37: {  	[smem:$0x3FAF] =	sst s10  }
0x38: {  	s10 =	sld [smem:$0x3FB0]  }
0x39: {  	_ = 	snop;
	(pc) =	sbr.ind lr, $3  }
0x3a: {  	_ = 	snop  }
0x3b: {  	_ = 	snop  }
0x3c: {  	p2 =	seq.s32 s10, $0x1;
	s10 =	sld [smem:$0x3FAF]  }
0x3d: {  	_ =	shalt  }
0x3e: {  	_ =	shalt  }
0x3f: {  	_ =	shalt  }
0x40: {  	_ =	shalt  }
0x41: {  	_ =	shalt  }
0x42: {  	_ =	shalt  }
0x43: {  	_ =	shalt  }
0x44: {  	_ =	shalt  }
0x45: {  	_ =	shalt  }
0x46: {  	_ =	shalt  }
0x47: {  	_ =	shalt  }
0x48: {  	_ =	shalt  }
0x49: {  	_ =	shalt  }
0x4a: {  	_ =	shalt  }
0x4b: {  	_ =	shalt  }
0x4c: {  	_ =	shalt  }
0x4d: {  	_ =	shalt  }
0x4e: {  	_ =	shalt  }
0x4f: {  	_ =	shalt  }
0x50: {  	_ =	shalt  }
0x51: {  	_ =	shalt  }
0x52: {  	_ =	shalt  }
0x53: {  	_ =	shalt  }
0x54: {  	_ =	shalt  }
0x55: {  	_ =	shalt  }
0x56: {  	_ =	shalt  }
0x57: {  	_ =	shalt  }
0x58: {  	_ =	shalt  }
0x59: {  	_ =	shalt  }
0x5a: {  	_ =	shalt  }
0x5b: {  	_ =	shalt  }
0x5c: {  	_ =	shalt  }
0x5d: {  	_ =	shalt  }
0x5e: {  	_ =	shalt  }
0x5f: {  	_ =	shalt  }
0x60: {  	_ =	shalt  }
0x61: {  	_ =	shalt  }
0x62: {  	_ =	shalt  }
0x63: {  	_ =	shalt  }
0x64: {  	_ =	shalt  }
0x65: {  	_ =	shalt  }
0x66: {  	_ =	shalt  }
0x67: {  	_ =	shalt  }
0x68: {  	_ =	shalt  }
0x69: {  	_ =	shalt  }
0x6a: {  	_ =	shalt  }
0x6b: {  	_ =	shalt  }
0x6c: {  	_ =	shalt  }
0x6d: {  	_ =	shalt  }
0x6e: {  	_ =	shalt  }
0x6f: {  	_ =	shalt  }
0x70: {  	_ =	shalt  }
0x71: {  	_ =	shalt  }
0x72: {  	_ =	shalt  }
0x73: {  	_ =	shalt  }
0x74: {  	_ =	shalt  }
0x75: {  	_ =	shalt  }
0x76: {  	_ =	shalt  }
0x77: {  	_ =	shalt  }
0x78: {  	_ =	shalt  }
0x79: {  	_ =	shalt  }
0x7a: {  	_ =	shalt  }
0x7b: {  	_ =	shalt  }
0x7c: {  	_ =	shalt  }
0x7d: {  	_ =	shalt  }
0x7e: {  	_ =	shalt  }
0x7f: {  	_ =	shalt  }
0x80: {  	_ =	shalt  }
0x81: {  	_ =	shalt  }
0x82: {  	_ =	shalt  }
0x83: {  	_ =	shalt  }
0x84: {  	_ =	shalt  }
0x85: {  	_ =	shalt  }
0x86: {  	_ =	shalt  }
0x87: {  	_ =	shalt  }
.Lfunc_end0:
.L_simem_size_0:
called_computation_lowered:
.L_overlay_start_0:
0x88: {  	s2 =	sld [smem:$0x3FD9]  }
0x89: {  	s3 =	sld [smem:$0x3FFE];
	_ =	sdelay $0x1  }
0x8a: {  	s1 =	srdreg.scid  }
0x8b: {  	s0 =	sand.u32 $0x1, s1  }
0x8c: {  	s17 =	sshll.u32 s0, $0xA;
	s2 =	sadd.s32 s3, s2  }
0x8d: {  	s2 =	sadd.s32 s2, s17  }
0x8e: {  	[smem:$0x3FBB] =	sst s2  }
0x8f: {  	_ = 	snop  }
0x90: {  	s2 =	sld [smem:$0x3FD0];
	(tm) =	ssettm $0x1  }
0x91: {  	s18 =	sld [smem:$0x3FFB];
	_ =	sdelay $0x3  }
0x92: {  	_ =	strace s18  }
0x93: {  	s3 =	sld [smem:$0x3FFC];
	_ =	sdelay $0x3  }
0x94: {  	_ =	strace s3  }
0x95: {  	s3 =	sld [smem:$0x3FFD];
	_ =	sdelay $0x3  }
0x96: {  	_ =	strace s3  }
0x97: {  	_ =	strace $0x8FFFFFFF  }
0x98: {  	s19 =	sld [smem:$0x3FDB];
	_ =	sdelay $0x1  }
0x99: {  	s4 =	simm.s32 $_scs_section_size  }
0x9a: {  	s5 =	simm.s32 $_size__tile_overlayer_lowered;
	s6 =	simm.s32 $_tile_overlayer_lowered  }
0x9b: {  	s22 =	simm.s32 $0x1BFF;
	s21 =	sshll.u32 s6, $0x1;
	s3 =	sadd.s32 s4, s19  }
0x9c: {  	s7 =	simm.s32 $0x0;
	s20 =	sshll.u32 s5, $0x1;
	s5 =	sadd.s32 s21, s3  }
0x9d: {  	[timem:s7], [sflag:s22] =	dma.local [hbm:s5], s20  }
0x9e: {  	_ =	swait.ge [sflag:s22], s20  }
0x9f: {  	s4 =	ssub.s32 $0x0, s20;
	[sflag:s22] =	ssyncset.done $0x0  }
0xa0: {  	[sflag:s22] =	ssyncadd.s32 s4;
	_ =	sdelay $0x1  }
0xa1: {  	s23 =	simm.s32 $0x1B8B  }
0xa2: {  	_ =	swait.ge [sflag:s23], $0x1  }
0xa3: {  	[sflag:s23] =	ssyncset.done $0x0  }
0xa4: {  	s25 =	simm.s32 $0x1B8E;
	s24 =	sld [smem:$0x3FFE];
	[sflag:s23] =	ssyncadd.s32 $0xFFFFFFFF  }
0xa5: {  	s26 =	simm.s32 $execute0_lowered;
	[smem:$0x3FD2] =	sst s25  }
0xa6: {  	s5 =	sshll.u32 s26, $0x1;
	_ =	strace $0x80000046;
	[dreg:$0x1] =	wrdreg $0xFFFFFFFF  }
0xa7: {  	s28 =	simm.s32 $_size_execute0_lowered;
	s3 =	sadd.s32 s3, s5;
	[dreg:$0x0] =	wrdreg $0x0  }
0xa8: {  	s5 =	sshll.u32 s28, $0x1;
	[dreg:$0x2] =	wrdreg s3  }
0xa9: {  	[dreg:$0x3] =	wrdreg s5  }
0xaa: {  	[dreg:$0x4] =	wrdreg $0xC0  }
0xab: {  	_ =	task [dreg:s7], $0x5FFFF  }
0xac: {  	[dreg:$0x1] =	wrdreg $0xFFFFFFFF  }
0xad: {  	[dreg:$0x0] =	wrdreg $0x60  }
0xae: {  	[dreg:$0x2] =	wrdreg s2  }
0xaf: {  	[dreg:$0x3] =	wrdreg s24  }
0xb0: {  	[dreg:$0x4] =	wrdreg $0x9  }
0xb1: {  	_ =	task.clear_ibuf [dreg:s7], $0x5FFFF;
	_ =	strace $0x90000046  }
0xb2: {  	s29 =	simm.s32 $0x9;
	_ =	strace $0x80000048  }
0xb3: {  	_ =	swait.ge [sflag:s29], $0x1  }
0xb4: {  	[sflag:s29] =	ssyncadd.s32 $0xFFFFFFFF  }
0xb5: {  	_ =	strace $0x90000048  }
0xb6: {  	_ =	sfence  }
0xb7: {  	s30 =	sld [smem:$0x0];
	_ =	sdelay $0x2  }
0xb8: {  	s31 =	sshll.u32 s1, $0xD;
	s1 =	sshrl.u32 s1, $0x2  }
0xb9: {  	s3 =	sand.u32 $0x4000, s31;
	s1 =	sadd.s32 s1, s30  }
0xba: {  	s0 =	sor.u32 s3, s0;
	s1 =	sshll.u32 s1, $0x11  }
0xbb: {  	s0 =	sor.u32 s1, s0  }
0xbc: {  	s0 =	sadd.s32 $0x8F2B, s0  }
0xbd: {  	[sflag:s0] =	ssyncadd.remote.s32 $0x1  }
0xbe: {  	_ =	sfence.sel $0xFFFF  }
0xbf: {  	[dreg:$0x0] =	wrdreg $0xFFFFFFFF;
	(pc) =	sbr.abs _section_cstart, $3  }
0xc0: {  	[dreg:$0x1] =	wrdreg $0xFFFFFFFF  }
0xc1: {  	_ =	task.clear_ibuf [dreg:s7], $0x2FFFF;
	_ =	strace $0x9FFFFFFF  }
0xc2: {  	(tm) =	ssettm $0x7FFFFFFF  }
0xc3: {  	_ =	shalt  }
tec
execute0_lowered:
.L_overlay_start_1:
0x0: {  	(tag) =	ssettag $0x1  }
0x1: {  	s1 =	srdreg.scid;
	s0 =	stileid.u32  }
0x2: {  	s3 =	rddreg [dreg:$0x0];
	s26 =	sand.u32 $0x1, s1;
	s2 =	sshll.u32 s0, $0x1  }
0x3: {  	s1 =	rddreg [dreg:$0x1];
	s4 =	sor.u32 s26, s2;
	s2 =	simm.s32 $0x0  }
0x4: {  	s22 =	simm.s32 $0x3E00;
	[smem:$0x7FF] =	sst s2  }
0x5: {  	s23 =	simm.s32 $0x400;
	_ =	strace $0x80000047;
	[dreg:$0x7] =	wrdreg s22  }
0x6: {  	s24 =	simm.s32 $0x4000;
	[dreg:$0x8] =	wrdreg s23  }
0x7: {  	s25 =	simm.s32 $0x600;
	[dreg:$0x9] =	wrdreg s24  }
0x8: {  	s0 =	simm.s32 $0x4200;
	[dreg:$0xa] =	wrdreg s25  }
0x9: {  	s6 =	simm.s32 $0xA00;
	[dreg:$0xb] =	wrdreg s0  }
0xa: {  	s7 =	simm.s32 $0x4600;
	[dreg:$0xe] =	wrdreg s6  }
0xb: {  	s8 =	simm.s32 $0xC00;
	[dreg:$0xf] =	wrdreg s7  }
0xc: {  	s9 =	simm.s32 $0x4800;
	[dreg:$0x10] =	wrdreg s8  }
0xd: {  	s10 =	simm.s32 $0xE00;
	[dreg:$0x11] =	wrdreg s9  }
0xe: {  	s11 =	simm.s32 $0x4A00;
	[dreg:$0x12] =	wrdreg s10  }
0xf: {  	s12 =	simm.s32 $0x1000;
	[dreg:$0x13] =	wrdreg s11  }
0x10: {  	s13 =	simm.s32 $0x4C00;
	[dreg:$0x14] =	wrdreg s12  }
0x11: {  	s14 =	simm.s32 $0x1200;
	[dreg:$0x15] =	wrdreg s13  }
0x12: {  	s15 =	simm.s32 $0x4E00;
	[dreg:$0x16] =	wrdreg s14  }
0x13: {  	s16 =	simm.s32 $0x1400;
	[dreg:$0x17] =	wrdreg s15  }
0x14: {  	s17 =	simm.s32 $0x5000;
	[dreg:$0x18] =	wrdreg s16  }
0x15: {  	s18 =	simm.s32 $0x1600;
	[dreg:$0x19] =	wrdreg s17  }
0x16: {  	[dreg:$0x1a] =	wrdreg s18;
	s22 =	simm.s32 $0x1A00  }
0x17: {  	s23 =	simm.s32 $0x5600;
	[dreg:$0x1e] =	wrdreg s22  }
0x18: {  	s24 =	simm.s32 $0x1C00;
	[dreg:$0x1f] =	wrdreg s23  }
0x19: {  	s25 =	simm.s32 $0x5800;
	[smem:$0x7F0] =	sst s24  }
0x1a: {  	s0 =	simm.s32 $0x1E00;
	[smem:$0x7F2] =	sst s25  }
0x1b: {  	s6 =	simm.s32 $0x5C00;
	[smem:$0x7F3] =	sst s0  }
0x1c: {  	s7 =	simm.s32 $0x2200;
	[smem:$0x7EF] =	sst s6  }
0x1d: {  	s8 =	simm.s32 $0x5E00;
	[smem:$0x7F6] =	sst s7  }
0x1e: {  	s9 =	simm.s32 $0x2400;
	[smem:$0x7F5] =	sst s8  }
0x1f: {  	s10 =	simm.s32 $0x6000;
	[smem:$0x7F8] =	sst s9  }
0x20: {  	s11 =	simm.s32 $0x2600;
	[smem:$0x7F9] =	sst s10  }
0x21: {  	s12 =	simm.s32 $0x6200;
	[smem:$0x7F7] =	sst s11  }
0x22: {  	s13 =	simm.s32 $0x2800;
	[smem:$0x7FA] =	sst s12  }
0x23: {  	s5 =	smul.u32 $0x780, s4;
	s14 =	simm.s32 $0x6400;
	[smem:$0x7FC] =	sst s13  }
0x24: {  	s4 =	sshll.u32 s4, $0x7;
	s16 =	simm.s32 $0x2A00;
	[smem:$0x7FB] =	sst s14  }
0x25: {  	s4 =	sadd.s32 s4, s1;
	s3 =	sadd.s32 s3, s5;
	[smem:$0x7FD] =	sst s16  }
0x26: {  	s19 =	sadd.s32 $0x2A00, s4;
	[dreg:$0x3] =	wrdreg s3  }
0x27: {  	s21 =	sadd.s32 $0x92C00, s4;
	[dreg:$0x4] =	wrdreg s19  }
0x28: {  	s5 =	sadd.s32 s5, s1;
	s4 =	simm.s32 $0x800;
	[dreg:$0x6] =	wrdreg s21  }
0x29: {  	s20 =	sadd.s32 $0x83C00, s5;
	[dreg:$0xc] =	wrdreg s4  }
0x2a: {  	s5 =	simm.s32 $0x4400;
	[dreg:$0x5] =	wrdreg s20  }
0x2b: {  	s19 =	simm.s32 $0x5200;
	[dreg:$0xd] =	wrdreg s5  }
0x2c: {  	s21 =	simm.s32 $0x5400;
	[dreg:$0x1b] =	wrdreg s19  }
0x2d: {  	s4 =	simm.s32 $0x5A00;
	[dreg:$0x1d] =	wrdreg s21  }
0x2e: {  	[smem:$0x7F1] =	sst s4  }
0x2f: {  	s20 =	simm.s32 $0x1800;
	s15 =	rddreg [dreg:$0x3]  }
0x30: {  	s5 =	simm.s32 $0x2000;
	[dreg:$0x1c] =	wrdreg s20  }
0x31: {  	s3 =	simm.s32 $0x3;
	[smem:$0x7F4] =	sst s5  }
0x32: {  	[tilespmem:s2], [sflag:$0x3] =	stream.linear.gather [hbm4b:s15+s2], $0x3C00, $0x38;
	[tilespmem:$0x8000] =	vst v63  }
0x33: {  	_ =	swait.ge [sflag:s3], $0x3C00  }
0x34: {  	[sflag:s3] =	ssyncset.done $0x0  }
0x35: {  	s4 =	simm.s32 $0x7800;
	s17 =	rddreg [dreg:$0x4];
	[sflag:s3] =	ssyncadd.s32 $0xFFFFC400  }
0x36: {  	[tilespmem:s4], [sflag:$0x3] =	stream.linear.gather [hbm4b:s17+s2], $0x400, $0x38;
	[tilespmem:$0x8000] =	vst v63  }
0x37: {  	_ =	swait.ge [sflag:s3], $0x400  }
0x38: {  	s8 =	rddreg [dreg:$0xd]  }
0x39: {  	s6 =	sadd.s32 $0x3A00, s1;
	s9 =	rddreg [dreg:$0x8]  }
0x3a: {  	s7 =	simm.s32 $0x200;
	[sflag:s3] =	ssyncset.done $0x0;
	s10 =	rddreg [dreg:$0x7]  }
0x3b: {  	s5 =	simm.s32 $0x3C00;
	s11 =	rddreg [dreg:$0x9];
	[sflag:s3] =	ssyncadd.s32 $0xFFFFFC00  }
0x3c: {  	[tilespmem:s5], [sflag:$0x1] =	stream.indirect.gather [hbm4b:s6+s7], $0x1, s2, s7, $0xb8;
	[tilespmem:$0x8000] =	vst v63  }
0x3d: {  	s12 =	rddreg [dreg:$0xa]  }
0x3e: {  	[tilespmem:s10], [sflag:$0x1] =	stream.indirect.gather [hbm4b:s6+s7], $0x1, s7, s7, $0xb8;
	[tilespmem:$0x8000] =	vst v63  }
0x3f: {  	s13 =	rddreg [dreg:$0xb]  }
0x40: {  	[tilespmem:s11], [sflag:$0x1] =	stream.indirect.gather [hbm4b:s6+s7], $0x1, s9, s7, $0xb8;
	[tilespmem:$0x8000] =	vst v63  }
0x41: {  	s18 =	rddreg [dreg:$0xc]  }
0x42: {  	[tilespmem:s13], [sflag:$0x1] =	stream.indirect.gather [hbm4b:s6+s7], $0x1, s12, s7, $0xb8;
	[tilespmem:$0x8000] =	vst v63  }
0x43: {  	s19 =	rddreg [dreg:$0xe]  }
0x44: {  	[tilespmem:s8], [sflag:$0x1] =	stream.indirect.gather [hbm4b:s6+s7], $0x1, s18, s7, $0xb8;
	[tilespmem:$0x8000] =	vst v63  }
0x45: {  	s20 =	rddreg [dreg:$0xf];
	s8 =	simm.s32 $0x1  }
0x46: {  	[tilespmem:s20], [sflag:$0x1] =	stream.indirect.gather [hbm4b:s6+s7], $0x1, s19, s7, $0xb8;
	[tilespmem:$0x8000] =	vst v63  }
0x47: {  	_ =	swait.ge [sflag:s8], $0x200  }
0x48: {  	[sflag:s8] =	ssyncset.done $0x0  }
0x49: {  	[sflag:s8] =	ssyncadd.s32 $0xFFFFFE00  }
0x4a: {  	_ =	swait.ge [sflag:s8], $0x200  }
0x4b: {  	[sflag:s8] =	ssyncset.done $0x0  }
0x4c: {  	[sflag:s8] =	ssyncadd.s32 $0xFFFFFE00  }
0x4d: {  	_ =	swait.ge [sflag:s8], $0x200  }
0x4e: {  	[sflag:s8] =	ssyncset.done $0x0  }
0x4f: {  	[sflag:s8] =	ssyncadd.s32 $0xFFFFFE00  }
0x50: {  	_ =	swait.ge [sflag:s8], $0x200  }
0x51: {  	[sflag:s8] =	ssyncset.done $0x0  }
0x52: {  	[sflag:s8] =	ssyncadd.s32 $0xFFFFFE00  }
0x53: {  	_ =	swait.ge [sflag:s8], $0x200  }
0x54: {  	[sflag:s8] =	ssyncset.done $0x0  }
0x55: {  	[sflag:s8] =	ssyncadd.s32 $0xFFFFFE00  }
0x56: {  	_ =	swait.ge [sflag:s8], $0x200  }
0x57: {  	s21 =	rddreg [dreg:$0x12]  }
0x58: {  	s22 =	rddreg [dreg:$0x19]  }
0x59: {  	s23 =	rddreg [dreg:$0x13]  }
0x5a: {  	s24 =	rddreg [dreg:$0x10]  }
0x5b: {  	s25 =	rddreg [dreg:$0x11]  }
0x5c: {  	s14 =	rddreg [dreg:$0x15];
	[sflag:s8] =	ssyncset.done $0x0  }
0x5d: {  	s15 =	rddreg [dreg:$0x17];
	[sflag:s8] =	ssyncadd.s32 $0xFFFFFE00  }
0x5e: {  	[tilespmem:s25], [sflag:$0x1] =	stream.indirect.gather [hbm4b:s6+s7], $0x1, s24, s7, $0xb8;
	[tilespmem:$0x8000] =	vst v63  }
0x5f: {  	s16 =	rddreg [dreg:$0x14]  }
0x60: {  	[tilespmem:s23], [sflag:$0x1] =	stream.indirect.gather [hbm4b:s6+s7], $0x1, s21, s7, $0xb8;
	[tilespmem:$0x8000] =	vst v63  }
0x61: {  	s0 =	rddreg [dreg:$0x16]  }
0x62: {  	[tilespmem:s14], [sflag:$0x1] =	stream.indirect.gather [hbm4b:s6+s7], $0x1, s16, s7, $0xb8;
	[tilespmem:$0x8000] =	vst v63  }
0x63: {  	s13 =	rddreg [dreg:$0x18]  }
0x64: {  	[tilespmem:s15], [sflag:$0x1] =	stream.indirect.gather [hbm4b:s6+s7], $0x1, s0, s7, $0xb8;
	[tilespmem:$0x8000] =	vst v63  }
0x65: {  	s17 =	rddreg [dreg:$0x1a]  }
0x66: {  	[tilespmem:s22], [sflag:$0x1] =	stream.indirect.gather [hbm4b:s6+s7], $0x1, s13, s7, $0xb8;
	[tilespmem:$0x8000] =	vst v63  }
0x67: {  	s16 =	rddreg [dreg:$0x1b]  }
0x68: {  	[tilespmem:s16], [sflag:$0x1] =	stream.indirect.gather [hbm4b:s6+s7], $0x1, s17, s7, $0xb8;
	[tilespmem:$0x8000] =	vst v63  }
0x69: {  	_ =	swait.ge [sflag:s8], $0x200  }
0x6a: {  	[sflag:s8] =	ssyncset.done $0x0  }
0x6b: {  	[sflag:s8] =	ssyncadd.s32 $0xFFFFFE00  }
0x6c: {  	_ =	swait.ge [sflag:s8], $0x200  }
0x6d: {  	[sflag:s8] =	ssyncset.done $0x0  }
0x6e: {  	[sflag:s8] =	ssyncadd.s32 $0xFFFFFE00  }
0x6f: {  	_ =	swait.ge [sflag:s8], $0x200  }
0x70: {  	[sflag:s8] =	ssyncset.done $0x0  }
0x71: {  	[sflag:s8] =	ssyncadd.s32 $0xFFFFFE00  }
0x72: {  	_ =	swait.ge [sflag:s8], $0x200  }
0x73: {  	[sflag:s8] =	ssyncset.done $0x0  }
0x74: {  	[sflag:s8] =	ssyncadd.s32 $0xFFFFFE00  }
0x75: {  	_ =	swait.ge [sflag:s8], $0x200  }
0x76: {  	[sflag:s8] =	ssyncset.done $0x0  }
0x77: {  	[sflag:s8] =	ssyncadd.s32 $0xFFFFFE00  }
0x78: {  	_ =	swait.ge [sflag:s8], $0x200  }
0x79: {  	s18 =	rddreg [dreg:$0x1e]  }
0x7a: {  	s19 =	sld [smem:$0x7EF]  }
0x7b: {  	s20 =	rddreg [dreg:$0x1f]  }
0x7c: {  	s21 =	rddreg [dreg:$0x1d]  }
0x7d: {  	s22 =	rddreg [dreg:$0x1c]  }
0x7e: {  	s23 =	sld [smem:$0x7F0]  }
0x7f: {  	[sflag:s8] =	ssyncset.done $0x0;
	s24 =	sld [smem:$0x7F1]  }
0x80: {  	s25 =	sld [smem:$0x7F2];
	[sflag:s8] =	ssyncadd.s32 $0xFFFFFE00  }
0x81: {  	[tilespmem:s21], [sflag:$0x1] =	stream.indirect.gather [hbm4b:s6+s7], $0x1, s22, s7, $0xb8;
	[tilespmem:$0x8000] =	vst v63  }
0x82: {  	s0 =	sld [smem:$0x7F3]  }
0x83: {  	[tilespmem:s20], [sflag:$0x1] =	stream.indirect.gather [hbm4b:s6+s7], $0x1, s18, s7, $0xb8;
	[tilespmem:$0x8000] =	vst v63  }
0x84: {  	s13 =	sld [smem:$0x7F4]  }
0x85: {  	[tilespmem:s25], [sflag:$0x1] =	stream.indirect.gather [hbm4b:s6+s7], $0x1, s23, s7, $0xb8;
	[tilespmem:$0x8000] =	vst v63  }
0x86: {  	s16 =	sld [smem:$0x7F5]  }
0x87: {  	[tilespmem:s24], [sflag:$0x1] =	stream.indirect.gather [hbm4b:s6+s7], $0x1, s0, s7, $0xb8;
	[tilespmem:$0x8000] =	vst v63  }
0x88: {  	s17 =	sld [smem:$0x7F6]  }
0x89: {  	[tilespmem:s19], [sflag:$0x1] =	stream.indirect.gather [hbm4b:s6+s7], $0x1, s13, s7, $0xb8;
	[tilespmem:$0x8000] =	vst v63  }
0x8a: {  	_ = 	snop  }
0x8b: {  	[tilespmem:s16], [sflag:$0x1] =	stream.indirect.gather [hbm4b:s6+s7], $0x1, s17, s7, $0xb8;
	[tilespmem:$0x8000] =	vst v63  }
0x8c: {  	_ =	swait.ge [sflag:s8], $0x200  }
0x8d: {  	[sflag:s8] =	ssyncset.done $0x0  }
0x8e: {  	[sflag:s8] =	ssyncadd.s32 $0xFFFFFE00  }
0x8f: {  	_ =	swait.ge [sflag:s8], $0x200  }
0x90: {  	[sflag:s8] =	ssyncset.done $0x0  }
0x91: {  	[sflag:s8] =	ssyncadd.s32 $0xFFFFFE00  }
0x92: {  	_ =	swait.ge [sflag:s8], $0x200  }
0x93: {  	[sflag:s8] =	ssyncset.done $0x0  }
0x94: {  	[sflag:s8] =	ssyncadd.s32 $0xFFFFFE00  }
0x95: {  	_ =	swait.ge [sflag:s8], $0x200  }
0x96: {  	[sflag:s8] =	ssyncset.done $0x0  }
0x97: {  	[sflag:s8] =	ssyncadd.s32 $0xFFFFFE00  }
0x98: {  	_ =	swait.ge [sflag:s8], $0x200  }
0x99: {  	[sflag:s8] =	ssyncset.done $0x0  }
0x9a: {  	[sflag:s8] =	ssyncadd.s32 $0xFFFFFE00  }
0x9b: {  	_ =	swait.ge [sflag:s8], $0x200  }
0x9c: {  	s18 =	sld [smem:$0x7F7]  }
0x9d: {  	s19 =	sld [smem:$0x7F8]  }
0x9e: {  	s20 =	sld [smem:$0x7F9]  }
0x9f: {  	s21 =	sld [smem:$0x7FA];
	[sflag:s8] =	ssyncset.done $0x0  }
0xa0: {  	s22 =	sld [smem:$0x7FB];
	[sflag:s8] =	ssyncadd.s32 $0xFFFFFE00  }
0xa1: {  	[tilespmem:s20], [sflag:$0x1] =	stream.indirect.gather [hbm4b:s6+s7], $0x1, s19, s7, $0xb8;
	[tilespmem:$0x8000] =	vst v63  }
0xa2: {  	s23 =	sld [smem:$0x7FC]  }
0xa3: {  	[tilespmem:s21], [sflag:$0x1] =	stream.indirect.gather [hbm4b:s6+s7], $0x1, s18, s7, $0xb8;
	[tilespmem:$0x8000] =	vst v63  }
0xa4: {  	s24 =	sld [smem:$0x7FD]  }
0xa5: {  	[tilespmem:s22], [sflag:$0x1] =	stream.indirect.gather [hbm4b:s6+s7], $0x1, s23, s7, $0xb8;
	[tilespmem:$0x8000] =	vst v63  }
0xa6: {  	s25 =	simm.s32 $0x6600  }
0xa7: {  	[tilespmem:s25], [sflag:$0x1] =	stream.indirect.gather [hbm4b:s6+s7], $0x1, s24, s7, $0xb8;
	[tilespmem:$0x8000] =	vst v63  }
0xa8: {  	s10 =	simm.s32 $0x6800;
	s9 =	simm.s32 $0x2C00  }
0xa9: {  	[tilespmem:s10], [sflag:$0x1] =	stream.indirect.gather [hbm4b:s6+s7], $0x1, s9, s7, $0xb8;
	[tilespmem:$0x8000] =	vst v63  }
0xaa: {  	s11 =	simm.s32 $0x2E00;
	s12 =	simm.s32 $0x6A00  }
0xab: {  	[tilespmem:s12], [sflag:$0x1] =	stream.indirect.gather [hbm4b:s6+s7], $0x1, s11, s7, $0xb8;
	[tilespmem:$0x8000] =	vst v63  }
0xac: {  	_ =	swait.ge [sflag:s8], $0x200  }
0xad: {  	[sflag:s8] =	ssyncset.done $0x0  }
0xae: {  	[sflag:s8] =	ssyncadd.s32 $0xFFFFFE00  }
0xaf: {  	_ =	swait.ge [sflag:s8], $0x200  }
0xb0: {  	[sflag:s8] =	ssyncset.done $0x0  }
0xb1: {  	[sflag:s8] =	ssyncadd.s32 $0xFFFFFE00  }
0xb2: {  	_ =	swait.ge [sflag:s8], $0x200  }
0xb3: {  	[sflag:s8] =	ssyncset.done $0x0  }
0xb4: {  	[sflag:s8] =	ssyncadd.s32 $0xFFFFFE00  }
0xb5: {  	_ =	swait.ge [sflag:s8], $0x200  }
0xb6: {  	[sflag:s8] =	ssyncset.done $0x0  }
0xb7: {  	[sflag:s8] =	ssyncadd.s32 $0xFFFFFE00  }
0xb8: {  	_ =	swait.ge [sflag:s8], $0x200  }
0xb9: {  	[sflag:s8] =	ssyncset.done $0x0  }
0xba: {  	[sflag:s8] =	ssyncadd.s32 $0xFFFFFE00  }
0xbb: {  	_ =	swait.ge [sflag:s8], $0x200  }
0xbc: {  	[sflag:s8] =	ssyncset.done $0x0  }
0xbd: {  	s14 =	simm.s32 $0x6C00;
	s13 =	simm.s32 $0x3000;
	[sflag:s8] =	ssyncadd.s32 $0xFFFFFE00  }
0xbe: {  	[tilespmem:s14], [sflag:$0x1] =	stream.indirect.gather [hbm4b:s6+s7], $0x1, s13, s7, $0xb8;
	[tilespmem:$0x8000] =	vst v63  }
0xbf: {  	s16 =	simm.s32 $0x3200;
	s17 =	simm.s32 $0x6E00  }
0xc0: {  	[tilespmem:s17], [sflag:$0x1] =	stream.indirect.gather [hbm4b:s6+s7], $0x1, s16, s7, $0xb8;
	[tilespmem:$0x8000] =	vst v63  }
0xc1: {  	s19 =	simm.s32 $0x7000;
	s18 =	simm.s32 $0x3400  }
0xc2: {  	[tilespmem:s19], [sflag:$0x1] =	stream.indirect.gather [hbm4b:s6+s7], $0x1, s18, s7, $0xb8;
	[tilespmem:$0x8000] =	vst v63  }
0xc3: {  	s20 =	simm.s32 $0x3600;
	s21 =	simm.s32 $0x7200  }
0xc4: {  	[tilespmem:s21], [sflag:$0x1] =	stream.indirect.gather [hbm4b:s6+s7], $0x1, s20, s7, $0xb8;
	[tilespmem:$0x8000] =	vst v63  }
0xc5: {  	s22 =	simm.s32 $0x3800;
	s23 =	simm.s32 $0x7400  }
0xc6: {  	[tilespmem:s23], [sflag:$0x1] =	stream.indirect.gather [hbm4b:s6+s7], $0x1, s22, s7, $0xb8;
	[tilespmem:$0x8000] =	vst v63  }
0xc7: {  	s24 =	simm.s32 $0x3A00;
	s25 =	simm.s32 $0x7600  }
0xc8: {  	[tilespmem:s25], [sflag:$0x1] =	stream.indirect.gather [hbm4b:s6+s7], $0x1, s24, s7, $0xb8;
	[tilespmem:$0x8000] =	vst v63  }
0xc9: {  	_ =	swait.ge [sflag:s8], $0x200  }
0xca: {  	[sflag:s8] =	ssyncset.done $0x0  }
0xcb: {  	[sflag:s8] =	ssyncadd.s32 $0xFFFFFE00  }
0xcc: {  	_ =	swait.ge [sflag:s8], $0x200  }
0xcd: {  	[sflag:s8] =	ssyncset.done $0x0  }
0xce: {  	[sflag:s8] =	ssyncadd.s32 $0xFFFFFE00  }
0xcf: {  	_ =	swait.ge [sflag:s8], $0x200  }
0xd0: {  	[sflag:s8] =	ssyncset.done $0x0  }
0xd1: {  	[sflag:s8] =	ssyncadd.s32 $0xFFFFFE00  }
0xd2: {  	s26 =	ssub.s32 $0x2, s26;
	_ =	swait.ge [sflag:s8], $0x200  }
0xd3: {  	s28 =	sshrl.u32 s26, $0x1;
	[sflag:s8] =	ssyncset.done $0x0  }
0xd4: {  	s26 =	ssub.s32 s26, s28;
	[sflag:s8] =	ssyncadd.s32 $0xFFFFFE00  }
0xd5: {  	s15 =	smax.u32 s26, $0x1;
	_ =	swait.ge [sflag:s8], $0x200  }
0xd6: {  	p0 =	sne.s32 s15, $0x1;
	[sflag:s8] =	ssyncset.done $0x0  }
.Ltmp0:
0xd7: {  	[sflag:s8] =	ssyncadd.s32 $0xFFFFFE00;
	(pc) =	sbr.rel @!p0 .LBB2_2-.Ltmp0, $4  }
0xd8: {  	s30 =	simm.s32 $0x7A00;
	s29 =	simm.s32 $0x2;
	_ =	swait.ge [sflag:s8], $0x200  }
0xd9: {  	s28 =	sadd.s32 $0x83A00, s1;
	s1 =	simm.s32 $0x7E00;
	[sflag:s8] =	ssyncset.done $0x0  }
0xda: {  	s26 =	simm.s32 $0x7C00;
	s31 =	sadd.s32 $0xFFFFFFFF, s15;
	[sflag:s8] =	ssyncadd.s32 $0xFFFFFE00  }
0xdb: {  	[tilespmem:s26], [sflag:$0x2] =	stream.indirect.gather [hbm4b:s28+s7], $0x1, s4, s7, $0xb8;
	[tilespmem:$0x8000] =	vst v63  }
.LBB2_1:
0xdc: {  	[tilespmem:s1], [sflag:$0x2] =	stream.indirect.gather [hbm4b:s28+s7], $0x1, s30, s7, $0xb8;
	[tilespmem:$0x8000] =	vst v63  }
0xdd: {  	_ =	swait.ge [sflag:s29], $0x200  }
0xde: {  	[sflag:s29] =	ssyncset.done $0x0  }
0xdf: {  	[sflag:s29] =	ssyncadd.s32 $0xFFFFFE00  }
0xe0: {  	_ =	swait.ge [sflag:s29], $0x200  }
0xe1: {  	[sflag:s29] =	ssyncset.done $0x0  }
0xe2: {  	s0 =	rddreg [dreg:$0x5];
	[sflag:s29] =	ssyncadd.s32 $0xFFFFFE00  }
0xe3: {  	[hbm4b:s0+s2] =	stream.linear.scatter [tilespmem:s5], [sflag:$0x3], $0x3C00, $0x38;
	[tilespmem:$0x8000] =	vst v63  }
0xe4: {  	_ =	swait.ge [sflag:s3], $0x3C00  }
0xe5: {  	[sflag:s3] =	ssyncset.done $0x0  }
0xe6: {  	s11 =	rddreg [dreg:$0x6];
	[sflag:s3] =	ssyncadd.s32 $0xFFFFC400  }
0xe7: {  	[hbm4b:s11+s2] =	stream.linear.scatter [tilespmem:s26], [sflag:$0x3], $0x400, $0x38;
	[tilespmem:$0x8000] =	vst v63  }
0xe8: {  	_ =	swait.ge [sflag:s3], $0x400  }
0xe9: {  	[sflag:s3] =	ssyncset.done $0x0  }
0xea: {  	s12 =	rddreg [dreg:$0x3];
	[sflag:s3] =	ssyncadd.s32 $0xFFFFFC00  }
0xeb: {  	[tilespmem:s2], [sflag:$0x3] =	stream.linear.gather [hbm4b:s12+s2], $0x3C00, $0x38;
	[tilespmem:$0x8000] =	vst v63  }
0xec: {  	_ =	swait.ge [sflag:s3], $0x3C00  }
0xed: {  	[sflag:s3] =	ssyncset.done $0x0  }
0xee: {  	s13 =	rddreg [dreg:$0x4];
	[sflag:s3] =	ssyncadd.s32 $0xFFFFC400  }
0xef: {  	[tilespmem:s4], [sflag:$0x3] =	stream.linear.gather [hbm4b:s13+s2], $0x400, $0x38;
	[tilespmem:$0x8000] =	vst v63  }
0xf0: {  	_ =	swait.ge [sflag:s3], $0x400  }
0xf1: {  	s0 =	rddreg [dreg:$0xd]  }
0xf2: {  	s9 =	rddreg [dreg:$0x8]  }
0xf3: {  	[sflag:s3] =	ssyncset.done $0x0;
	s10 =	rddreg [dreg:$0x7]  }
0xf4: {  	s11 =	rddreg [dreg:$0x9];
	[sflag:s3] =	ssyncadd.s32 $0xFFFFFC00  }
0xf5: {  	[tilespmem:s5], [sflag:$0x1] =	stream.indirect.gather [hbm4b:s6+s7], $0x1, s2, s7, $0xb8;
	[tilespmem:$0x8000] =	vst v63  }
0xf6: {  	s12 =	rddreg [dreg:$0xa]  }
0xf7: {  	[tilespmem:s10], [sflag:$0x1] =	stream.indirect.gather [hbm4b:s6+s7], $0x1, s7, s7, $0xb8;
	[tilespmem:$0x8000] =	vst v63  }
0xf8: {  	s13 =	rddreg [dreg:$0xb]  }
0xf9: {  	[tilespmem:s11], [sflag:$0x1] =	stream.indirect.gather [hbm4b:s6+s7], $0x1, s9, s7, $0xb8;
	[tilespmem:$0x8000] =	vst v63  }
0xfa: {  	s14 =	rddreg [dreg:$0xe]  }
0xfb: {  	[tilespmem:s13], [sflag:$0x1] =	stream.indirect.gather [hbm4b:s6+s7], $0x1, s12, s7, $0xb8;
	[tilespmem:$0x8000] =	vst v63  }
0xfc: {  	s10 =	rddreg [dreg:$0xc]  }
0xfd: {  	[tilespmem:s0], [sflag:$0x1] =	stream.indirect.gather [hbm4b:s6+s7], $0x1, s10, s7, $0xb8;
	[tilespmem:$0x8000] =	vst v63  }
0xfe: {  	s15 =	rddreg [dreg:$0xf]  }
0xff: {  	[tilespmem:s15], [sflag:$0x1] =	stream.indirect.gather [hbm4b:s6+s7], $0x1, s14, s7, $0xb8;
	[tilespmem:$0x8000] =	vst v63  }
0x100: {  	_ =	swait.ge [sflag:s8], $0x200  }
0x101: {  	[sflag:s8] =	ssyncset.done $0x0  }
0x102: {  	[sflag:s8] =	ssyncadd.s32 $0xFFFFFE00  }
0x103: {  	_ =	swait.ge [sflag:s8], $0x200  }
0x104: {  	[sflag:s8] =	ssyncset.done $0x0  }
0x105: {  	[sflag:s8] =	ssyncadd.s32 $0xFFFFFE00  }
0x106: {  	_ =	swait.ge [sflag:s8], $0x200  }
0x107: {  	[sflag:s8] =	ssyncset.done $0x0  }
0x108: {  	[sflag:s8] =	ssyncadd.s32 $0xFFFFFE00  }
0x109: {  	_ =	swait.ge [sflag:s8], $0x200  }
0x10a: {  	[sflag:s8] =	ssyncset.done $0x0  }
0x10b: {  	[sflag:s8] =	ssyncadd.s32 $0xFFFFFE00  }
0x10c: {  	_ =	swait.ge [sflag:s8], $0x200  }
0x10d: {  	[sflag:s8] =	ssyncset.done $0x0  }
0x10e: {  	[sflag:s8] =	ssyncadd.s32 $0xFFFFFE00  }
0x10f: {  	_ =	swait.ge [sflag:s8], $0x200  }
0x110: {  	s0 =	rddreg [dreg:$0x12]  }
0x111: {  	s9 =	rddreg [dreg:$0x19]  }
0x112: {  	s10 =	rddreg [dreg:$0x13]  }
0x113: {  	s11 =	rddreg [dreg:$0x10]  }
0x114: {  	s12 =	rddreg [dreg:$0x11]  }
0x115: {  	[sflag:s8] =	ssyncset.done $0x0;
	s13 =	rddreg [dreg:$0x15]  }
0x116: {  	s14 =	rddreg [dreg:$0x17];
	[sflag:s8] =	ssyncadd.s32 $0xFFFFFE00  }
0x117: {  	[tilespmem:s12], [sflag:$0x1] =	stream.indirect.gather [hbm4b:s6+s7], $0x1, s11, s7, $0xb8;
	[tilespmem:$0x8000] =	vst v63  }
0x118: {  	s15 =	rddreg [dreg:$0x14]  }
0x119: {  	[tilespmem:s10], [sflag:$0x1] =	stream.indirect.gather [hbm4b:s6+s7], $0x1, s0, s7, $0xb8;
	[tilespmem:$0x8000] =	vst v63  }
0x11a: {  	s11 =	rddreg [dreg:$0x16]  }
0x11b: {  	[tilespmem:s13], [sflag:$0x1] =	stream.indirect.gather [hbm4b:s6+s7], $0x1, s15, s7, $0xb8;
	[tilespmem:$0x8000] =	vst v63  }
0x11c: {  	s12 =	rddreg [dreg:$0x18]  }
0x11d: {  	[tilespmem:s14], [sflag:$0x1] =	stream.indirect.gather [hbm4b:s6+s7], $0x1, s11, s7, $0xb8;
	[tilespmem:$0x8000] =	vst v63  }
0x11e: {  	s13 =	rddreg [dreg:$0x1b]  }
0x11f: {  	[tilespmem:s9], [sflag:$0x1] =	stream.indirect.gather [hbm4b:s6+s7], $0x1, s12, s7, $0xb8;
	[tilespmem:$0x8000] =	vst v63  }
0x120: {  	s15 =	rddreg [dreg:$0x1a]  }
0x121: {  	[tilespmem:s13], [sflag:$0x1] =	stream.indirect.gather [hbm4b:s6+s7], $0x1, s15, s7, $0xb8;
	[tilespmem:$0x8000] =	vst v63  }
0x122: {  	_ =	swait.ge [sflag:s8], $0x200  }
0x123: {  	[sflag:s8] =	ssyncset.done $0x0  }
0x124: {  	[sflag:s8] =	ssyncadd.s32 $0xFFFFFE00  }
0x125: {  	_ =	swait.ge [sflag:s8], $0x200  }
0x126: {  	[sflag:s8] =	ssyncset.done $0x0  }
0x127: {  	[sflag:s8] =	ssyncadd.s32 $0xFFFFFE00  }
0x128: {  	_ =	swait.ge [sflag:s8], $0x200  }
0x129: {  	[sflag:s8] =	ssyncset.done $0x0  }
0x12a: {  	[sflag:s8] =	ssyncadd.s32 $0xFFFFFE00  }
0x12b: {  	_ =	swait.ge [sflag:s8], $0x200  }
0x12c: {  	[sflag:s8] =	ssyncset.done $0x0  }
0x12d: {  	[sflag:s8] =	ssyncadd.s32 $0xFFFFFE00  }
0x12e: {  	_ =	swait.ge [sflag:s8], $0x200  }
0x12f: {  	[sflag:s8] =	ssyncset.done $0x0  }
0x130: {  	[sflag:s8] =	ssyncadd.s32 $0xFFFFFE00  }
0x131: {  	_ =	swait.ge [sflag:s8], $0x200  }
0x132: {  	s0 =	rddreg [dreg:$0x1e]  }
0x133: {  	s9 =	sld [smem:$0x7EF]  }
0x134: {  	s10 =	rddreg [dreg:$0x1f]  }
0x135: {  	s11 =	rddreg [dreg:$0x1d]  }
0x136: {  	s12 =	rddreg [dreg:$0x1c]  }
0x137: {  	s13 =	sld [smem:$0x7F0]  }
0x138: {  	[sflag:s8] =	ssyncset.done $0x0;
	s14 =	sld [smem:$0x7F1]  }
0x139: {  	s15 =	sld [smem:$0x7F2];
	[sflag:s8] =	ssyncadd.s32 $0xFFFFFE00  }
0x13a: {  	[tilespmem:s11], [sflag:$0x1] =	stream.indirect.gather [hbm4b:s6+s7], $0x1, s12, s7, $0xb8;
	[tilespmem:$0x8000] =	vst v63  }
0x13b: {  	s11 =	sld [smem:$0x7F3]  }
0x13c: {  	[tilespmem:s10], [sflag:$0x1] =	stream.indirect.gather [hbm4b:s6+s7], $0x1, s0, s7, $0xb8;
	[tilespmem:$0x8000] =	vst v63  }
0x13d: {  	s12 =	sld [smem:$0x7F4]  }
0x13e: {  	[tilespmem:s15], [sflag:$0x1] =	stream.indirect.gather [hbm4b:s6+s7], $0x1, s13, s7, $0xb8;
	[tilespmem:$0x8000] =	vst v63  }
0x13f: {  	s13 =	sld [smem:$0x7F5]  }
0x140: {  	[tilespmem:s14], [sflag:$0x1] =	stream.indirect.gather [hbm4b:s6+s7], $0x1, s11, s7, $0xb8;
	[tilespmem:$0x8000] =	vst v63  }
0x141: {  	s15 =	sld [smem:$0x7F6]  }
0x142: {  	[tilespmem:s9], [sflag:$0x1] =	stream.indirect.gather [hbm4b:s6+s7], $0x1, s12, s7, $0xb8;
	[tilespmem:$0x8000] =	vst v63  }
0x143: {  	_ = 	snop  }
0x144: {  	[tilespmem:s13], [sflag:$0x1] =	stream.indirect.gather [hbm4b:s6+s7], $0x1, s15, s7, $0xb8;
	[tilespmem:$0x8000] =	vst v63  }
0x145: {  	_ =	swait.ge [sflag:s8], $0x200  }
0x146: {  	[sflag:s8] =	ssyncset.done $0x0  }
0x147: {  	[sflag:s8] =	ssyncadd.s32 $0xFFFFFE00  }
0x148: {  	_ =	swait.ge [sflag:s8], $0x200  }
0x149: {  	[sflag:s8] =	ssyncset.done $0x0  }
0x14a: {  	[sflag:s8] =	ssyncadd.s32 $0xFFFFFE00  }
0x14b: {  	_ =	swait.ge [sflag:s8], $0x200  }
0x14c: {  	[sflag:s8] =	ssyncset.done $0x0  }
0x14d: {  	[sflag:s8] =	ssyncadd.s32 $0xFFFFFE00  }
0x14e: {  	_ =	swait.ge [sflag:s8], $0x200  }
0x14f: {  	[sflag:s8] =	ssyncset.done $0x0  }
0x150: {  	[sflag:s8] =	ssyncadd.s32 $0xFFFFFE00  }
0x151: {  	_ =	swait.ge [sflag:s8], $0x200  }
0x152: {  	[sflag:s8] =	ssyncset.done $0x0  }
0x153: {  	[sflag:s8] =	ssyncadd.s32 $0xFFFFFE00  }
0x154: {  	_ =	swait.ge [sflag:s8], $0x200  }
0x155: {  	s9 =	sld [smem:$0x7F7]  }
0x156: {  	s13 =	sld [smem:$0x7F8]  }
0x157: {  	s14 =	sld [smem:$0x7F9]  }
0x158: {  	s12 =	sld [smem:$0x7FA];
	[sflag:s8] =	ssyncset.done $0x0  }
0x159: {  	s15 =	sld [smem:$0x7FB];
	[sflag:s8] =	ssyncadd.s32 $0xFFFFFE00  }
0x15a: {  	[tilespmem:s14], [sflag:$0x1] =	stream.indirect.gather [hbm4b:s6+s7], $0x1, s13, s7, $0xb8;
	[tilespmem:$0x8000] =	vst v63  }
0x15b: {  	s13 =	sld [smem:$0x7FC]  }
0x15c: {  	[tilespmem:s12], [sflag:$0x1] =	stream.indirect.gather [hbm4b:s6+s7], $0x1, s9, s7, $0xb8;
	[tilespmem:$0x8000] =	vst v63  }
0x15d: {  	s14 =	sld [smem:$0x7FD]  }
0x15e: {  	[tilespmem:s15], [sflag:$0x1] =	stream.indirect.gather [hbm4b:s6+s7], $0x1, s13, s7, $0xb8;
	[tilespmem:$0x8000] =	vst v63  }
0x15f: {  	s15 =	simm.s32 $0x6600  }
0x160: {  	[tilespmem:s15], [sflag:$0x1] =	stream.indirect.gather [hbm4b:s6+s7], $0x1, s14, s7, $0xb8;
	[tilespmem:$0x8000] =	vst v63  }
0x161: {  	s10 =	simm.s32 $0x2C00;
	s11 =	simm.s32 $0x6800  }
0x162: {  	[tilespmem:s11], [sflag:$0x1] =	stream.indirect.gather [hbm4b:s6+s7], $0x1, s10, s7, $0xb8;
	[tilespmem:$0x8000] =	vst v63  }
0x163: {  	s12 =	simm.s32 $0x2E00;
	s13 =	simm.s32 $0x6A00  }
0x164: {  	[tilespmem:s13], [sflag:$0x1] =	stream.indirect.gather [hbm4b:s6+s7], $0x1, s12, s7, $0xb8;
	[tilespmem:$0x8000] =	vst v63  }
0x165: {  	_ =	swait.ge [sflag:s8], $0x200  }
0x166: {  	[sflag:s8] =	ssyncset.done $0x0  }
0x167: {  	[sflag:s8] =	ssyncadd.s32 $0xFFFFFE00  }
0x168: {  	_ =	swait.ge [sflag:s8], $0x200  }
0x169: {  	[sflag:s8] =	ssyncset.done $0x0  }
0x16a: {  	[sflag:s8] =	ssyncadd.s32 $0xFFFFFE00  }
0x16b: {  	_ =	swait.ge [sflag:s8], $0x200  }
0x16c: {  	[sflag:s8] =	ssyncset.done $0x0  }
0x16d: {  	[sflag:s8] =	ssyncadd.s32 $0xFFFFFE00  }
0x16e: {  	_ =	swait.ge [sflag:s8], $0x200  }
0x16f: {  	[sflag:s8] =	ssyncset.done $0x0  }
0x170: {  	[sflag:s8] =	ssyncadd.s32 $0xFFFFFE00  }
0x171: {  	_ =	swait.ge [sflag:s8], $0x200  }
0x172: {  	[sflag:s8] =	ssyncset.done $0x0  }
0x173: {  	[sflag:s8] =	ssyncadd.s32 $0xFFFFFE00  }
0x174: {  	_ =	swait.ge [sflag:s8], $0x200  }
0x175: {  	[sflag:s8] =	ssyncset.done $0x0  }
0x176: {  	s14 =	simm.s32 $0x3000;
	s15 =	simm.s32 $0x6C00;
	[sflag:s8] =	ssyncadd.s32 $0xFFFFFE00  }
0x177: {  	[tilespmem:s15], [sflag:$0x1] =	stream.indirect.gather [hbm4b:s6+s7], $0x1, s14, s7, $0xb8;
	[tilespmem:$0x8000] =	vst v63  }
0x178: {  	_ = 	snop  }
0x179: {  	[tilespmem:s17], [sflag:$0x1] =	stream.indirect.gather [hbm4b:s6+s7], $0x1, s16, s7, $0xb8;
	[tilespmem:$0x8000] =	vst v63  }
0x17a: {  	_ = 	snop  }
0x17b: {  	[tilespmem:s19], [sflag:$0x1] =	stream.indirect.gather [hbm4b:s6+s7], $0x1, s18, s7, $0xb8;
	[tilespmem:$0x8000] =	vst v63  }
0x17c: {  	_ = 	snop  }
0x17d: {  	[tilespmem:s21], [sflag:$0x1] =	stream.indirect.gather [hbm4b:s6+s7], $0x1, s20, s7, $0xb8;
	[tilespmem:$0x8000] =	vst v63  }
0x17e: {  	_ = 	snop  }
0x17f: {  	[tilespmem:s23], [sflag:$0x1] =	stream.indirect.gather [hbm4b:s6+s7], $0x1, s22, s7, $0xb8;
	[tilespmem:$0x8000] =	vst v63  }
0x180: {  	_ = 	snop  }
0x181: {  	[tilespmem:s25], [sflag:$0x1] =	stream.indirect.gather [hbm4b:s6+s7], $0x1, s24, s7, $0xb8;
	[tilespmem:$0x8000] =	vst v63  }
0x182: {  	_ =	swait.ge [sflag:s8], $0x200  }
0x183: {  	[sflag:s8] =	ssyncset.done $0x0  }
0x184: {  	[sflag:s8] =	ssyncadd.s32 $0xFFFFFE00  }
0x185: {  	_ =	swait.ge [sflag:s8], $0x200  }
0x186: {  	[sflag:s8] =	ssyncset.done $0x0  }
0x187: {  	[sflag:s8] =	ssyncadd.s32 $0xFFFFFE00  }
0x188: {  	_ =	swait.ge [sflag:s8], $0x200  }
0x189: {  	[sflag:s8] =	ssyncset.done $0x0  }
0x18a: {  	[sflag:s8] =	ssyncadd.s32 $0xFFFFFE00  }
0x18b: {  	_ =	swait.ge [sflag:s8], $0x200  }
0x18c: {  	[sflag:s8] =	ssyncset.done $0x0  }
0x18d: {  	[sflag:s8] =	ssyncadd.s32 $0xFFFFFE00  }
0x18e: {  	_ =	swait.ge [sflag:s8], $0x200  }
0x18f: {  	p0 =	sne.s32 s31, $0x1;
	[sflag:s8] =	ssyncset.done $0x0  }
.Ltmp1:
0x190: {  	[sflag:s8] =	ssyncadd.s32 $0xFFFFFE00;
	(pc) =	sbr.rel @p0 .LBB2_1-.Ltmp1, $4  }
0x191: {  	_ =	swait.ge [sflag:s8], $0x200  }
0x192: {  	[sflag:s8] =	ssyncset.done $0x0  }
0x193: {  	s31 =	sadd.s32 $0xFFFFFFFF, s31;
	[sflag:s8] =	ssyncadd.s32 $0xFFFFFE00  }
0x194: {  	[tilespmem:s26], [sflag:$0x2] =	stream.indirect.gather [hbm4b:s28+s7], $0x1, s4, s7, $0xb8;
	[tilespmem:$0x8000] =	vst v63  }
.LBB2_2:
0x195: {  	[tilespmem:s1], [sflag:$0x2] =	stream.indirect.gather [hbm4b:s28+s7], $0x1, s30, s7, $0xb8;
	[tilespmem:$0x8000] =	vst v63  }
0x196: {  	_ =	swait.ge [sflag:s29], $0x200  }
0x197: {  	[sflag:s29] =	ssyncset.done $0x0  }
0x198: {  	[sflag:s29] =	ssyncadd.s32 $0xFFFFFE00  }
0x199: {  	_ =	swait.ge [sflag:s29], $0x200  }
0x19a: {  	[sflag:s29] =	ssyncset.done $0x0  }
0x19b: {  	s0 =	rddreg [dreg:$0x5];
	[sflag:s29] =	ssyncadd.s32 $0xFFFFFE00  }
0x19c: {  	[hbm4b:s0+s2] =	stream.linear.scatter [tilespmem:s5], [sflag:$0x3], $0x3C00, $0x38;
	[tilespmem:$0x8000] =	vst v63  }
0x19d: {  	_ =	swait.ge [sflag:s3], $0x3C00  }
0x19e: {  	[sflag:s3] =	ssyncset.done $0x0  }
0x19f: {  	s30 =	rddreg [dreg:$0x6];
	[sflag:s3] =	ssyncadd.s32 $0xFFFFC400  }
0x1a0: {  	[hbm4b:s30+s2] =	stream.linear.scatter [tilespmem:s26], [sflag:$0x3], $0x400, $0x38;
	[tilespmem:$0x8000] =	vst v63  }
0x1a1: {  	_ =	swait.ge [sflag:s3], $0x400  }
0x1a2: {  	[sflag:s3] =	ssyncset.done $0x0  }
0x1a3: {  	[sflag:s3] =	ssyncadd.s32 $0xFFFFFC00  }
0x1a4: {  	_ =	sfence.sel $0x180000  }
0x1a5: {  	[bflag:$0x0] =	sbarrier.arrive $0xFFFF  }
0x1a6: {  	_ =	strace $0x90000047  }
0x1a7: {  	s31 =	stileid.u32;
	[bflag:$0x2] =	sbarrier.arrive $0xFFFF  }
0x1a8: {  	p0 =	sne.s32 s31, $0x0;
	s0 =	rddreg [dreg:$0x2]  }
0x1a9: {  	s0 =	sadd.s32 @!p0 $0x100000, s0  }
0x1aa: {  	[sflag:s0] =	ssyncadd.tile.s32 @!p0 $0x1;
	_ =	shalt  }
.Lfunc_end2:
_tile_overlayer_lowered:
.L_overlay_start_2:
0x1ab: {  	(tag) =	ssettag $0x2  }
0x1ac: {  	s0 =	rddreg [dreg:$0x0];
	s2 =	stileid.u32  }
0x1ad: {  	s1 =	rddreg [dreg:$0x1];
	p0 =	sne.s32 s2, $0x0  }
0x1ae: {  	s3 =	rddreg [dreg:$0x2];
	[bflag:$0x3] =	sbarrier.arrive $0xFFFF;
	s2 =	simm.s32 @!p0 $0x1C03  }
0x1af: {  	[timem:s3], [sflag:s2] =	dma.local @!p0 [hbm:s0], s1  }
0x1b0: {  	s0 =	simm.s32 @!p0 $0x3  }
0x1b1: {  	_ =	swait.ge @!p0 [sflag:s0], s1  }
0x1b2: {  	s1 =	ssub.s32 @!p0 $0x0, s1;
	[sflag:s0] =	ssyncset.done @!p0 $0x0  }
0x1b3: {  	[sflag:s0] =	ssyncadd.s32 @!p0 s1  }
0x1b4: {  	[bflag:$0x3] =	sbarrier.arrive $0xFFFF  }
0x1b5: {  	_ =	shalt  }

</sc_bundles>
